<compile_context>
chip_gen: v7x
topology: tpu7x:2x2x1
jax: 0.10.2.dev20260603
libtpu: 0.0.44.dev20260713+nightly
codegen_flags: <defaults>
</compile_context>

<pallas_src>
import functools

import jax
import jax.numpy as jnp
from jax import lax
from jax.experimental import pallas as pl
from jax.experimental.pallas import tpu as pltpu
from jax.experimental.pallas import tpu_sc as plsc

_B = 16384
_D = 64
_NC = 2
_NS = 16
_NW = _NC * _NS
_BPW = _B // _NW
_L = 16
_CR = 16
_NCHK = _BPW // _CR
_NBLK = 125000

_mesh = plsc.VectorSubcoreMesh(core_axis_name="c", subcore_axis_name="s")


@functools.partial(
    pl.kernel,
    mesh=_mesh,
    compiler_params=pltpu.CompilerParams(needs_layout_passes=False),
    out_type=jax.ShapeDtypeStruct((_B,), jnp.float32),
    scratch_types=[
        pltpu.VMEM((_BPW,), jnp.int32),
        pltpu.VMEM((_BPW,), jnp.int32),
        pltpu.VMEM((2, _CR, 8, _D), jnp.float32),
        pltpu.VMEM((2, _CR, 8, _D), jnp.float32),
        pltpu.VMEM((_BPW,), jnp.float32),
        pltpu.VMEM((_L * _L,), jnp.float32),
        pltpu.SemaphoreType.DMA,
        pltpu.SemaphoreType.DMA,
    ],
)
def _sc_dot(bidx_hbm, uidx_hbm, ut_hbm, bt_hbm, out_hbm,
            bidx_v, uidx_v, bbuf_v, ubuf_v, out_v, tbuf_v,
            sem0, sem1):
    cid = lax.axis_index("c")
    sid = lax.axis_index("s")
    wid = sid * _NC + cid
    base = wid * _BPW

    pltpu.sync_copy(bidx_hbm.at[pl.ds(base, _BPW)], bidx_v)
    pltpu.sync_copy(uidx_hbm.at[pl.ds(base, _BPW)], uidx_v)

    lane = lax.iota(jnp.int32, _L)
    lane16 = lane * _L

    def enqueue(ch, p, sem):
        for q in range(_CR // _L):
            bblk = bidx_v[pl.ds(ch * _CR + q * _L, _L)] >> 3
            ublk = uidx_v[pl.ds(ch * _CR + q * _L, _L)] >> 3
            for k in range(_L):
                j = q * _L + k
                pltpu.async_copy(bt_hbm.at[bblk[k]], bbuf_v.at[p, j], sem)
                pltpu.async_copy(ut_hbm.at[ublk[k]], ubuf_v.at[p, j], sem)

    def wait(ch, p, sem):
        pltpu.make_async_copy(bt_hbm.at[pl.ds(0, _CR)], bbuf_v.at[p], sem).wait()
        pltpu.make_async_copy(ut_hbm.at[pl.ds(0, _CR)], ubuf_v.at[p], sem).wait()

    def compute(ch, p):
        for half in range(_CR // _L):
            r0 = ch * _CR + half * _L
            subs_u = uidx_v[pl.ds(r0, _L)] & 7
            subs_b = bidx_v[pl.ds(r0, _L)] & 7
            for k in range(_L):
                j = half * _L + k
                su = subs_u[k]
                sb = subs_b[k]
                t0 = (ubuf_v[p, j, su, pl.ds(0, _L)]
                      * bbuf_v[p, j, sb, pl.ds(0, _L)])
                t1 = (ubuf_v[p, j, su, pl.ds(_L, _L)]
                      * bbuf_v[p, j, sb, pl.ds(_L, _L)])
                t2 = (ubuf_v[p, j, su, pl.ds(2 * _L, _L)]
                      * bbuf_v[p, j, sb, pl.ds(2 * _L, _L)])
                t3 = (ubuf_v[p, j, su, pl.ds(3 * _L, _L)]
                      * bbuf_v[p, j, sb, pl.ds(3 * _L, _L)])
                t = (t0 + t1) + (t2 + t3)
                plsc.store_scatter(tbuf_v, [lane16 + k], t)
            cols = [tbuf_v[pl.ds(l * _L, _L)] for l in range(_L)]
            while len(cols) > 1:
                cols = [cols[i] + cols[i + 1] for i in range(0, len(cols), 2)]
            out_v[pl.ds(r0, _L)] = cols[0]

    enqueue(0, 0, sem0)

    def pipe_body(g, carry):
        i0 = 2 * g
        enqueue(i0 + 1, 1, sem1)
        wait(i0, 0, sem0)
        compute(i0, 0)

        @pl.when(g < _NCHK // 2 - 1)
        def _():
            enqueue(i0 + 2, 0, sem0)

        wait(i0 + 1, 1, sem1)
        compute(i0 + 1, 1)
        return carry

    lax.fori_loop(0, _NCHK // 2, pipe_body, 0)

    pltpu.sync_copy(out_v, out_hbm.at[pl.ds(base, _BPW)])


def kernel(inputs, user_table, book_table):
    book_idx = inputs[:, 0]
    user_idx = inputs[:, 1]
    ut3 = user_table.reshape(_NBLK, 8, _D)
    bt3 = book_table.reshape(_NBLK, 8, _D)
    out = _sc_dot(book_idx, user_idx, ut3, bt3)
    return out.reshape(_B, 1)

# --- scband reference (transcript-rebuilt; emitter-appended) ---
"""Pipeline reference for scband-recommender-net-plain-25340307047075 (READ-ONLY COPY).

The authoritative reference and input builder live on the scoring server;
editing this copy changes nothing except your own understanding.
"""

import jax, jax.numpy as jnp
import numpy as np

NUM_USERS = 1000000
NUM_BOOKS = 1000000
EMBED_DIM = 64
BATCH = 16384

def setup_inputs(seed: int = 0) -> dict:
    key = jax.random.key(seed)
    k1, k2, k3 = jax.random.split(key, 3)
    inputs = jax.random.randint(k1, (BATCH, 2), 0, NUM_USERS, dtype=jnp.int64 if jax.config.jax_enable_x64 else jnp.int32).astype(jnp.int32)
    # he_normal ~ stddev = sqrt(2 / fan_in); for embeddings keras uses fan_in = embedding_size
    std = np.sqrt(2.0 / EMBED_DIM)
    user_table = jax.random.normal(k2, (NUM_USERS, EMBED_DIM), dtype=jnp.float32) * std
    book_table = jax.random.normal(k3, (NUM_BOOKS, EMBED_DIM), dtype=jnp.float32) * std
    return {"inputs": inputs, "user_table": user_table, "book_table": book_table}

def reference(inputs, user_table, book_table):
    # user_vector = user_embedding(inputs[:, 1]) -> [B, D]
    user_vec = jnp.take(user_table, inputs[:, 1], axis=0)
    # book_vector = book_embedding(inputs[:, 0]) -> [B, D]
    book_vec = jnp.take(book_table, inputs[:, 0], axis=0)
    # Flatten is identity here ([B, D] already flat per-sample)
    # dot(axes=1, normalize=False) -> batchwise inner product, keras Dot returns [B, 1]
    prod = jnp.sum(user_vec * book_vec, axis=1, keepdims=True)
    return prod

if __name__ == "__main__":
    import jax
    _d = setup_inputs()
    print(jax.jit(kernel)(*tuple(_d.values())))

</pallas_src>

<mosaic_0001>
#map = affine_map<(d0, d1) -> (0)>
#map1 = affine_map<(d0, d1) -> (0, 0, 0)>
module attributes {stable_mosaic.version = 14 : i64} {
  func.func @_sc_dot(%arg0: i32, %arg1: i32, %arg2: memref<16384xi32, #tpu.memory_space<hbm>>, %arg3: memref<16384xi32, #tpu.memory_space<hbm>>, %arg4: memref<125000x8x64xf32, #tpu.memory_space<hbm>>, %arg5: memref<125000x8x64xf32, #tpu.memory_space<hbm>>, %arg6: memref<16384xf32, #tpu.memory_space<hbm>>, %arg7: memref<512xi32, #tpu.memory_space<vmem>>, %arg8: memref<512xi32, #tpu.memory_space<vmem>>, %arg9: memref<2x16x8x64xf32, #tpu.memory_space<vmem>>, %arg10: memref<2x16x8x64xf32, #tpu.memory_space<vmem>>, %arg11: memref<512xf32, #tpu.memory_space<vmem>>, %arg12: memref<256xf32, #tpu.memory_space<vmem>>, %arg13: memref<!tpu.dma_semaphore, #tpu.memory_space<semaphore_mem>>, %arg14: memref<!tpu.dma_semaphore, #tpu.memory_space<semaphore_mem>>) attributes {dimension_semantics = [#tpu.dimension_semantics<core_parallel>, #tpu.dimension_semantics<subcore_parallel>], iteration_bounds = array<i64: 2, 16>, scalar_prefetch = 0 : i64, scratch_operands = 8 : i64, tpu.core_type = #tpu.core_type<sc_vector_subcore>, window_params = [{transform_indices = #map}, {transform_indices = #map}, {transform_indices = #map1}, {transform_indices = #map1}, {transform_indices = #map}]} {
    %mul3A = arith.constant 2 : i32
    %mul3A_0 = arith.muli %arg1, %mul3A : i32
    %add3A = arith.addi %mul3A_0, %arg0 : i32
    %mul3A_1 = arith.constant 512 : i32
    %mul3A_2 = arith.muli %add3A, %mul3A_1 : i32
    "tpu.region"() ({
      %run_scoped3A = tpu.sem_alloc : memref<!tpu.dma_semaphore, #tpu.memory_space<semaphore_mem>>
      %dma_start3A_656 = tpu.memref_slice %arg2[%mul3A_2] : memref<16384xi32, #tpu.memory_space<hbm>> -> memref<512xi32, #tpu.memory_space<hbm>>
      %dma_start3A_657 = tpu.memref_slice %arg2[%mul3A_2] : memref<16384xi32, #tpu.memory_space<hbm>> -> memref<512xi32, #tpu.memory_space<hbm>>
      tpu.enqueue_dma source(%dma_start3A_657 : memref<512xi32, #tpu.memory_space<hbm>>) target(%arg7 : memref<512xi32, #tpu.memory_space<vmem>>) target_semaphore(%run_scoped3A : memref<!tpu.dma_semaphore, #tpu.memory_space<semaphore_mem>>)
      %dma_wait3A = tpu.memref_slice %arg2[%mul3A_2] : memref<16384xi32, #tpu.memory_space<hbm>> -> memref<512xi32, #tpu.memory_space<hbm>>
      %dma_wait3A_658 = tpu.memref_slice %arg2[%mul3A_2] : memref<16384xi32, #tpu.memory_space<hbm>> -> memref<512xi32, #tpu.memory_space<hbm>>
      tpu.wait_dma2 semaphore(%run_scoped3A : memref<!tpu.dma_semaphore, #tpu.memory_space<semaphore_mem>>) src(%dma_wait3A_658 : memref<512xi32, #tpu.memory_space<hbm>>) dst(%arg7 : memref<512xi32, #tpu.memory_space<vmem>>)
      tpu.yield
    }) : () -> ()
    "tpu.region"() ({
      %run_scoped3A = tpu.sem_alloc : memref<!tpu.dma_semaphore, #tpu.memory_space<semaphore_mem>>
      %dma_start3A_656 = tpu.memref_slice %arg3[%mul3A_2] : memref<16384xi32, #tpu.memory_space<hbm>> -> memref<512xi32, #tpu.memory_space<hbm>>
      %dma_start3A_657 = tpu.memref_slice %arg3[%mul3A_2] : memref<16384xi32, #tpu.memory_space<hbm>> -> memref<512xi32, #tpu.memory_space<hbm>>
      tpu.enqueue_dma source(%dma_start3A_657 : memref<512xi32, #tpu.memory_space<hbm>>) target(%arg8 : memref<512xi32, #tpu.memory_space<vmem>>) target_semaphore(%run_scoped3A : memref<!tpu.dma_semaphore, #tpu.memory_space<semaphore_mem>>)
      %dma_wait3A = tpu.memref_slice %arg3[%mul3A_2] : memref<16384xi32, #tpu.memory_space<hbm>> -> memref<512xi32, #tpu.memory_space<hbm>>
      %dma_wait3A_658 = tpu.memref_slice %arg3[%mul3A_2] : memref<16384xi32, #tpu.memory_space<hbm>> -> memref<512xi32, #tpu.memory_space<hbm>>
      tpu.wait_dma2 semaphore(%run_scoped3A : memref<!tpu.dma_semaphore, #tpu.memory_space<semaphore_mem>>) src(%dma_wait3A_658 : memref<512xi32, #tpu.memory_space<hbm>>) dst(%arg8 : memref<512xi32, #tpu.memory_space<vmem>>)
      tpu.yield
    }) : () -> ()
    %iota3A = tpu.iota {dimensions = array<i32: 0>} : vector<16xi32>
    %mul3A_3 = arith.constant 16 : i32
    %mul3A_4 = vector.broadcast %mul3A_3 : i32 to vector<16xi32>
    %mul3A_5 = arith.muli %iota3A, %mul3A_4 : vector<16xi32>
    %get3A = arith.constant 0 : index
    %get3A_6 = tpu.vector_load %arg7[%get3A] {strides = array<i32>} : memref<512xi32, #tpu.memory_space<vmem>>, vector<16xi32>,
    %shift_right_arithmetic3A = arith.constant 3 : i32
    %shift_right_arithmetic3A_7 = vector.broadcast %shift_right_arithmetic3A : i32 to vector<16xi32>
    %shift_right_arithmetic3A_8 = arith.shrsi %get3A_6, %shift_right_arithmetic3A_7 : vector<16xi32>
    %get3A_9 = arith.constant 0 : index
    %get3A_10 = tpu.vector_load %arg8[%get3A_9] {strides = array<i32>} : memref<512xi32, #tpu.memory_space<vmem>>, vector<16xi32>,
    %shift_right_arithmetic3A_11 = arith.constant 3 : i32
    %shift_right_arithmetic3A_12 = vector.broadcast %shift_right_arithmetic3A_11 : i32 to vector<16xi32>
    %shift_right_arithmetic3A_13 = arith.shrsi %get3A_10, %shift_right_arithmetic3A_12 : vector<16xi32>
    %slice3A = vector.extract_strided_slice %shift_right_arithmetic3A_8 {offsets = [0], sizes = [1], strides = [1]} : vector<16xi32> to vector<1xi32>
    %squeeze3A = vector.extract %slice3A[0] : i32 from vector<1xi32>
    %dma_start3A = arith.constant 0 : i32
    %dma_start3A_14 = arith.constant 0 : i32
    %dma_start3A_15 = arith.constant 0 : i32
    %dma_start3A_16 = arith.constant 0 : i32
    %dma_start3A_17 = tpu.memref_slice %arg9[%dma_start3A, %dma_start3A_14, %dma_start3A_15, %dma_start3A_16] : memref<2x16x8x64xf32, #tpu.memory_space<vmem>> -> memref<1x1x8x64xf32, #tpu.memory_space<vmem>>
    %dma_start3A_18 = tpu.memref_squeeze %dma_start3A_17 : memref<1x1x8x64xf32, #tpu.memory_space<vmem>> -> memref<8x64xf32, #tpu.memory_space<vmem>>
    %dma_start3A_19 = arith.constant 0 : i32
    %dma_start3A_20 = arith.constant 0 : i32
    %dma_start3A_21 = tpu.memref_slice %arg5[%squeeze3A, %dma_start3A_19, %dma_start3A_20] : memref<125000x8x64xf32, #tpu.memory_space<hbm>> -> memref<1x8x64xf32, #tpu.memory_space<hbm>>
    %dma_start3A_22 = tpu.memref_squeeze %dma_start3A_21 : memref<1x8x64xf32, #tpu.memory_space<hbm>> -> memref<8x64xf32, #tpu.memory_space<hbm>>
    %dma_start3A_23 = arith.constant 0 : i32
    %dma_start3A_24 = arith.constant 0 : i32
    %dma_start3A_25 = tpu.memref_slice %arg9[%dma_start3A, %dma_start3A_14, %dma_start3A_23, %dma_start3A_24] : memref<2x16x8x64xf32, #tpu.memory_space<vmem>> -> memref<1x1x8x64xf32, #tpu.memory_space<vmem>>
    %dma_start3A_26 = tpu.memref_squeeze %dma_start3A_25 : memref<1x1x8x64xf32, #tpu.memory_space<vmem>> -> memref<8x64xf32, #tpu.memory_space<vmem>>
    %dma_start3A_27 = arith.constant 0 : i32
    %dma_start3A_28 = arith.constant 0 : i32
    %dma_start3A_29 = tpu.memref_slice %arg5[%squeeze3A, %dma_start3A_27, %dma_start3A_28] : memref<125000x8x64xf32, #tpu.memory_space<hbm>> -> memref<1x8x64xf32, #tpu.memory_space<hbm>>
    %dma_start3A_30 = tpu.memref_squeeze %dma_start3A_29 : memref<1x8x64xf32, #tpu.memory_space<hbm>> -> memref<8x64xf32, #tpu.memory_space<hbm>>
    tpu.enqueue_dma source(%dma_start3A_30 : memref<8x64xf32, #tpu.memory_space<hbm>>) target(%dma_start3A_26 : memref<8x64xf32, #tpu.memory_space<vmem>>) target_semaphore(%arg13 : memref<!tpu.dma_semaphore, #tpu.memory_space<semaphore_mem>>)
    %slice3A_31 = vector.extract_strided_slice %shift_right_arithmetic3A_13 {offsets = [0], sizes = [1], strides = [1]} : vector<16xi32> to vector<1xi32>
    %squeeze3A_32 = vector.extract %slice3A_31[0] : i32 from vector<1xi32>
    %dma_start3A_33 = arith.constant 0 : i32
    %dma_start3A_34 = arith.constant 0 : i32
    %dma_start3A_35 = arith.constant 0 : i32
    %dma_start3A_36 = arith.constant 0 : i32
    %dma_start3A_37 = tpu.memref_slice %arg10[%dma_start3A_33, %dma_start3A_34, %dma_start3A_35, %dma_start3A_36] : memref<2x16x8x64xf32, #tpu.memory_space<vmem>> -> memref<1x1x8x64xf32, #tpu.memory_space<vmem>>
    %dma_start3A_38 = tpu.memref_squeeze %dma_start3A_37 : memref<1x1x8x64xf32, #tpu.memory_space<vmem>> -> memref<8x64xf32, #tpu.memory_space<vmem>>
    %dma_start3A_39 = arith.constant 0 : i32
    %dma_start3A_40 = arith.constant 0 : i32
    %dma_start3A_41 = tpu.memref_slice %arg4[%squeeze3A_32, %dma_start3A_39, %dma_start3A_40] : memref<125000x8x64xf32, #tpu.memory_space<hbm>> -> memref<1x8x64xf32, #tpu.memory_space<hbm>>
    %dma_start3A_42 = tpu.memref_squeeze %dma_start3A_41 : memref<1x8x64xf32, #tpu.memory_space<hbm>> -> memref<8x64xf32, #tpu.memory_space<hbm>>
    %dma_start3A_43 = arith.constant 0 : i32
    %dma_start3A_44 = arith.constant 0 : i32
    %dma_start3A_45 = tpu.memref_slice %arg10[%dma_start3A_33, %dma_start3A_34, %dma_start3A_43, %dma_start3A_44] : memref<2x16x8x64xf32, #tpu.memory_space<vmem>> -> memref<1x1x8x64xf32, #tpu.memory_space<vmem>>
    %dma_start3A_46 = tpu.memref_squeeze %dma_start3A_45 : memref<1x1x8x64xf32, #tpu.memory_space<vmem>> -> memref<8x64xf32, #tpu.memory_space<vmem>>
    %dma_start3A_47 = arith.constant 0 : i32
    %dma_start3A_48 = arith.constant 0 : i32
    %dma_start3A_49 = tpu.memref_slice %arg4[%squeeze3A_32, %dma_start3A_47, %dma_start3A_48] : memref<125000x8x64xf32, #tpu.memory_space<hbm>> -> memref<1x8x64xf32, #tpu.memory_space<hbm>>
    %dma_start3A_50 = tpu.memref_squeeze %dma_start3A_49 : memref<1x8x64xf32, #tpu.memory_space<hbm>> -> memref<8x64xf32, #tpu.memory_space<hbm>>
    tpu.enqueue_dma source(%dma_start3A_50 : memref<8x64xf32, #tpu.memory_space<hbm>>) target(%dma_start3A_46 : memref<8x64xf32, #tpu.memory_space<vmem>>) target_semaphore(%arg13 : memref<!tpu.dma_semaphore, #tpu.memory_space<semaphore_mem>>)
    %slice3A_51 = vector.extract_strided_slice %shift_right_arithmetic3A_8 {offsets = [1], sizes = [1], strides = [1]} : vector<16xi32> to vector<1xi32>
    %squeeze3A_52 = vector.extract %slice3A_51[0] : i32 from vector<1xi32>
    %dma_start3A_53 = arith.constant 0 : i32
    %dma_start3A_54 = arith.constant 1 : i32
    %dma_start3A_55 = arith.constant 0 : i32
    %dma_start3A_56 = arith.constant 0 : i32
    %dma_start3A_57 = tpu.memref_slice %arg9[%dma_start3A_53, %dma_start3A_54, %dma_start3A_55, %dma_start3A_56] : memref<2x16x8x64xf32, #tpu.memory_space<vmem>> -> memref<1x1x8x64xf32, #tpu.memory_space<vmem>>
    %dma_start3A_58 = tpu.memref_squeeze %dma_start3A_57 : memref<1x1x8x64xf32, #tpu.memory_space<vmem>> -> memref<8x64xf32, #tpu.memory_space<vmem>>
    %dma_start3A_59 = arith.constant 0 : i32
    %dma_start3A_60 = arith.constant 0 : i32
    %dma_start3A_61 = tpu.memref_slice %arg5[%squeeze3A_52, %dma_start3A_59, %dma_start3A_60] : memref<125000x8x64xf32, #tpu.memory_space<hbm>> -> memref<1x8x64xf32, #tpu.memory_space<hbm>>
    %dma_start3A_62 = tpu.memref_squeeze %dma_start3A_61 : memref<1x8x64xf32, #tpu.memory_space<hbm>> -> memref<8x64xf32, #tpu.memory_space<hbm>>
    %dma_start3A_63 = arith.constant 0 : i32
    %dma_start3A_64 = arith.constant 0 : i32
    %dma_start3A_65 = tpu.memref_slice %arg9[%dma_start3A_53, %dma_start3A_54, %dma_start3A_63, %dma_start3A_64] : memref<2x16x8x64xf32, #tpu.memory_space<vmem>> -> memref<1x1x8x64xf32, #tpu.memory_space<vmem>>
    %dma_start3A_66 = tpu.memref_squeeze %dma_start3A_65 : memref<1x1x8x64xf32, #tpu.memory_space<vmem>> -> memref<8x64xf32, #tpu.memory_space<vmem>>
    %dma_start3A_67 = arith.constant 0 : i32
    %dma_start3A_68 = arith.constant 0 : i32
    %dma_start3A_69 = tpu.memref_slice %arg5[%squeeze3A_52, %dma_start3A_67, %dma_start3A_68] : memref<125000x8x64xf32, #tpu.memory_space<hbm>> -> memref<1x8x64xf32, #tpu.memory_space<hbm>>
    %dma_start3A_70 = tpu.memref_squeeze %dma_start3A_69 : memref<1x8x64xf32, #tpu.memory_space<hbm>> -> memref<8x64xf32, #tpu.memory_space<hbm>>
    tpu.enqueue_dma source(%dma_start3A_70 : memref<8x64xf32, #tpu.memory_space<hbm>>) target(%dma_start3A_66 : memref<8x64xf32, #tpu.memory_space<vmem>>) target_semaphore(%arg13 : memref<!tpu.dma_semaphore, #tpu.memory_space<semaphore_mem>>)
    %slice3A_71 = vector.extract_strided_slice %shift_right_arithmetic3A_13 {offsets = [1], sizes = [1], strides = [1]} : vector<16xi32> to vector<1xi32>
    %squeeze3A_72 = vector.extract %slice3A_71[0] : i32 from vector<1xi32>
    %dma_start3A_73 = arith.constant 0 : i32
    %dma_start3A_74 = arith.constant 1 : i32
    %dma_start3A_75 = arith.constant 0 : i32
    %dma_start3A_76 = arith.constant 0 : i32
    %dma_start3A_77 = tpu.memref_slice %arg10[%dma_start3A_73, %dma_start3A_74, %dma_start3A_75, %dma_start3A_76] : memref<2x16x8x64xf32, #tpu.memory_space<vmem>> -> memref<1x1x8x64xf32, #tpu.memory_space<vmem>>
    %dma_start3A_78 = tpu.memref_squeeze %dma_start3A_77 : memref<1x1x8x64xf32, #tpu.memory_space<vmem>> -> memref<8x64xf32, #tpu.memory_space<vmem>>
    %dma_start3A_79 = arith.constant 0 : i32
    %dma_start3A_80 = arith.constant 0 : i32
    %dma_start3A_81 = tpu.memref_slice %arg4[%squeeze3A_72, %dma_start3A_79, %dma_start3A_80] : memref<125000x8x64xf32, #tpu.memory_space<hbm>> -> memref<1x8x64xf32, #tpu.memory_space<hbm>>
    %dma_start3A_82 = tpu.memref_squeeze %dma_start3A_81 : memref<1x8x64xf32, #tpu.memory_space<hbm>> -> memref<8x64xf32, #tpu.memory_space<hbm>>
    %dma_start3A_83 = arith.constant 0 : i32
    %dma_start3A_84 = arith.constant 0 : i32
    %dma_start3A_85 = tpu.memref_slice %arg10[%dma_start3A_73, %dma_start3A_74, %dma_start3A_83, %dma_start3A_84] : memref<2x16x8x64xf32, #tpu.memory_space<vmem>> -> memref<1x1x8x64xf32, #tpu.memory_space<vmem>>
    %dma_start3A_86 = tpu.memref_squeeze %dma_start3A_85 : memref<1x1x8x64xf32, #tpu.memory_space<vmem>> -> memref<8x64xf32, #tpu.memory_space<vmem>>
    %dma_start3A_87 = arith.constant 0 : i32
    %dma_start3A_88 = arith.constant 0 : i32
    %dma_start3A_89 = tpu.memref_slice %arg4[%squeeze3A_72, %dma_start3A_87, %dma_start3A_88] : memref<125000x8x64xf32, #tpu.memory_space<hbm>> -> memref<1x8x64xf32, #tpu.memory_space<hbm>>
    %dma_start3A_90 = tpu.memref_squeeze %dma_start3A_89 : memref<1x8x64xf32, #tpu.memory_space<hbm>> -> memref<8x64xf32, #tpu.memory_space<hbm>>
    tpu.enqueue_dma source(%dma_start3A_90 : memref<8x64xf32, #tpu.memory_space<hbm>>) target(%dma_start3A_86 : memref<8x64xf32, #tpu.memory_space<vmem>>) target_semaphore(%arg13 : memref<!tpu.dma_semaphore, #tpu.memory_space<semaphore_mem>>)
    %slice3A_91 = vector.extract_strided_slice %shift_right_arithmetic3A_8 {offsets = [2], sizes = [1], strides = [1]} : vector<16xi32> to vector<1xi32>
    %squeeze3A_92 = vector.extract %slice3A_91[0] : i32 from vector<1xi32>
    %dma_start3A_93 = arith.constant 0 : i32
    %dma_start3A_94 = arith.constant 2 : i32
    %dma_start3A_95 = arith.constant 0 : i32
    %dma_start3A_96 = arith.constant 0 : i32
    %dma_start3A_97 = tpu.memref_slice %arg9[%dma_start3A_93, %dma_start3A_94, %dma_start3A_95, %dma_start3A_96] : memref<2x16x8x64xf32, #tpu.memory_space<vmem>> -> memref<1x1x8x64xf32, #tpu.memory_space<vmem>>
    %dma_start3A_98 = tpu.memref_squeeze %dma_start3A_97 : memref<1x1x8x64xf32, #tpu.memory_space<vmem>> -> memref<8x64xf32, #tpu.memory_space<vmem>>
    %dma_start3A_99 = arith.constant 0 : i32
    %dma_start3A_100 = arith.constant 0 : i32
    %dma_start3A_101 = tpu.memref_slice %arg5[%squeeze3A_92, %dma_start3A_99, %dma_start3A_100] : memref<125000x8x64xf32, #tpu.memory_space<hbm>> -> memref<1x8x64xf32, #tpu.memory_space<hbm>>
    %dma_start3A_102 = tpu.memref_squeeze %dma_start3A_101 : memref<1x8x64xf32, #tpu.memory_space<hbm>> -> memref<8x64xf32, #tpu.memory_space<hbm>>
    %dma_start3A_103 = arith.constant 0 : i32
    %dma_start3A_104 = arith.constant 0 : i32
    %dma_start3A_105 = tpu.memref_slice %arg9[%dma_start3A_93, %dma_start3A_94, %dma_start3A_103, %dma_start3A_104] : memref<2x16x8x64xf32, #tpu.memory_space<vmem>> -> memref<1x1x8x64xf32, #tpu.memory_space<vmem>>
    %dma_start3A_106 = tpu.memref_squeeze %dma_start3A_105 : memref<1x1x8x64xf32, #tpu.memory_space<vmem>> -> memref<8x64xf32, #tpu.memory_space<vmem>>
    %dma_start3A_107 = arith.constant 0 : i32
    %dma_start3A_108 = arith.constant 0 : i32
    %dma_start3A_109 = tpu.memref_slice %arg5[%squeeze3A_92, %dma_start3A_107, %dma_start3A_108] : memref<125000x8x64xf32, #tpu.memory_space<hbm>> -> memref<1x8x64xf32, #tpu.memory_space<hbm>>
    %dma_start3A_110 = tpu.memref_squeeze %dma_start3A_109 : memref<1x8x64xf32, #tpu.memory_space<hbm>> -> memref<8x64xf32, #tpu.memory_space<hbm>>
    tpu.enqueue_dma source(%dma_start3A_110 : memref<8x64xf32, #tpu.memory_space<hbm>>) target(%dma_start3A_106 : memref<8x64xf32, #tpu.memory_space<vmem>>) target_semaphore(%arg13 : memref<!tpu.dma_semaphore, #tpu.memory_space<semaphore_mem>>)
    %slice3A_111 = vector.extract_strided_slice %shift_right_arithmetic3A_13 {offsets = [2], sizes = [1], strides = [1]} : vector<16xi32> to vector<1xi32>
    %squeeze3A_112 = vector.extract %slice3A_111[0] : i32 from vector<1xi32>
    %dma_start3A_113 = arith.constant 0 : i32
    %dma_start3A_114 = arith.constant 2 : i32
    %dma_start3A_115 = arith.constant 0 : i32
    %dma_start3A_116 = arith.constant 0 : i32
    %dma_start3A_117 = tpu.memref_slice %arg10[%dma_start3A_113, %dma_start3A_114, %dma_start3A_115, %dma_start3A_116] : memref<2x16x8x64xf32, #tpu.memory_space<vmem>> -> memref<1x1x8x64xf32, #tpu.memory_space<vmem>>
    %dma_start3A_118 = tpu.memref_squeeze %dma_start3A_117 : memref<1x1x8x64xf32, #tpu.memory_space<vmem>> -> memref<8x64xf32, #tpu.memory_space<vmem>>
    %dma_start3A_119 = arith.constant 0 : i32
    %dma_start3A_120 = arith.constant 0 : i32
    %dma_start3A_121 = tpu.memref_slice %arg4[%squeeze3A_112, %dma_start3A_119, %dma_start3A_120] : memref<125000x8x64xf32, #tpu.memory_space<hbm>> -> memref<1x8x64xf32, #tpu.memory_space<hbm>>
    %dma_start3A_122 = tpu.memref_squeeze %dma_start3A_121 : memref<1x8x64xf32, #tpu.memory_space<hbm>> -> memref<8x64xf32, #tpu.memory_space<hbm>>
    %dma_start3A_123 = arith.constant 0 : i32
    %dma_start3A_124 = arith.constant 0 : i32
    %dma_start3A_125 = tpu.memref_slice %arg10[%dma_start3A_113, %dma_start3A_114, %dma_start3A_123, %dma_start3A_124] : memref<2x16x8x64xf32, #tpu.memory_space<vmem>> -> memref<1x1x8x64xf32, #tpu.memory_space<vmem>>
    %dma_start3A_126 = tpu.memref_squeeze %dma_start3A_125 : memref<1x1x8x64xf32, #tpu.memory_space<vmem>> -> memref<8x64xf32, #tpu.memory_space<vmem>>
    %dma_start3A_127 = arith.constant 0 : i32
    %dma_start3A_128 = arith.constant 0 : i32
    %dma_start3A_129 = tpu.memref_slice %arg4[%squeeze3A_112, %dma_start3A_127, %dma_start3A_128] : memref<125000x8x64xf32, #tpu.memory_space<hbm>> -> memref<1x8x64xf32, #tpu.memory_space<hbm>>
    %dma_start3A_130 = tpu.memref_squeeze %dma_start3A_129 : memref<1x8x64xf32, #tpu.memory_space<hbm>> -> memref<8x64xf32, #tpu.memory_space<hbm>>
    tpu.enqueue_dma source(%dma_start3A_130 : memref<8x64xf32, #tpu.memory_space<hbm>>) target(%dma_start3A_126 : memref<8x64xf32, #tpu.memory_space<vmem>>) target_semaphore(%arg13 : memref<!tpu.dma_semaphore, #tpu.memory_space<semaphore_mem>>)
    %slice3A_131 = vector.extract_strided_slice %shift_right_arithmetic3A_8 {offsets = [3], sizes = [1], strides = [1]} : vector<16xi32> to vector<1xi32>
    %squeeze3A_132 = vector.extract %slice3A_131[0] : i32 from vector<1xi32>
    %dma_start3A_133 = arith.constant 0 : i32
    %dma_start3A_134 = arith.constant 3 : i32
    %dma_start3A_135 = arith.constant 0 : i32
    %dma_start3A_136 = arith.constant 0 : i32
    %dma_start3A_137 = tpu.memref_slice %arg9[%dma_start3A_133, %dma_start3A_134, %dma_start3A_135, %dma_start3A_136] : memref<2x16x8x64xf32, #tpu.memory_space<vmem>> -> memref<1x1x8x64xf32, #tpu.memory_space<vmem>>
    %dma_start3A_138 = tpu.memref_squeeze %dma_start3A_137 : memref<1x1x8x64xf32, #tpu.memory_space<vmem>> -> memref<8x64xf32, #tpu.memory_space<vmem>>
    %dma_start3A_139 = arith.constant 0 : i32
    %dma_start3A_140 = arith.constant 0 : i32
    %dma_start3A_141 = tpu.memref_slice %arg5[%squeeze3A_132, %dma_start3A_139, %dma_start3A_140] : memref<125000x8x64xf32, #tpu.memory_space<hbm>> -> memref<1x8x64xf32, #tpu.memory_space<hbm>>
    %dma_start3A_142 = tpu.memref_squeeze %dma_start3A_141 : memref<1x8x64xf32, #tpu.memory_space<hbm>> -> memref<8x64xf32, #tpu.memory_space<hbm>>
    %dma_start3A_143 = arith.constant 0 : i32
    %dma_start3A_144 = arith.constant 0 : i32
    %dma_start3A_145 = tpu.memref_slice %arg9[%dma_start3A_133, %dma_start3A_134, %dma_start3A_143, %dma_start3A_144] : memref<2x16x8x64xf32, #tpu.memory_space<vmem>> -> memref<1x1x8x64xf32, #tpu.memory_space<vmem>>
    %dma_start3A_146 = tpu.memref_squeeze %dma_start3A_145 : memref<1x1x8x64xf32, #tpu.memory_space<vmem>> -> memref<8x64xf32, #tpu.memory_space<vmem>>
    %dma_start3A_147 = arith.constant 0 : i32
    %dma_start3A_148 = arith.constant 0 : i32
    %dma_start3A_149 = tpu.memref_slice %arg5[%squeeze3A_132, %dma_start3A_147, %dma_start3A_148] : memref<125000x8x64xf32, #tpu.memory_space<hbm>> -> memref<1x8x64xf32, #tpu.memory_space<hbm>>
    %dma_start3A_150 = tpu.memref_squeeze %dma_start3A_149 : memref<1x8x64xf32, #tpu.memory_space<hbm>> -> memref<8x64xf32, #tpu.memory_space<hbm>>
    tpu.enqueue_dma source(%dma_start3A_150 : memref<8x64xf32, #tpu.memory_space<hbm>>) target(%dma_start3A_146 : memref<8x64xf32, #tpu.memory_space<vmem>>) target_semaphore(%arg13 : memref<!tpu.dma_semaphore, #tpu.memory_space<semaphore_mem>>)
    %slice3A_151 = vector.extract_strided_slice %shift_right_arithmetic3A_13 {offsets = [3], sizes = [1], strides = [1]} : vector<16xi32> to vector<1xi32>
    %squeeze3A_152 = vector.extract %slice3A_151[0] : i32 from vector<1xi32>
    %dma_start3A_153 = arith.constant 0 : i32
    %dma_start3A_154 = arith.constant 3 : i32
    %dma_start3A_155 = arith.constant 0 : i32
    %dma_start3A_156 = arith.constant 0 : i32
    %dma_start3A_157 = tpu.memref_slice %arg10[%dma_start3A_153, %dma_start3A_154, %dma_start3A_155, %dma_start3A_156] : memref<2x16x8x64xf32, #tpu.memory_space<vmem>> -> memref<1x1x8x64xf32, #tpu.memory_space<vmem>>
    %dma_start3A_158 = tpu.memref_squeeze %dma_start3A_157 : memref<1x1x8x64xf32, #tpu.memory_space<vmem>> -> memref<8x64xf32, #tpu.memory_space<vmem>>
    %dma_start3A_159 = arith.constant 0 : i32
    %dma_start3A_160 = arith.constant 0 : i32
    %dma_start3A_161 = tpu.memref_slice %arg4[%squeeze3A_152, %dma_start3A_159, %dma_start3A_160] : memref<125000x8x64xf32, #tpu.memory_space<hbm>> -> memref<1x8x64xf32, #tpu.memory_space<hbm>>
    %dma_start3A_162 = tpu.memref_squeeze %dma_start3A_161 : memref<1x8x64xf32, #tpu.memory_space<hbm>> -> memref<8x64xf32, #tpu.memory_space<hbm>>
    %dma_start3A_163 = arith.constant 0 : i32
    %dma_start3A_164 = arith.constant 0 : i32
    %dma_start3A_165 = tpu.memref_slice %arg10[%dma_start3A_153, %dma_start3A_154, %dma_start3A_163, %dma_start3A_164] : memref<2x16x8x64xf32, #tpu.memory_space<vmem>> -> memref<1x1x8x64xf32, #tpu.memory_space<vmem>>
    %dma_start3A_166 = tpu.memref_squeeze %dma_start3A_165 : memref<1x1x8x64xf32, #tpu.memory_space<vmem>> -> memref<8x64xf32, #tpu.memory_space<vmem>>
    %dma_start3A_167 = arith.constant 0 : i32
    %dma_start3A_168 = arith.constant 0 : i32
    %dma_start3A_169 = tpu.memref_slice %arg4[%squeeze3A_152, %dma_start3A_167, %dma_start3A_168] : memref<125000x8x64xf32, #tpu.memory_space<hbm>> -> memref<1x8x64xf32, #tpu.memory_space<hbm>>
    %dma_start3A_170 = tpu.memref_squeeze %dma_start3A_169 : memref<1x8x64xf32, #tpu.memory_space<hbm>> -> memref<8x64xf32, #tpu.memory_space<hbm>>
    tpu.enqueue_dma source(%dma_start3A_170 : memref<8x64xf32, #tpu.memory_space<hbm>>) target(%dma_start3A_166 : memref<8x64xf32, #tpu.memory_space<vmem>>) target_semaphore(%arg13 : memref<!tpu.dma_semaphore, #tpu.memory_space<semaphore_mem>>)
    %slice3A_171 = vector.extract_strided_slice %shift_right_arithmetic3A_8 {offsets = [4], sizes = [1], strides = [1]} : vector<16xi32> to vector<1xi32>
    %squeeze3A_172 = vector.extract %slice3A_171[0] : i32 from vector<1xi32>
    %dma_start3A_173 = arith.constant 0 : i32
    %dma_start3A_174 = arith.constant 4 : i32
    %dma_start3A_175 = arith.constant 0 : i32
    %dma_start3A_176 = arith.constant 0 : i32
    %dma_start3A_177 = tpu.memref_slice %arg9[%dma_start3A_173, %dma_start3A_174, %dma_start3A_175, %dma_start3A_176] : memref<2x16x8x64xf32, #tpu.memory_space<vmem>> -> memref<1x1x8x64xf32, #tpu.memory_space<vmem>>
    %dma_start3A_178 = tpu.memref_squeeze %dma_start3A_177 : memref<1x1x8x64xf32, #tpu.memory_space<vmem>> -> memref<8x64xf32, #tpu.memory_space<vmem>>
    %dma_start3A_179 = arith.constant 0 : i32
    %dma_start3A_180 = arith.constant 0 : i32
    %dma_start3A_181 = tpu.memref_slice %arg5[%squeeze3A_172, %dma_start3A_179, %dma_start3A_180] : memref<125000x8x64xf32, #tpu.memory_space<hbm>> -> memref<1x8x64xf32, #tpu.memory_space<hbm>>
    %dma_start3A_182 = tpu.memref_squeeze %dma_start3A_181 : memref<1x8x64xf32, #tpu.memory_space<hbm>> -> memref<8x64xf32, #tpu.memory_space<hbm>>
    %dma_start3A_183 = arith.constant 0 : i32
    %dma_start3A_184 = arith.constant 0 : i32
    %dma_start3A_185 = tpu.memref_slice %arg9[%dma_start3A_173, %dma_start3A_174, %dma_start3A_183, %dma_start3A_184] : memref<2x16x8x64xf32, #tpu.memory_space<vmem>> -> memref<1x1x8x64xf32, #tpu.memory_space<vmem>>
    %dma_start3A_186 = tpu.memref_squeeze %dma_start3A_185 : memref<1x1x8x64xf32, #tpu.memory_space<vmem>> -> memref<8x64xf32, #tpu.memory_space<vmem>>
    %dma_start3A_187 = arith.constant 0 : i32
    %dma_start3A_188 = arith.constant 0 : i32
    %dma_start3A_189 = tpu.memref_slice %arg5[%squeeze3A_172, %dma_start3A_187, %dma_start3A_188] : memref<125000x8x64xf32, #tpu.memory_space<hbm>> -> memref<1x8x64xf32, #tpu.memory_space<hbm>>
    %dma_start3A_190 = tpu.memref_squeeze %dma_start3A_189 : memref<1x8x64xf32, #tpu.memory_space<hbm>> -> memref<8x64xf32, #tpu.memory_space<hbm>>
    tpu.enqueue_dma source(%dma_start3A_190 : memref<8x64xf32, #tpu.memory_space<hbm>>) target(%dma_start3A_186 : memref<8x64xf32, #tpu.memory_space<vmem>>) target_semaphore(%arg13 : memref<!tpu.dma_semaphore, #tpu.memory_space<semaphore_mem>>)
    %slice3A_191 = vector.extract_strided_slice %shift_right_arithmetic3A_13 {offsets = [4], sizes = [1], strides = [1]} : vector<16xi32> to vector<1xi32>
    %squeeze3A_192 = vector.extract %slice3A_191[0] : i32 from vector<1xi32>
    %dma_start3A_193 = arith.constant 0 : i32
    %dma_start3A_194 = arith.constant 4 : i32
    %dma_start3A_195 = arith.constant 0 : i32
    %dma_start3A_196 = arith.constant 0 : i32
    %dma_start3A_197 = tpu.memref_slice %arg10[%dma_start3A_193, %dma_start3A_194, %dma_start3A_195, %dma_start3A_196] : memref<2x16x8x64xf32, #tpu.memory_space<vmem>> -> memref<1x1x8x64xf32, #tpu.memory_space<vmem>>
    %dma_start3A_198 = tpu.memref_squeeze %dma_start3A_197 : memref<1x1x8x64xf32, #tpu.memory_space<vmem>> -> memref<8x64xf32, #tpu.memory_space<vmem>>
    %dma_start3A_199 = arith.constant 0 : i32
    %dma_start3A_200 = arith.constant 0 : i32
    %dma_start3A_201 = tpu.memref_slice %arg4[%squeeze3A_192, %dma_start3A_199, %dma_start3A_200] : memref<125000x8x64xf32, #tpu.memory_space<hbm>> -> memref<1x8x64xf32, #tpu.memory_space<hbm>>
    %dma_start3A_202 = tpu.memref_squeeze %dma_start3A_201 : memref<1x8x64xf32, #tpu.memory_space<hbm>> -> memref<8x64xf32, #tpu.memory_space<hbm>>
    %dma_start3A_203 = arith.constant 0 : i32
    %dma_start3A_204 = arith.constant 0 : i32
    %dma_start3A_205 = tpu.memref_slice %arg10[%dma_start3A_193, %dma_start3A_194, %dma_start3A_203, %dma_start3A_204] : memref<2x16x8x64xf32, #tpu.memory_space<vmem>> -> memref<1x1x8x64xf32, #tpu.memory_space<vmem>>
    %dma_start3A_206 = tpu.memref_squeeze %dma_start3A_205 : memref<1x1x8x64xf32, #tpu.memory_space<vmem>> -> memref<8x64xf32, #tpu.memory_space<vmem>>
    %dma_start3A_207 = arith.constant 0 : i32
    %dma_start3A_208 = arith.constant 0 : i32
    %dma_start3A_209 = tpu.memref_slice %arg4[%squeeze3A_192, %dma_start3A_207, %dma_start3A_208] : memref<125000x8x64xf32, #tpu.memory_space<hbm>> -> memref<1x8x64xf32, #tpu.memory_space<hbm>>
    %dma_start3A_210 = tpu.memref_squeeze %dma_start3A_209 : memref<1x8x64xf32, #tpu.memory_space<hbm>> -> memref<8x64xf32, #tpu.memory_space<hbm>>
    tpu.enqueue_dma source(%dma_start3A_210 : memref<8x64xf32, #tpu.memory_space<hbm>>) target(%dma_start3A_206 : memref<8x64xf32, #tpu.memory_space<vmem>>) target_semaphore(%arg13 : memref<!tpu.dma_semaphore, #tpu.memory_space<semaphore_mem>>)
    %slice3A_211 = vector.extract_strided_slice %shift_right_arithmetic3A_8 {offsets = [5], sizes = [1], strides = [1]} : vector<16xi32> to vector<1xi32>
    %squeeze3A_212 = vector.extract %slice3A_211[0] : i32 from vector<1xi32>
    %dma_start3A_213 = arith.constant 0 : i32
    %dma_start3A_214 = arith.constant 5 : i32
    %dma_start3A_215 = arith.constant 0 : i32
    %dma_start3A_216 = arith.constant 0 : i32
    %dma_start3A_217 = tpu.memref_slice %arg9[%dma_start3A_213, %dma_start3A_214, %dma_start3A_215, %dma_start3A_216] : memref<2x16x8x64xf32, #tpu.memory_space<vmem>> -> memref<1x1x8x64xf32, #tpu.memory_space<vmem>>
    %dma_start3A_218 = tpu.memref_squeeze %dma_start3A_217 : memref<1x1x8x64xf32, #tpu.memory_space<vmem>> -> memref<8x64xf32, #tpu.memory_space<vmem>>
    %dma_start3A_219 = arith.constant 0 : i32
    %dma_start3A_220 = arith.constant 0 : i32
    %dma_start3A_221 = tpu.memref_slice %arg5[%squeeze3A_212, %dma_start3A_219, %dma_start3A_220] : memref<125000x8x64xf32, #tpu.memory_space<hbm>> -> memref<1x8x64xf32, #tpu.memory_space<hbm>>
    %dma_start3A_222 = tpu.memref_squeeze %dma_start3A_221 : memref<1x8x64xf32, #tpu.memory_space<hbm>> -> memref<8x64xf32, #tpu.memory_space<hbm>>
    %dma_start3A_223 = arith.constant 0 : i32
    %dma_start3A_224 = arith.constant 0 : i32
    %dma_start3A_225 = tpu.memref_slice %arg9[%dma_start3A_213, %dma_start3A_214, %dma_start3A_223, %dma_start3A_224] : memref<2x16x8x64xf32, #tpu.memory_space<vmem>> -> memref<1x1x8x64xf32, #tpu.memory_space<vmem>>
    %dma_start3A_226 = tpu.memref_squeeze %dma_start3A_225 : memref<1x1x8x64xf32, #tpu.memory_space<vmem>> -> memref<8x64xf32, #tpu.memory_space<vmem>>
    %dma_start3A_227 = arith.constant 0 : i32
    %dma_start3A_228 = arith.constant 0 : i32
    %dma_start3A_229 = tpu.memref_slice %arg5[%squeeze3A_212, %dma_start3A_227, %dma_start3A_228] : memref<125000x8x64xf32, #tpu.memory_space<hbm>> -> memref<1x8x64xf32, #tpu.memory_space<hbm>>
    %dma_start3A_230 = tpu.memref_squeeze %dma_start3A_229 : memref<1x8x64xf32, #tpu.memory_space<hbm>> -> memref<8x64xf32, #tpu.memory_space<hbm>>
    tpu.enqueue_dma source(%dma_start3A_230 : memref<8x64xf32, #tpu.memory_space<hbm>>) target(%dma_start3A_226 : memref<8x64xf32, #tpu.memory_space<vmem>>) target_semaphore(%arg13 : memref<!tpu.dma_semaphore, #tpu.memory_space<semaphore_mem>>)
    %slice3A_231 = vector.extract_strided_slice %shift_right_arithmetic3A_13 {offsets = [5], sizes = [1], strides = [1]} : vector<16xi32> to vector<1xi32>
    %squeeze3A_232 = vector.extract %slice3A_231[0] : i32 from vector<1xi32>
    %dma_start3A_233 = arith.constant 0 : i32
    %dma_start3A_234 = arith.constant 5 : i32
    %dma_start3A_235 = arith.constant 0 : i32
    %dma_start3A_236 = arith.constant 0 : i32
    %dma_start3A_237 = tpu.memref_slice %arg10[%dma_start3A_233, %dma_start3A_234, %dma_start3A_235, %dma_start3A_236] : memref<2x16x8x64xf32, #tpu.memory_space<vmem>> -> memref<1x1x8x64xf32, #tpu.memory_space<vmem>>
    %dma_start3A_238 = tpu.memref_squeeze %dma_start3A_237 : memref<1x1x8x64xf32, #tpu.memory_space<vmem>> -> memref<8x64xf32, #tpu.memory_space<vmem>>
    %dma_start3A_239 = arith.constant 0 : i32
    %dma_start3A_240 = arith.constant 0 : i32
    %dma_start3A_241 = tpu.memref_slice %arg4[%squeeze3A_232, %dma_start3A_239, %dma_start3A_240] : memref<125000x8x64xf32, #tpu.memory_space<hbm>> -> memref<1x8x64xf32, #tpu.memory_space<hbm>>
    %dma_start3A_242 = tpu.memref_squeeze %dma_start3A_241 : memref<1x8x64xf32, #tpu.memory_space<hbm>> -> memref<8x64xf32, #tpu.memory_space<hbm>>
    %dma_start3A_243 = arith.constant 0 : i32
    %dma_start3A_244 = arith.constant 0 : i32
    %dma_start3A_245 = tpu.memref_slice %arg10[%dma_start3A_233, %dma_start3A_234, %dma_start3A_243, %dma_start3A_244] : memref<2x16x8x64xf32, #tpu.memory_space<vmem>> -> memref<1x1x8x64xf32, #tpu.memory_space<vmem>>
    %dma_start3A_246 = tpu.memref_squeeze %dma_start3A_245 : memref<1x1x8x64xf32, #tpu.memory_space<vmem>> -> memref<8x64xf32, #tpu.memory_space<vmem>>
    %dma_start3A_247 = arith.constant 0 : i32
    %dma_start3A_248 = arith.constant 0 : i32
    %dma_start3A_249 = tpu.memref_slice %arg4[%squeeze3A_232, %dma_start3A_247, %dma_start3A_248] : memref<125000x8x64xf32, #tpu.memory_space<hbm>> -> memref<1x8x64xf32, #tpu.memory_space<hbm>>
    %dma_start3A_250 = tpu.memref_squeeze %dma_start3A_249 : memref<1x8x64xf32, #tpu.memory_space<hbm>> -> memref<8x64xf32, #tpu.memory_space<hbm>>
    tpu.enqueue_dma source(%dma_start3A_250 : memref<8x64xf32, #tpu.memory_space<hbm>>) target(%dma_start3A_246 : memref<8x64xf32, #tpu.memory_space<vmem>>) target_semaphore(%arg13 : memref<!tpu.dma_semaphore, #tpu.memory_space<semaphore_mem>>)
    %slice3A_251 = vector.extract_strided_slice %shift_right_arithmetic3A_8 {offsets = [6], sizes = [1], strides = [1]} : vector<16xi32> to vector<1xi32>
    %squeeze3A_252 = vector.extract %slice3A_251[0] : i32 from vector<1xi32>
    %dma_start3A_253 = arith.constant 0 : i32
    %dma_start3A_254 = arith.constant 6 : i32
    %dma_start3A_255 = arith.constant 0 : i32
    %dma_start3A_256 = arith.constant 0 : i32
    %dma_start3A_257 = tpu.memref_slice %arg9[%dma_start3A_253, %dma_start3A_254, %dma_start3A_255, %dma_start3A_256] : memref<2x16x8x64xf32, #tpu.memory_space<vmem>> -> memref<1x1x8x64xf32, #tpu.memory_space<vmem>>
    %dma_start3A_258 = tpu.memref_squeeze %dma_start3A_257 : memref<1x1x8x64xf32, #tpu.memory_space<vmem>> -> memref<8x64xf32, #tpu.memory_space<vmem>>
    %dma_start3A_259 = arith.constant 0 : i32
    %dma_start3A_260 = arith.constant 0 : i32
    %dma_start3A_261 = tpu.memref_slice %arg5[%squeeze3A_252, %dma_start3A_259, %dma_start3A_260] : memref<125000x8x64xf32, #tpu.memory_space<hbm>> -> memref<1x8x64xf32, #tpu.memory_space<hbm>>
    %dma_start3A_262 = tpu.memref_squeeze %dma_start3A_261 : memref<1x8x64xf32, #tpu.memory_space<hbm>> -> memref<8x64xf32, #tpu.memory_space<hbm>>
    %dma_start3A_263 = arith.constant 0 : i32
    %dma_start3A_264 = arith.constant 0 : i32
    %dma_start3A_265 = tpu.memref_slice %arg9[%dma_start3A_253, %dma_start3A_254, %dma_start3A_263, %dma_start3A_264] : memref<2x16x8x64xf32, #tpu.memory_space<vmem>> -> memref<1x1x8x64xf32, #tpu.memory_space<vmem>>
    %dma_start3A_266 = tpu.memref_squeeze %dma_start3A_265 : memref<1x1x8x64xf32, #tpu.memory_space<vmem>> -> memref<8x64xf32, #tpu.memory_space<vmem>>
    %dma_start3A_267 = arith.constant 0 : i32
    %dma_start3A_268 = arith.constant 0 : i32
    %dma_start3A_269 = tpu.memref_slice %arg5[%squeeze3A_252, %dma_start3A_267, %dma_start3A_268] : memref<125000x8x64xf32, #tpu.memory_space<hbm>> -> memref<1x8x64xf32, #tpu.memory_space<hbm>>
    %dma_start3A_270 = tpu.memref_squeeze %dma_start3A_269 : memref<1x8x64xf32, #tpu.memory_space<hbm>> -> memref<8x64xf32, #tpu.memory_space<hbm>>
    tpu.enqueue_dma source(%dma_start3A_270 : memref<8x64xf32, #tpu.memory_space<hbm>>) target(%dma_start3A_266 : memref<8x64xf32, #tpu.memory_space<vmem>>) target_semaphore(%arg13 : memref<!tpu.dma_semaphore, #tpu.memory_space<semaphore_mem>>)
    %slice3A_271 = vector.extract_strided_slice %shift_right_arithmetic3A_13 {offsets = [6], sizes = [1], strides = [1]} : vector<16xi32> to vector<1xi32>
    %squeeze3A_272 = vector.extract %slice3A_271[0] : i32 from vector<1xi32>
    %dma_start3A_273 = arith.constant 0 : i32
    %dma_start3A_274 = arith.constant 6 : i32
    %dma_start3A_275 = arith.constant 0 : i32
    %dma_start3A_276 = arith.constant 0 : i32
    %dma_start3A_277 = tpu.memref_slice %arg10[%dma_start3A_273, %dma_start3A_274, %dma_start3A_275, %dma_start3A_276] : memref<2x16x8x64xf32, #tpu.memory_space<vmem>> -> memref<1x1x8x64xf32, #tpu.memory_space<vmem>>
    %dma_start3A_278 = tpu.memref_squeeze %dma_start3A_277 : memref<1x1x8x64xf32, #tpu.memory_space<vmem>> -> memref<8x64xf32, #tpu.memory_space<vmem>>
    %dma_start3A_279 = arith.constant 0 : i32
    %dma_start3A_280 = arith.constant 0 : i32
    %dma_start3A_281 = tpu.memref_slice %arg4[%squeeze3A_272, %dma_start3A_279, %dma_start3A_280] : memref<125000x8x64xf32, #tpu.memory_space<hbm>> -> memref<1x8x64xf32, #tpu.memory_space<hbm>>
    %dma_start3A_282 = tpu.memref_squeeze %dma_start3A_281 : memref<1x8x64xf32, #tpu.memory_space<hbm>> -> memref<8x64xf32, #tpu.memory_space<hbm>>
    %dma_start3A_283 = arith.constant 0 : i32
    %dma_start3A_284 = arith.constant 0 : i32
    %dma_start3A_285 = tpu.memref_slice %arg10[%dma_start3A_273, %dma_start3A_274, %dma_start3A_283, %dma_start3A_284] : memref<2x16x8x64xf32, #tpu.memory_space<vmem>> -> memref<1x1x8x64xf32, #tpu.memory_space<vmem>>
    %dma_start3A_286 = tpu.memref_squeeze %dma_start3A_285 : memref<1x1x8x64xf32, #tpu.memory_space<vmem>> -> memref<8x64xf32, #tpu.memory_space<vmem>>
    %dma_start3A_287 = arith.constant 0 : i32
    %dma_start3A_288 = arith.constant 0 : i32
    %dma_start3A_289 = tpu.memref_slice %arg4[%squeeze3A_272, %dma_start3A_287, %dma_start3A_288] : memref<125000x8x64xf32, #tpu.memory_space<hbm>> -> memref<1x8x64xf32, #tpu.memory_space<hbm>>
    %dma_start3A_290 = tpu.memref_squeeze %dma_start3A_289 : memref<1x8x64xf32, #tpu.memory_space<hbm>> -> memref<8x64xf32, #tpu.memory_space<hbm>>
    tpu.enqueue_dma source(%dma_start3A_290 : memref<8x64xf32, #tpu.memory_space<hbm>>) target(%dma_start3A_286 : memref<8x64xf32, #tpu.memory_space<vmem>>) target_semaphore(%arg13 : memref<!tpu.dma_semaphore, #tpu.memory_space<semaphore_mem>>)
    %slice3A_291 = vector.extract_strided_slice %shift_right_arithmetic3A_8 {offsets = [7], sizes = [1], strides = [1]} : vector<16xi32> to vector<1xi32>
    %squeeze3A_292 = vector.extract %slice3A_291[0] : i32 from vector<1xi32>
    %dma_start3A_293 = arith.constant 0 : i32
    %dma_start3A_294 = arith.constant 7 : i32
    %dma_start3A_295 = arith.constant 0 : i32
    %dma_start3A_296 = arith.constant 0 : i32
    %dma_start3A_297 = tpu.memref_slice %arg9[%dma_start3A_293, %dma_start3A_294, %dma_start3A_295, %dma_start3A_296] : memref<2x16x8x64xf32, #tpu.memory_space<vmem>> -> memref<1x1x8x64xf32, #tpu.memory_space<vmem>>
    %dma_start3A_298 = tpu.memref_squeeze %dma_start3A_297 : memref<1x1x8x64xf32, #tpu.memory_space<vmem>> -> memref<8x64xf32, #tpu.memory_space<vmem>>
    %dma_start3A_299 = arith.constant 0 : i32
    %dma_start3A_300 = arith.constant 0 : i32
    %dma_start3A_301 = tpu.memref_slice %arg5[%squeeze3A_292, %dma_start3A_299, %dma_start3A_300] : memref<125000x8x64xf32, #tpu.memory_space<hbm>> -> memref<1x8x64xf32, #tpu.memory_space<hbm>>
    %dma_start3A_302 = tpu.memref_squeeze %dma_start3A_301 : memref<1x8x64xf32, #tpu.memory_space<hbm>> -> memref<8x64xf32, #tpu.memory_space<hbm>>
    %dma_start3A_303 = arith.constant 0 : i32
    %dma_start3A_304 = arith.constant 0 : i32
    %dma_start3A_305 = tpu.memref_slice %arg9[%dma_start3A_293, %dma_start3A_294, %dma_start3A_303, %dma_start3A_304] : memref<2x16x8x64xf32, #tpu.memory_space<vmem>> -> memref<1x1x8x64xf32, #tpu.memory_space<vmem>>
    %dma_start3A_306 = tpu.memref_squeeze %dma_start3A_305 : memref<1x1x8x64xf32, #tpu.memory_space<vmem>> -> memref<8x64xf32, #tpu.memory_space<vmem>>
    %dma_start3A_307 = arith.constant 0 : i32
    %dma_start3A_308 = arith.constant 0 : i32
    %dma_start3A_309 = tpu.memref_slice %arg5[%squeeze3A_292, %dma_start3A_307, %dma_start3A_308] : memref<125000x8x64xf32, #tpu.memory_space<hbm>> -> memref<1x8x64xf32, #tpu.memory_space<hbm>>
    %dma_start3A_310 = tpu.memref_squeeze %dma_start3A_309 : memref<1x8x64xf32, #tpu.memory_space<hbm>> -> memref<8x64xf32, #tpu.memory_space<hbm>>
    tpu.enqueue_dma source(%dma_start3A_310 : memref<8x64xf32, #tpu.memory_space<hbm>>) target(%dma_start3A_306 : memref<8x64xf32, #tpu.memory_space<vmem>>) target_semaphore(%arg13 : memref<!tpu.dma_semaphore, #tpu.memory_space<semaphore_mem>>)
    %slice3A_311 = vector.extract_strided_slice %shift_right_arithmetic3A_13 {offsets = [7], sizes = [1], strides = [1]} : vector<16xi32> to vector<1xi32>
    %squeeze3A_312 = vector.extract %slice3A_311[0] : i32 from vector<1xi32>
    %dma_start3A_313 = arith.constant 0 : i32
    %dma_start3A_314 = arith.constant 7 : i32
    %dma_start3A_315 = arith.constant 0 : i32
    %dma_start3A_316 = arith.constant 0 : i32
    %dma_start3A_317 = tpu.memref_slice %arg10[%dma_start3A_313, %dma_start3A_314, %dma_start3A_315, %dma_start3A_316] : memref<2x16x8x64xf32, #tpu.memory_space<vmem>> -> memref<1x1x8x64xf32, #tpu.memory_space<vmem>>
    %dma_start3A_318 = tpu.memref_squeeze %dma_start3A_317 : memref<1x1x8x64xf32, #tpu.memory_space<vmem>> -> memref<8x64xf32, #tpu.memory_space<vmem>>
    %dma_start3A_319 = arith.constant 0 : i32
    %dma_start3A_320 = arith.constant 0 : i32
    %dma_start3A_321 = tpu.memref_slice %arg4[%squeeze3A_312, %dma_start3A_319, %dma_start3A_320] : memref<125000x8x64xf32, #tpu.memory_space<hbm>> -> memref<1x8x64xf32, #tpu.memory_space<hbm>>
    %dma_start3A_322 = tpu.memref_squeeze %dma_start3A_321 : memref<1x8x64xf32, #tpu.memory_space<hbm>> -> memref<8x64xf32, #tpu.memory_space<hbm>>
    %dma_start3A_323 = arith.constant 0 : i32
    %dma_start3A_324 = arith.constant 0 : i32
    %dma_start3A_325 = tpu.memref_slice %arg10[%dma_start3A_313, %dma_start3A_314, %dma_start3A_323, %dma_start3A_324] : memref<2x16x8x64xf32, #tpu.memory_space<vmem>> -> memref<1x1x8x64xf32, #tpu.memory_space<vmem>>
    %dma_start3A_326 = tpu.memref_squeeze %dma_start3A_325 : memref<1x1x8x64xf32, #tpu.memory_space<vmem>> -> memref<8x64xf32, #tpu.memory_space<vmem>>
    %dma_start3A_327 = arith.constant 0 : i32
    %dma_start3A_328 = arith.constant 0 : i32
    %dma_start3A_329 = tpu.memref_slice %arg4[%squeeze3A_312, %dma_start3A_327, %dma_start3A_328] : memref<125000x8x64xf32, #tpu.memory_space<hbm>> -> memref<1x8x64xf32, #tpu.memory_space<hbm>>
    %dma_start3A_330 = tpu.memref_squeeze %dma_start3A_329 : memref<1x8x64xf32, #tpu.memory_space<hbm>> -> memref<8x64xf32, #tpu.memory_space<hbm>>
    tpu.enqueue_dma source(%dma_start3A_330 : memref<8x64xf32, #tpu.memory_space<hbm>>) target(%dma_start3A_326 : memref<8x64xf32, #tpu.memory_space<vmem>>) target_semaphore(%arg13 : memref<!tpu.dma_semaphore, #tpu.memory_space<semaphore_mem>>)
    %slice3A_331 = vector.extract_strided_slice %shift_right_arithmetic3A_8 {offsets = [8], sizes = [1], strides = [1]} : vector<16xi32> to vector<1xi32>
    %squeeze3A_332 = vector.extract %slice3A_331[0] : i32 from vector<1xi32>
    %dma_start3A_333 = arith.constant 0 : i32
    %dma_start3A_334 = arith.constant 8 : i32
    %dma_start3A_335 = arith.constant 0 : i32
    %dma_start3A_336 = arith.constant 0 : i32
    %dma_start3A_337 = tpu.memref_slice %arg9[%dma_start3A_333, %dma_start3A_334, %dma_start3A_335, %dma_start3A_336] : memref<2x16x8x64xf32, #tpu.memory_space<vmem>> -> memref<1x1x8x64xf32, #tpu.memory_space<vmem>>
    %dma_start3A_338 = tpu.memref_squeeze %dma_start3A_337 : memref<1x1x8x64xf32, #tpu.memory_space<vmem>> -> memref<8x64xf32, #tpu.memory_space<vmem>>
    %dma_start3A_339 = arith.constant 0 : i32
    %dma_start3A_340 = arith.constant 0 : i32
    %dma_start3A_341 = tpu.memref_slice %arg5[%squeeze3A_332, %dma_start3A_339, %dma_start3A_340] : memref<125000x8x64xf32, #tpu.memory_space<hbm>> -> memref<1x8x64xf32, #tpu.memory_space<hbm>>
    %dma_start3A_342 = tpu.memref_squeeze %dma_start3A_341 : memref<1x8x64xf32, #tpu.memory_space<hbm>> -> memref<8x64xf32, #tpu.memory_space<hbm>>
    %dma_start3A_343 = arith.constant 0 : i32
    %dma_start3A_344 = arith.constant 0 : i32
    %dma_start3A_345 = tpu.memref_slice %arg9[%dma_start3A_333, %dma_start3A_334, %dma_start3A_343, %dma_start3A_344] : memref<2x16x8x64xf32, #tpu.memory_space<vmem>> -> memref<1x1x8x64xf32, #tpu.memory_space<vmem>>
    %dma_start3A_346 = tpu.memref_squeeze %dma_start3A_345 : memref<1x1x8x64xf32, #tpu.memory_space<vmem>> -> memref<8x64xf32, #tpu.memory_space<vmem>>
    %dma_start3A_347 = arith.constant 0 : i32
    %dma_start3A_348 = arith.constant 0 : i32
    %dma_start3A_349 = tpu.memref_slice %arg5[%squeeze3A_332, %dma_start3A_347, %dma_start3A_348] : memref<125000x8x64xf32, #tpu.memory_space<hbm>> -> memref<1x8x64xf32, #tpu.memory_space<hbm>>
    %dma_start3A_350 = tpu.memref_squeeze %dma_start3A_349 : memref<1x8x64xf32, #tpu.memory_space<hbm>> -> memref<8x64xf32, #tpu.memory_space<hbm>>
    tpu.enqueue_dma source(%dma_start3A_350 : memref<8x64xf32, #tpu.memory_space<hbm>>) target(%dma_start3A_346 : memref<8x64xf32, #tpu.memory_space<vmem>>) target_semaphore(%arg13 : memref<!tpu.dma_semaphore, #tpu.memory_space<semaphore_mem>>)
    %slice3A_351 = vector.extract_strided_slice %shift_right_arithmetic3A_13 {offsets = [8], sizes = [1], strides = [1]} : vector<16xi32> to vector<1xi32>
    %squeeze3A_352 = vector.extract %slice3A_351[0] : i32 from vector<1xi32>
    %dma_start3A_353 = arith.constant 0 : i32
    %dma_start3A_354 = arith.constant 8 : i32
    %dma_start3A_355 = arith.constant 0 : i32
    %dma_start3A_356 = arith.constant 0 : i32
    %dma_start3A_357 = tpu.memref_slice %arg10[%dma_start3A_353, %dma_start3A_354, %dma_start3A_355, %dma_start3A_356] : memref<2x16x8x64xf32, #tpu.memory_space<vmem>> -> memref<1x1x8x64xf32, #tpu.memory_space<vmem>>
    %dma_start3A_358 = tpu.memref_squeeze %dma_start3A_357 : memref<1x1x8x64xf32, #tpu.memory_space<vmem>> -> memref<8x64xf32, #tpu.memory_space<vmem>>
    %dma_start3A_359 = arith.constant 0 : i32
    %dma_start3A_360 = arith.constant 0 : i32
    %dma_start3A_361 = tpu.memref_slice %arg4[%squeeze3A_352, %dma_start3A_359, %dma_start3A_360] : memref<125000x8x64xf32, #tpu.memory_space<hbm>> -> memref<1x8x64xf32, #tpu.memory_space<hbm>>
    %dma_start3A_362 = tpu.memref_squeeze %dma_start3A_361 : memref<1x8x64xf32, #tpu.memory_space<hbm>> -> memref<8x64xf32, #tpu.memory_space<hbm>>
    %dma_start3A_363 = arith.constant 0 : i32
    %dma_start3A_364 = arith.constant 0 : i32
    %dma_start3A_365 = tpu.memref_slice %arg10[%dma_start3A_353, %dma_start3A_354, %dma_start3A_363, %dma_start3A_364] : memref<2x16x8x64xf32, #tpu.memory_space<vmem>> -> memref<1x1x8x64xf32, #tpu.memory_space<vmem>>
    %dma_start3A_366 = tpu.memref_squeeze %dma_start3A_365 : memref<1x1x8x64xf32, #tpu.memory_space<vmem>> -> memref<8x64xf32, #tpu.memory_space<vmem>>
    %dma_start3A_367 = arith.constant 0 : i32
    %dma_start3A_368 = arith.constant 0 : i32
    %dma_start3A_369 = tpu.memref_slice %arg4[%squeeze3A_352, %dma_start3A_367, %dma_start3A_368] : memref<125000x8x64xf32, #tpu.memory_space<hbm>> -> memref<1x8x64xf32, #tpu.memory_space<hbm>>
    %dma_start3A_370 = tpu.memref_squeeze %dma_start3A_369 : memref<1x8x64xf32, #tpu.memory_space<hbm>> -> memref<8x64xf32, #tpu.memory_space<hbm>>
    tpu.enqueue_dma source(%dma_start3A_370 : memref<8x64xf32, #tpu.memory_space<hbm>>) target(%dma_start3A_366 : memref<8x64xf32, #tpu.memory_space<vmem>>) target_semaphore(%arg13 : memref<!tpu.dma_semaphore, #tpu.memory_space<semaphore_mem>>)
    %slice3A_371 = vector.extract_strided_slice %shift_right_arithmetic3A_8 {offsets = [9], sizes = [1], strides = [1]} : vector<16xi32> to vector<1xi32>
    %squeeze3A_372 = vector.extract %slice3A_371[0] : i32 from vector<1xi32>
    %dma_start3A_373 = arith.constant 0 : i32
    %dma_start3A_374 = arith.constant 9 : i32
    %dma_start3A_375 = arith.constant 0 : i32
    %dma_start3A_376 = arith.constant 0 : i32
    %dma_start3A_377 = tpu.memref_slice %arg9[%dma_start3A_373, %dma_start3A_374, %dma_start3A_375, %dma_start3A_376] : memref<2x16x8x64xf32, #tpu.memory_space<vmem>> -> memref<1x1x8x64xf32, #tpu.memory_space<vmem>>
    %dma_start3A_378 = tpu.memref_squeeze %dma_start3A_377 : memref<1x1x8x64xf32, #tpu.memory_space<vmem>> -> memref<8x64xf32, #tpu.memory_space<vmem>>
    %dma_start3A_379 = arith.constant 0 : i32
    %dma_start3A_380 = arith.constant 0 : i32
    %dma_start3A_381 = tpu.memref_slice %arg5[%squeeze3A_372, %dma_start3A_379, %dma_start3A_380] : memref<125000x8x64xf32, #tpu.memory_space<hbm>> -> memref<1x8x64xf32, #tpu.memory_space<hbm>>
    %dma_start3A_382 = tpu.memref_squeeze %dma_start3A_381 : memref<1x8x64xf32, #tpu.memory_space<hbm>> -> memref<8x64xf32, #tpu.memory_space<hbm>>
    %dma_start3A_383 = arith.constant 0 : i32
    %dma_start3A_384 = arith.constant 0 : i32
    %dma_start3A_385 = tpu.memref_slice %arg9[%dma_start3A_373, %dma_start3A_374, %dma_start3A_383, %dma_start3A_384] : memref<2x16x8x64xf32, #tpu.memory_space<vmem>> -> memref<1x1x8x64xf32, #tpu.memory_space<vmem>>
    %dma_start3A_386 = tpu.memref_squeeze %dma_start3A_385 : memref<1x1x8x64xf32, #tpu.memory_space<vmem>> -> memref<8x64xf32, #tpu.memory_space<vmem>>
    %dma_start3A_387 = arith.constant 0 : i32
    %dma_start3A_388 = arith.constant 0 : i32
    %dma_start3A_389 = tpu.memref_slice %arg5[%squeeze3A_372, %dma_start3A_387, %dma_start3A_388] : memref<125000x8x64xf32, #tpu.memory_space<hbm>> -> memref<1x8x64xf32, #tpu.memory_space<hbm>>
    %dma_start3A_390 = tpu.memref_squeeze %dma_start3A_389 : memref<1x8x64xf32, #tpu.memory_space<hbm>> -> memref<8x64xf32, #tpu.memory_space<hbm>>
    tpu.enqueue_dma source(%dma_start3A_390 : memref<8x64xf32, #tpu.memory_space<hbm>>) target(%dma_start3A_386 : memref<8x64xf32, #tpu.memory_space<vmem>>) target_semaphore(%arg13 : memref<!tpu.dma_semaphore, #tpu.memory_space<semaphore_mem>>)
    %slice3A_391 = vector.extract_strided_slice %shift_right_arithmetic3A_13 {offsets = [9], sizes = [1], strides = [1]} : vector<16xi32> to vector<1xi32>
    %squeeze3A_392 = vector.extract %slice3A_391[0] : i32 from vector<1xi32>
    %dma_start3A_393 = arith.constant 0 : i32
    %dma_start3A_394 = arith.constant 9 : i32
    %dma_start3A_395 = arith.constant 0 : i32
    %dma_start3A_396 = arith.constant 0 : i32
    %dma_start3A_397 = tpu.memref_slice %arg10[%dma_start3A_393, %dma_start3A_394, %dma_start3A_395, %dma_start3A_396] : memref<2x16x8x64xf32, #tpu.memory_space<vmem>> -> memref<1x1x8x64xf32, #tpu.memory_space<vmem>>
    %dma_start3A_398 = tpu.memref_squeeze %dma_start3A_397 : memref<1x1x8x64xf32, #tpu.memory_space<vmem>> -> memref<8x64xf32, #tpu.memory_space<vmem>>
    %dma_start3A_399 = arith.constant 0 : i32
    %dma_start3A_400 = arith.constant 0 : i32
    %dma_start3A_401 = tpu.memref_slice %arg4[%squeeze3A_392, %dma_start3A_399, %dma_start3A_400] : memref<125000x8x64xf32, #tpu.memory_space<hbm>> -> memref<1x8x64xf32, #tpu.memory_space<hbm>>
    %dma_start3A_402 = tpu.memref_squeeze %dma_start3A_401 : memref<1x8x64xf32, #tpu.memory_space<hbm>> -> memref<8x64xf32, #tpu.memory_space<hbm>>
    %dma_start3A_403 = arith.constant 0 : i32
    %dma_start3A_404 = arith.constant 0 : i32
    %dma_start3A_405 = tpu.memref_slice %arg10[%dma_start3A_393, %dma_start3A_394, %dma_start3A_403, %dma_start3A_404] : memref<2x16x8x64xf32, #tpu.memory_space<vmem>> -> memref<1x1x8x64xf32, #tpu.memory_space<vmem>>
    %dma_start3A_406 = tpu.memref_squeeze %dma_start3A_405 : memref<1x1x8x64xf32, #tpu.memory_space<vmem>> -> memref<8x64xf32, #tpu.memory_space<vmem>>
    %dma_start3A_407 = arith.constant 0 : i32
    %dma_start3A_408 = arith.constant 0 : i32
    %dma_start3A_409 = tpu.memref_slice %arg4[%squeeze3A_392, %dma_start3A_407, %dma_start3A_408] : memref<125000x8x64xf32, #tpu.memory_space<hbm>> -> memref<1x8x64xf32, #tpu.memory_space<hbm>>
    %dma_start3A_410 = tpu.memref_squeeze %dma_start3A_409 : memref<1x8x64xf32, #tpu.memory_space<hbm>> -> memref<8x64xf32, #tpu.memory_space<hbm>>
    tpu.enqueue_dma source(%dma_start3A_410 : memref<8x64xf32, #tpu.memory_space<hbm>>) target(%dma_start3A_406 : memref<8x64xf32, #tpu.memory_space<vmem>>) target_semaphore(%arg13 : memref<!tpu.dma_semaphore, #tpu.memory_space<semaphore_mem>>)
    %slice3A_411 = vector.extract_strided_slice %shift_right_arithmetic3A_8 {offsets = [10], sizes = [1], strides = [1]} : vector<16xi32> to vector<1xi32>
    %squeeze3A_412 = vector.extract %slice3A_411[0] : i32 from vector<1xi32>
    %dma_start3A_413 = arith.constant 0 : i32
    %dma_start3A_414 = arith.constant 10 : i32
    %dma_start3A_415 = arith.constant 0 : i32
    %dma_start3A_416 = arith.constant 0 : i32
    %dma_start3A_417 = tpu.memref_slice %arg9[%dma_start3A_413, %dma_start3A_414, %dma_start3A_415, %dma_start3A_416] : memref<2x16x8x64xf32, #tpu.memory_space<vmem>> -> memref<1x1x8x64xf32, #tpu.memory_space<vmem>>
    %dma_start3A_418 = tpu.memref_squeeze %dma_start3A_417 : memref<1x1x8x64xf32, #tpu.memory_space<vmem>> -> memref<8x64xf32, #tpu.memory_space<vmem>>
    %dma_start3A_419 = arith.constant 0 : i32
    %dma_start3A_420 = arith.constant 0 : i32
    %dma_start3A_421 = tpu.memref_slice %arg5[%squeeze3A_412, %dma_start3A_419, %dma_start3A_420] : memref<125000x8x64xf32, #tpu.memory_space<hbm>> -> memref<1x8x64xf32, #tpu.memory_space<hbm>>
    %dma_start3A_422 = tpu.memref_squeeze %dma_start3A_421 : memref<1x8x64xf32, #tpu.memory_space<hbm>> -> memref<8x64xf32, #tpu.memory_space<hbm>>
    %dma_start3A_423 = arith.constant 0 : i32
    %dma_start3A_424 = arith.constant 0 : i32
    %dma_start3A_425 = tpu.memref_slice %arg9[%dma_start3A_413, %dma_start3A_414, %dma_start3A_423, %dma_start3A_424] : memref<2x16x8x64xf32, #tpu.memory_space<vmem>> -> memref<1x1x8x64xf32, #tpu.memory_space<vmem>>
    %dma_start3A_426 = tpu.memref_squeeze %dma_start3A_425 : memref<1x1x8x64xf32, #tpu.memory_space<vmem>> -> memref<8x64xf32, #tpu.memory_space<vmem>>
    %dma_start3A_427 = arith.constant 0 : i32
    %dma_start3A_428 = arith.constant 0 : i32
    %dma_start3A_429 = tpu.memref_slice %arg5[%squeeze3A_412, %dma_start3A_427, %dma_start3A_428] : memref<125000x8x64xf32, #tpu.memory_space<hbm>> -> memref<1x8x64xf32, #tpu.memory_space<hbm>>
    %dma_start3A_430 = tpu.memref_squeeze %dma_start3A_429 : memref<1x8x64xf32, #tpu.memory_space<hbm>> -> memref<8x64xf32, #tpu.memory_space<hbm>>
    tpu.enqueue_dma source(%dma_start3A_430 : memref<8x64xf32, #tpu.memory_space<hbm>>) target(%dma_start3A_426 : memref<8x64xf32, #tpu.memory_space<vmem>>) target_semaphore(%arg13 : memref<!tpu.dma_semaphore, #tpu.memory_space<semaphore_mem>>)
    %slice3A_431 = vector.extract_strided_slice %shift_right_arithmetic3A_13 {offsets = [10], sizes = [1], strides = [1]} : vector<16xi32> to vector<1xi32>
    %squeeze3A_432 = vector.extract %slice3A_431[0] : i32 from vector<1xi32>
    %dma_start3A_433 = arith.constant 0 : i32
    %dma_start3A_434 = arith.constant 10 : i32
    %dma_start3A_435 = arith.constant 0 : i32
    %dma_start3A_436 = arith.constant 0 : i32
    %dma_start3A_437 = tpu.memref_slice %arg10[%dma_start3A_433, %dma_start3A_434, %dma_start3A_435, %dma_start3A_436] : memref<2x16x8x64xf32, #tpu.memory_space<vmem>> -> memref<1x1x8x64xf32, #tpu.memory_space<vmem>>
    %dma_start3A_438 = tpu.memref_squeeze %dma_start3A_437 : memref<1x1x8x64xf32, #tpu.memory_space<vmem>> -> memref<8x64xf32, #tpu.memory_space<vmem>>
    %dma_start3A_439 = arith.constant 0 : i32
    %dma_start3A_440 = arith.constant 0 : i32
    %dma_start3A_441 = tpu.memref_slice %arg4[%squeeze3A_432, %dma_start3A_439, %dma_start3A_440] : memref<125000x8x64xf32, #tpu.memory_space<hbm>> -> memref<1x8x64xf32, #tpu.memory_space<hbm>>
    %dma_start3A_442 = tpu.memref_squeeze %dma_start3A_441 : memref<1x8x64xf32, #tpu.memory_space<hbm>> -> memref<8x64xf32, #tpu.memory_space<hbm>>
    %dma_start3A_443 = arith.constant 0 : i32
    %dma_start3A_444 = arith.constant 0 : i32
    %dma_start3A_445 = tpu.memref_slice %arg10[%dma_start3A_433, %dma_start3A_434, %dma_start3A_443, %dma_start3A_444] : memref<2x16x8x64xf32, #tpu.memory_space<vmem>> -> memref<1x1x8x64xf32, #tpu.memory_space<vmem>>
    %dma_start3A_446 = tpu.memref_squeeze %dma_start3A_445 : memref<1x1x8x64xf32, #tpu.memory_space<vmem>> -> memref<8x64xf32, #tpu.memory_space<vmem>>
    %dma_start3A_447 = arith.constant 0 : i32
    %dma_start3A_448 = arith.constant 0 : i32
    %dma_start3A_449 = tpu.memref_slice %arg4[%squeeze3A_432, %dma_start3A_447, %dma_start3A_448] : memref<125000x8x64xf32, #tpu.memory_space<hbm>> -> memref<1x8x64xf32, #tpu.memory_space<hbm>>
    %dma_start3A_450 = tpu.memref_squeeze %dma_start3A_449 : memref<1x8x64xf32, #tpu.memory_space<hbm>> -> memref<8x64xf32, #tpu.memory_space<hbm>>
    tpu.enqueue_dma source(%dma_start3A_450 : memref<8x64xf32, #tpu.memory_space<hbm>>) target(%dma_start3A_446 : memref<8x64xf32, #tpu.memory_space<vmem>>) target_semaphore(%arg13 : memref<!tpu.dma_semaphore, #tpu.memory_space<semaphore_mem>>)
    %slice3A_451 = vector.extract_strided_slice %shift_right_arithmetic3A_8 {offsets = [11], sizes = [1], strides = [1]} : vector<16xi32> to vector<1xi32>
    %squeeze3A_452 = vector.extract %slice3A_451[0] : i32 from vector<1xi32>
    %dma_start3A_453 = arith.constant 0 : i32
    %dma_start3A_454 = arith.constant 11 : i32
    %dma_start3A_455 = arith.constant 0 : i32
    %dma_start3A_456 = arith.constant 0 : i32
    %dma_start3A_457 = tpu.memref_slice %arg9[%dma_start3A_453, %dma_start3A_454, %dma_start3A_455, %dma_start3A_456] : memref<2x16x8x64xf32, #tpu.memory_space<vmem>> -> memref<1x1x8x64xf32, #tpu.memory_space<vmem>>
    %dma_start3A_458 = tpu.memref_squeeze %dma_start3A_457 : memref<1x1x8x64xf32, #tpu.memory_space<vmem>> -> memref<8x64xf32, #tpu.memory_space<vmem>>
    %dma_start3A_459 = arith.constant 0 : i32
    %dma_start3A_460 = arith.constant 0 : i32
    %dma_start3A_461 = tpu.memref_slice %arg5[%squeeze3A_452, %dma_start3A_459, %dma_start3A_460] : memref<125000x8x64xf32, #tpu.memory_space<hbm>> -> memref<1x8x64xf32, #tpu.memory_space<hbm>>
    %dma_start3A_462 = tpu.memref_squeeze %dma_start3A_461 : memref<1x8x64xf32, #tpu.memory_space<hbm>> -> memref<8x64xf32, #tpu.memory_space<hbm>>
    %dma_start3A_463 = arith.constant 0 : i32
    %dma_start3A_464 = arith.constant 0 : i32
    %dma_start3A_465 = tpu.memref_slice %arg9[%dma_start3A_453, %dma_start3A_454, %dma_start3A_463, %dma_start3A_464] : memref<2x16x8x64xf32, #tpu.memory_space<vmem>> -> memref<1x1x8x64xf32, #tpu.memory_space<vmem>>
    %dma_start3A_466 = tpu.memref_squeeze %dma_start3A_465 : memref<1x1x8x64xf32, #tpu.memory_space<vmem>> -> memref<8x64xf32, #tpu.memory_space<vmem>>
    %dma_start3A_467 = arith.constant 0 : i32
    %dma_start3A_468 = arith.constant 0 : i32
    %dma_start3A_469 = tpu.memref_slice %arg5[%squeeze3A_452, %dma_start3A_467, %dma_start3A_468] : memref<125000x8x64xf32, #tpu.memory_space<hbm>> -> memref<1x8x64xf32, #tpu.memory_space<hbm>>
    %dma_start3A_470 = tpu.memref_squeeze %dma_start3A_469 : memref<1x8x64xf32, #tpu.memory_space<hbm>> -> memref<8x64xf32, #tpu.memory_space<hbm>>
    tpu.enqueue_dma source(%dma_start3A_470 : memref<8x64xf32, #tpu.memory_space<hbm>>) target(%dma_start3A_466 : memref<8x64xf32, #tpu.memory_space<vmem>>) target_semaphore(%arg13 : memref<!tpu.dma_semaphore, #tpu.memory_space<semaphore_mem>>)
    %slice3A_471 = vector.extract_strided_slice %shift_right_arithmetic3A_13 {offsets = [11], sizes = [1], strides = [1]} : vector<16xi32> to vector<1xi32>
    %squeeze3A_472 = vector.extract %slice3A_471[0] : i32 from vector<1xi32>
    %dma_start3A_473 = arith.constant 0 : i32
    %dma_start3A_474 = arith.constant 11 : i32
    %dma_start3A_475 = arith.constant 0 : i32
    %dma_start3A_476 = arith.constant 0 : i32
    %dma_start3A_477 = tpu.memref_slice %arg10[%dma_start3A_473, %dma_start3A_474, %dma_start3A_475, %dma_start3A_476] : memref<2x16x8x64xf32, #tpu.memory_space<vmem>> -> memref<1x1x8x64xf32, #tpu.memory_space<vmem>>
    %dma_start3A_478 = tpu.memref_squeeze %dma_start3A_477 : memref<1x1x8x64xf32, #tpu.memory_space<vmem>> -> memref<8x64xf32, #tpu.memory_space<vmem>>
    %dma_start3A_479 = arith.constant 0 : i32
    %dma_start3A_480 = arith.constant 0 : i32
    %dma_start3A_481 = tpu.memref_slice %arg4[%squeeze3A_472, %dma_start3A_479, %dma_start3A_480] : memref<125000x8x64xf32, #tpu.memory_space<hbm>> -> memref<1x8x64xf32, #tpu.memory_space<hbm>>
    %dma_start3A_482 = tpu.memref_squeeze %dma_start3A_481 : memref<1x8x64xf32, #tpu.memory_space<hbm>> -> memref<8x64xf32, #tpu.memory_space<hbm>>
    %dma_start3A_483 = arith.constant 0 : i32
    %dma_start3A_484 = arith.constant 0 : i32
    %dma_start3A_485 = tpu.memref_slice %arg10[%dma_start3A_473, %dma_start3A_474, %dma_start3A_483, %dma_start3A_484] : memref<2x16x8x64xf32, #tpu.memory_space<vmem>> -> memref<1x1x8x64xf32, #tpu.memory_space<vmem>>
    %dma_start3A_486 = tpu.memref_squeeze %dma_start3A_485 : memref<1x1x8x64xf32, #tpu.memory_space<vmem>> -> memref<8x64xf32, #tpu.memory_space<vmem>>
    %dma_start3A_487 = arith.constant 0 : i32
    %dma_start3A_488 = arith.constant 0 : i32
    %dma_start3A_489 = tpu.memref_slice %arg4[%squeeze3A_472, %dma_start3A_487, %dma_start3A_488] : memref<125000x8x64xf32, #tpu.memory_space<hbm>> -> memref<1x8x64xf32, #tpu.memory_space<hbm>>
    %dma_start3A_490 = tpu.memref_squeeze %dma_start3A_489 : memref<1x8x64xf32, #tpu.memory_space<hbm>> -> memref<8x64xf32, #tpu.memory_space<hbm>>
    tpu.enqueue_dma source(%dma_start3A_490 : memref<8x64xf32, #tpu.memory_space<hbm>>) target(%dma_start3A_486 : memref<8x64xf32, #tpu.memory_space<vmem>>) target_semaphore(%arg13 : memref<!tpu.dma_semaphore, #tpu.memory_space<semaphore_mem>>)
    %slice3A_491 = vector.extract_strided_slice %shift_right_arithmetic3A_8 {offsets = [12], sizes = [1], strides = [1]} : vector<16xi32> to vector<1xi32>
    %squeeze3A_492 = vector.extract %slice3A_491[0] : i32 from vector<1xi32>
    %dma_start3A_493 = arith.constant 0 : i32
    %dma_start3A_494 = arith.constant 12 : i32
    %dma_start3A_495 = arith.constant 0 : i32
    %dma_start3A_496 = arith.constant 0 : i32
    %dma_start3A_497 = tpu.memref_slice %arg9[%dma_start3A_493, %dma_start3A_494, %dma_start3A_495, %dma_start3A_496] : memref<2x16x8x64xf32, #tpu.memory_space<vmem>> -> memref<1x1x8x64xf32, #tpu.memory_space<vmem>>
    %dma_start3A_498 = tpu.memref_squeeze %dma_start3A_497 : memref<1x1x8x64xf32, #tpu.memory_space<vmem>> -> memref<8x64xf32, #tpu.memory_space<vmem>>
    %dma_start3A_499 = arith.constant 0 : i32
    %dma_start3A_500 = arith.constant 0 : i32
    %dma_start3A_501 = tpu.memref_slice %arg5[%squeeze3A_492, %dma_start3A_499, %dma_start3A_500] : memref<125000x8x64xf32, #tpu.memory_space<hbm>> -> memref<1x8x64xf32, #tpu.memory_space<hbm>>
    %dma_start3A_502 = tpu.memref_squeeze %dma_start3A_501 : memref<1x8x64xf32, #tpu.memory_space<hbm>> -> memref<8x64xf32, #tpu.memory_space<hbm>>
    %dma_start3A_503 = arith.constant 0 : i32
    %dma_start3A_504 = arith.constant 0 : i32
    %dma_start3A_505 = tpu.memref_slice %arg9[%dma_start3A_493, %dma_start3A_494, %dma_start3A_503, %dma_start3A_504] : memref<2x16x8x64xf32, #tpu.memory_space<vmem>> -> memref<1x1x8x64xf32, #tpu.memory_space<vmem>>
    %dma_start3A_506 = tpu.memref_squeeze %dma_start3A_505 : memref<1x1x8x64xf32, #tpu.memory_space<vmem>> -> memref<8x64xf32, #tpu.memory_space<vmem>>
    %dma_start3A_507 = arith.constant 0 : i32
    %dma_start3A_508 = arith.constant 0 : i32
    %dma_start3A_509 = tpu.memref_slice %arg5[%squeeze3A_492, %dma_start3A_507, %dma_start3A_508] : memref<125000x8x64xf32, #tpu.memory_space<hbm>> -> memref<1x8x64xf32, #tpu.memory_space<hbm>>
    %dma_start3A_510 = tpu.memref_squeeze %dma_start3A_509 : memref<1x8x64xf32, #tpu.memory_space<hbm>> -> memref<8x64xf32, #tpu.memory_space<hbm>>
    tpu.enqueue_dma source(%dma_start3A_510 : memref<8x64xf32, #tpu.memory_space<hbm>>) target(%dma_start3A_506 : memref<8x64xf32, #tpu.memory_space<vmem>>) target_semaphore(%arg13 : memref<!tpu.dma_semaphore, #tpu.memory_space<semaphore_mem>>)
    %slice3A_511 = vector.extract_strided_slice %shift_right_arithmetic3A_13 {offsets = [12], sizes = [1], strides = [1]} : vector<16xi32> to vector<1xi32>
    %squeeze3A_512 = vector.extract %slice3A_511[0] : i32 from vector<1xi32>
    %dma_start3A_513 = arith.constant 0 : i32
    %dma_start3A_514 = arith.constant 12 : i32
    %dma_start3A_515 = arith.constant 0 : i32
    %dma_start3A_516 = arith.constant 0 : i32
    %dma_start3A_517 = tpu.memref_slice %arg10[%dma_start3A_513, %dma_start3A_514, %dma_start3A_515, %dma_start3A_516] : memref<2x16x8x64xf32, #tpu.memory_space<vmem>> -> memref<1x1x8x64xf32, #tpu.memory_space<vmem>>
    %dma_start3A_518 = tpu.memref_squeeze %dma_start3A_517 : memref<1x1x8x64xf32, #tpu.memory_space<vmem>> -> memref<8x64xf32, #tpu.memory_space<vmem>>
    %dma_start3A_519 = arith.constant 0 : i32
    %dma_start3A_520 = arith.constant 0 : i32
    %dma_start3A_521 = tpu.memref_slice %arg4[%squeeze3A_512, %dma_start3A_519, %dma_start3A_520] : memref<125000x8x64xf32, #tpu.memory_space<hbm>> -> memref<1x8x64xf32, #tpu.memory_space<hbm>>
    %dma_start3A_522 = tpu.memref_squeeze %dma_start3A_521 : memref<1x8x64xf32, #tpu.memory_space<hbm>> -> memref<8x64xf32, #tpu.memory_space<hbm>>
    %dma_start3A_523 = arith.constant 0 : i32
    %dma_start3A_524 = arith.constant 0 : i32
    %dma_start3A_525 = tpu.memref_slice %arg10[%dma_start3A_513, %dma_start3A_514, %dma_start3A_523, %dma_start3A_524] : memref<2x16x8x64xf32, #tpu.memory_space<vmem>> -> memref<1x1x8x64xf32, #tpu.memory_space<vmem>>
    %dma_start3A_526 = tpu.memref_squeeze %dma_start3A_525 : memref<1x1x8x64xf32, #tpu.memory_space<vmem>> -> memref<8x64xf32, #tpu.memory_space<vmem>>
    %dma_start3A_527 = arith.constant 0 : i32
    %dma_start3A_528 = arith.constant 0 : i32
    %dma_start3A_529 = tpu.memref_slice %arg4[%squeeze3A_512, %dma_start3A_527, %dma_start3A_528] : memref<125000x8x64xf32, #tpu.memory_space<hbm>> -> memref<1x8x64xf32, #tpu.memory_space<hbm>>
    %dma_start3A_530 = tpu.memref_squeeze %dma_start3A_529 : memref<1x8x64xf32, #tpu.memory_space<hbm>> -> memref<8x64xf32, #tpu.memory_space<hbm>>
    tpu.enqueue_dma source(%dma_start3A_530 : memref<8x64xf32, #tpu.memory_space<hbm>>) target(%dma_start3A_526 : memref<8x64xf32, #tpu.memory_space<vmem>>) target_semaphore(%arg13 : memref<!tpu.dma_semaphore, #tpu.memory_space<semaphore_mem>>)
    %slice3A_531 = vector.extract_strided_slice %shift_right_arithmetic3A_8 {offsets = [13], sizes = [1], strides = [1]} : vector<16xi32> to vector<1xi32>
    %squeeze3A_532 = vector.extract %slice3A_531[0] : i32 from vector<1xi32>
    %dma_start3A_533 = arith.constant 0 : i32
    %dma_start3A_534 = arith.constant 13 : i32
    %dma_start3A_535 = arith.constant 0 : i32
    %dma_start3A_536 = arith.constant 0 : i32
    %dma_start3A_537 = tpu.memref_slice %arg9[%dma_start3A_533, %dma_start3A_534, %dma_start3A_535, %dma_start3A_536] : memref<2x16x8x64xf32, #tpu.memory_space<vmem>> -> memref<1x1x8x64xf32, #tpu.memory_space<vmem>>
    %dma_start3A_538 = tpu.memref_squeeze %dma_start3A_537 : memref<1x1x8x64xf32, #tpu.memory_space<vmem>> -> memref<8x64xf32, #tpu.memory_space<vmem>>
    %dma_start3A_539 = arith.constant 0 : i32
    %dma_start3A_540 = arith.constant 0 : i32
    %dma_start3A_541 = tpu.memref_slice %arg5[%squeeze3A_532, %dma_start3A_539, %dma_start3A_540] : memref<125000x8x64xf32, #tpu.memory_space<hbm>> -> memref<1x8x64xf32, #tpu.memory_space<hbm>>
    %dma_start3A_542 = tpu.memref_squeeze %dma_start3A_541 : memref<1x8x64xf32, #tpu.memory_space<hbm>> -> memref<8x64xf32, #tpu.memory_space<hbm>>
    %dma_start3A_543 = arith.constant 0 : i32
    %dma_start3A_544 = arith.constant 0 : i32
    %dma_start3A_545 = tpu.memref_slice %arg9[%dma_start3A_533, %dma_start3A_534, %dma_start3A_543, %dma_start3A_544] : memref<2x16x8x64xf32, #tpu.memory_space<vmem>> -> memref<1x1x8x64xf32, #tpu.memory_space<vmem>>
    %dma_start3A_546 = tpu.memref_squeeze %dma_start3A_545 : memref<1x1x8x64xf32, #tpu.memory_space<vmem>> -> memref<8x64xf32, #tpu.memory_space<vmem>>
    %dma_start3A_547 = arith.constant 0 : i32
    %dma_start3A_548 = arith.constant 0 : i32
    %dma_start3A_549 = tpu.memref_slice %arg5[%squeeze3A_532, %dma_start3A_547, %dma_start3A_548] : memref<125000x8x64xf32, #tpu.memory_space<hbm>> -> memref<1x8x64xf32, #tpu.memory_space<hbm>>
    %dma_start3A_550 = tpu.memref_squeeze %dma_start3A_549 : memref<1x8x64xf32, #tpu.memory_space<hbm>> -> memref<8x64xf32, #tpu.memory_space<hbm>>
    tpu.enqueue_dma source(%dma_start3A_550 : memref<8x64xf32, #tpu.memory_space<hbm>>) target(%dma_start3A_546 : memref<8x64xf32, #tpu.memory_space<vmem>>) target_semaphore(%arg13 : memref<!tpu.dma_semaphore, #tpu.memory_space<semaphore_mem>>)
    %slice3A_551 = vector.extract_strided_slice %shift_right_arithmetic3A_13 {offsets = [13], sizes = [1], strides = [1]} : vector<16xi32> to vector<1xi32>
    %squeeze3A_552 = vector.extract %slice3A_551[0] : i32 from vector<1xi32>
    %dma_start3A_553 = arith.constant 0 : i32
    %dma_start3A_554 = arith.constant 13 : i32
    %dma_start3A_555 = arith.constant 0 : i32
    %dma_start3A_556 = arith.constant 0 : i32
    %dma_start3A_557 = tpu.memref_slice %arg10[%dma_start3A_553, %dma_start3A_554, %dma_start3A_555, %dma_start3A_556] : memref<2x16x8x64xf32, #tpu.memory_space<vmem>> -> memref<1x1x8x64xf32, #tpu.memory_space<vmem>>
    %dma_start3A_558 = tpu.memref_squeeze %dma_start3A_557 : memref<1x1x8x64xf32, #tpu.memory_space<vmem>> -> memref<8x64xf32, #tpu.memory_space<vmem>>
    %dma_start3A_559 = arith.constant 0 : i32
    %dma_start3A_560 = arith.constant 0 : i32
    %dma_start3A_561 = tpu.memref_slice %arg4[%squeeze3A_552, %dma_start3A_559, %dma_start3A_560] : memref<125000x8x64xf32, #tpu.memory_space<hbm>> -> memref<1x8x64xf32, #tpu.memory_space<hbm>>
    %dma_start3A_562 = tpu.memref_squeeze %dma_start3A_561 : memref<1x8x64xf32, #tpu.memory_space<hbm>> -> memref<8x64xf32, #tpu.memory_space<hbm>>
    %dma_start3A_563 = arith.constant 0 : i32
    %dma_start3A_564 = arith.constant 0 : i32
    %dma_start3A_565 = tpu.memref_slice %arg10[%dma_start3A_553, %dma_start3A_554, %dma_start3A_563, %dma_start3A_564] : memref<2x16x8x64xf32, #tpu.memory_space<vmem>> -> memref<1x1x8x64xf32, #tpu.memory_space<vmem>>
    %dma_start3A_566 = tpu.memref_squeeze %dma_start3A_565 : memref<1x1x8x64xf32, #tpu.memory_space<vmem>> -> memref<8x64xf32, #tpu.memory_space<vmem>>
    %dma_start3A_567 = arith.constant 0 : i32
    %dma_start3A_568 = arith.constant 0 : i32
    %dma_start3A_569 = tpu.memref_slice %arg4[%squeeze3A_552, %dma_start3A_567, %dma_start3A_568] : memref<125000x8x64xf32, #tpu.memory_space<hbm>> -> memref<1x8x64xf32, #tpu.memory_space<hbm>>
    %dma_start3A_570 = tpu.memref_squeeze %dma_start3A_569 : memref<1x8x64xf32, #tpu.memory_space<hbm>> -> memref<8x64xf32, #tpu.memory_space<hbm>>
    tpu.enqueue_dma source(%dma_start3A_570 : memref<8x64xf32, #tpu.memory_space<hbm>>) target(%dma_start3A_566 : memref<8x64xf32, #tpu.memory_space<vmem>>) target_semaphore(%arg13 : memref<!tpu.dma_semaphore, #tpu.memory_space<semaphore_mem>>)
    %slice3A_571 = vector.extract_strided_slice %shift_right_arithmetic3A_8 {offsets = [14], sizes = [1], strides = [1]} : vector<16xi32> to vector<1xi32>
    %squeeze3A_572 = vector.extract %slice3A_571[0] : i32 from vector<1xi32>
    %dma_start3A_573 = arith.constant 0 : i32
    %dma_start3A_574 = arith.constant 14 : i32
    %dma_start3A_575 = arith.constant 0 : i32
    %dma_start3A_576 = arith.constant 0 : i32
    %dma_start3A_577 = tpu.memref_slice %arg9[%dma_start3A_573, %dma_start3A_574, %dma_start3A_575, %dma_start3A_576] : memref<2x16x8x64xf32, #tpu.memory_space<vmem>> -> memref<1x1x8x64xf32, #tpu.memory_space<vmem>>
    %dma_start3A_578 = tpu.memref_squeeze %dma_start3A_577 : memref<1x1x8x64xf32, #tpu.memory_space<vmem>> -> memref<8x64xf32, #tpu.memory_space<vmem>>
    %dma_start3A_579 = arith.constant 0 : i32
    %dma_start3A_580 = arith.constant 0 : i32
    %dma_start3A_581 = tpu.memref_slice %arg5[%squeeze3A_572, %dma_start3A_579, %dma_start3A_580] : memref<125000x8x64xf32, #tpu.memory_space<hbm>> -> memref<1x8x64xf32, #tpu.memory_space<hbm>>
    %dma_start3A_582 = tpu.memref_squeeze %dma_start3A_581 : memref<1x8x64xf32, #tpu.memory_space<hbm>> -> memref<8x64xf32, #tpu.memory_space<hbm>>
    %dma_start3A_583 = arith.constant 0 : i32
    %dma_start3A_584 = arith.constant 0 : i32
    %dma_start3A_585 = tpu.memref_slice %arg9[%dma_start3A_573, %dma_start3A_574, %dma_start3A_583, %dma_start3A_584] : memref<2x16x8x64xf32, #tpu.memory_space<vmem>> -> memref<1x1x8x64xf32, #tpu.memory_space<vmem>>
    %dma_start3A_586 = tpu.memref_squeeze %dma_start3A_585 : memref<1x1x8x64xf32, #tpu.memory_space<vmem>> -> memref<8x64xf32, #tpu.memory_space<vmem>>
    %dma_start3A_587 = arith.constant 0 : i32
    %dma_start3A_588 = arith.constant 0 : i32
    %dma_start3A_589 = tpu.memref_slice %arg5[%squeeze3A_572, %dma_start3A_587, %dma_start3A_588] : memref<125000x8x64xf32, #tpu.memory_space<hbm>> -> memref<1x8x64xf32, #tpu.memory_space<hbm>>
    %dma_start3A_590 = tpu.memref_squeeze %dma_start3A_589 : memref<1x8x64xf32, #tpu.memory_space<hbm>> -> memref<8x64xf32, #tpu.memory_space<hbm>>
    tpu.enqueue_dma source(%dma_start3A_590 : memref<8x64xf32, #tpu.memory_space<hbm>>) target(%dma_start3A_586 : memref<8x64xf32, #tpu.memory_space<vmem>>) target_semaphore(%arg13 : memref<!tpu.dma_semaphore, #tpu.memory_space<semaphore_mem>>)
    %slice3A_591 = vector.extract_strided_slice %shift_right_arithmetic3A_13 {offsets = [14], sizes = [1], strides = [1]} : vector<16xi32> to vector<1xi32>
    %squeeze3A_592 = vector.extract %slice3A_591[0] : i32 from vector<1xi32>
    %dma_start3A_593 = arith.constant 0 : i32
    %dma_start3A_594 = arith.constant 14 : i32
    %dma_start3A_595 = arith.constant 0 : i32
    %dma_start3A_596 = arith.constant 0 : i32
    %dma_start3A_597 = tpu.memref_slice %arg10[%dma_start3A_593, %dma_start3A_594, %dma_start3A_595, %dma_start3A_596] : memref<2x16x8x64xf32, #tpu.memory_space<vmem>> -> memref<1x1x8x64xf32, #tpu.memory_space<vmem>>
    %dma_start3A_598 = tpu.memref_squeeze %dma_start3A_597 : memref<1x1x8x64xf32, #tpu.memory_space<vmem>> -> memref<8x64xf32, #tpu.memory_space<vmem>>
    %dma_start3A_599 = arith.constant 0 : i32
    %dma_start3A_600 = arith.constant 0 : i32
    %dma_start3A_601 = tpu.memref_slice %arg4[%squeeze3A_592, %dma_start3A_599, %dma_start3A_600] : memref<125000x8x64xf32, #tpu.memory_space<hbm>> -> memref<1x8x64xf32, #tpu.memory_space<hbm>>
    %dma_start3A_602 = tpu.memref_squeeze %dma_start3A_601 : memref<1x8x64xf32, #tpu.memory_space<hbm>> -> memref<8x64xf32, #tpu.memory_space<hbm>>
    %dma_start3A_603 = arith.constant 0 : i32
    %dma_start3A_604 = arith.constant 0 : i32
    %dma_start3A_605 = tpu.memref_slice %arg10[%dma_start3A_593, %dma_start3A_594, %dma_start3A_603, %dma_start3A_604] : memref<2x16x8x64xf32, #tpu.memory_space<vmem>> -> memref<1x1x8x64xf32, #tpu.memory_space<vmem>>
    %dma_start3A_606 = tpu.memref_squeeze %dma_start3A_605 : memref<1x1x8x64xf32, #tpu.memory_space<vmem>> -> memref<8x64xf32, #tpu.memory_space<vmem>>
    %dma_start3A_607 = arith.constant 0 : i32
    %dma_start3A_608 = arith.constant 0 : i32
    %dma_start3A_609 = tpu.memref_slice %arg4[%squeeze3A_592, %dma_start3A_607, %dma_start3A_608] : memref<125000x8x64xf32, #tpu.memory_space<hbm>> -> memref<1x8x64xf32, #tpu.memory_space<hbm>>
    %dma_start3A_610 = tpu.memref_squeeze %dma_start3A_609 : memref<1x8x64xf32, #tpu.memory_space<hbm>> -> memref<8x64xf32, #tpu.memory_space<hbm>>
    tpu.enqueue_dma source(%dma_start3A_610 : memref<8x64xf32, #tpu.memory_space<hbm>>) target(%dma_start3A_606 : memref<8x64xf32, #tpu.memory_space<vmem>>) target_semaphore(%arg13 : memref<!tpu.dma_semaphore, #tpu.memory_space<semaphore_mem>>)
    %slice3A_611 = vector.extract_strided_slice %shift_right_arithmetic3A_8 {offsets = [15], sizes = [1], strides = [1]} : vector<16xi32> to vector<1xi32>
    %squeeze3A_612 = vector.extract %slice3A_611[0] : i32 from vector<1xi32>
    %dma_start3A_613 = arith.constant 0 : i32
    %dma_start3A_614 = arith.constant 15 : i32
    %dma_start3A_615 = arith.constant 0 : i32
    %dma_start3A_616 = arith.constant 0 : i32
    %dma_start3A_617 = tpu.memref_slice %arg9[%dma_start3A_613, %dma_start3A_614, %dma_start3A_615, %dma_start3A_616] : memref<2x16x8x64xf32, #tpu.memory_space<vmem>> -> memref<1x1x8x64xf32, #tpu.memory_space<vmem>>
    %dma_start3A_618 = tpu.memref_squeeze %dma_start3A_617 : memref<1x1x8x64xf32, #tpu.memory_space<vmem>> -> memref<8x64xf32, #tpu.memory_space<vmem>>
    %dma_start3A_619 = arith.constant 0 : i32
    %dma_start3A_620 = arith.constant 0 : i32
    %dma_start3A_621 = tpu.memref_slice %arg5[%squeeze3A_612, %dma_start3A_619, %dma_start3A_620] : memref<125000x8x64xf32, #tpu.memory_space<hbm>> -> memref<1x8x64xf32, #tpu.memory_space<hbm>>
    %dma_start3A_622 = tpu.memref_squeeze %dma_start3A_621 : memref<1x8x64xf32, #tpu.memory_space<hbm>> -> memref<8x64xf32, #tpu.memory_space<hbm>>
    %dma_start3A_623 = arith.constant 0 : i32
    %dma_start3A_624 = arith.constant 0 : i32
    %dma_start3A_625 = tpu.memref_slice %arg9[%dma_start3A_613, %dma_start3A_614, %dma_start3A_623, %dma_start3A_624] : memref<2x16x8x64xf32, #tpu.memory_space<vmem>> -> memref<1x1x8x64xf32, #tpu.memory_space<vmem>>
    %dma_start3A_626 = tpu.memref_squeeze %dma_start3A_625 : memref<1x1x8x64xf32, #tpu.memory_space<vmem>> -> memref<8x64xf32, #tpu.memory_space<vmem>>
    %dma_start3A_627 = arith.constant 0 : i32
    %dma_start3A_628 = arith.constant 0 : i32
    %dma_start3A_629 = tpu.memref_slice %arg5[%squeeze3A_612, %dma_start3A_627, %dma_start3A_628] : memref<125000x8x64xf32, #tpu.memory_space<hbm>> -> memref<1x8x64xf32, #tpu.memory_space<hbm>>
    %dma_start3A_630 = tpu.memref_squeeze %dma_start3A_629 : memref<1x8x64xf32, #tpu.memory_space<hbm>> -> memref<8x64xf32, #tpu.memory_space<hbm>>
    tpu.enqueue_dma source(%dma_start3A_630 : memref<8x64xf32, #tpu.memory_space<hbm>>) target(%dma_start3A_626 : memref<8x64xf32, #tpu.memory_space<vmem>>) target_semaphore(%arg13 : memref<!tpu.dma_semaphore, #tpu.memory_space<semaphore_mem>>)
    %slice3A_631 = vector.extract_strided_slice %shift_right_arithmetic3A_13 {offsets = [15], sizes = [1], strides = [1]} : vector<16xi32> to vector<1xi32>
    %squeeze3A_632 = vector.extract %slice3A_631[0] : i32 from vector<1xi32>
    %dma_start3A_633 = arith.constant 0 : i32
    %dma_start3A_634 = arith.constant 15 : i32
    %dma_start3A_635 = arith.constant 0 : i32
    %dma_start3A_636 = arith.constant 0 : i32
    %dma_start3A_637 = tpu.memref_slice %arg10[%dma_start3A_633, %dma_start3A_634, %dma_start3A_635, %dma_start3A_636] : memref<2x16x8x64xf32, #tpu.memory_space<vmem>> -> memref<1x1x8x64xf32, #tpu.memory_space<vmem>>
    %dma_start3A_638 = tpu.memref_squeeze %dma_start3A_637 : memref<1x1x8x64xf32, #tpu.memory_space<vmem>> -> memref<8x64xf32, #tpu.memory_space<vmem>>
    %dma_start3A_639 = arith.constant 0 : i32
    %dma_start3A_640 = arith.constant 0 : i32
    %dma_start3A_641 = tpu.memref_slice %arg4[%squeeze3A_632, %dma_start3A_639, %dma_start3A_640] : memref<125000x8x64xf32, #tpu.memory_space<hbm>> -> memref<1x8x64xf32, #tpu.memory_space<hbm>>
    %dma_start3A_642 = tpu.memref_squeeze %dma_start3A_641 : memref<1x8x64xf32, #tpu.memory_space<hbm>> -> memref<8x64xf32, #tpu.memory_space<hbm>>
    %dma_start3A_643 = arith.constant 0 : i32
    %dma_start3A_644 = arith.constant 0 : i32
    %dma_start3A_645 = tpu.memref_slice %arg10[%dma_start3A_633, %dma_start3A_634, %dma_start3A_643, %dma_start3A_644] : memref<2x16x8x64xf32, #tpu.memory_space<vmem>> -> memref<1x1x8x64xf32, #tpu.memory_space<vmem>>
    %dma_start3A_646 = tpu.memref_squeeze %dma_start3A_645 : memref<1x1x8x64xf32, #tpu.memory_space<vmem>> -> memref<8x64xf32, #tpu.memory_space<vmem>>
    %dma_start3A_647 = arith.constant 0 : i32
    %dma_start3A_648 = arith.constant 0 : i32
    %dma_start3A_649 = tpu.memref_slice %arg4[%squeeze3A_632, %dma_start3A_647, %dma_start3A_648] : memref<125000x8x64xf32, #tpu.memory_space<hbm>> -> memref<1x8x64xf32, #tpu.memory_space<hbm>>
    %dma_start3A_650 = tpu.memref_squeeze %dma_start3A_649 : memref<1x8x64xf32, #tpu.memory_space<hbm>> -> memref<8x64xf32, #tpu.memory_space<hbm>>
    tpu.enqueue_dma source(%dma_start3A_650 : memref<8x64xf32, #tpu.memory_space<hbm>>) target(%dma_start3A_646 : memref<8x64xf32, #tpu.memory_space<vmem>>) target_semaphore(%arg13 : memref<!tpu.dma_semaphore, #tpu.memory_space<semaphore_mem>>)
    %scan3A = arith.constant 0 : i32
    %scan3A_651 = arith.constant 0 : i32
    %scan3A_652 = arith.constant 16 : i32
    %scan3A_653 = arith.addi %scan3A_651, %scan3A_652 : i32
    %scan3A_654 = arith.constant 1 : i32
    scf.for %scan3A_656 = %scan3A_651 to %scan3A_653 step %scan3A_654  : i32 {
      %mul3A_657 = arith.constant 2 : i32
      %mul3A_658 = arith.muli %mul3A_657, %scan3A_656 : i32
      %add3A_659 = arith.constant 1 : i32
      %add3A_660 = arith.addi %mul3A_658, %add3A_659 : i32
      %mul3A_661 = arith.constant 16 : i32
      %mul3A_662 = arith.muli %add3A_660, %mul3A_661 : i32
      %add3A_663 = arith.constant 0 : i32
      %add3A_664 = arith.addi %mul3A_662, %add3A_663 : i32
      %get3A_665 = arith.index_cast %add3A_664 : i32 to index
      %get3A_666 = tpu.vector_load %arg7[%get3A_665] {strides = array<i32>} : memref<512xi32, #tpu.memory_space<vmem>>, vector<16xi32>,
      %shift_right_arithmetic3A_667 = arith.constant 3 : i32
      %shift_right_arithmetic3A_668 = vector.broadcast %shift_right_arithmetic3A_667 : i32 to vector<16xi32>
      %shift_right_arithmetic3A_669 = arith.shrsi %get3A_666, %shift_right_arithmetic3A_668 : vector<16xi32>
      %mul3A_670 = arith.constant 16 : i32
      %mul3A_671 = arith.muli %add3A_660, %mul3A_670 : i32
      %add3A_672 = arith.constant 0 : i32
      %add3A_673 = arith.addi %mul3A_671, %add3A_672 : i32
      %get3A_674 = arith.index_cast %add3A_673 : i32 to index
      %get3A_675 = tpu.vector_load %arg8[%get3A_674] {strides = array<i32>} : memref<512xi32, #tpu.memory_space<vmem>>, vector<16xi32>,
      %shift_right_arithmetic3A_676 = arith.constant 3 : i32
      %shift_right_arithmetic3A_677 = vector.broadcast %shift_right_arithmetic3A_676 : i32 to vector<16xi32>
      %shift_right_arithmetic3A_678 = arith.shrsi %get3A_675, %shift_right_arithmetic3A_677 : vector<16xi32>
      %slice3A_679 = vector.extract_strided_slice %shift_right_arithmetic3A_669 {offsets = [0], sizes = [1], strides = [1]} : vector<16xi32> to vector<1xi32>
      %squeeze3A_680 = vector.extract %slice3A_679[0] : i32 from vector<1xi32>
      %dma_start3A_681 = arith.constant 1 : i32
      %dma_start3A_682 = arith.constant 0 : i32
      %dma_start3A_683 = arith.constant 0 : i32
      %dma_start3A_684 = arith.constant 0 : i32
      %dma_start3A_685 = tpu.memref_slice %arg9[%dma_start3A_681, %dma_start3A_682, %dma_start3A_683, %dma_start3A_684] : memref<2x16x8x64xf32, #tpu.memory_space<vmem>> -> memref<1x1x8x64xf32, #tpu.memory_space<vmem>>
      %dma_start3A_686 = tpu.memref_squeeze %dma_start3A_685 : memref<1x1x8x64xf32, #tpu.memory_space<vmem>> -> memref<8x64xf32, #tpu.memory_space<vmem>>
      %dma_start3A_687 = arith.constant 0 : i32
      %dma_start3A_688 = arith.constant 0 : i32
      %dma_start3A_689 = tpu.memref_slice %arg5[%squeeze3A_680, %dma_start3A_687, %dma_start3A_688] : memref<125000x8x64xf32, #tpu.memory_space<hbm>> -> memref<1x8x64xf32, #tpu.memory_space<hbm>>
      %dma_start3A_690 = tpu.memref_squeeze %dma_start3A_689 : memref<1x8x64xf32, #tpu.memory_space<hbm>> -> memref<8x64xf32, #tpu.memory_space<hbm>>
      %dma_start3A_691 = arith.constant 0 : i32
      %dma_start3A_692 = arith.constant 0 : i32
      %dma_start3A_693 = tpu.memref_slice %arg9[%dma_start3A_681, %dma_start3A_682, %dma_start3A_691, %dma_start3A_692] : memref<2x16x8x64xf32, #tpu.memory_space<vmem>> -> memref<1x1x8x64xf32, #tpu.memory_space<vmem>>
      %dma_start3A_694 = tpu.memref_squeeze %dma_start3A_693 : memref<1x1x8x64xf32, #tpu.memory_space<vmem>> -> memref<8x64xf32, #tpu.memory_space<vmem>>
      %dma_start3A_695 = arith.constant 0 : i32
      %dma_start3A_696 = arith.constant 0 : i32
      %dma_start3A_697 = tpu.memref_slice %arg5[%squeeze3A_680, %dma_start3A_695, %dma_start3A_696] : memref<125000x8x64xf32, #tpu.memory_space<hbm>> -> memref<1x8x64xf32, #tpu.memory_space<hbm>>
      %dma_start3A_698 = tpu.memref_squeeze %dma_start3A_697 : memref<1x8x64xf32, #tpu.memory_space<hbm>> -> memref<8x64xf32, #tpu.memory_space<hbm>>
      tpu.enqueue_dma source(%dma_start3A_698 : memref<8x64xf32, #tpu.memory_space<hbm>>) target(%dma_start3A_694 : memref<8x64xf32, #tpu.memory_space<vmem>>) target_semaphore(%arg14 : memref<!tpu.dma_semaphore, #tpu.memory_space<semaphore_mem>>)
      %slice3A_699 = vector.extract_strided_slice %shift_right_arithmetic3A_678 {offsets = [0], sizes = [1], strides = [1]} : vector<16xi32> to vector<1xi32>
      %squeeze3A_700 = vector.extract %slice3A_699[0] : i32 from vector<1xi32>
      %dma_start3A_701 = arith.constant 1 : i32
      %dma_start3A_702 = arith.constant 0 : i32
      %dma_start3A_703 = arith.constant 0 : i32
      %dma_start3A_704 = arith.constant 0 : i32
      %dma_start3A_705 = tpu.memref_slice %arg10[%dma_start3A_701, %dma_start3A_702, %dma_start3A_703, %dma_start3A_704] : memref<2x16x8x64xf32, #tpu.memory_space<vmem>> -> memref<1x1x8x64xf32, #tpu.memory_space<vmem>>
      %dma_start3A_706 = tpu.memref_squeeze %dma_start3A_705 : memref<1x1x8x64xf32, #tpu.memory_space<vmem>> -> memref<8x64xf32, #tpu.memory_space<vmem>>
      %dma_start3A_707 = arith.constant 0 : i32
      %dma_start3A_708 = arith.constant 0 : i32
      %dma_start3A_709 = tpu.memref_slice %arg4[%squeeze3A_700, %dma_start3A_707, %dma_start3A_708] : memref<125000x8x64xf32, #tpu.memory_space<hbm>> -> memref<1x8x64xf32, #tpu.memory_space<hbm>>
      %dma_start3A_710 = tpu.memref_squeeze %dma_start3A_709 : memref<1x8x64xf32, #tpu.memory_space<hbm>> -> memref<8x64xf32, #tpu.memory_space<hbm>>
      %dma_start3A_711 = arith.constant 0 : i32
      %dma_start3A_712 = arith.constant 0 : i32
      %dma_start3A_713 = tpu.memref_slice %arg10[%dma_start3A_701, %dma_start3A_702, %dma_start3A_711, %dma_start3A_712] : memref<2x16x8x64xf32, #tpu.memory_space<vmem>> -> memref<1x1x8x64xf32, #tpu.memory_space<vmem>>
      %dma_start3A_714 = tpu.memref_squeeze %dma_start3A_713 : memref<1x1x8x64xf32, #tpu.memory_space<vmem>> -> memref<8x64xf32, #tpu.memory_space<vmem>>
      %dma_start3A_715 = arith.constant 0 : i32
      %dma_start3A_716 = arith.constant 0 : i32
      %dma_start3A_717 = tpu.memref_slice %arg4[%squeeze3A_700, %dma_start3A_715, %dma_start3A_716] : memref<125000x8x64xf32, #tpu.memory_space<hbm>> -> memref<1x8x64xf32, #tpu.memory_space<hbm>>
      %dma_start3A_718 = tpu.memref_squeeze %dma_start3A_717 : memref<1x8x64xf32, #tpu.memory_space<hbm>> -> memref<8x64xf32, #tpu.memory_space<hbm>>
      tpu.enqueue_dma source(%dma_start3A_718 : memref<8x64xf32, #tpu.memory_space<hbm>>) target(%dma_start3A_714 : memref<8x64xf32, #tpu.memory_space<vmem>>) target_semaphore(%arg14 : memref<!tpu.dma_semaphore, #tpu.memory_space<semaphore_mem>>)
      %slice3A_719 = vector.extract_strided_slice %shift_right_arithmetic3A_669 {offsets = [1], sizes = [1], strides = [1]} : vector<16xi32> to vector<1xi32>
      %squeeze3A_720 = vector.extract %slice3A_719[0] : i32 from vector<1xi32>
      %dma_start3A_721 = arith.constant 1 : i32
      %dma_start3A_722 = arith.constant 1 : i32
      %dma_start3A_723 = arith.constant 0 : i32
      %dma_start3A_724 = arith.constant 0 : i32
      %dma_start3A_725 = tpu.memref_slice %arg9[%dma_start3A_721, %dma_start3A_722, %dma_start3A_723, %dma_start3A_724] : memref<2x16x8x64xf32, #tpu.memory_space<vmem>> -> memref<1x1x8x64xf32, #tpu.memory_space<vmem>>
      %dma_start3A_726 = tpu.memref_squeeze %dma_start3A_725 : memref<1x1x8x64xf32, #tpu.memory_space<vmem>> -> memref<8x64xf32, #tpu.memory_space<vmem>>
      %dma_start3A_727 = arith.constant 0 : i32
      %dma_start3A_728 = arith.constant 0 : i32
      %dma_start3A_729 = tpu.memref_slice %arg5[%squeeze3A_720, %dma_start3A_727, %dma_start3A_728] : memref<125000x8x64xf32, #tpu.memory_space<hbm>> -> memref<1x8x64xf32, #tpu.memory_space<hbm>>
      %dma_start3A_730 = tpu.memref_squeeze %dma_start3A_729 : memref<1x8x64xf32, #tpu.memory_space<hbm>> -> memref<8x64xf32, #tpu.memory_space<hbm>>
      %dma_start3A_731 = arith.constant 0 : i32
      %dma_start3A_732 = arith.constant 0 : i32
      %dma_start3A_733 = tpu.memref_slice %arg9[%dma_start3A_721, %dma_start3A_722, %dma_start3A_731, %dma_start3A_732] : memref<2x16x8x64xf32, #tpu.memory_space<vmem>> -> memref<1x1x8x64xf32, #tpu.memory_space<vmem>>
      %dma_start3A_734 = tpu.memref_squeeze %dma_start3A_733 : memref<1x1x8x64xf32, #tpu.memory_space<vmem>> -> memref<8x64xf32, #tpu.memory_space<vmem>>
      %dma_start3A_735 = arith.constant 0 : i32
      %dma_start3A_736 = arith.constant 0 : i32
      %dma_start3A_737 = tpu.memref_slice %arg5[%squeeze3A_720, %dma_start3A_735, %dma_start3A_736] : memref<125000x8x64xf32, #tpu.memory_space<hbm>> -> memref<1x8x64xf32, #tpu.memory_space<hbm>>
      %dma_start3A_738 = tpu.memref_squeeze %dma_start3A_737 : memref<1x8x64xf32, #tpu.memory_space<hbm>> -> memref<8x64xf32, #tpu.memory_space<hbm>>
      tpu.enqueue_dma source(%dma_start3A_738 : memref<8x64xf32, #tpu.memory_space<hbm>>) target(%dma_start3A_734 : memref<8x64xf32, #tpu.memory_space<vmem>>) target_semaphore(%arg14 : memref<!tpu.dma_semaphore, #tpu.memory_space<semaphore_mem>>)
      %slice3A_739 = vector.extract_strided_slice %shift_right_arithmetic3A_678 {offsets = [1], sizes = [1], strides = [1]} : vector<16xi32> to vector<1xi32>
      %squeeze3A_740 = vector.extract %slice3A_739[0] : i32 from vector<1xi32>
      %dma_start3A_741 = arith.constant 1 : i32
      %dma_start3A_742 = arith.constant 1 : i32
      %dma_start3A_743 = arith.constant 0 : i32
      %dma_start3A_744 = arith.constant 0 : i32
      %dma_start3A_745 = tpu.memref_slice %arg10[%dma_start3A_741, %dma_start3A_742, %dma_start3A_743, %dma_start3A_744] : memref<2x16x8x64xf32, #tpu.memory_space<vmem>> -> memref<1x1x8x64xf32, #tpu.memory_space<vmem>>
      %dma_start3A_746 = tpu.memref_squeeze %dma_start3A_745 : memref<1x1x8x64xf32, #tpu.memory_space<vmem>> -> memref<8x64xf32, #tpu.memory_space<vmem>>
      %dma_start3A_747 = arith.constant 0 : i32
      %dma_start3A_748 = arith.constant 0 : i32
      %dma_start3A_749 = tpu.memref_slice %arg4[%squeeze3A_740, %dma_start3A_747, %dma_start3A_748] : memref<125000x8x64xf32, #tpu.memory_space<hbm>> -> memref<1x8x64xf32, #tpu.memory_space<hbm>>
      %dma_start3A_750 = tpu.memref_squeeze %dma_start3A_749 : memref<1x8x64xf32, #tpu.memory_space<hbm>> -> memref<8x64xf32, #tpu.memory_space<hbm>>
      %dma_start3A_751 = arith.constant 0 : i32
      %dma_start3A_752 = arith.constant 0 : i32
      %dma_start3A_753 = tpu.memref_slice %arg10[%dma_start3A_741, %dma_start3A_742, %dma_start3A_751, %dma_start3A_752] : memref<2x16x8x64xf32, #tpu.memory_space<vmem>> -> memref<1x1x8x64xf32, #tpu.memory_space<vmem>>
      %dma_start3A_754 = tpu.memref_squeeze %dma_start3A_753 : memref<1x1x8x64xf32, #tpu.memory_space<vmem>> -> memref<8x64xf32, #tpu.memory_space<vmem>>
      %dma_start3A_755 = arith.constant 0 : i32
      %dma_start3A_756 = arith.constant 0 : i32
      %dma_start3A_757 = tpu.memref_slice %arg4[%squeeze3A_740, %dma_start3A_755, %dma_start3A_756] : memref<125000x8x64xf32, #tpu.memory_space<hbm>> -> memref<1x8x64xf32, #tpu.memory_space<hbm>>
      %dma_start3A_758 = tpu.memref_squeeze %dma_start3A_757 : memref<1x8x64xf32, #tpu.memory_space<hbm>> -> memref<8x64xf32, #tpu.memory_space<hbm>>
      tpu.enqueue_dma source(%dma_start3A_758 : memref<8x64xf32, #tpu.memory_space<hbm>>) target(%dma_start3A_754 : memref<8x64xf32, #tpu.memory_space<vmem>>) target_semaphore(%arg14 : memref<!tpu.dma_semaphore, #tpu.memory_space<semaphore_mem>>)
      %slice3A_759 = vector.extract_strided_slice %shift_right_arithmetic3A_669 {offsets = [2], sizes = [1], strides = [1]} : vector<16xi32> to vector<1xi32>
      %squeeze3A_760 = vector.extract %slice3A_759[0] : i32 from vector<1xi32>
      %dma_start3A_761 = arith.constant 1 : i32
      %dma_start3A_762 = arith.constant 2 : i32
      %dma_start3A_763 = arith.constant 0 : i32
      %dma_start3A_764 = arith.constant 0 : i32
      %dma_start3A_765 = tpu.memref_slice %arg9[%dma_start3A_761, %dma_start3A_762, %dma_start3A_763, %dma_start3A_764] : memref<2x16x8x64xf32, #tpu.memory_space<vmem>> -> memref<1x1x8x64xf32, #tpu.memory_space<vmem>>
      %dma_start3A_766 = tpu.memref_squeeze %dma_start3A_765 : memref<1x1x8x64xf32, #tpu.memory_space<vmem>> -> memref<8x64xf32, #tpu.memory_space<vmem>>
      %dma_start3A_767 = arith.constant 0 : i32
      %dma_start3A_768 = arith.constant 0 : i32
      %dma_start3A_769 = tpu.memref_slice %arg5[%squeeze3A_760, %dma_start3A_767, %dma_start3A_768] : memref<125000x8x64xf32, #tpu.memory_space<hbm>> -> memref<1x8x64xf32, #tpu.memory_space<hbm>>
      %dma_start3A_770 = tpu.memref_squeeze %dma_start3A_769 : memref<1x8x64xf32, #tpu.memory_space<hbm>> -> memref<8x64xf32, #tpu.memory_space<hbm>>
      %dma_start3A_771 = arith.constant 0 : i32
      %dma_start3A_772 = arith.constant 0 : i32
      %dma_start3A_773 = tpu.memref_slice %arg9[%dma_start3A_761, %dma_start3A_762, %dma_start3A_771, %dma_start3A_772] : memref<2x16x8x64xf32, #tpu.memory_space<vmem>> -> memref<1x1x8x64xf32, #tpu.memory_space<vmem>>
      %dma_start3A_774 = tpu.memref_squeeze %dma_start3A_773 : memref<1x1x8x64xf32, #tpu.memory_space<vmem>> -> memref<8x64xf32, #tpu.memory_space<vmem>>
      %dma_start3A_775 = arith.constant 0 : i32
      %dma_start3A_776 = arith.constant 0 : i32
      %dma_start3A_777 = tpu.memref_slice %arg5[%squeeze3A_760, %dma_start3A_775, %dma_start3A_776] : memref<125000x8x64xf32, #tpu.memory_space<hbm>> -> memref<1x8x64xf32, #tpu.memory_space<hbm>>
      %dma_start3A_778 = tpu.memref_squeeze %dma_start3A_777 : memref<1x8x64xf32, #tpu.memory_space<hbm>> -> memref<8x64xf32, #tpu.memory_space<hbm>>
      tpu.enqueue_dma source(%dma_start3A_778 : memref<8x64xf32, #tpu.memory_space<hbm>>) target(%dma_start3A_774 : memref<8x64xf32, #tpu.memory_space<vmem>>) target_semaphore(%arg14 : memref<!tpu.dma_semaphore, #tpu.memory_space<semaphore_mem>>)
      %slice3A_779 = vector.extract_strided_slice %shift_right_arithmetic3A_678 {offsets = [2], sizes = [1], strides = [1]} : vector<16xi32> to vector<1xi32>
      %squeeze3A_780 = vector.extract %slice3A_779[0] : i32 from vector<1xi32>
      %dma_start3A_781 = arith.constant 1 : i32
      %dma_start3A_782 = arith.constant 2 : i32
      %dma_start3A_783 = arith.constant 0 : i32
      %dma_start3A_784 = arith.constant 0 : i32
      %dma_start3A_785 = tpu.memref_slice %arg10[%dma_start3A_781, %dma_start3A_782, %dma_start3A_783, %dma_start3A_784] : memref<2x16x8x64xf32, #tpu.memory_space<vmem>> -> memref<1x1x8x64xf32, #tpu.memory_space<vmem>>
      %dma_start3A_786 = tpu.memref_squeeze %dma_start3A_785 : memref<1x1x8x64xf32, #tpu.memory_space<vmem>> -> memref<8x64xf32, #tpu.memory_space<vmem>>
      %dma_start3A_787 = arith.constant 0 : i32
      %dma_start3A_788 = arith.constant 0 : i32
      %dma_start3A_789 = tpu.memref_slice %arg4[%squeeze3A_780, %dma_start3A_787, %dma_start3A_788] : memref<125000x8x64xf32, #tpu.memory_space<hbm>> -> memref<1x8x64xf32, #tpu.memory_space<hbm>>
      %dma_start3A_790 = tpu.memref_squeeze %dma_start3A_789 : memref<1x8x64xf32, #tpu.memory_space<hbm>> -> memref<8x64xf32, #tpu.memory_space<hbm>>
      %dma_start3A_791 = arith.constant 0 : i32
      %dma_start3A_792 = arith.constant 0 : i32
      %dma_start3A_793 = tpu.memref_slice %arg10[%dma_start3A_781, %dma_start3A_782, %dma_start3A_791, %dma_start3A_792] : memref<2x16x8x64xf32, #tpu.memory_space<vmem>> -> memref<1x1x8x64xf32, #tpu.memory_space<vmem>>
      %dma_start3A_794 = tpu.memref_squeeze %dma_start3A_793 : memref<1x1x8x64xf32, #tpu.memory_space<vmem>> -> memref<8x64xf32, #tpu.memory_space<vmem>>
      %dma_start3A_795 = arith.constant 0 : i32
      %dma_start3A_796 = arith.constant 0 : i32
      %dma_start3A_797 = tpu.memref_slice %arg4[%squeeze3A_780, %dma_start3A_795, %dma_start3A_796] : memref<125000x8x64xf32, #tpu.memory_space<hbm>> -> memref<1x8x64xf32, #tpu.memory_space<hbm>>
      %dma_start3A_798 = tpu.memref_squeeze %dma_start3A_797 : memref<1x8x64xf32, #tpu.memory_space<hbm>> -> memref<8x64xf32, #tpu.memory_space<hbm>>
      tpu.enqueue_dma source(%dma_start3A_798 : memref<8x64xf32, #tpu.memory_space<hbm>>) target(%dma_start3A_794 : memref<8x64xf32, #tpu.memory_space<vmem>>) target_semaphore(%arg14 : memref<!tpu.dma_semaphore, #tpu.memory_space<semaphore_mem>>)
      %slice3A_799 = vector.extract_strided_slice %shift_right_arithmetic3A_669 {offsets = [3], sizes = [1], strides = [1]} : vector<16xi32> to vector<1xi32>
      %squeeze3A_800 = vector.extract %slice3A_799[0] : i32 from vector<1xi32>
      %dma_start3A_801 = arith.constant 1 : i32
      %dma_start3A_802 = arith.constant 3 : i32
      %dma_start3A_803 = arith.constant 0 : i32
      %dma_start3A_804 = arith.constant 0 : i32
      %dma_start3A_805 = tpu.memref_slice %arg9[%dma_start3A_801, %dma_start3A_802, %dma_start3A_803, %dma_start3A_804] : memref<2x16x8x64xf32, #tpu.memory_space<vmem>> -> memref<1x1x8x64xf32, #tpu.memory_space<vmem>>
      %dma_start3A_806 = tpu.memref_squeeze %dma_start3A_805 : memref<1x1x8x64xf32, #tpu.memory_space<vmem>> -> memref<8x64xf32, #tpu.memory_space<vmem>>
      %dma_start3A_807 = arith.constant 0 : i32
      %dma_start3A_808 = arith.constant 0 : i32
      %dma_start3A_809 = tpu.memref_slice %arg5[%squeeze3A_800, %dma_start3A_807, %dma_start3A_808] : memref<125000x8x64xf32, #tpu.memory_space<hbm>> -> memref<1x8x64xf32, #tpu.memory_space<hbm>>
      %dma_start3A_810 = tpu.memref_squeeze %dma_start3A_809 : memref<1x8x64xf32, #tpu.memory_space<hbm>> -> memref<8x64xf32, #tpu.memory_space<hbm>>
      %dma_start3A_811 = arith.constant 0 : i32
      %dma_start3A_812 = arith.constant 0 : i32
      %dma_start3A_813 = tpu.memref_slice %arg9[%dma_start3A_801, %dma_start3A_802, %dma_start3A_811, %dma_start3A_812] : memref<2x16x8x64xf32, #tpu.memory_space<vmem>> -> memref<1x1x8x64xf32, #tpu.memory_space<vmem>>
      %dma_start3A_814 = tpu.memref_squeeze %dma_start3A_813 : memref<1x1x8x64xf32, #tpu.memory_space<vmem>> -> memref<8x64xf32, #tpu.memory_space<vmem>>
      %dma_start3A_815 = arith.constant 0 : i32
      %dma_start3A_816 = arith.constant 0 : i32
      %dma_start3A_817 = tpu.memref_slice %arg5[%squeeze3A_800, %dma_start3A_815, %dma_start3A_816] : memref<125000x8x64xf32, #tpu.memory_space<hbm>> -> memref<1x8x64xf32, #tpu.memory_space<hbm>>
      %dma_start3A_818 = tpu.memref_squeeze %dma_start3A_817 : memref<1x8x64xf32, #tpu.memory_space<hbm>> -> memref<8x64xf32, #tpu.memory_space<hbm>>
      tpu.enqueue_dma source(%dma_start3A_818 : memref<8x64xf32, #tpu.memory_space<hbm>>) target(%dma_start3A_814 : memref<8x64xf32, #tpu.memory_space<vmem>>) target_semaphore(%arg14 : memref<!tpu.dma_semaphore, #tpu.memory_space<semaphore_mem>>)
      %slice3A_819 = vector.extract_strided_slice %shift_right_arithmetic3A_678 {offsets = [3], sizes = [1], strides = [1]} : vector<16xi32> to vector<1xi32>
      %squeeze3A_820 = vector.extract %slice3A_819[0] : i32 from vector<1xi32>
      %dma_start3A_821 = arith.constant 1 : i32
      %dma_start3A_822 = arith.constant 3 : i32
      %dma_start3A_823 = arith.constant 0 : i32
      %dma_start3A_824 = arith.constant 0 : i32
      %dma_start3A_825 = tpu.memref_slice %arg10[%dma_start3A_821, %dma_start3A_822, %dma_start3A_823, %dma_start3A_824] : memref<2x16x8x64xf32, #tpu.memory_space<vmem>> -> memref<1x1x8x64xf32, #tpu.memory_space<vmem>>
      %dma_start3A_826 = tpu.memref_squeeze %dma_start3A_825 : memref<1x1x8x64xf32, #tpu.memory_space<vmem>> -> memref<8x64xf32, #tpu.memory_space<vmem>>
      %dma_start3A_827 = arith.constant 0 : i32
      %dma_start3A_828 = arith.constant 0 : i32
      %dma_start3A_829 = tpu.memref_slice %arg4[%squeeze3A_820, %dma_start3A_827, %dma_start3A_828] : memref<125000x8x64xf32, #tpu.memory_space<hbm>> -> memref<1x8x64xf32, #tpu.memory_space<hbm>>
      %dma_start3A_830 = tpu.memref_squeeze %dma_start3A_829 : memref<1x8x64xf32, #tpu.memory_space<hbm>> -> memref<8x64xf32, #tpu.memory_space<hbm>>
      %dma_start3A_831 = arith.constant 0 : i32
      %dma_start3A_832 = arith.constant 0 : i32
      %dma_start3A_833 = tpu.memref_slice %arg10[%dma_start3A_821, %dma_start3A_822, %dma_start3A_831, %dma_start3A_832] : memref<2x16x8x64xf32, #tpu.memory_space<vmem>> -> memref<1x1x8x64xf32, #tpu.memory_space<vmem>>
      %dma_start3A_834 = tpu.memref_squeeze %dma_start3A_833 : memref<1x1x8x64xf32, #tpu.memory_space<vmem>> -> memref<8x64xf32, #tpu.memory_space<vmem>>
      %dma_start3A_835 = arith.constant 0 : i32
      %dma_start3A_836 = arith.constant 0 : i32
      %dma_start3A_837 = tpu.memref_slice %arg4[%squeeze3A_820, %dma_start3A_835, %dma_start3A_836] : memref<125000x8x64xf32, #tpu.memory_space<hbm>> -> memref<1x8x64xf32, #tpu.memory_space<hbm>>
      %dma_start3A_838 = tpu.memref_squeeze %dma_start3A_837 : memref<1x8x64xf32, #tpu.memory_space<hbm>> -> memref<8x64xf32, #tpu.memory_space<hbm>>
      tpu.enqueue_dma source(%dma_start3A_838 : memref<8x64xf32, #tpu.memory_space<hbm>>) target(%dma_start3A_834 : memref<8x64xf32, #tpu.memory_space<vmem>>) target_semaphore(%arg14 : memref<!tpu.dma_semaphore, #tpu.memory_space<semaphore_mem>>)
      %slice3A_839 = vector.extract_strided_slice %shift_right_arithmetic3A_669 {offsets = [4], sizes = [1], strides = [1]} : vector<16xi32> to vector<1xi32>
      %squeeze3A_840 = vector.extract %slice3A_839[0] : i32 from vector<1xi32>
      %dma_start3A_841 = arith.constant 1 : i32
      %dma_start3A_842 = arith.constant 4 : i32
      %dma_start3A_843 = arith.constant 0 : i32
      %dma_start3A_844 = arith.constant 0 : i32
      %dma_start3A_845 = tpu.memref_slice %arg9[%dma_start3A_841, %dma_start3A_842, %dma_start3A_843, %dma_start3A_844] : memref<2x16x8x64xf32, #tpu.memory_space<vmem>> -> memref<1x1x8x64xf32, #tpu.memory_space<vmem>>
      %dma_start3A_846 = tpu.memref_squeeze %dma_start3A_845 : memref<1x1x8x64xf32, #tpu.memory_space<vmem>> -> memref<8x64xf32, #tpu.memory_space<vmem>>
      %dma_start3A_847 = arith.constant 0 : i32
      %dma_start3A_848 = arith.constant 0 : i32
      %dma_start3A_849 = tpu.memref_slice %arg5[%squeeze3A_840, %dma_start3A_847, %dma_start3A_848] : memref<125000x8x64xf32, #tpu.memory_space<hbm>> -> memref<1x8x64xf32, #tpu.memory_space<hbm>>
      %dma_start3A_850 = tpu.memref_squeeze %dma_start3A_849 : memref<1x8x64xf32, #tpu.memory_space<hbm>> -> memref<8x64xf32, #tpu.memory_space<hbm>>
      %dma_start3A_851 = arith.constant 0 : i32
      %dma_start3A_852 = arith.constant 0 : i32
      %dma_start3A_853 = tpu.memref_slice %arg9[%dma_start3A_841, %dma_start3A_842, %dma_start3A_851, %dma_start3A_852] : memref<2x16x8x64xf32, #tpu.memory_space<vmem>> -> memref<1x1x8x64xf32, #tpu.memory_space<vmem>>
      %dma_start3A_854 = tpu.memref_squeeze %dma_start3A_853 : memref<1x1x8x64xf32, #tpu.memory_space<vmem>> -> memref<8x64xf32, #tpu.memory_space<vmem>>
      %dma_start3A_855 = arith.constant 0 : i32
      %dma_start3A_856 = arith.constant 0 : i32
      %dma_start3A_857 = tpu.memref_slice %arg5[%squeeze3A_840, %dma_start3A_855, %dma_start3A_856] : memref<125000x8x64xf32, #tpu.memory_space<hbm>> -> memref<1x8x64xf32, #tpu.memory_space<hbm>>
      %dma_start3A_858 = tpu.memref_squeeze %dma_start3A_857 : memref<1x8x64xf32, #tpu.memory_space<hbm>> -> memref<8x64xf32, #tpu.memory_space<hbm>>
      tpu.enqueue_dma source(%dma_start3A_858 : memref<8x64xf32, #tpu.memory_space<hbm>>) target(%dma_start3A_854 : memref<8x64xf32, #tpu.memory_space<vmem>>) target_semaphore(%arg14 : memref<!tpu.dma_semaphore, #tpu.memory_space<semaphore_mem>>)
      %slice3A_859 = vector.extract_strided_slice %shift_right_arithmetic3A_678 {offsets = [4], sizes = [1], strides = [1]} : vector<16xi32> to vector<1xi32>
      %squeeze3A_860 = vector.extract %slice3A_859[0] : i32 from vector<1xi32>
      %dma_start3A_861 = arith.constant 1 : i32
      %dma_start3A_862 = arith.constant 4 : i32
      %dma_start3A_863 = arith.constant 0 : i32
      %dma_start3A_864 = arith.constant 0 : i32
      %dma_start3A_865 = tpu.memref_slice %arg10[%dma_start3A_861, %dma_start3A_862, %dma_start3A_863, %dma_start3A_864] : memref<2x16x8x64xf32, #tpu.memory_space<vmem>> -> memref<1x1x8x64xf32, #tpu.memory_space<vmem>>
      %dma_start3A_866 = tpu.memref_squeeze %dma_start3A_865 : memref<1x1x8x64xf32, #tpu.memory_space<vmem>> -> memref<8x64xf32, #tpu.memory_space<vmem>>
      %dma_start3A_867 = arith.constant 0 : i32
      %dma_start3A_868 = arith.constant 0 : i32
      %dma_start3A_869 = tpu.memref_slice %arg4[%squeeze3A_860, %dma_start3A_867, %dma_start3A_868] : memref<125000x8x64xf32, #tpu.memory_space<hbm>> -> memref<1x8x64xf32, #tpu.memory_space<hbm>>
      %dma_start3A_870 = tpu.memref_squeeze %dma_start3A_869 : memref<1x8x64xf32, #tpu.memory_space<hbm>> -> memref<8x64xf32, #tpu.memory_space<hbm>>
      %dma_start3A_871 = arith.constant 0 : i32
      %dma_start3A_872 = arith.constant 0 : i32
      %dma_start3A_873 = tpu.memref_slice %arg10[%dma_start3A_861, %dma_start3A_862, %dma_start3A_871, %dma_start3A_872] : memref<2x16x8x64xf32, #tpu.memory_space<vmem>> -> memref<1x1x8x64xf32, #tpu.memory_space<vmem>>
      %dma_start3A_874 = tpu.memref_squeeze %dma_start3A_873 : memref<1x1x8x64xf32, #tpu.memory_space<vmem>> -> memref<8x64xf32, #tpu.memory_space<vmem>>
      %dma_start3A_875 = arith.constant 0 : i32
      %dma_start3A_876 = arith.constant 0 : i32
      %dma_start3A_877 = tpu.memref_slice %arg4[%squeeze3A_860, %dma_start3A_875, %dma_start3A_876] : memref<125000x8x64xf32, #tpu.memory_space<hbm>> -> memref<1x8x64xf32, #tpu.memory_space<hbm>>
      %dma_start3A_878 = tpu.memref_squeeze %dma_start3A_877 : memref<1x8x64xf32, #tpu.memory_space<hbm>> -> memref<8x64xf32, #tpu.memory_space<hbm>>
      tpu.enqueue_dma source(%dma_start3A_878 : memref<8x64xf32, #tpu.memory_space<hbm>>) target(%dma_start3A_874 : memref<8x64xf32, #tpu.memory_space<vmem>>) target_semaphore(%arg14 : memref<!tpu.dma_semaphore, #tpu.memory_space<semaphore_mem>>)
      %slice3A_879 = vector.extract_strided_slice %shift_right_arithmetic3A_669 {offsets = [5], sizes = [1], strides = [1]} : vector<16xi32> to vector<1xi32>
      %squeeze3A_880 = vector.extract %slice3A_879[0] : i32 from vector<1xi32>
      %dma_start3A_881 = arith.constant 1 : i32
      %dma_start3A_882 = arith.constant 5 : i32
      %dma_start3A_883 = arith.constant 0 : i32
      %dma_start3A_884 = arith.constant 0 : i32
      %dma_start3A_885 = tpu.memref_slice %arg9[%dma_start3A_881, %dma_start3A_882, %dma_start3A_883, %dma_start3A_884] : memref<2x16x8x64xf32, #tpu.memory_space<vmem>> -> memref<1x1x8x64xf32, #tpu.memory_space<vmem>>
      %dma_start3A_886 = tpu.memref_squeeze %dma_start3A_885 : memref<1x1x8x64xf32, #tpu.memory_space<vmem>> -> memref<8x64xf32, #tpu.memory_space<vmem>>
      %dma_start3A_887 = arith.constant 0 : i32
      %dma_start3A_888 = arith.constant 0 : i32
      %dma_start3A_889 = tpu.memref_slice %arg5[%squeeze3A_880, %dma_start3A_887, %dma_start3A_888] : memref<125000x8x64xf32, #tpu.memory_space<hbm>> -> memref<1x8x64xf32, #tpu.memory_space<hbm>>
      %dma_start3A_890 = tpu.memref_squeeze %dma_start3A_889 : memref<1x8x64xf32, #tpu.memory_space<hbm>> -> memref<8x64xf32, #tpu.memory_space<hbm>>
      %dma_start3A_891 = arith.constant 0 : i32
      %dma_start3A_892 = arith.constant 0 : i32
      %dma_start3A_893 = tpu.memref_slice %arg9[%dma_start3A_881, %dma_start3A_882, %dma_start3A_891, %dma_start3A_892] : memref<2x16x8x64xf32, #tpu.memory_space<vmem>> -> memref<1x1x8x64xf32, #tpu.memory_space<vmem>>
      %dma_start3A_894 = tpu.memref_squeeze %dma_start3A_893 : memref<1x1x8x64xf32, #tpu.memory_space<vmem>> -> memref<8x64xf32, #tpu.memory_space<vmem>>
      %dma_start3A_895 = arith.constant 0 : i32
      %dma_start3A_896 = arith.constant 0 : i32
      %dma_start3A_897 = tpu.memref_slice %arg5[%squeeze3A_880, %dma_start3A_895, %dma_start3A_896] : memref<125000x8x64xf32, #tpu.memory_space<hbm>> -> memref<1x8x64xf32, #tpu.memory_space<hbm>>
      %dma_start3A_898 = tpu.memref_squeeze %dma_start3A_897 : memref<1x8x64xf32, #tpu.memory_space<hbm>> -> memref<8x64xf32, #tpu.memory_space<hbm>>
      tpu.enqueue_dma source(%dma_start3A_898 : memref<8x64xf32, #tpu.memory_space<hbm>>) target(%dma_start3A_894 : memref<8x64xf32, #tpu.memory_space<vmem>>) target_semaphore(%arg14 : memref<!tpu.dma_semaphore, #tpu.memory_space<semaphore_mem>>)
      %slice3A_899 = vector.extract_strided_slice %shift_right_arithmetic3A_678 {offsets = [5], sizes = [1], strides = [1]} : vector<16xi32> to vector<1xi32>
      %squeeze3A_900 = vector.extract %slice3A_899[0] : i32 from vector<1xi32>
      %dma_start3A_901 = arith.constant 1 : i32
      %dma_start3A_902 = arith.constant 5 : i32
      %dma_start3A_903 = arith.constant 0 : i32
      %dma_start3A_904 = arith.constant 0 : i32
      %dma_start3A_905 = tpu.memref_slice %arg10[%dma_start3A_901, %dma_start3A_902, %dma_start3A_903, %dma_start3A_904] : memref<2x16x8x64xf32, #tpu.memory_space<vmem>> -> memref<1x1x8x64xf32, #tpu.memory_space<vmem>>
      %dma_start3A_906 = tpu.memref_squeeze %dma_start3A_905 : memref<1x1x8x64xf32, #tpu.memory_space<vmem>> -> memref<8x64xf32, #tpu.memory_space<vmem>>
      %dma_start3A_907 = arith.constant 0 : i32
      %dma_start3A_908 = arith.constant 0 : i32
      %dma_start3A_909 = tpu.memref_slice %arg4[%squeeze3A_900, %dma_start3A_907, %dma_start3A_908] : memref<125000x8x64xf32, #tpu.memory_space<hbm>> -> memref<1x8x64xf32, #tpu.memory_space<hbm>>
      %dma_start3A_910 = tpu.memref_squeeze %dma_start3A_909 : memref<1x8x64xf32, #tpu.memory_space<hbm>> -> memref<8x64xf32, #tpu.memory_space<hbm>>
      %dma_start3A_911 = arith.constant 0 : i32
      %dma_start3A_912 = arith.constant 0 : i32
      %dma_start3A_913 = tpu.memref_slice %arg10[%dma_start3A_901, %dma_start3A_902, %dma_start3A_911, %dma_start3A_912] : memref<2x16x8x64xf32, #tpu.memory_space<vmem>> -> memref<1x1x8x64xf32, #tpu.memory_space<vmem>>
      %dma_start3A_914 = tpu.memref_squeeze %dma_start3A_913 : memref<1x1x8x64xf32, #tpu.memory_space<vmem>> -> memref<8x64xf32, #tpu.memory_space<vmem>>
      %dma_start3A_915 = arith.constant 0 : i32
      %dma_start3A_916 = arith.constant 0 : i32
      %dma_start3A_917 = tpu.memref_slice %arg4[%squeeze3A_900, %dma_start3A_915, %dma_start3A_916] : memref<125000x8x64xf32, #tpu.memory_space<hbm>> -> memref<1x8x64xf32, #tpu.memory_space<hbm>>
      %dma_start3A_918 = tpu.memref_squeeze %dma_start3A_917 : memref<1x8x64xf32, #tpu.memory_space<hbm>> -> memref<8x64xf32, #tpu.memory_space<hbm>>
      tpu.enqueue_dma source(%dma_start3A_918 : memref<8x64xf32, #tpu.memory_space<hbm>>) target(%dma_start3A_914 : memref<8x64xf32, #tpu.memory_space<vmem>>) target_semaphore(%arg14 : memref<!tpu.dma_semaphore, #tpu.memory_space<semaphore_mem>>)
      %slice3A_919 = vector.extract_strided_slice %shift_right_arithmetic3A_669 {offsets = [6], sizes = [1], strides = [1]} : vector<16xi32> to vector<1xi32>
      %squeeze3A_920 = vector.extract %slice3A_919[0] : i32 from vector<1xi32>
      %dma_start3A_921 = arith.constant 1 : i32
      %dma_start3A_922 = arith.constant 6 : i32
      %dma_start3A_923 = arith.constant 0 : i32
      %dma_start3A_924 = arith.constant 0 : i32
      %dma_start3A_925 = tpu.memref_slice %arg9[%dma_start3A_921, %dma_start3A_922, %dma_start3A_923, %dma_start3A_924] : memref<2x16x8x64xf32, #tpu.memory_space<vmem>> -> memref<1x1x8x64xf32, #tpu.memory_space<vmem>>
      %dma_start3A_926 = tpu.memref_squeeze %dma_start3A_925 : memref<1x1x8x64xf32, #tpu.memory_space<vmem>> -> memref<8x64xf32, #tpu.memory_space<vmem>>
      %dma_start3A_927 = arith.constant 0 : i32
      %dma_start3A_928 = arith.constant 0 : i32
      %dma_start3A_929 = tpu.memref_slice %arg5[%squeeze3A_920, %dma_start3A_927, %dma_start3A_928] : memref<125000x8x64xf32, #tpu.memory_space<hbm>> -> memref<1x8x64xf32, #tpu.memory_space<hbm>>
      %dma_start3A_930 = tpu.memref_squeeze %dma_start3A_929 : memref<1x8x64xf32, #tpu.memory_space<hbm>> -> memref<8x64xf32, #tpu.memory_space<hbm>>
      %dma_start3A_931 = arith.constant 0 : i32
      %dma_start3A_932 = arith.constant 0 : i32
      %dma_start3A_933 = tpu.memref_slice %arg9[%dma_start3A_921, %dma_start3A_922, %dma_start3A_931, %dma_start3A_932] : memref<2x16x8x64xf32, #tpu.memory_space<vmem>> -> memref<1x1x8x64xf32, #tpu.memory_space<vmem>>
      %dma_start3A_934 = tpu.memref_squeeze %dma_start3A_933 : memref<1x1x8x64xf32, #tpu.memory_space<vmem>> -> memref<8x64xf32, #tpu.memory_space<vmem>>
      %dma_start3A_935 = arith.constant 0 : i32
      %dma_start3A_936 = arith.constant 0 : i32
      %dma_start3A_937 = tpu.memref_slice %arg5[%squeeze3A_920, %dma_start3A_935, %dma_start3A_936] : memref<125000x8x64xf32, #tpu.memory_space<hbm>> -> memref<1x8x64xf32, #tpu.memory_space<hbm>>
      %dma_start3A_938 = tpu.memref_squeeze %dma_start3A_937 : memref<1x8x64xf32, #tpu.memory_space<hbm>> -> memref<8x64xf32, #tpu.memory_space<hbm>>
      tpu.enqueue_dma source(%dma_start3A_938 : memref<8x64xf32, #tpu.memory_space<hbm>>) target(%dma_start3A_934 : memref<8x64xf32, #tpu.memory_space<vmem>>) target_semaphore(%arg14 : memref<!tpu.dma_semaphore, #tpu.memory_space<semaphore_mem>>)
      %slice3A_939 = vector.extract_strided_slice %shift_right_arithmetic3A_678 {offsets = [6], sizes = [1], strides = [1]} : vector<16xi32> to vector<1xi32>
      %squeeze3A_940 = vector.extract %slice3A_939[0] : i32 from vector<1xi32>
      %dma_start3A_941 = arith.constant 1 : i32
      %dma_start3A_942 = arith.constant 6 : i32
      %dma_start3A_943 = arith.constant 0 : i32
      %dma_start3A_944 = arith.constant 0 : i32
      %dma_start3A_945 = tpu.memref_slice %arg10[%dma_start3A_941, %dma_start3A_942, %dma_start3A_943, %dma_start3A_944] : memref<2x16x8x64xf32, #tpu.memory_space<vmem>> -> memref<1x1x8x64xf32, #tpu.memory_space<vmem>>
      %dma_start3A_946 = tpu.memref_squeeze %dma_start3A_945 : memref<1x1x8x64xf32, #tpu.memory_space<vmem>> -> memref<8x64xf32, #tpu.memory_space<vmem>>
      %dma_start3A_947 = arith.constant 0 : i32
      %dma_start3A_948 = arith.constant 0 : i32
      %dma_start3A_949 = tpu.memref_slice %arg4[%squeeze3A_940, %dma_start3A_947, %dma_start3A_948] : memref<125000x8x64xf32, #tpu.memory_space<hbm>> -> memref<1x8x64xf32, #tpu.memory_space<hbm>>
      %dma_start3A_950 = tpu.memref_squeeze %dma_start3A_949 : memref<1x8x64xf32, #tpu.memory_space<hbm>> -> memref<8x64xf32, #tpu.memory_space<hbm>>
      %dma_start3A_951 = arith.constant 0 : i32
      %dma_start3A_952 = arith.constant 0 : i32
      %dma_start3A_953 = tpu.memref_slice %arg10[%dma_start3A_941, %dma_start3A_942, %dma_start3A_951, %dma_start3A_952] : memref<2x16x8x64xf32, #tpu.memory_space<vmem>> -> memref<1x1x8x64xf32, #tpu.memory_space<vmem>>
      %dma_start3A_954 = tpu.memref_squeeze %dma_start3A_953 : memref<1x1x8x64xf32, #tpu.memory_space<vmem>> -> memref<8x64xf32, #tpu.memory_space<vmem>>
      %dma_start3A_955 = arith.constant 0 : i32
      %dma_start3A_956 = arith.constant 0 : i32
      %dma_start3A_957 = tpu.memref_slice %arg4[%squeeze3A_940, %dma_start3A_955, %dma_start3A_956] : memref<125000x8x64xf32, #tpu.memory_space<hbm>> -> memref<1x8x64xf32, #tpu.memory_space<hbm>>
      %dma_start3A_958 = tpu.memref_squeeze %dma_start3A_957 : memref<1x8x64xf32, #tpu.memory_space<hbm>> -> memref<8x64xf32, #tpu.memory_space<hbm>>
      tpu.enqueue_dma source(%dma_start3A_958 : memref<8x64xf32, #tpu.memory_space<hbm>>) target(%dma_start3A_954 : memref<8x64xf32, #tpu.memory_space<vmem>>) target_semaphore(%arg14 : memref<!tpu.dma_semaphore, #tpu.memory_space<semaphore_mem>>)
      %slice3A_959 = vector.extract_strided_slice %shift_right_arithmetic3A_669 {offsets = [7], sizes = [1], strides = [1]} : vector<16xi32> to vector<1xi32>
      %squeeze3A_960 = vector.extract %slice3A_959[0] : i32 from vector<1xi32>
      %dma_start3A_961 = arith.constant 1 : i32
      %dma_start3A_962 = arith.constant 7 : i32
      %dma_start3A_963 = arith.constant 0 : i32
      %dma_start3A_964 = arith.constant 0 : i32
      %dma_start3A_965 = tpu.memref_slice %arg9[%dma_start3A_961, %dma_start3A_962, %dma_start3A_963, %dma_start3A_964] : memref<2x16x8x64xf32, #tpu.memory_space<vmem>> -> memref<1x1x8x64xf32, #tpu.memory_space<vmem>>
      %dma_start3A_966 = tpu.memref_squeeze %dma_start3A_965 : memref<1x1x8x64xf32, #tpu.memory_space<vmem>> -> memref<8x64xf32, #tpu.memory_space<vmem>>
      %dma_start3A_967 = arith.constant 0 : i32
      %dma_start3A_968 = arith.constant 0 : i32
      %dma_start3A_969 = tpu.memref_slice %arg5[%squeeze3A_960, %dma_start3A_967, %dma_start3A_968] : memref<125000x8x64xf32, #tpu.memory_space<hbm>> -> memref<1x8x64xf32, #tpu.memory_space<hbm>>
      %dma_start3A_970 = tpu.memref_squeeze %dma_start3A_969 : memref<1x8x64xf32, #tpu.memory_space<hbm>> -> memref<8x64xf32, #tpu.memory_space<hbm>>
      %dma_start3A_971 = arith.constant 0 : i32
      %dma_start3A_972 = arith.constant 0 : i32
      %dma_start3A_973 = tpu.memref_slice %arg9[%dma_start3A_961, %dma_start3A_962, %dma_start3A_971, %dma_start3A_972] : memref<2x16x8x64xf32, #tpu.memory_space<vmem>> -> memref<1x1x8x64xf32, #tpu.memory_space<vmem>>
      %dma_start3A_974 = tpu.memref_squeeze %dma_start3A_973 : memref<1x1x8x64xf32, #tpu.memory_space<vmem>> -> memref<8x64xf32, #tpu.memory_space<vmem>>
      %dma_start3A_975 = arith.constant 0 : i32
      %dma_start3A_976 = arith.constant 0 : i32
      %dma_start3A_977 = tpu.memref_slice %arg5[%squeeze3A_960, %dma_start3A_975, %dma_start3A_976] : memref<125000x8x64xf32, #tpu.memory_space<hbm>> -> memref<1x8x64xf32, #tpu.memory_space<hbm>>
      %dma_start3A_978 = tpu.memref_squeeze %dma_start3A_977 : memref<1x8x64xf32, #tpu.memory_space<hbm>> -> memref<8x64xf32, #tpu.memory_space<hbm>>
      tpu.enqueue_dma source(%dma_start3A_978 : memref<8x64xf32, #tpu.memory_space<hbm>>) target(%dma_start3A_974 : memref<8x64xf32, #tpu.memory_space<vmem>>) target_semaphore(%arg14 : memref<!tpu.dma_semaphore, #tpu.memory_space<semaphore_mem>>)
      %slice3A_979 = vector.extract_strided_slice %shift_right_arithmetic3A_678 {offsets = [7], sizes = [1], strides = [1]} : vector<16xi32> to vector<1xi32>
      %squeeze3A_980 = vector.extract %slice3A_979[0] : i32 from vector<1xi32>
      %dma_start3A_981 = arith.constant 1 : i32
      %dma_start3A_982 = arith.constant 7 : i32
      %dma_start3A_983 = arith.constant 0 : i32
      %dma_start3A_984 = arith.constant 0 : i32
      %dma_start3A_985 = tpu.memref_slice %arg10[%dma_start3A_981, %dma_start3A_982, %dma_start3A_983, %dma_start3A_984] : memref<2x16x8x64xf32, #tpu.memory_space<vmem>> -> memref<1x1x8x64xf32, #tpu.memory_space<vmem>>
      %dma_start3A_986 = tpu.memref_squeeze %dma_start3A_985 : memref<1x1x8x64xf32, #tpu.memory_space<vmem>> -> memref<8x64xf32, #tpu.memory_space<vmem>>
      %dma_start3A_987 = arith.constant 0 : i32
      %dma_start3A_988 = arith.constant 0 : i32
      %dma_start3A_989 = tpu.memref_slice %arg4[%squeeze3A_980, %dma_start3A_987, %dma_start3A_988] : memref<125000x8x64xf32, #tpu.memory_space<hbm>> -> memref<1x8x64xf32, #tpu.memory_space<hbm>>
      %dma_start3A_990 = tpu.memref_squeeze %dma_start3A_989 : memref<1x8x64xf32, #tpu.memory_space<hbm>> -> memref<8x64xf32, #tpu.memory_space<hbm>>
      %dma_start3A_991 = arith.constant 0 : i32
      %dma_start3A_992 = arith.constant 0 : i32
      %dma_start3A_993 = tpu.memref_slice %arg10[%dma_start3A_981, %dma_start3A_982, %dma_start3A_991, %dma_start3A_992] : memref<2x16x8x64xf32, #tpu.memory_space<vmem>> -> memref<1x1x8x64xf32, #tpu.memory_space<vmem>>
      %dma_start3A_994 = tpu.memref_squeeze %dma_start3A_993 : memref<1x1x8x64xf32, #tpu.memory_space<vmem>> -> memref<8x64xf32, #tpu.memory_space<vmem>>
      %dma_start3A_995 = arith.constant 0 : i32
      %dma_start3A_996 = arith.constant 0 : i32
      %dma_start3A_997 = tpu.memref_slice %arg4[%squeeze3A_980, %dma_start3A_995, %dma_start3A_996] : memref<125000x8x64xf32, #tpu.memory_space<hbm>> -> memref<1x8x64xf32, #tpu.memory_space<hbm>>
      %dma_start3A_998 = tpu.memref_squeeze %dma_start3A_997 : memref<1x8x64xf32, #tpu.memory_space<hbm>> -> memref<8x64xf32, #tpu.memory_space<hbm>>
      tpu.enqueue_dma source(%dma_start3A_998 : memref<8x64xf32, #tpu.memory_space<hbm>>) target(%dma_start3A_994 : memref<8x64xf32, #tpu.memory_space<vmem>>) target_semaphore(%arg14 : memref<!tpu.dma_semaphore, #tpu.memory_space<semaphore_mem>>)
      %slice3A_999 = vector.extract_strided_slice %shift_right_arithmetic3A_669 {offsets = [8], sizes = [1], strides = [1]} : vector<16xi32> to vector<1xi32>
      %squeeze3A_1000 = vector.extract %slice3A_999[0] : i32 from vector<1xi32>
      %dma_start3A_1001 = arith.constant 1 : i32
      %dma_start3A_1002 = arith.constant 8 : i32
      %dma_start3A_1003 = arith.constant 0 : i32
      %dma_start3A_1004 = arith.constant 0 : i32
      %dma_start3A_1005 = tpu.memref_slice %arg9[%dma_start3A_1001, %dma_start3A_1002, %dma_start3A_1003, %dma_start3A_1004] : memref<2x16x8x64xf32, #tpu.memory_space<vmem>> -> memref<1x1x8x64xf32, #tpu.memory_space<vmem>>
      %dma_start3A_1006 = tpu.memref_squeeze %dma_start3A_1005 : memref<1x1x8x64xf32, #tpu.memory_space<vmem>> -> memref<8x64xf32, #tpu.memory_space<vmem>>
      %dma_start3A_1007 = arith.constant 0 : i32
      %dma_start3A_1008 = arith.constant 0 : i32
      %dma_start3A_1009 = tpu.memref_slice %arg5[%squeeze3A_1000, %dma_start3A_1007, %dma_start3A_1008] : memref<125000x8x64xf32, #tpu.memory_space<hbm>> -> memref<1x8x64xf32, #tpu.memory_space<hbm>>
      %dma_start3A_1010 = tpu.memref_squeeze %dma_start3A_1009 : memref<1x8x64xf32, #tpu.memory_space<hbm>> -> memref<8x64xf32, #tpu.memory_space<hbm>>
      %dma_start3A_1011 = arith.constant 0 : i32
      %dma_start3A_1012 = arith.constant 0 : i32
      %dma_start3A_1013 = tpu.memref_slice %arg9[%dma_start3A_1001, %dma_start3A_1002, %dma_start3A_1011, %dma_start3A_1012] : memref<2x16x8x64xf32, #tpu.memory_space<vmem>> -> memref<1x1x8x64xf32, #tpu.memory_space<vmem>>
      %dma_start3A_1014 = tpu.memref_squeeze %dma_start3A_1013 : memref<1x1x8x64xf32, #tpu.memory_space<vmem>> -> memref<8x64xf32, #tpu.memory_space<vmem>>
      %dma_start3A_1015 = arith.constant 0 : i32
      %dma_start3A_1016 = arith.constant 0 : i32
      %dma_start3A_1017 = tpu.memref_slice %arg5[%squeeze3A_1000, %dma_start3A_1015, %dma_start3A_1016] : memref<125000x8x64xf32, #tpu.memory_space<hbm>> -> memref<1x8x64xf32, #tpu.memory_space<hbm>>
      %dma_start3A_1018 = tpu.memref_squeeze %dma_start3A_1017 : memref<1x8x64xf32, #tpu.memory_space<hbm>> -> memref<8x64xf32, #tpu.memory_space<hbm>>
      tpu.enqueue_dma source(%dma_start3A_1018 : memref<8x64xf32, #tpu.memory_space<hbm>>) target(%dma_start3A_1014 : memref<8x64xf32, #tpu.memory_space<vmem>>) target_semaphore(%arg14 : memref<!tpu.dma_semaphore, #tpu.memory_space<semaphore_mem>>)
      %slice3A_1019 = vector.extract_strided_slice %shift_right_arithmetic3A_678 {offsets = [8], sizes = [1], strides = [1]} : vector<16xi32> to vector<1xi32>
      %squeeze3A_1020 = vector.extract %slice3A_1019[0] : i32 from vector<1xi32>
      %dma_start3A_1021 = arith.constant 1 : i32
      %dma_start3A_1022 = arith.constant 8 : i32
      %dma_start3A_1023 = arith.constant 0 : i32
      %dma_start3A_1024 = arith.constant 0 : i32
      %dma_start3A_1025 = tpu.memref_slice %arg10[%dma_start3A_1021, %dma_start3A_1022, %dma_start3A_1023, %dma_start3A_1024] : memref<2x16x8x64xf32, #tpu.memory_space<vmem>> -> memref<1x1x8x64xf32, #tpu.memory_space<vmem>>
      %dma_start3A_1026 = tpu.memref_squeeze %dma_start3A_1025 : memref<1x1x8x64xf32, #tpu.memory_space<vmem>> -> memref<8x64xf32, #tpu.memory_space<vmem>>
      %dma_start3A_1027 = arith.constant 0 : i32
      %dma_start3A_1028 = arith.constant 0 : i32
      %dma_start3A_1029 = tpu.memref_slice %arg4[%squeeze3A_1020, %dma_start3A_1027, %dma_start3A_1028] : memref<125000x8x64xf32, #tpu.memory_space<hbm>> -> memref<1x8x64xf32, #tpu.memory_space<hbm>>
      %dma_start3A_1030 = tpu.memref_squeeze %dma_start3A_1029 : memref<1x8x64xf32, #tpu.memory_space<hbm>> -> memref<8x64xf32, #tpu.memory_space<hbm>>
      %dma_start3A_1031 = arith.constant 0 : i32
      %dma_start3A_1032 = arith.constant 0 : i32
      %dma_start3A_1033 = tpu.memref_slice %arg10[%dma_start3A_1021, %dma_start3A_1022, %dma_start3A_1031, %dma_start3A_1032] : memref<2x16x8x64xf32, #tpu.memory_space<vmem>> -> memref<1x1x8x64xf32, #tpu.memory_space<vmem>>
      %dma_start3A_1034 = tpu.memref_squeeze %dma_start3A_1033 : memref<1x1x8x64xf32, #tpu.memory_space<vmem>> -> memref<8x64xf32, #tpu.memory_space<vmem>>
      %dma_start3A_1035 = arith.constant 0 : i32
      %dma_start3A_1036 = arith.constant 0 : i32
      %dma_start3A_1037 = tpu.memref_slice %arg4[%squeeze3A_1020, %dma_start3A_1035, %dma_start3A_1036] : memref<125000x8x64xf32, #tpu.memory_space<hbm>> -> memref<1x8x64xf32, #tpu.memory_space<hbm>>
      %dma_start3A_1038 = tpu.memref_squeeze %dma_start3A_1037 : memref<1x8x64xf32, #tpu.memory_space<hbm>> -> memref<8x64xf32, #tpu.memory_space<hbm>>
      tpu.enqueue_dma source(%dma_start3A_1038 : memref<8x64xf32, #tpu.memory_space<hbm>>) target(%dma_start3A_1034 : memref<8x64xf32, #tpu.memory_space<vmem>>) target_semaphore(%arg14 : memref<!tpu.dma_semaphore, #tpu.memory_space<semaphore_mem>>)
      %slice3A_1039 = vector.extract_strided_slice %shift_right_arithmetic3A_669 {offsets = [9], sizes = [1], strides = [1]} : vector<16xi32> to vector<1xi32>
      %squeeze3A_1040 = vector.extract %slice3A_1039[0] : i32 from vector<1xi32>
      %dma_start3A_1041 = arith.constant 1 : i32
      %dma_start3A_1042 = arith.constant 9 : i32
      %dma_start3A_1043 = arith.constant 0 : i32
      %dma_start3A_1044 = arith.constant 0 : i32
      %dma_start3A_1045 = tpu.memref_slice %arg9[%dma_start3A_1041, %dma_start3A_1042, %dma_start3A_1043, %dma_start3A_1044] : memref<2x16x8x64xf32, #tpu.memory_space<vmem>> -> memref<1x1x8x64xf32, #tpu.memory_space<vmem>>
      %dma_start3A_1046 = tpu.memref_squeeze %dma_start3A_1045 : memref<1x1x8x64xf32, #tpu.memory_space<vmem>> -> memref<8x64xf32, #tpu.memory_space<vmem>>
      %dma_start3A_1047 = arith.constant 0 : i32
      %dma_start3A_1048 = arith.constant 0 : i32
      %dma_start3A_1049 = tpu.memref_slice %arg5[%squeeze3A_1040, %dma_start3A_1047, %dma_start3A_1048] : memref<125000x8x64xf32, #tpu.memory_space<hbm>> -> memref<1x8x64xf32, #tpu.memory_space<hbm>>
      %dma_start3A_1050 = tpu.memref_squeeze %dma_start3A_1049 : memref<1x8x64xf32, #tpu.memory_space<hbm>> -> memref<8x64xf32, #tpu.memory_space<hbm>>
      %dma_start3A_1051 = arith.constant 0 : i32
      %dma_start3A_1052 = arith.constant 0 : i32
      %dma_start3A_1053 = tpu.memref_slice %arg9[%dma_start3A_1041, %dma_start3A_1042, %dma_start3A_1051, %dma_start3A_1052] : memref<2x16x8x64xf32, #tpu.memory_space<vmem>> -> memref<1x1x8x64xf32, #tpu.memory_space<vmem>>
      %dma_start3A_1054 = tpu.memref_squeeze %dma_start3A_1053 : memref<1x1x8x64xf32, #tpu.memory_space<vmem>> -> memref<8x64xf32, #tpu.memory_space<vmem>>
      %dma_start3A_1055 = arith.constant 0 : i32
      %dma_start3A_1056 = arith.constant 0 : i32
      %dma_start3A_1057 = tpu.memref_slice %arg5[%squeeze3A_1040, %dma_start3A_1055, %dma_start3A_1056] : memref<125000x8x64xf32, #tpu.memory_space<hbm>> -> memref<1x8x64xf32, #tpu.memory_space<hbm>>
      %dma_start3A_1058 = tpu.memref_squeeze %dma_start3A_1057 : memref<1x8x64xf32, #tpu.memory_space<hbm>> -> memref<8x64xf32, #tpu.memory_space<hbm>>
      tpu.enqueue_dma source(%dma_start3A_1058 : memref<8x64xf32, #tpu.memory_space<hbm>>) target(%dma_start3A_1054 : memref<8x64xf32, #tpu.memory_space<vmem>>) target_semaphore(%arg14 : memref<!tpu.dma_semaphore, #tpu.memory_space<semaphore_mem>>)
      %slice3A_1059 = vector.extract_strided_slice %shift_right_arithmetic3A_678 {offsets = [9], sizes = [1], strides = [1]} : vector<16xi32> to vector<1xi32>
      %squeeze3A_1060 = vector.extract %slice3A_1059[0] : i32 from vector<1xi32>
      %dma_start3A_1061 = arith.constant 1 : i32
      %dma_start3A_1062 = arith.constant 9 : i32
      %dma_start3A_1063 = arith.constant 0 : i32
      %dma_start3A_1064 = arith.constant 0 : i32
      %dma_start3A_1065 = tpu.memref_slice %arg10[%dma_start3A_1061, %dma_start3A_1062, %dma_start3A_1063, %dma_start3A_1064] : memref<2x16x8x64xf32, #tpu.memory_space<vmem>> -> memref<1x1x8x64xf32, #tpu.memory_space<vmem>>
      %dma_start3A_1066 = tpu.memref_squeeze %dma_start3A_1065 : memref<1x1x8x64xf32, #tpu.memory_space<vmem>> -> memref<8x64xf32, #tpu.memory_space<vmem>>
      %dma_start3A_1067 = arith.constant 0 : i32
      %dma_start3A_1068 = arith.constant 0 : i32
      %dma_start3A_1069 = tpu.memref_slice %arg4[%squeeze3A_1060, %dma_start3A_1067, %dma_start3A_1068] : memref<125000x8x64xf32, #tpu.memory_space<hbm>> -> memref<1x8x64xf32, #tpu.memory_space<hbm>>
      %dma_start3A_1070 = tpu.memref_squeeze %dma_start3A_1069 : memref<1x8x64xf32, #tpu.memory_space<hbm>> -> memref<8x64xf32, #tpu.memory_space<hbm>>
      %dma_start3A_1071 = arith.constant 0 : i32
      %dma_start3A_1072 = arith.constant 0 : i32
      %dma_start3A_1073 = tpu.memref_slice %arg10[%dma_start3A_1061, %dma_start3A_1062, %dma_start3A_1071, %dma_start3A_1072] : memref<2x16x8x64xf32, #tpu.memory_space<vmem>> -> memref<1x1x8x64xf32, #tpu.memory_space<vmem>>
      %dma_start3A_1074 = tpu.memref_squeeze %dma_start3A_1073 : memref<1x1x8x64xf32, #tpu.memory_space<vmem>> -> memref<8x64xf32, #tpu.memory_space<vmem>>
      %dma_start3A_1075 = arith.constant 0 : i32
      %dma_start3A_1076 = arith.constant 0 : i32
      %dma_start3A_1077 = tpu.memref_slice %arg4[%squeeze3A_1060, %dma_start3A_1075, %dma_start3A_1076] : memref<125000x8x64xf32, #tpu.memory_space<hbm>> -> memref<1x8x64xf32, #tpu.memory_space<hbm>>
      %dma_start3A_1078 = tpu.memref_squeeze %dma_start3A_1077 : memref<1x8x64xf32, #tpu.memory_space<hbm>> -> memref<8x64xf32, #tpu.memory_space<hbm>>
      tpu.enqueue_dma source(%dma_start3A_1078 : memref<8x64xf32, #tpu.memory_space<hbm>>) target(%dma_start3A_1074 : memref<8x64xf32, #tpu.memory_space<vmem>>) target_semaphore(%arg14 : memref<!tpu.dma_semaphore, #tpu.memory_space<semaphore_mem>>)
      %slice3A_1079 = vector.extract_strided_slice %shift_right_arithmetic3A_669 {offsets = [10], sizes = [1], strides = [1]} : vector<16xi32> to vector<1xi32>
      %squeeze3A_1080 = vector.extract %slice3A_1079[0] : i32 from vector<1xi32>
      %dma_start3A_1081 = arith.constant 1 : i32
      %dma_start3A_1082 = arith.constant 10 : i32
      %dma_start3A_1083 = arith.constant 0 : i32
      %dma_start3A_1084 = arith.constant 0 : i32
      %dma_start3A_1085 = tpu.memref_slice %arg9[%dma_start3A_1081, %dma_start3A_1082, %dma_start3A_1083, %dma_start3A_1084] : memref<2x16x8x64xf32, #tpu.memory_space<vmem>> -> memref<1x1x8x64xf32, #tpu.memory_space<vmem>>
      %dma_start3A_1086 = tpu.memref_squeeze %dma_start3A_1085 : memref<1x1x8x64xf32, #tpu.memory_space<vmem>> -> memref<8x64xf32, #tpu.memory_space<vmem>>
      %dma_start3A_1087 = arith.constant 0 : i32
      %dma_start3A_1088 = arith.constant 0 : i32
      %dma_start3A_1089 = tpu.memref_slice %arg5[%squeeze3A_1080, %dma_start3A_1087, %dma_start3A_1088] : memref<125000x8x64xf32, #tpu.memory_space<hbm>> -> memref<1x8x64xf32, #tpu.memory_space<hbm>>
      %dma_start3A_1090 = tpu.memref_squeeze %dma_start3A_1089 : memref<1x8x64xf32, #tpu.memory_space<hbm>> -> memref<8x64xf32, #tpu.memory_space<hbm>>
      %dma_start3A_1091 = arith.constant 0 : i32
      %dma_start3A_1092 = arith.constant 0 : i32
      %dma_start3A_1093 = tpu.memref_slice %arg9[%dma_start3A_1081, %dma_start3A_1082, %dma_start3A_1091, %dma_start3A_1092] : memref<2x16x8x64xf32, #tpu.memory_space<vmem>> -> memref<1x1x8x64xf32, #tpu.memory_space<vmem>>
      %dma_start3A_1094 = tpu.memref_squeeze %dma_start3A_1093 : memref<1x1x8x64xf32, #tpu.memory_space<vmem>> -> memref<8x64xf32, #tpu.memory_space<vmem>>
      %dma_start3A_1095 = arith.constant 0 : i32
      %dma_start3A_1096 = arith.constant 0 : i32
      %dma_start3A_1097 = tpu.memref_slice %arg5[%squeeze3A_1080, %dma_start3A_1095, %dma_start3A_1096] : memref<125000x8x64xf32, #tpu.memory_space<hbm>> -> memref<1x8x64xf32, #tpu.memory_space<hbm>>
      %dma_start3A_1098 = tpu.memref_squeeze %dma_start3A_1097 : memref<1x8x64xf32, #tpu.memory_space<hbm>> -> memref<8x64xf32, #tpu.memory_space<hbm>>
      tpu.enqueue_dma source(%dma_start3A_1098 : memref<8x64xf32, #tpu.memory_space<hbm>>) target(%dma_start3A_1094 : memref<8x64xf32, #tpu.memory_space<vmem>>) target_semaphore(%arg14 : memref<!tpu.dma_semaphore, #tpu.memory_space<semaphore_mem>>)
      %slice3A_1099 = vector.extract_strided_slice %shift_right_arithmetic3A_678 {offsets = [10], sizes = [1], strides = [1]} : vector<16xi32> to vector<1xi32>
      %squeeze3A_1100 = vector.extract %slice3A_1099[0] : i32 from vector<1xi32>
      %dma_start3A_1101 = arith.constant 1 : i32
      %dma_start3A_1102 = arith.constant 10 : i32
      %dma_start3A_1103 = arith.constant 0 : i32
      %dma_start3A_1104 = arith.constant 0 : i32
      %dma_start3A_1105 = tpu.memref_slice %arg10[%dma_start3A_1101, %dma_start3A_1102, %dma_start3A_1103, %dma_start3A_1104] : memref<2x16x8x64xf32, #tpu.memory_space<vmem>> -> memref<1x1x8x64xf32, #tpu.memory_space<vmem>>
      %dma_start3A_1106 = tpu.memref_squeeze %dma_start3A_1105 : memref<1x1x8x64xf32, #tpu.memory_space<vmem>> -> memref<8x64xf32, #tpu.memory_space<vmem>>
      %dma_start3A_1107 = arith.constant 0 : i32
      %dma_start3A_1108 = arith.constant 0 : i32
      %dma_start3A_1109 = tpu.memref_slice %arg4[%squeeze3A_1100, %dma_start3A_1107, %dma_start3A_1108] : memref<125000x8x64xf32, #tpu.memory_space<hbm>> -> memref<1x8x64xf32, #tpu.memory_space<hbm>>
      %dma_start3A_1110 = tpu.memref_squeeze %dma_start3A_1109 : memref<1x8x64xf32, #tpu.memory_space<hbm>> -> memref<8x64xf32, #tpu.memory_space<hbm>>
      %dma_start3A_1111 = arith.constant 0 : i32
      %dma_start3A_1112 = arith.constant 0 : i32
      %dma_start3A_1113 = tpu.memref_slice %arg10[%dma_start3A_1101, %dma_start3A_1102, %dma_start3A_1111, %dma_start3A_1112] : memref<2x16x8x64xf32, #tpu.memory_space<vmem>> -> memref<1x1x8x64xf32, #tpu.memory_space<vmem>>
      %dma_start3A_1114 = tpu.memref_squeeze %dma_start3A_1113 : memref<1x1x8x64xf32, #tpu.memory_space<vmem>> -> memref<8x64xf32, #tpu.memory_space<vmem>>
      %dma_start3A_1115 = arith.constant 0 : i32
      %dma_start3A_1116 = arith.constant 0 : i32
      %dma_start3A_1117 = tpu.memref_slice %arg4[%squeeze3A_1100, %dma_start3A_1115, %dma_start3A_1116] : memref<125000x8x64xf32, #tpu.memory_space<hbm>> -> memref<1x8x64xf32, #tpu.memory_space<hbm>>
      %dma_start3A_1118 = tpu.memref_squeeze %dma_start3A_1117 : memref<1x8x64xf32, #tpu.memory_space<hbm>> -> memref<8x64xf32, #tpu.memory_space<hbm>>
      tpu.enqueue_dma source(%dma_start3A_1118 : memref<8x64xf32, #tpu.memory_space<hbm>>) target(%dma_start3A_1114 : memref<8x64xf32, #tpu.memory_space<vmem>>) target_semaphore(%arg14 : memref<!tpu.dma_semaphore, #tpu.memory_space<semaphore_mem>>)
      %slice3A_1119 = vector.extract_strided_slice %shift_right_arithmetic3A_669 {offsets = [11], sizes = [1], strides = [1]} : vector<16xi32> to vector<1xi32>
      %squeeze3A_1120 = vector.extract %slice3A_1119[0] : i32 from vector<1xi32>
      %dma_start3A_1121 = arith.constant 1 : i32
      %dma_start3A_1122 = arith.constant 11 : i32
      %dma_start3A_1123 = arith.constant 0 : i32
      %dma_start3A_1124 = arith.constant 0 : i32
      %dma_start3A_1125 = tpu.memref_slice %arg9[%dma_start3A_1121, %dma_start3A_1122, %dma_start3A_1123, %dma_start3A_1124] : memref<2x16x8x64xf32, #tpu.memory_space<vmem>> -> memref<1x1x8x64xf32, #tpu.memory_space<vmem>>
      %dma_start3A_1126 = tpu.memref_squeeze %dma_start3A_1125 : memref<1x1x8x64xf32, #tpu.memory_space<vmem>> -> memref<8x64xf32, #tpu.memory_space<vmem>>
      %dma_start3A_1127 = arith.constant 0 : i32
      %dma_start3A_1128 = arith.constant 0 : i32
      %dma_start3A_1129 = tpu.memref_slice %arg5[%squeeze3A_1120, %dma_start3A_1127, %dma_start3A_1128] : memref<125000x8x64xf32, #tpu.memory_space<hbm>> -> memref<1x8x64xf32, #tpu.memory_space<hbm>>
      %dma_start3A_1130 = tpu.memref_squeeze %dma_start3A_1129 : memref<1x8x64xf32, #tpu.memory_space<hbm>> -> memref<8x64xf32, #tpu.memory_space<hbm>>
      %dma_start3A_1131 = arith.constant 0 : i32
      %dma_start3A_1132 = arith.constant 0 : i32
      %dma_start3A_1133 = tpu.memref_slice %arg9[%dma_start3A_1121, %dma_start3A_1122, %dma_start3A_1131, %dma_start3A_1132] : memref<2x16x8x64xf32, #tpu.memory_space<vmem>> -> memref<1x1x8x64xf32, #tpu.memory_space<vmem>>
      %dma_start3A_1134 = tpu.memref_squeeze %dma_start3A_1133 : memref<1x1x8x64xf32, #tpu.memory_space<vmem>> -> memref<8x64xf32, #tpu.memory_space<vmem>>
      %dma_start3A_1135 = arith.constant 0 : i32
      %dma_start3A_1136 = arith.constant 0 : i32
      %dma_start3A_1137 = tpu.memref_slice %arg5[%squeeze3A_1120, %dma_start3A_1135, %dma_start3A_1136] : memref<125000x8x64xf32, #tpu.memory_space<hbm>> -> memref<1x8x64xf32, #tpu.memory_space<hbm>>
      %dma_start3A_1138 = tpu.memref_squeeze %dma_start3A_1137 : memref<1x8x64xf32, #tpu.memory_space<hbm>> -> memref<8x64xf32, #tpu.memory_space<hbm>>
      tpu.enqueue_dma source(%dma_start3A_1138 : memref<8x64xf32, #tpu.memory_space<hbm>>) target(%dma_start3A_1134 : memref<8x64xf32, #tpu.memory_space<vmem>>) target_semaphore(%arg14 : memref<!tpu.dma_semaphore, #tpu.memory_space<semaphore_mem>>)
      %slice3A_1139 = vector.extract_strided_slice %shift_right_arithmetic3A_678 {offsets = [11], sizes = [1], strides = [1]} : vector<16xi32> to vector<1xi32>
      %squeeze3A_1140 = vector.extract %slice3A_1139[0] : i32 from vector<1xi32>
      %dma_start3A_1141 = arith.constant 1 : i32
      %dma_start3A_1142 = arith.constant 11 : i32
      %dma_start3A_1143 = arith.constant 0 : i32
      %dma_start3A_1144 = arith.constant 0 : i32
      %dma_start3A_1145 = tpu.memref_slice %arg10[%dma_start3A_1141, %dma_start3A_1142, %dma_start3A_1143, %dma_start3A_1144] : memref<2x16x8x64xf32, #tpu.memory_space<vmem>> -> memref<1x1x8x64xf32, #tpu.memory_space<vmem>>
      %dma_start3A_1146 = tpu.memref_squeeze %dma_start3A_1145 : memref<1x1x8x64xf32, #tpu.memory_space<vmem>> -> memref<8x64xf32, #tpu.memory_space<vmem>>
      %dma_start3A_1147 = arith.constant 0 : i32
      %dma_start3A_1148 = arith.constant 0 : i32
      %dma_start3A_1149 = tpu.memref_slice %arg4[%squeeze3A_1140, %dma_start3A_1147, %dma_start3A_1148] : memref<125000x8x64xf32, #tpu.memory_space<hbm>> -> memref<1x8x64xf32, #tpu.memory_space<hbm>>
      %dma_start3A_1150 = tpu.memref_squeeze %dma_start3A_1149 : memref<1x8x64xf32, #tpu.memory_space<hbm>> -> memref<8x64xf32, #tpu.memory_space<hbm>>
      %dma_start3A_1151 = arith.constant 0 : i32
      %dma_start3A_1152 = arith.constant 0 : i32
      %dma_start3A_1153 = tpu.memref_slice %arg10[%dma_start3A_1141, %dma_start3A_1142, %dma_start3A_1151, %dma_start3A_1152] : memref<2x16x8x64xf32, #tpu.memory_space<vmem>> -> memref<1x1x8x64xf32, #tpu.memory_space<vmem>>
      %dma_start3A_1154 = tpu.memref_squeeze %dma_start3A_1153 : memref<1x1x8x64xf32, #tpu.memory_space<vmem>> -> memref<8x64xf32, #tpu.memory_space<vmem>>
      %dma_start3A_1155 = arith.constant 0 : i32
      %dma_start3A_1156 = arith.constant 0 : i32
      %dma_start3A_1157 = tpu.memref_slice %arg4[%squeeze3A_1140, %dma_start3A_1155, %dma_start3A_1156] : memref<125000x8x64xf32, #tpu.memory_space<hbm>> -> memref<1x8x64xf32, #tpu.memory_space<hbm>>
      %dma_start3A_1158 = tpu.memref_squeeze %dma_start3A_1157 : memref<1x8x64xf32, #tpu.memory_space<hbm>> -> memref<8x64xf32, #tpu.memory_space<hbm>>
      tpu.enqueue_dma source(%dma_start3A_1158 : memref<8x64xf32, #tpu.memory_space<hbm>>) target(%dma_start3A_1154 : memref<8x64xf32, #tpu.memory_space<vmem>>) target_semaphore(%arg14 : memref<!tpu.dma_semaphore, #tpu.memory_space<semaphore_mem>>)
      %slice3A_1159 = vector.extract_strided_slice %shift_right_arithmetic3A_669 {offsets = [12], sizes = [1], strides = [1]} : vector<16xi32> to vector<1xi32>
      %squeeze3A_1160 = vector.extract %slice3A_1159[0] : i32 from vector<1xi32>
      %dma_start3A_1161 = arith.constant 1 : i32
      %dma_start3A_1162 = arith.constant 12 : i32
      %dma_start3A_1163 = arith.constant 0 : i32
      %dma_start3A_1164 = arith.constant 0 : i32
      %dma_start3A_1165 = tpu.memref_slice %arg9[%dma_start3A_1161, %dma_start3A_1162, %dma_start3A_1163, %dma_start3A_1164] : memref<2x16x8x64xf32, #tpu.memory_space<vmem>> -> memref<1x1x8x64xf32, #tpu.memory_space<vmem>>
      %dma_start3A_1166 = tpu.memref_squeeze %dma_start3A_1165 : memref<1x1x8x64xf32, #tpu.memory_space<vmem>> -> memref<8x64xf32, #tpu.memory_space<vmem>>
      %dma_start3A_1167 = arith.constant 0 : i32
      %dma_start3A_1168 = arith.constant 0 : i32
      %dma_start3A_1169 = tpu.memref_slice %arg5[%squeeze3A_1160, %dma_start3A_1167, %dma_start3A_1168] : memref<125000x8x64xf32, #tpu.memory_space<hbm>> -> memref<1x8x64xf32, #tpu.memory_space<hbm>>
      %dma_start3A_1170 = tpu.memref_squeeze %dma_start3A_1169 : memref<1x8x64xf32, #tpu.memory_space<hbm>> -> memref<8x64xf32, #tpu.memory_space<hbm>>
      %dma_start3A_1171 = arith.constant 0 : i32
      %dma_start3A_1172 = arith.constant 0 : i32
      %dma_start3A_1173 = tpu.memref_slice %arg9[%dma_start3A_1161, %dma_start3A_1162, %dma_start3A_1171, %dma_start3A_1172] : memref<2x16x8x64xf32, #tpu.memory_space<vmem>> -> memref<1x1x8x64xf32, #tpu.memory_space<vmem>>
      %dma_start3A_1174 = tpu.memref_squeeze %dma_start3A_1173 : memref<1x1x8x64xf32, #tpu.memory_space<vmem>> -> memref<8x64xf32, #tpu.memory_space<vmem>>
      %dma_start3A_1175 = arith.constant 0 : i32
      %dma_start3A_1176 = arith.constant 0 : i32
      %dma_start3A_1177 = tpu.memref_slice %arg5[%squeeze3A_1160, %dma_start3A_1175, %dma_start3A_1176] : memref<125000x8x64xf32, #tpu.memory_space<hbm>> -> memref<1x8x64xf32, #tpu.memory_space<hbm>>
      %dma_start3A_1178 = tpu.memref_squeeze %dma_start3A_1177 : memref<1x8x64xf32, #tpu.memory_space<hbm>> -> memref<8x64xf32, #tpu.memory_space<hbm>>
      tpu.enqueue_dma source(%dma_start3A_1178 : memref<8x64xf32, #tpu.memory_space<hbm>>) target(%dma_start3A_1174 : memref<8x64xf32, #tpu.memory_space<vmem>>) target_semaphore(%arg14 : memref<!tpu.dma_semaphore, #tpu.memory_space<semaphore_mem>>)
      %slice3A_1179 = vector.extract_strided_slice %shift_right_arithmetic3A_678 {offsets = [12], sizes = [1], strides = [1]} : vector<16xi32> to vector<1xi32>
      %squeeze3A_1180 = vector.extract %slice3A_1179[0] : i32 from vector<1xi32>
      %dma_start3A_1181 = arith.constant 1 : i32
      %dma_start3A_1182 = arith.constant 12 : i32
      %dma_start3A_1183 = arith.constant 0 : i32
      %dma_start3A_1184 = arith.constant 0 : i32
      %dma_start3A_1185 = tpu.memref_slice %arg10[%dma_start3A_1181, %dma_start3A_1182, %dma_start3A_1183, %dma_start3A_1184] : memref<2x16x8x64xf32, #tpu.memory_space<vmem>> -> memref<1x1x8x64xf32, #tpu.memory_space<vmem>>
      %dma_start3A_1186 = tpu.memref_squeeze %dma_start3A_1185 : memref<1x1x8x64xf32, #tpu.memory_space<vmem>> -> memref<8x64xf32, #tpu.memory_space<vmem>>
      %dma_start3A_1187 = arith.constant 0 : i32
      %dma_start3A_1188 = arith.constant 0 : i32
      %dma_start3A_1189 = tpu.memref_slice %arg4[%squeeze3A_1180, %dma_start3A_1187, %dma_start3A_1188] : memref<125000x8x64xf32, #tpu.memory_space<hbm>> -> memref<1x8x64xf32, #tpu.memory_space<hbm>>
      %dma_start3A_1190 = tpu.memref_squeeze %dma_start3A_1189 : memref<1x8x64xf32, #tpu.memory_space<hbm>> -> memref<8x64xf32, #tpu.memory_space<hbm>>
      %dma_start3A_1191 = arith.constant 0 : i32
      %dma_start3A_1192 = arith.constant 0 : i32
      %dma_start3A_1193 = tpu.memref_slice %arg10[%dma_start3A_1181, %dma_start3A_1182, %dma_start3A_1191, %dma_start3A_1192] : memref<2x16x8x64xf32, #tpu.memory_space<vmem>> -> memref<1x1x8x64xf32, #tpu.memory_space<vmem>>
      %dma_start3A_1194 = tpu.memref_squeeze %dma_start3A_1193 : memref<1x1x8x64xf32, #tpu.memory_space<vmem>> -> memref<8x64xf32, #tpu.memory_space<vmem>>
      %dma_start3A_1195 = arith.constant 0 : i32
      %dma_start3A_1196 = arith.constant 0 : i32
      %dma_start3A_1197 = tpu.memref_slice %arg4[%squeeze3A_1180, %dma_start3A_1195, %dma_start3A_1196] : memref<125000x8x64xf32, #tpu.memory_space<hbm>> -> memref<1x8x64xf32, #tpu.memory_space<hbm>>
      %dma_start3A_1198 = tpu.memref_squeeze %dma_start3A_1197 : memref<1x8x64xf32, #tpu.memory_space<hbm>> -> memref<8x64xf32, #tpu.memory_space<hbm>>
      tpu.enqueue_dma source(%dma_start3A_1198 : memref<8x64xf32, #tpu.memory_space<hbm>>) target(%dma_start3A_1194 : memref<8x64xf32, #tpu.memory_space<vmem>>) target_semaphore(%arg14 : memref<!tpu.dma_semaphore, #tpu.memory_space<semaphore_mem>>)
      %slice3A_1199 = vector.extract_strided_slice %shift_right_arithmetic3A_669 {offsets = [13], sizes = [1], strides = [1]} : vector<16xi32> to vector<1xi32>
      %squeeze3A_1200 = vector.extract %slice3A_1199[0] : i32 from vector<1xi32>
      %dma_start3A_1201 = arith.constant 1 : i32
      %dma_start3A_1202 = arith.constant 13 : i32
      %dma_start3A_1203 = arith.constant 0 : i32
      %dma_start3A_1204 = arith.constant 0 : i32
      %dma_start3A_1205 = tpu.memref_slice %arg9[%dma_start3A_1201, %dma_start3A_1202, %dma_start3A_1203, %dma_start3A_1204] : memref<2x16x8x64xf32, #tpu.memory_space<vmem>> -> memref<1x1x8x64xf32, #tpu.memory_space<vmem>>
      %dma_start3A_1206 = tpu.memref_squeeze %dma_start3A_1205 : memref<1x1x8x64xf32, #tpu.memory_space<vmem>> -> memref<8x64xf32, #tpu.memory_space<vmem>>
      %dma_start3A_1207 = arith.constant 0 : i32
      %dma_start3A_1208 = arith.constant 0 : i32
      %dma_start3A_1209 = tpu.memref_slice %arg5[%squeeze3A_1200, %dma_start3A_1207, %dma_start3A_1208] : memref<125000x8x64xf32, #tpu.memory_space<hbm>> -> memref<1x8x64xf32, #tpu.memory_space<hbm>>
      %dma_start3A_1210 = tpu.memref_squeeze %dma_start3A_1209 : memref<1x8x64xf32, #tpu.memory_space<hbm>> -> memref<8x64xf32, #tpu.memory_space<hbm>>
      %dma_start3A_1211 = arith.constant 0 : i32
      %dma_start3A_1212 = arith.constant 0 : i32
      %dma_start3A_1213 = tpu.memref_slice %arg9[%dma_start3A_1201, %dma_start3A_1202, %dma_start3A_1211, %dma_start3A_1212] : memref<2x16x8x64xf32, #tpu.memory_space<vmem>> -> memref<1x1x8x64xf32, #tpu.memory_space<vmem>>
      %dma_start3A_1214 = tpu.memref_squeeze %dma_start3A_1213 : memref<1x1x8x64xf32, #tpu.memory_space<vmem>> -> memref<8x64xf32, #tpu.memory_space<vmem>>
      %dma_start3A_1215 = arith.constant 0 : i32
      %dma_start3A_1216 = arith.constant 0 : i32
      %dma_start3A_1217 = tpu.memref_slice %arg5[%squeeze3A_1200, %dma_start3A_1215, %dma_start3A_1216] : memref<125000x8x64xf32, #tpu.memory_space<hbm>> -> memref<1x8x64xf32, #tpu.memory_space<hbm>>
      %dma_start3A_1218 = tpu.memref_squeeze %dma_start3A_1217 : memref<1x8x64xf32, #tpu.memory_space<hbm>> -> memref<8x64xf32, #tpu.memory_space<hbm>>
      tpu.enqueue_dma source(%dma_start3A_1218 : memref<8x64xf32, #tpu.memory_space<hbm>>) target(%dma_start3A_1214 : memref<8x64xf32, #tpu.memory_space<vmem>>) target_semaphore(%arg14 : memref<!tpu.dma_semaphore, #tpu.memory_space<semaphore_mem>>)
      %slice3A_1219 = vector.extract_strided_slice %shift_right_arithmetic3A_678 {offsets = [13], sizes = [1], strides = [1]} : vector<16xi32> to vector<1xi32>
      %squeeze3A_1220 = vector.extract %slice3A_1219[0] : i32 from vector<1xi32>
      %dma_start3A_1221 = arith.constant 1 : i32
      %dma_start3A_1222 = arith.constant 13 : i32
      %dma_start3A_1223 = arith.constant 0 : i32
      %dma_start3A_1224 = arith.constant 0 : i32
      %dma_start3A_1225 = tpu.memref_slice %arg10[%dma_start3A_1221, %dma_start3A_1222, %dma_start3A_1223, %dma_start3A_1224] : memref<2x16x8x64xf32, #tpu.memory_space<vmem>> -> memref<1x1x8x64xf32, #tpu.memory_space<vmem>>
      %dma_start3A_1226 = tpu.memref_squeeze %dma_start3A_1225 : memref<1x1x8x64xf32, #tpu.memory_space<vmem>> -> memref<8x64xf32, #tpu.memory_space<vmem>>
      %dma_start3A_1227 = arith.constant 0 : i32
      %dma_start3A_1228 = arith.constant 0 : i32
      %dma_start3A_1229 = tpu.memref_slice %arg4[%squeeze3A_1220, %dma_start3A_1227, %dma_start3A_1228] : memref<125000x8x64xf32, #tpu.memory_space<hbm>> -> memref<1x8x64xf32, #tpu.memory_space<hbm>>
      %dma_start3A_1230 = tpu.memref_squeeze %dma_start3A_1229 : memref<1x8x64xf32, #tpu.memory_space<hbm>> -> memref<8x64xf32, #tpu.memory_space<hbm>>
      %dma_start3A_1231 = arith.constant 0 : i32
      %dma_start3A_1232 = arith.constant 0 : i32
      %dma_start3A_1233 = tpu.memref_slice %arg10[%dma_start3A_1221, %dma_start3A_1222, %dma_start3A_1231, %dma_start3A_1232] : memref<2x16x8x64xf32, #tpu.memory_space<vmem>> -> memref<1x1x8x64xf32, #tpu.memory_space<vmem>>
      %dma_start3A_1234 = tpu.memref_squeeze %dma_start3A_1233 : memref<1x1x8x64xf32, #tpu.memory_space<vmem>> -> memref<8x64xf32, #tpu.memory_space<vmem>>
      %dma_start3A_1235 = arith.constant 0 : i32
      %dma_start3A_1236 = arith.constant 0 : i32
      %dma_start3A_1237 = tpu.memref_slice %arg4[%squeeze3A_1220, %dma_start3A_1235, %dma_start3A_1236] : memref<125000x8x64xf32, #tpu.memory_space<hbm>> -> memref<1x8x64xf32, #tpu.memory_space<hbm>>
      %dma_start3A_1238 = tpu.memref_squeeze %dma_start3A_1237 : memref<1x8x64xf32, #tpu.memory_space<hbm>> -> memref<8x64xf32, #tpu.memory_space<hbm>>
      tpu.enqueue_dma source(%dma_start3A_1238 : memref<8x64xf32, #tpu.memory_space<hbm>>) target(%dma_start3A_1234 : memref<8x64xf32, #tpu.memory_space<vmem>>) target_semaphore(%arg14 : memref<!tpu.dma_semaphore, #tpu.memory_space<semaphore_mem>>)
      %slice3A_1239 = vector.extract_strided_slice %shift_right_arithmetic3A_669 {offsets = [14], sizes = [1], strides = [1]} : vector<16xi32> to vector<1xi32>
      %squeeze3A_1240 = vector.extract %slice3A_1239[0] : i32 from vector<1xi32>
      %dma_start3A_1241 = arith.constant 1 : i32
      %dma_start3A_1242 = arith.constant 14 : i32
      %dma_start3A_1243 = arith.constant 0 : i32
      %dma_start3A_1244 = arith.constant 0 : i32
      %dma_start3A_1245 = tpu.memref_slice %arg9[%dma_start3A_1241, %dma_start3A_1242, %dma_start3A_1243, %dma_start3A_1244] : memref<2x16x8x64xf32, #tpu.memory_space<vmem>> -> memref<1x1x8x64xf32, #tpu.memory_space<vmem>>
      %dma_start3A_1246 = tpu.memref_squeeze %dma_start3A_1245 : memref<1x1x8x64xf32, #tpu.memory_space<vmem>> -> memref<8x64xf32, #tpu.memory_space<vmem>>
      %dma_start3A_1247 = arith.constant 0 : i32
      %dma_start3A_1248 = arith.constant 0 : i32
      %dma_start3A_1249 = tpu.memref_slice %arg5[%squeeze3A_1240, %dma_start3A_1247, %dma_start3A_1248] : memref<125000x8x64xf32, #tpu.memory_space<hbm>> -> memref<1x8x64xf32, #tpu.memory_space<hbm>>
      %dma_start3A_1250 = tpu.memref_squeeze %dma_start3A_1249 : memref<1x8x64xf32, #tpu.memory_space<hbm>> -> memref<8x64xf32, #tpu.memory_space<hbm>>
      %dma_start3A_1251 = arith.constant 0 : i32
      %dma_start3A_1252 = arith.constant 0 : i32
      %dma_start3A_1253 = tpu.memref_slice %arg9[%dma_start3A_1241, %dma_start3A_1242, %dma_start3A_1251, %dma_start3A_1252] : memref<2x16x8x64xf32, #tpu.memory_space<vmem>> -> memref<1x1x8x64xf32, #tpu.memory_space<vmem>>
      %dma_start3A_1254 = tpu.memref_squeeze %dma_start3A_1253 : memref<1x1x8x64xf32, #tpu.memory_space<vmem>> -> memref<8x64xf32, #tpu.memory_space<vmem>>
      %dma_start3A_1255 = arith.constant 0 : i32
      %dma_start3A_1256 = arith.constant 0 : i32
      %dma_start3A_1257 = tpu.memref_slice %arg5[%squeeze3A_1240, %dma_start3A_1255, %dma_start3A_1256] : memref<125000x8x64xf32, #tpu.memory_space<hbm>> -> memref<1x8x64xf32, #tpu.memory_space<hbm>>
      %dma_start3A_1258 = tpu.memref_squeeze %dma_start3A_1257 : memref<1x8x64xf32, #tpu.memory_space<hbm>> -> memref<8x64xf32, #tpu.memory_space<hbm>>
      tpu.enqueue_dma source(%dma_start3A_1258 : memref<8x64xf32, #tpu.memory_space<hbm>>) target(%dma_start3A_1254 : memref<8x64xf32, #tpu.memory_space<vmem>>) target_semaphore(%arg14 : memref<!tpu.dma_semaphore, #tpu.memory_space<semaphore_mem>>)
      %slice3A_1259 = vector.extract_strided_slice %shift_right_arithmetic3A_678 {offsets = [14], sizes = [1], strides = [1]} : vector<16xi32> to vector<1xi32>
      %squeeze3A_1260 = vector.extract %slice3A_1259[0] : i32 from vector<1xi32>
      %dma_start3A_1261 = arith.constant 1 : i32
      %dma_start3A_1262 = arith.constant 14 : i32
      %dma_start3A_1263 = arith.constant 0 : i32
      %dma_start3A_1264 = arith.constant 0 : i32
      %dma_start3A_1265 = tpu.memref_slice %arg10[%dma_start3A_1261, %dma_start3A_1262, %dma_start3A_1263, %dma_start3A_1264] : memref<2x16x8x64xf32, #tpu.memory_space<vmem>> -> memref<1x1x8x64xf32, #tpu.memory_space<vmem>>
      %dma_start3A_1266 = tpu.memref_squeeze %dma_start3A_1265 : memref<1x1x8x64xf32, #tpu.memory_space<vmem>> -> memref<8x64xf32, #tpu.memory_space<vmem>>
      %dma_start3A_1267 = arith.constant 0 : i32
      %dma_start3A_1268 = arith.constant 0 : i32
      %dma_start3A_1269 = tpu.memref_slice %arg4[%squeeze3A_1260, %dma_start3A_1267, %dma_start3A_1268] : memref<125000x8x64xf32, #tpu.memory_space<hbm>> -> memref<1x8x64xf32, #tpu.memory_space<hbm>>
      %dma_start3A_1270 = tpu.memref_squeeze %dma_start3A_1269 : memref<1x8x64xf32, #tpu.memory_space<hbm>> -> memref<8x64xf32, #tpu.memory_space<hbm>>
      %dma_start3A_1271 = arith.constant 0 : i32
      %dma_start3A_1272 = arith.constant 0 : i32
      %dma_start3A_1273 = tpu.memref_slice %arg10[%dma_start3A_1261, %dma_start3A_1262, %dma_start3A_1271, %dma_start3A_1272] : memref<2x16x8x64xf32, #tpu.memory_space<vmem>> -> memref<1x1x8x64xf32, #tpu.memory_space<vmem>>
      %dma_start3A_1274 = tpu.memref_squeeze %dma_start3A_1273 : memref<1x1x8x64xf32, #tpu.memory_space<vmem>> -> memref<8x64xf32, #tpu.memory_space<vmem>>
      %dma_start3A_1275 = arith.constant 0 : i32
      %dma_start3A_1276 = arith.constant 0 : i32
      %dma_start3A_1277 = tpu.memref_slice %arg4[%squeeze3A_1260, %dma_start3A_1275, %dma_start3A_1276] : memref<125000x8x64xf32, #tpu.memory_space<hbm>> -> memref<1x8x64xf32, #tpu.memory_space<hbm>>
      %dma_start3A_1278 = tpu.memref_squeeze %dma_start3A_1277 : memref<1x8x64xf32, #tpu.memory_space<hbm>> -> memref<8x64xf32, #tpu.memory_space<hbm>>
      tpu.enqueue_dma source(%dma_start3A_1278 : memref<8x64xf32, #tpu.memory_space<hbm>>) target(%dma_start3A_1274 : memref<8x64xf32, #tpu.memory_space<vmem>>) target_semaphore(%arg14 : memref<!tpu.dma_semaphore, #tpu.memory_space<semaphore_mem>>)
      %slice3A_1279 = vector.extract_strided_slice %shift_right_arithmetic3A_669 {offsets = [15], sizes = [1], strides = [1]} : vector<16xi32> to vector<1xi32>
      %squeeze3A_1280 = vector.extract %slice3A_1279[0] : i32 from vector<1xi32>
      %dma_start3A_1281 = arith.constant 1 : i32
      %dma_start3A_1282 = arith.constant 15 : i32
      %dma_start3A_1283 = arith.constant 0 : i32
      %dma_start3A_1284 = arith.constant 0 : i32
      %dma_start3A_1285 = tpu.memref_slice %arg9[%dma_start3A_1281, %dma_start3A_1282, %dma_start3A_1283, %dma_start3A_1284] : memref<2x16x8x64xf32, #tpu.memory_space<vmem>> -> memref<1x1x8x64xf32, #tpu.memory_space<vmem>>
      %dma_start3A_1286 = tpu.memref_squeeze %dma_start3A_1285 : memref<1x1x8x64xf32, #tpu.memory_space<vmem>> -> memref<8x64xf32, #tpu.memory_space<vmem>>
      %dma_start3A_1287 = arith.constant 0 : i32
      %dma_start3A_1288 = arith.constant 0 : i32
      %dma_start3A_1289 = tpu.memref_slice %arg5[%squeeze3A_1280, %dma_start3A_1287, %dma_start3A_1288] : memref<125000x8x64xf32, #tpu.memory_space<hbm>> -> memref<1x8x64xf32, #tpu.memory_space<hbm>>
      %dma_start3A_1290 = tpu.memref_squeeze %dma_start3A_1289 : memref<1x8x64xf32, #tpu.memory_space<hbm>> -> memref<8x64xf32, #tpu.memory_space<hbm>>
      %dma_start3A_1291 = arith.constant 0 : i32
      %dma_start3A_1292 = arith.constant 0 : i32
      %dma_start3A_1293 = tpu.memref_slice %arg9[%dma_start3A_1281, %dma_start3A_1282, %dma_start3A_1291, %dma_start3A_1292] : memref<2x16x8x64xf32, #tpu.memory_space<vmem>> -> memref<1x1x8x64xf32, #tpu.memory_space<vmem>>
      %dma_start3A_1294 = tpu.memref_squeeze %dma_start3A_1293 : memref<1x1x8x64xf32, #tpu.memory_space<vmem>> -> memref<8x64xf32, #tpu.memory_space<vmem>>
      %dma_start3A_1295 = arith.constant 0 : i32
      %dma_start3A_1296 = arith.constant 0 : i32
      %dma_start3A_1297 = tpu.memref_slice %arg5[%squeeze3A_1280, %dma_start3A_1295, %dma_start3A_1296] : memref<125000x8x64xf32, #tpu.memory_space<hbm>> -> memref<1x8x64xf32, #tpu.memory_space<hbm>>
      %dma_start3A_1298 = tpu.memref_squeeze %dma_start3A_1297 : memref<1x8x64xf32, #tpu.memory_space<hbm>> -> memref<8x64xf32, #tpu.memory_space<hbm>>
      tpu.enqueue_dma source(%dma_start3A_1298 : memref<8x64xf32, #tpu.memory_space<hbm>>) target(%dma_start3A_1294 : memref<8x64xf32, #tpu.memory_space<vmem>>) target_semaphore(%arg14 : memref<!tpu.dma_semaphore, #tpu.memory_space<semaphore_mem>>)
      %slice3A_1299 = vector.extract_strided_slice %shift_right_arithmetic3A_678 {offsets = [15], sizes = [1], strides = [1]} : vector<16xi32> to vector<1xi32>
      %squeeze3A_1300 = vector.extract %slice3A_1299[0] : i32 from vector<1xi32>
      %dma_start3A_1301 = arith.constant 1 : i32
      %dma_start3A_1302 = arith.constant 15 : i32
      %dma_start3A_1303 = arith.constant 0 : i32
      %dma_start3A_1304 = arith.constant 0 : i32
      %dma_start3A_1305 = tpu.memref_slice %arg10[%dma_start3A_1301, %dma_start3A_1302, %dma_start3A_1303, %dma_start3A_1304] : memref<2x16x8x64xf32, #tpu.memory_space<vmem>> -> memref<1x1x8x64xf32, #tpu.memory_space<vmem>>
      %dma_start3A_1306 = tpu.memref_squeeze %dma_start3A_1305 : memref<1x1x8x64xf32, #tpu.memory_space<vmem>> -> memref<8x64xf32, #tpu.memory_space<vmem>>
      %dma_start3A_1307 = arith.constant 0 : i32
      %dma_start3A_1308 = arith.constant 0 : i32
      %dma_start3A_1309 = tpu.memref_slice %arg4[%squeeze3A_1300, %dma_start3A_1307, %dma_start3A_1308] : memref<125000x8x64xf32, #tpu.memory_space<hbm>> -> memref<1x8x64xf32, #tpu.memory_space<hbm>>
      %dma_start3A_1310 = tpu.memref_squeeze %dma_start3A_1309 : memref<1x8x64xf32, #tpu.memory_space<hbm>> -> memref<8x64xf32, #tpu.memory_space<hbm>>
      %dma_start3A_1311 = arith.constant 0 : i32
      %dma_start3A_1312 = arith.constant 0 : i32
      %dma_start3A_1313 = tpu.memref_slice %arg10[%dma_start3A_1301, %dma_start3A_1302, %dma_start3A_1311, %dma_start3A_1312] : memref<2x16x8x64xf32, #tpu.memory_space<vmem>> -> memref<1x1x8x64xf32, #tpu.memory_space<vmem>>
      %dma_start3A_1314 = tpu.memref_squeeze %dma_start3A_1313 : memref<1x1x8x64xf32, #tpu.memory_space<vmem>> -> memref<8x64xf32, #tpu.memory_space<vmem>>
      %dma_start3A_1315 = arith.constant 0 : i32
      %dma_start3A_1316 = arith.constant 0 : i32
      %dma_start3A_1317 = tpu.memref_slice %arg4[%squeeze3A_1300, %dma_start3A_1315, %dma_start3A_1316] : memref<125000x8x64xf32, #tpu.memory_space<hbm>> -> memref<1x8x64xf32, #tpu.memory_space<hbm>>
      %dma_start3A_1318 = tpu.memref_squeeze %dma_start3A_1317 : memref<1x8x64xf32, #tpu.memory_space<hbm>> -> memref<8x64xf32, #tpu.memory_space<hbm>>
      tpu.enqueue_dma source(%dma_start3A_1318 : memref<8x64xf32, #tpu.memory_space<hbm>>) target(%dma_start3A_1314 : memref<8x64xf32, #tpu.memory_space<vmem>>) target_semaphore(%arg14 : memref<!tpu.dma_semaphore, #tpu.memory_space<semaphore_mem>>)
      %dma_wait3A = arith.constant 0 : i32
      %dma_wait3A_1319 = arith.constant 0 : i32
      %dma_wait3A_1320 = arith.constant 0 : i32
      %dma_wait3A_1321 = arith.constant 0 : i32
      %dma_wait3A_1322 = tpu.memref_slice %arg9[%dma_wait3A, %dma_wait3A_1319, %dma_wait3A_1320, %dma_wait3A_1321] : memref<2x16x8x64xf32, #tpu.memory_space<vmem>> -> memref<1x16x8x64xf32, #tpu.memory_space<vmem>>
      %dma_wait3A_1323 = tpu.memref_squeeze %dma_wait3A_1322 : memref<1x16x8x64xf32, #tpu.memory_space<vmem>> -> memref<16x8x64xf32, #tpu.memory_space<vmem>>
      %dma_wait3A_1324 = arith.constant 0 : i32
      %dma_wait3A_1325 = arith.constant 0 : i32
      %dma_wait3A_1326 = arith.constant 0 : i32
      %dma_wait3A_1327 = tpu.memref_slice %arg5[%dma_wait3A_1324, %dma_wait3A_1325, %dma_wait3A_1326] : memref<125000x8x64xf32, #tpu.memory_space<hbm>> -> memref<16x8x64xf32, #tpu.memory_space<hbm>>
      %dma_wait3A_1328 = arith.constant 0 : i32
      %dma_wait3A_1329 = arith.constant 0 : i32
      %dma_wait3A_1330 = arith.constant 0 : i32
      %dma_wait3A_1331 = tpu.memref_slice %arg9[%dma_wait3A, %dma_wait3A_1328, %dma_wait3A_1329, %dma_wait3A_1330] : memref<2x16x8x64xf32, #tpu.memory_space<vmem>> -> memref<1x16x8x64xf32, #tpu.memory_space<vmem>>
      %dma_wait3A_1332 = tpu.memref_squeeze %dma_wait3A_1331 : memref<1x16x8x64xf32, #tpu.memory_space<vmem>> -> memref<16x8x64xf32, #tpu.memory_space<vmem>>
      %dma_wait3A_1333 = arith.constant 0 : i32
      %dma_wait3A_1334 = arith.constant 0 : i32
      %dma_wait3A_1335 = arith.constant 0 : i32
      %dma_wait3A_1336 = tpu.memref_slice %arg5[%dma_wait3A_1333, %dma_wait3A_1334, %dma_wait3A_1335] : memref<125000x8x64xf32, #tpu.memory_space<hbm>> -> memref<16x8x64xf32, #tpu.memory_space<hbm>>
      tpu.wait_dma2 semaphore(%arg13 : memref<!tpu.dma_semaphore, #tpu.memory_space<semaphore_mem>>) src(%dma_wait3A_1336 : memref<16x8x64xf32, #tpu.memory_space<hbm>>) dst(%dma_wait3A_1332 : memref<16x8x64xf32, #tpu.memory_space<vmem>>)
      %dma_wait3A_1337 = arith.constant 0 : i32
      %dma_wait3A_1338 = arith.constant 0 : i32
      %dma_wait3A_1339 = arith.constant 0 : i32
      %dma_wait3A_1340 = arith.constant 0 : i32
      %dma_wait3A_1341 = tpu.memref_slice %arg10[%dma_wait3A_1337, %dma_wait3A_1338, %dma_wait3A_1339, %dma_wait3A_1340] : memref<2x16x8x64xf32, #tpu.memory_space<vmem>> -> memref<1x16x8x64xf32, #tpu.memory_space<vmem>>
      %dma_wait3A_1342 = tpu.memref_squeeze %dma_wait3A_1341 : memref<1x16x8x64xf32, #tpu.memory_space<vmem>> -> memref<16x8x64xf32, #tpu.memory_space<vmem>>
      %dma_wait3A_1343 = arith.constant 0 : i32
      %dma_wait3A_1344 = arith.constant 0 : i32
      %dma_wait3A_1345 = arith.constant 0 : i32
      %dma_wait3A_1346 = tpu.memref_slice %arg4[%dma_wait3A_1343, %dma_wait3A_1344, %dma_wait3A_1345] : memref<125000x8x64xf32, #tpu.memory_space<hbm>> -> memref<16x8x64xf32, #tpu.memory_space<hbm>>
      %dma_wait3A_1347 = arith.constant 0 : i32
      %dma_wait3A_1348 = arith.constant 0 : i32
      %dma_wait3A_1349 = arith.constant 0 : i32
      %dma_wait3A_1350 = tpu.memref_slice %arg10[%dma_wait3A_1337, %dma_wait3A_1347, %dma_wait3A_1348, %dma_wait3A_1349] : memref<2x16x8x64xf32, #tpu.memory_space<vmem>> -> memref<1x16x8x64xf32, #tpu.memory_space<vmem>>
      %dma_wait3A_1351 = tpu.memref_squeeze %dma_wait3A_1350 : memref<1x16x8x64xf32, #tpu.memory_space<vmem>> -> memref<16x8x64xf32, #tpu.memory_space<vmem>>
      %dma_wait3A_1352 = arith.constant 0 : i32
      %dma_wait3A_1353 = arith.constant 0 : i32
      %dma_wait3A_1354 = arith.constant 0 : i32
      %dma_wait3A_1355 = tpu.memref_slice %arg4[%dma_wait3A_1352, %dma_wait3A_1353, %dma_wait3A_1354] : memref<125000x8x64xf32, #tpu.memory_space<hbm>> -> memref<16x8x64xf32, #tpu.memory_space<hbm>>
      tpu.wait_dma2 semaphore(%arg13 : memref<!tpu.dma_semaphore, #tpu.memory_space<semaphore_mem>>) src(%dma_wait3A_1355 : memref<16x8x64xf32, #tpu.memory_space<hbm>>) dst(%dma_wait3A_1351 : memref<16x8x64xf32, #tpu.memory_space<vmem>>)
      %mul3A_1356 = arith.constant 16 : i32
      %mul3A_1357 = arith.muli %mul3A_658, %mul3A_1356 : i32
      %add3A_1358 = arith.constant 0 : i32
      %add3A_1359 = arith.addi %mul3A_1357, %add3A_1358 : i32
      %get3A_1360 = arith.index_cast %add3A_1359 : i32 to index
      %get3A_1361 = tpu.vector_load %arg8[%get3A_1360] {strides = array<i32>} : memref<512xi32, #tpu.memory_space<vmem>>, vector<16xi32>,
      %and3A = arith.constant 7 : i32
      %and3A_1362 = vector.broadcast %and3A : i32 to vector<16xi32>
      %and3A_1363 = arith.andi %get3A_1361, %and3A_1362 : vector<16xi32>
      %get3A_1364 = arith.index_cast %add3A_1359 : i32 to index
      %get3A_1365 = tpu.vector_load %arg7[%get3A_1364] {strides = array<i32>} : memref<512xi32, #tpu.memory_space<vmem>>, vector<16xi32>,
      %and3A_1366 = arith.constant 7 : i32
      %and3A_1367 = vector.broadcast %and3A_1366 : i32 to vector<16xi32>
      %and3A_1368 = arith.andi %get3A_1365, %and3A_1367 : vector<16xi32>
      %slice3A_1369 = vector.extract_strided_slice %and3A_1363 {offsets = [0], sizes = [1], strides = [1]} : vector<16xi32> to vector<1xi32>
      %squeeze3A_1370 = vector.extract %slice3A_1369[0] : i32 from vector<1xi32>
      %slice3A_1371 = vector.extract_strided_slice %and3A_1368 {offsets = [0], sizes = [1], strides = [1]} : vector<16xi32> to vector<1xi32>
      %squeeze3A_1372 = vector.extract %slice3A_1371[0] : i32 from vector<1xi32>
      %get3A_1373 = arith.constant 0 : i32
      %get3A_1374 = arith.constant 0 : i32
      %get3A_1375 = arith.index_cast %get3A_1373 : i32 to index
      %get3A_1376 = arith.index_cast %get3A_1374 : i32 to index
      %get3A_1377 = arith.index_cast %squeeze3A_1370 : i32 to index
      %get3A_1378 = arith.constant 0 : index
      %get3A_1379 = tpu.vector_load %arg10[%get3A_1375, %get3A_1376, %get3A_1377, %get3A_1378] {strides = array<i32>} : memref<2x16x8x64xf32, #tpu.memory_space<vmem>>, vector<16xf32>,
      %get3A_1380 = arith.constant 0 : i32
      %get3A_1381 = arith.constant 0 : i32
      %get3A_1382 = arith.index_cast %get3A_1380 : i32 to index
      %get3A_1383 = arith.index_cast %get3A_1381 : i32 to index
      %get3A_1384 = arith.index_cast %squeeze3A_1372 : i32 to index
      %get3A_1385 = arith.constant 0 : index
      %get3A_1386 = tpu.vector_load %arg9[%get3A_1382, %get3A_1383, %get3A_1384, %get3A_1385] {strides = array<i32>} : memref<2x16x8x64xf32, #tpu.memory_space<vmem>>, vector<16xf32>,
      %mul3A_1387 = arith.mulf %get3A_1379, %get3A_1386 : vector<16xf32>
      %get3A_1388 = arith.constant 0 : i32
      %get3A_1389 = arith.constant 0 : i32
      %get3A_1390 = arith.index_cast %get3A_1388 : i32 to index
      %get3A_1391 = arith.index_cast %get3A_1389 : i32 to index
      %get3A_1392 = arith.index_cast %squeeze3A_1370 : i32 to index
      %get3A_1393 = arith.constant 16 : index
      %get3A_1394 = tpu.vector_load %arg10[%get3A_1390, %get3A_1391, %get3A_1392, %get3A_1393] {strides = array<i32>} : memref<2x16x8x64xf32, #tpu.memory_space<vmem>>, vector<16xf32>,
      %get3A_1395 = arith.constant 0 : i32
      %get3A_1396 = arith.constant 0 : i32
      %get3A_1397 = arith.index_cast %get3A_1395 : i32 to index
      %get3A_1398 = arith.index_cast %get3A_1396 : i32 to index
      %get3A_1399 = arith.index_cast %squeeze3A_1372 : i32 to index
      %get3A_1400 = arith.constant 16 : index
      %get3A_1401 = tpu.vector_load %arg9[%get3A_1397, %get3A_1398, %get3A_1399, %get3A_1400] {strides = array<i32>} : memref<2x16x8x64xf32, #tpu.memory_space<vmem>>, vector<16xf32>,
      %mul3A_1402 = arith.mulf %get3A_1394, %get3A_1401 : vector<16xf32>
      %get3A_1403 = arith.constant 0 : i32
      %get3A_1404 = arith.constant 0 : i32
      %get3A_1405 = arith.index_cast %get3A_1403 : i32 to index
      %get3A_1406 = arith.index_cast %get3A_1404 : i32 to index
      %get3A_1407 = arith.index_cast %squeeze3A_1370 : i32 to index
      %get3A_1408 = arith.constant 32 : index
      %get3A_1409 = tpu.vector_load %arg10[%get3A_1405, %get3A_1406, %get3A_1407, %get3A_1408] {strides = array<i32>} : memref<2x16x8x64xf32, #tpu.memory_space<vmem>>, vector<16xf32>,
      %get3A_1410 = arith.constant 0 : i32
      %get3A_1411 = arith.constant 0 : i32
      %get3A_1412 = arith.index_cast %get3A_1410 : i32 to index
      %get3A_1413 = arith.index_cast %get3A_1411 : i32 to index
      %get3A_1414 = arith.index_cast %squeeze3A_1372 : i32 to index
      %get3A_1415 = arith.constant 32 : index
      %get3A_1416 = tpu.vector_load %arg9[%get3A_1412, %get3A_1413, %get3A_1414, %get3A_1415] {strides = array<i32>} : memref<2x16x8x64xf32, #tpu.memory_space<vmem>>, vector<16xf32>,
      %mul3A_1417 = arith.mulf %get3A_1409, %get3A_1416 : vector<16xf32>
      %get3A_1418 = arith.constant 0 : i32
      %get3A_1419 = arith.constant 0 : i32
      %get3A_1420 = arith.index_cast %get3A_1418 : i32 to index
      %get3A_1421 = arith.index_cast %get3A_1419 : i32 to index
      %get3A_1422 = arith.index_cast %squeeze3A_1370 : i32 to index
      %get3A_1423 = arith.constant 48 : index
      %get3A_1424 = tpu.vector_load %arg10[%get3A_1420, %get3A_1421, %get3A_1422, %get3A_1423] {strides = array<i32>} : memref<2x16x8x64xf32, #tpu.memory_space<vmem>>, vector<16xf32>,
      %get3A_1425 = arith.constant 0 : i32
      %get3A_1426 = arith.constant 0 : i32
      %get3A_1427 = arith.index_cast %get3A_1425 : i32 to index
      %get3A_1428 = arith.index_cast %get3A_1426 : i32 to index
      %get3A_1429 = arith.index_cast %squeeze3A_1372 : i32 to index
      %get3A_1430 = arith.constant 48 : index
      %get3A_1431 = tpu.vector_load %arg9[%get3A_1427, %get3A_1428, %get3A_1429, %get3A_1430] {strides = array<i32>} : memref<2x16x8x64xf32, #tpu.memory_space<vmem>>, vector<16xf32>,
      %mul3A_1432 = arith.mulf %get3A_1424, %get3A_1431 : vector<16xf32>
      %add3A_1433 = arith.addf %mul3A_1387, %mul3A_1402 : vector<16xf32>
      %add3A_1434 = arith.addf %mul3A_1417, %mul3A_1432 : vector<16xf32>
      %add3A_1435 = arith.addf %add3A_1433, %add3A_1434 : vector<16xf32>
      %add3A_1436 = arith.constant 0 : i32
      %add3A_1437 = vector.broadcast %add3A_1436 : i32 to vector<16xi32>
      %add3A_1438 = arith.addi %mul3A_5, %add3A_1437 : vector<16xi32>
      tpu.vector_store_idx %arg12[%add3A_1438], %add3A_1435 : memref<256xf32, #tpu.memory_space<vmem>>[vector<16xi32>], vector<16xf32>,
      %slice3A_1439 = vector.extract_strided_slice %and3A_1363 {offsets = [1], sizes = [1], strides = [1]} : vector<16xi32> to vector<1xi32>
      %squeeze3A_1440 = vector.extract %slice3A_1439[0] : i32 from vector<1xi32>
      %slice3A_1441 = vector.extract_strided_slice %and3A_1368 {offsets = [1], sizes = [1], strides = [1]} : vector<16xi32> to vector<1xi32>
      %squeeze3A_1442 = vector.extract %slice3A_1441[0] : i32 from vector<1xi32>
      %get3A_1443 = arith.constant 0 : i32
      %get3A_1444 = arith.constant 1 : i32
      %get3A_1445 = arith.index_cast %get3A_1443 : i32 to index
      %get3A_1446 = arith.index_cast %get3A_1444 : i32 to index
      %get3A_1447 = arith.index_cast %squeeze3A_1440 : i32 to index
      %get3A_1448 = arith.constant 0 : index
      %get3A_1449 = tpu.vector_load %arg10[%get3A_1445, %get3A_1446, %get3A_1447, %get3A_1448] {strides = array<i32>} : memref<2x16x8x64xf32, #tpu.memory_space<vmem>>, vector<16xf32>,
      %get3A_1450 = arith.constant 0 : i32
      %get3A_1451 = arith.constant 1 : i32
      %get3A_1452 = arith.index_cast %get3A_1450 : i32 to index
      %get3A_1453 = arith.index_cast %get3A_1451 : i32 to index
      %get3A_1454 = arith.index_cast %squeeze3A_1442 : i32 to index
      %get3A_1455 = arith.constant 0 : index
      %get3A_1456 = tpu.vector_load %arg9[%get3A_1452, %get3A_1453, %get3A_1454, %get3A_1455] {strides = array<i32>} : memref<2x16x8x64xf32, #tpu.memory_space<vmem>>, vector<16xf32>,
      %mul3A_1457 = arith.mulf %get3A_1449, %get3A_1456 : vector<16xf32>
      %get3A_1458 = arith.constant 0 : i32
      %get3A_1459 = arith.constant 1 : i32
      %get3A_1460 = arith.index_cast %get3A_1458 : i32 to index
      %get3A_1461 = arith.index_cast %get3A_1459 : i32 to index
      %get3A_1462 = arith.index_cast %squeeze3A_1440 : i32 to index
      %get3A_1463 = arith.constant 16 : index
      %get3A_1464 = tpu.vector_load %arg10[%get3A_1460, %get3A_1461, %get3A_1462, %get3A_1463] {strides = array<i32>} : memref<2x16x8x64xf32, #tpu.memory_space<vmem>>, vector<16xf32>,
      %get3A_1465 = arith.constant 0 : i32
      %get3A_1466 = arith.constant 1 : i32
      %get3A_1467 = arith.index_cast %get3A_1465 : i32 to index
      %get3A_1468 = arith.index_cast %get3A_1466 : i32 to index
      %get3A_1469 = arith.index_cast %squeeze3A_1442 : i32 to index
      %get3A_1470 = arith.constant 16 : index
      %get3A_1471 = tpu.vector_load %arg9[%get3A_1467, %get3A_1468, %get3A_1469, %get3A_1470] {strides = array<i32>} : memref<2x16x8x64xf32, #tpu.memory_space<vmem>>, vector<16xf32>,
      %mul3A_1472 = arith.mulf %get3A_1464, %get3A_1471 : vector<16xf32>
      %get3A_1473 = arith.constant 0 : i32
      %get3A_1474 = arith.constant 1 : i32
      %get3A_1475 = arith.index_cast %get3A_1473 : i32 to index
      %get3A_1476 = arith.index_cast %get3A_1474 : i32 to index
      %get3A_1477 = arith.index_cast %squeeze3A_1440 : i32 to index
      %get3A_1478 = arith.constant 32 : index
      %get3A_1479 = tpu.vector_load %arg10[%get3A_1475, %get3A_1476, %get3A_1477, %get3A_1478] {strides = array<i32>} : memref<2x16x8x64xf32, #tpu.memory_space<vmem>>, vector<16xf32>,
      %get3A_1480 = arith.constant 0 : i32
      %get3A_1481 = arith.constant 1 : i32
      %get3A_1482 = arith.index_cast %get3A_1480 : i32 to index
      %get3A_1483 = arith.index_cast %get3A_1481 : i32 to index
      %get3A_1484 = arith.index_cast %squeeze3A_1442 : i32 to index
      %get3A_1485 = arith.constant 32 : index
      %get3A_1486 = tpu.vector_load %arg9[%get3A_1482, %get3A_1483, %get3A_1484, %get3A_1485] {strides = array<i32>} : memref<2x16x8x64xf32, #tpu.memory_space<vmem>>, vector<16xf32>,
      %mul3A_1487 = arith.mulf %get3A_1479, %get3A_1486 : vector<16xf32>
      %get3A_1488 = arith.constant 0 : i32
      %get3A_1489 = arith.constant 1 : i32
      %get3A_1490 = arith.index_cast %get3A_1488 : i32 to index
      %get3A_1491 = arith.index_cast %get3A_1489 : i32 to index
      %get3A_1492 = arith.index_cast %squeeze3A_1440 : i32 to index
      %get3A_1493 = arith.constant 48 : index
      %get3A_1494 = tpu.vector_load %arg10[%get3A_1490, %get3A_1491, %get3A_1492, %get3A_1493] {strides = array<i32>} : memref<2x16x8x64xf32, #tpu.memory_space<vmem>>, vector<16xf32>,
      %get3A_1495 = arith.constant 0 : i32
      %get3A_1496 = arith.constant 1 : i32
      %get3A_1497 = arith.index_cast %get3A_1495 : i32 to index
      %get3A_1498 = arith.index_cast %get3A_1496 : i32 to index
      %get3A_1499 = arith.index_cast %squeeze3A_1442 : i32 to index
      %get3A_1500 = arith.constant 48 : index
      %get3A_1501 = tpu.vector_load %arg9[%get3A_1497, %get3A_1498, %get3A_1499, %get3A_1500] {strides = array<i32>} : memref<2x16x8x64xf32, #tpu.memory_space<vmem>>, vector<16xf32>,
      %mul3A_1502 = arith.mulf %get3A_1494, %get3A_1501 : vector<16xf32>
      %add3A_1503 = arith.addf %mul3A_1457, %mul3A_1472 : vector<16xf32>
      %add3A_1504 = arith.addf %mul3A_1487, %mul3A_1502 : vector<16xf32>
      %add3A_1505 = arith.addf %add3A_1503, %add3A_1504 : vector<16xf32>
      %add3A_1506 = arith.constant 1 : i32
      %add3A_1507 = vector.broadcast %add3A_1506 : i32 to vector<16xi32>
      %add3A_1508 = arith.addi %mul3A_5, %add3A_1507 : vector<16xi32>
      tpu.vector_store_idx %arg12[%add3A_1508], %add3A_1505 : memref<256xf32, #tpu.memory_space<vmem>>[vector<16xi32>], vector<16xf32>,
      %slice3A_1509 = vector.extract_strided_slice %and3A_1363 {offsets = [2], sizes = [1], strides = [1]} : vector<16xi32> to vector<1xi32>
      %squeeze3A_1510 = vector.extract %slice3A_1509[0] : i32 from vector<1xi32>
      %slice3A_1511 = vector.extract_strided_slice %and3A_1368 {offsets = [2], sizes = [1], strides = [1]} : vector<16xi32> to vector<1xi32>
      %squeeze3A_1512 = vector.extract %slice3A_1511[0] : i32 from vector<1xi32>
      %get3A_1513 = arith.constant 0 : i32
      %get3A_1514 = arith.constant 2 : i32
      %get3A_1515 = arith.index_cast %get3A_1513 : i32 to index
      %get3A_1516 = arith.index_cast %get3A_1514 : i32 to index
      %get3A_1517 = arith.index_cast %squeeze3A_1510 : i32 to index
      %get3A_1518 = arith.constant 0 : index
      %get3A_1519 = tpu.vector_load %arg10[%get3A_1515, %get3A_1516, %get3A_1517, %get3A_1518] {strides = array<i32>} : memref<2x16x8x64xf32, #tpu.memory_space<vmem>>, vector<16xf32>,
      %get3A_1520 = arith.constant 0 : i32
      %get3A_1521 = arith.constant 2 : i32
      %get3A_1522 = arith.index_cast %get3A_1520 : i32 to index
      %get3A_1523 = arith.index_cast %get3A_1521 : i32 to index
      %get3A_1524 = arith.index_cast %squeeze3A_1512 : i32 to index
      %get3A_1525 = arith.constant 0 : index
      %get3A_1526 = tpu.vector_load %arg9[%get3A_1522, %get3A_1523, %get3A_1524, %get3A_1525] {strides = array<i32>} : memref<2x16x8x64xf32, #tpu.memory_space<vmem>>, vector<16xf32>,
      %mul3A_1527 = arith.mulf %get3A_1519, %get3A_1526 : vector<16xf32>
      %get3A_1528 = arith.constant 0 : i32
      %get3A_1529 = arith.constant 2 : i32
      %get3A_1530 = arith.index_cast %get3A_1528 : i32 to index
      %get3A_1531 = arith.index_cast %get3A_1529 : i32 to index
      %get3A_1532 = arith.index_cast %squeeze3A_1510 : i32 to index
      %get3A_1533 = arith.constant 16 : index
      %get3A_1534 = tpu.vector_load %arg10[%get3A_1530, %get3A_1531, %get3A_1532, %get3A_1533] {strides = array<i32>} : memref<2x16x8x64xf32, #tpu.memory_space<vmem>>, vector<16xf32>,
      %get3A_1535 = arith.constant 0 : i32
      %get3A_1536 = arith.constant 2 : i32
      %get3A_1537 = arith.index_cast %get3A_1535 : i32 to index
      %get3A_1538 = arith.index_cast %get3A_1536 : i32 to index
      %get3A_1539 = arith.index_cast %squeeze3A_1512 : i32 to index
      %get3A_1540 = arith.constant 16 : index
      %get3A_1541 = tpu.vector_load %arg9[%get3A_1537, %get3A_1538, %get3A_1539, %get3A_1540] {strides = array<i32>} : memref<2x16x8x64xf32, #tpu.memory_space<vmem>>, vector<16xf32>,
      %mul3A_1542 = arith.mulf %get3A_1534, %get3A_1541 : vector<16xf32>
      %get3A_1543 = arith.constant 0 : i32
      %get3A_1544 = arith.constant 2 : i32
      %get3A_1545 = arith.index_cast %get3A_1543 : i32 to index
      %get3A_1546 = arith.index_cast %get3A_1544 : i32 to index
      %get3A_1547 = arith.index_cast %squeeze3A_1510 : i32 to index
      %get3A_1548 = arith.constant 32 : index
      %get3A_1549 = tpu.vector_load %arg10[%get3A_1545, %get3A_1546, %get3A_1547, %get3A_1548] {strides = array<i32>} : memref<2x16x8x64xf32, #tpu.memory_space<vmem>>, vector<16xf32>,
      %get3A_1550 = arith.constant 0 : i32
      %get3A_1551 = arith.constant 2 : i32
      %get3A_1552 = arith.index_cast %get3A_1550 : i32 to index
      %get3A_1553 = arith.index_cast %get3A_1551 : i32 to index
      %get3A_1554 = arith.index_cast %squeeze3A_1512 : i32 to index
      %get3A_1555 = arith.constant 32 : index
      %get3A_1556 = tpu.vector_load %arg9[%get3A_1552, %get3A_1553, %get3A_1554, %get3A_1555] {strides = array<i32>} : memref<2x16x8x64xf32, #tpu.memory_space<vmem>>, vector<16xf32>,
      %mul3A_1557 = arith.mulf %get3A_1549, %get3A_1556 : vector<16xf32>
      %get3A_1558 = arith.constant 0 : i32
      %get3A_1559 = arith.constant 2 : i32
      %get3A_1560 = arith.index_cast %get3A_1558 : i32 to index
      %get3A_1561 = arith.index_cast %get3A_1559 : i32 to index
      %get3A_1562 = arith.index_cast %squeeze3A_1510 : i32 to index
      %get3A_1563 = arith.constant 48 : index
      %get3A_1564 = tpu.vector_load %arg10[%get3A_1560, %get3A_1561, %get3A_1562, %get3A_1563] {strides = array<i32>} : memref<2x16x8x64xf32, #tpu.memory_space<vmem>>, vector<16xf32>,
      %get3A_1565 = arith.constant 0 : i32
      %get3A_1566 = arith.constant 2 : i32
      %get3A_1567 = arith.index_cast %get3A_1565 : i32 to index
      %get3A_1568 = arith.index_cast %get3A_1566 : i32 to index
      %get3A_1569 = arith.index_cast %squeeze3A_1512 : i32 to index
      %get3A_1570 = arith.constant 48 : index
      %get3A_1571 = tpu.vector_load %arg9[%get3A_1567, %get3A_1568, %get3A_1569, %get3A_1570] {strides = array<i32>} : memref<2x16x8x64xf32, #tpu.memory_space<vmem>>, vector<16xf32>,
      %mul3A_1572 = arith.mulf %get3A_1564, %get3A_1571 : vector<16xf32>
      %add3A_1573 = arith.addf %mul3A_1527, %mul3A_1542 : vector<16xf32>
      %add3A_1574 = arith.addf %mul3A_1557, %mul3A_1572 : vector<16xf32>
      %add3A_1575 = arith.addf %add3A_1573, %add3A_1574 : vector<16xf32>
      %add3A_1576 = arith.constant 2 : i32
      %add3A_1577 = vector.broadcast %add3A_1576 : i32 to vector<16xi32>
      %add3A_1578 = arith.addi %mul3A_5, %add3A_1577 : vector<16xi32>
      tpu.vector_store_idx %arg12[%add3A_1578], %add3A_1575 : memref<256xf32, #tpu.memory_space<vmem>>[vector<16xi32>], vector<16xf32>,
      %slice3A_1579 = vector.extract_strided_slice %and3A_1363 {offsets = [3], sizes = [1], strides = [1]} : vector<16xi32> to vector<1xi32>
      %squeeze3A_1580 = vector.extract %slice3A_1579[0] : i32 from vector<1xi32>
      %slice3A_1581 = vector.extract_strided_slice %and3A_1368 {offsets = [3], sizes = [1], strides = [1]} : vector<16xi32> to vector<1xi32>
      %squeeze3A_1582 = vector.extract %slice3A_1581[0] : i32 from vector<1xi32>
      %get3A_1583 = arith.constant 0 : i32
      %get3A_1584 = arith.constant 3 : i32
      %get3A_1585 = arith.index_cast %get3A_1583 : i32 to index
      %get3A_1586 = arith.index_cast %get3A_1584 : i32 to index
      %get3A_1587 = arith.index_cast %squeeze3A_1580 : i32 to index
      %get3A_1588 = arith.constant 0 : index
      %get3A_1589 = tpu.vector_load %arg10[%get3A_1585, %get3A_1586, %get3A_1587, %get3A_1588] {strides = array<i32>} : memref<2x16x8x64xf32, #tpu.memory_space<vmem>>, vector<16xf32>,
      %get3A_1590 = arith.constant 0 : i32
      %get3A_1591 = arith.constant 3 : i32
      %get3A_1592 = arith.index_cast %get3A_1590 : i32 to index
      %get3A_1593 = arith.index_cast %get3A_1591 : i32 to index
      %get3A_1594 = arith.index_cast %squeeze3A_1582 : i32 to index
      %get3A_1595 = arith.constant 0 : index
      %get3A_1596 = tpu.vector_load %arg9[%get3A_1592, %get3A_1593, %get3A_1594, %get3A_1595] {strides = array<i32>} : memref<2x16x8x64xf32, #tpu.memory_space<vmem>>, vector<16xf32>,
      %mul3A_1597 = arith.mulf %get3A_1589, %get3A_1596 : vector<16xf32>
      %get3A_1598 = arith.constant 0 : i32
      %get3A_1599 = arith.constant 3 : i32
      %get3A_1600 = arith.index_cast %get3A_1598 : i32 to index
      %get3A_1601 = arith.index_cast %get3A_1599 : i32 to index
      %get3A_1602 = arith.index_cast %squeeze3A_1580 : i32 to index
      %get3A_1603 = arith.constant 16 : index
      %get3A_1604 = tpu.vector_load %arg10[%get3A_1600, %get3A_1601, %get3A_1602, %get3A_1603] {strides = array<i32>} : memref<2x16x8x64xf32, #tpu.memory_space<vmem>>, vector<16xf32>,
      %get3A_1605 = arith.constant 0 : i32
      %get3A_1606 = arith.constant 3 : i32
      %get3A_1607 = arith.index_cast %get3A_1605 : i32 to index
      %get3A_1608 = arith.index_cast %get3A_1606 : i32 to index
      %get3A_1609 = arith.index_cast %squeeze3A_1582 : i32 to index
      %get3A_1610 = arith.constant 16 : index
      %get3A_1611 = tpu.vector_load %arg9[%get3A_1607, %get3A_1608, %get3A_1609, %get3A_1610] {strides = array<i32>} : memref<2x16x8x64xf32, #tpu.memory_space<vmem>>, vector<16xf32>,
      %mul3A_1612 = arith.mulf %get3A_1604, %get3A_1611 : vector<16xf32>
      %get3A_1613 = arith.constant 0 : i32
      %get3A_1614 = arith.constant 3 : i32
      %get3A_1615 = arith.index_cast %get3A_1613 : i32 to index
      %get3A_1616 = arith.index_cast %get3A_1614 : i32 to index
      %get3A_1617 = arith.index_cast %squeeze3A_1580 : i32 to index
      %get3A_1618 = arith.constant 32 : index
      %get3A_1619 = tpu.vector_load %arg10[%get3A_1615, %get3A_1616, %get3A_1617, %get3A_1618] {strides = array<i32>} : memref<2x16x8x64xf32, #tpu.memory_space<vmem>>, vector<16xf32>,
      %get3A_1620 = arith.constant 0 : i32
      %get3A_1621 = arith.constant 3 : i32
      %get3A_1622 = arith.index_cast %get3A_1620 : i32 to index
      %get3A_1623 = arith.index_cast %get3A_1621 : i32 to index
      %get3A_1624 = arith.index_cast %squeeze3A_1582 : i32 to index
      %get3A_1625 = arith.constant 32 : index
      %get3A_1626 = tpu.vector_load %arg9[%get3A_1622, %get3A_1623, %get3A_1624, %get3A_1625] {strides = array<i32>} : memref<2x16x8x64xf32, #tpu.memory_space<vmem>>, vector<16xf32>,
      %mul3A_1627 = arith.mulf %get3A_1619, %get3A_1626 : vector<16xf32>
      %get3A_1628 = arith.constant 0 : i32
      %get3A_1629 = arith.constant 3 : i32
      %get3A_1630 = arith.index_cast %get3A_1628 : i32 to index
      %get3A_1631 = arith.index_cast %get3A_1629 : i32 to index
      %get3A_1632 = arith.index_cast %squeeze3A_1580 : i32 to index
      %get3A_1633 = arith.constant 48 : index
      %get3A_1634 = tpu.vector_load %arg10[%get3A_1630, %get3A_1631, %get3A_1632, %get3A_1633] {strides = array<i32>} : memref<2x16x8x64xf32, #tpu.memory_space<vmem>>, vector<16xf32>,
      %get3A_1635 = arith.constant 0 : i32
      %get3A_1636 = arith.constant 3 : i32
      %get3A_1637 = arith.index_cast %get3A_1635 : i32 to index
      %get3A_1638 = arith.index_cast %get3A_1636 : i32 to index
      %get3A_1639 = arith.index_cast %squeeze3A_1582 : i32 to index
      %get3A_1640 = arith.constant 48 : index
      %get3A_1641 = tpu.vector_load %arg9[%get3A_1637, %get3A_1638, %get3A_1639, %get3A_1640] {strides = array<i32>} : memref<2x16x8x64xf32, #tpu.memory_space<vmem>>, vector<16xf32>,
      %mul3A_1642 = arith.mulf %get3A_1634, %get3A_1641 : vector<16xf32>
      %add3A_1643 = arith.addf %mul3A_1597, %mul3A_1612 : vector<16xf32>
      %add3A_1644 = arith.addf %mul3A_1627, %mul3A_1642 : vector<16xf32>
      %add3A_1645 = arith.addf %add3A_1643, %add3A_1644 : vector<16xf32>
      %add3A_1646 = arith.constant 3 : i32
      %add3A_1647 = vector.broadcast %add3A_1646 : i32 to vector<16xi32>
      %add3A_1648 = arith.addi %mul3A_5, %add3A_1647 : vector<16xi32>
      tpu.vector_store_idx %arg12[%add3A_1648], %add3A_1645 : memref<256xf32, #tpu.memory_space<vmem>>[vector<16xi32>], vector<16xf32>,
      %slice3A_1649 = vector.extract_strided_slice %and3A_1363 {offsets = [4], sizes = [1], strides = [1]} : vector<16xi32> to vector<1xi32>
      %squeeze3A_1650 = vector.extract %slice3A_1649[0] : i32 from vector<1xi32>
      %slice3A_1651 = vector.extract_strided_slice %and3A_1368 {offsets = [4], sizes = [1], strides = [1]} : vector<16xi32> to vector<1xi32>
      %squeeze3A_1652 = vector.extract %slice3A_1651[0] : i32 from vector<1xi32>
      %get3A_1653 = arith.constant 0 : i32
      %get3A_1654 = arith.constant 4 : i32
      %get3A_1655 = arith.index_cast %get3A_1653 : i32 to index
      %get3A_1656 = arith.index_cast %get3A_1654 : i32 to index
      %get3A_1657 = arith.index_cast %squeeze3A_1650 : i32 to index
      %get3A_1658 = arith.constant 0 : index
      %get3A_1659 = tpu.vector_load %arg10[%get3A_1655, %get3A_1656, %get3A_1657, %get3A_1658] {strides = array<i32>} : memref<2x16x8x64xf32, #tpu.memory_space<vmem>>, vector<16xf32>,
      %get3A_1660 = arith.constant 0 : i32
      %get3A_1661 = arith.constant 4 : i32
      %get3A_1662 = arith.index_cast %get3A_1660 : i32 to index
      %get3A_1663 = arith.index_cast %get3A_1661 : i32 to index
      %get3A_1664 = arith.index_cast %squeeze3A_1652 : i32 to index
      %get3A_1665 = arith.constant 0 : index
      %get3A_1666 = tpu.vector_load %arg9[%get3A_1662, %get3A_1663, %get3A_1664, %get3A_1665] {strides = array<i32>} : memref<2x16x8x64xf32, #tpu.memory_space<vmem>>, vector<16xf32>,
      %mul3A_1667 = arith.mulf %get3A_1659, %get3A_1666 : vector<16xf32>
      %get3A_1668 = arith.constant 0 : i32
      %get3A_1669 = arith.constant 4 : i32
      %get3A_1670 = arith.index_cast %get3A_1668 : i32 to index
      %get3A_1671 = arith.index_cast %get3A_1669 : i32 to index
      %get3A_1672 = arith.index_cast %squeeze3A_1650 : i32 to index
      %get3A_1673 = arith.constant 16 : index
      %get3A_1674 = tpu.vector_load %arg10[%get3A_1670, %get3A_1671, %get3A_1672, %get3A_1673] {strides = array<i32>} : memref<2x16x8x64xf32, #tpu.memory_space<vmem>>, vector<16xf32>,
      %get3A_1675 = arith.constant 0 : i32
      %get3A_1676 = arith.constant 4 : i32
      %get3A_1677 = arith.index_cast %get3A_1675 : i32 to index
      %get3A_1678 = arith.index_cast %get3A_1676 : i32 to index
      %get3A_1679 = arith.index_cast %squeeze3A_1652 : i32 to index
      %get3A_1680 = arith.constant 16 : index
      %get3A_1681 = tpu.vector_load %arg9[%get3A_1677, %get3A_1678, %get3A_1679, %get3A_1680] {strides = array<i32>} : memref<2x16x8x64xf32, #tpu.memory_space<vmem>>, vector<16xf32>,
      %mul3A_1682 = arith.mulf %get3A_1674, %get3A_1681 : vector<16xf32>
      %get3A_1683 = arith.constant 0 : i32
      %get3A_1684 = arith.constant 4 : i32
      %get3A_1685 = arith.index_cast %get3A_1683 : i32 to index
      %get3A_1686 = arith.index_cast %get3A_1684 : i32 to index
      %get3A_1687 = arith.index_cast %squeeze3A_1650 : i32 to index
      %get3A_1688 = arith.constant 32 : index
      %get3A_1689 = tpu.vector_load %arg10[%get3A_1685, %get3A_1686, %get3A_1687, %get3A_1688] {strides = array<i32>} : memref<2x16x8x64xf32, #tpu.memory_space<vmem>>, vector<16xf32>,
      %get3A_1690 = arith.constant 0 : i32
      %get3A_1691 = arith.constant 4 : i32
      %get3A_1692 = arith.index_cast %get3A_1690 : i32 to index
      %get3A_1693 = arith.index_cast %get3A_1691 : i32 to index
      %get3A_1694 = arith.index_cast %squeeze3A_1652 : i32 to index
      %get3A_1695 = arith.constant 32 : index
      %get3A_1696 = tpu.vector_load %arg9[%get3A_1692, %get3A_1693, %get3A_1694, %get3A_1695] {strides = array<i32>} : memref<2x16x8x64xf32, #tpu.memory_space<vmem>>, vector<16xf32>,
      %mul3A_1697 = arith.mulf %get3A_1689, %get3A_1696 : vector<16xf32>
      %get3A_1698 = arith.constant 0 : i32
      %get3A_1699 = arith.constant 4 : i32
      %get3A_1700 = arith.index_cast %get3A_1698 : i32 to index
      %get3A_1701 = arith.index_cast %get3A_1699 : i32 to index
      %get3A_1702 = arith.index_cast %squeeze3A_1650 : i32 to index
      %get3A_1703 = arith.constant 48 : index
      %get3A_1704 = tpu.vector_load %arg10[%get3A_1700, %get3A_1701, %get3A_1702, %get3A_1703] {strides = array<i32>} : memref<2x16x8x64xf32, #tpu.memory_space<vmem>>, vector<16xf32>,
      %get3A_1705 = arith.constant 0 : i32
      %get3A_1706 = arith.constant 4 : i32
      %get3A_1707 = arith.index_cast %get3A_1705 : i32 to index
      %get3A_1708 = arith.index_cast %get3A_1706 : i32 to index
      %get3A_1709 = arith.index_cast %squeeze3A_1652 : i32 to index
      %get3A_1710 = arith.constant 48 : index
      %get3A_1711 = tpu.vector_load %arg9[%get3A_1707, %get3A_1708, %get3A_1709, %get3A_1710] {strides = array<i32>} : memref<2x16x8x64xf32, #tpu.memory_space<vmem>>, vector<16xf32>,
      %mul3A_1712 = arith.mulf %get3A_1704, %get3A_1711 : vector<16xf32>
      %add3A_1713 = arith.addf %mul3A_1667, %mul3A_1682 : vector<16xf32>
      %add3A_1714 = arith.addf %mul3A_1697, %mul3A_1712 : vector<16xf32>
      %add3A_1715 = arith.addf %add3A_1713, %add3A_1714 : vector<16xf32>
      %add3A_1716 = arith.constant 4 : i32
      %add3A_1717 = vector.broadcast %add3A_1716 : i32 to vector<16xi32>
      %add3A_1718 = arith.addi %mul3A_5, %add3A_1717 : vector<16xi32>
      tpu.vector_store_idx %arg12[%add3A_1718], %add3A_1715 : memref<256xf32, #tpu.memory_space<vmem>>[vector<16xi32>], vector<16xf32>,
      %slice3A_1719 = vector.extract_strided_slice %and3A_1363 {offsets = [5], sizes = [1], strides = [1]} : vector<16xi32> to vector<1xi32>
      %squeeze3A_1720 = vector.extract %slice3A_1719[0] : i32 from vector<1xi32>
      %slice3A_1721 = vector.extract_strided_slice %and3A_1368 {offsets = [5], sizes = [1], strides = [1]} : vector<16xi32> to vector<1xi32>
      %squeeze3A_1722 = vector.extract %slice3A_1721[0] : i32 from vector<1xi32>
      %get3A_1723 = arith.constant 0 : i32
      %get3A_1724 = arith.constant 5 : i32
      %get3A_1725 = arith.index_cast %get3A_1723 : i32 to index
      %get3A_1726 = arith.index_cast %get3A_1724 : i32 to index
      %get3A_1727 = arith.index_cast %squeeze3A_1720 : i32 to index
      %get3A_1728 = arith.constant 0 : index
      %get3A_1729 = tpu.vector_load %arg10[%get3A_1725, %get3A_1726, %get3A_1727, %get3A_1728] {strides = array<i32>} : memref<2x16x8x64xf32, #tpu.memory_space<vmem>>, vector<16xf32>,
      %get3A_1730 = arith.constant 0 : i32
      %get3A_1731 = arith.constant 5 : i32
      %get3A_1732 = arith.index_cast %get3A_1730 : i32 to index
      %get3A_1733 = arith.index_cast %get3A_1731 : i32 to index
      %get3A_1734 = arith.index_cast %squeeze3A_1722 : i32 to index
      %get3A_1735 = arith.constant 0 : index
      %get3A_1736 = tpu.vector_load %arg9[%get3A_1732, %get3A_1733, %get3A_1734, %get3A_1735] {strides = array<i32>} : memref<2x16x8x64xf32, #tpu.memory_space<vmem>>, vector<16xf32>,
      %mul3A_1737 = arith.mulf %get3A_1729, %get3A_1736 : vector<16xf32>
      %get3A_1738 = arith.constant 0 : i32
      %get3A_1739 = arith.constant 5 : i32
      %get3A_1740 = arith.index_cast %get3A_1738 : i32 to index
      %get3A_1741 = arith.index_cast %get3A_1739 : i32 to index
      %get3A_1742 = arith.index_cast %squeeze3A_1720 : i32 to index
      %get3A_1743 = arith.constant 16 : index
      %get3A_1744 = tpu.vector_load %arg10[%get3A_1740, %get3A_1741, %get3A_1742, %get3A_1743] {strides = array<i32>} : memref<2x16x8x64xf32, #tpu.memory_space<vmem>>, vector<16xf32>,
      %get3A_1745 = arith.constant 0 : i32
      %get3A_1746 = arith.constant 5 : i32
      %get3A_1747 = arith.index_cast %get3A_1745 : i32 to index
      %get3A_1748 = arith.index_cast %get3A_1746 : i32 to index
      %get3A_1749 = arith.index_cast %squeeze3A_1722 : i32 to index
      %get3A_1750 = arith.constant 16 : index
      %get3A_1751 = tpu.vector_load %arg9[%get3A_1747, %get3A_1748, %get3A_1749, %get3A_1750] {strides = array<i32>} : memref<2x16x8x64xf32, #tpu.memory_space<vmem>>, vector<16xf32>,
      %mul3A_1752 = arith.mulf %get3A_1744, %get3A_1751 : vector<16xf32>
      %get3A_1753 = arith.constant 0 : i32
      %get3A_1754 = arith.constant 5 : i32
      %get3A_1755 = arith.index_cast %get3A_1753 : i32 to index
      %get3A_1756 = arith.index_cast %get3A_1754 : i32 to index
      %get3A_1757 = arith.index_cast %squeeze3A_1720 : i32 to index
      %get3A_1758 = arith.constant 32 : index
      %get3A_1759 = tpu.vector_load %arg10[%get3A_1755, %get3A_1756, %get3A_1757, %get3A_1758] {strides = array<i32>} : memref<2x16x8x64xf32, #tpu.memory_space<vmem>>, vector<16xf32>,
      %get3A_1760 = arith.constant 0 : i32
      %get3A_1761 = arith.constant 5 : i32
      %get3A_1762 = arith.index_cast %get3A_1760 : i32 to index
      %get3A_1763 = arith.index_cast %get3A_1761 : i32 to index
      %get3A_1764 = arith.index_cast %squeeze3A_1722 : i32 to index
      %get3A_1765 = arith.constant 32 : index
      %get3A_1766 = tpu.vector_load %arg9[%get3A_1762, %get3A_1763, %get3A_1764, %get3A_1765] {strides = array<i32>} : memref<2x16x8x64xf32, #tpu.memory_space<vmem>>, vector<16xf32>,
      %mul3A_1767 = arith.mulf %get3A_1759, %get3A_1766 : vector<16xf32>
      %get3A_1768 = arith.constant 0 : i32
      %get3A_1769 = arith.constant 5 : i32
      %get3A_1770 = arith.index_cast %get3A_1768 : i32 to index
      %get3A_1771 = arith.index_cast %get3A_1769 : i32 to index
      %get3A_1772 = arith.index_cast %squeeze3A_1720 : i32 to index
      %get3A_1773 = arith.constant 48 : index
      %get3A_1774 = tpu.vector_load %arg10[%get3A_1770, %get3A_1771, %get3A_1772, %get3A_1773] {strides = array<i32>} : memref<2x16x8x64xf32, #tpu.memory_space<vmem>>, vector<16xf32>,
      %get3A_1775 = arith.constant 0 : i32
      %get3A_1776 = arith.constant 5 : i32
      %get3A_1777 = arith.index_cast %get3A_1775 : i32 to index
      %get3A_1778 = arith.index_cast %get3A_1776 : i32 to index
      %get3A_1779 = arith.index_cast %squeeze3A_1722 : i32 to index
      %get3A_1780 = arith.constant 48 : index
      %get3A_1781 = tpu.vector_load %arg9[%get3A_1777, %get3A_1778, %get3A_1779, %get3A_1780] {strides = array<i32>} : memref<2x16x8x64xf32, #tpu.memory_space<vmem>>, vector<16xf32>,
      %mul3A_1782 = arith.mulf %get3A_1774, %get3A_1781 : vector<16xf32>
      %add3A_1783 = arith.addf %mul3A_1737, %mul3A_1752 : vector<16xf32>
      %add3A_1784 = arith.addf %mul3A_1767, %mul3A_1782 : vector<16xf32>
      %add3A_1785 = arith.addf %add3A_1783, %add3A_1784 : vector<16xf32>
      %add3A_1786 = arith.constant 5 : i32
      %add3A_1787 = vector.broadcast %add3A_1786 : i32 to vector<16xi32>
      %add3A_1788 = arith.addi %mul3A_5, %add3A_1787 : vector<16xi32>
      tpu.vector_store_idx %arg12[%add3A_1788], %add3A_1785 : memref<256xf32, #tpu.memory_space<vmem>>[vector<16xi32>], vector<16xf32>,
      %slice3A_1789 = vector.extract_strided_slice %and3A_1363 {offsets = [6], sizes = [1], strides = [1]} : vector<16xi32> to vector<1xi32>
      %squeeze3A_1790 = vector.extract %slice3A_1789[0] : i32 from vector<1xi32>
      %slice3A_1791 = vector.extract_strided_slice %and3A_1368 {offsets = [6], sizes = [1], strides = [1]} : vector<16xi32> to vector<1xi32>
      %squeeze3A_1792 = vector.extract %slice3A_1791[0] : i32 from vector<1xi32>
      %get3A_1793 = arith.constant 0 : i32
      %get3A_1794 = arith.constant 6 : i32
      %get3A_1795 = arith.index_cast %get3A_1793 : i32 to index
      %get3A_1796 = arith.index_cast %get3A_1794 : i32 to index
      %get3A_1797 = arith.index_cast %squeeze3A_1790 : i32 to index
      %get3A_1798 = arith.constant 0 : index
      %get3A_1799 = tpu.vector_load %arg10[%get3A_1795, %get3A_1796, %get3A_1797, %get3A_1798] {strides = array<i32>} : memref<2x16x8x64xf32, #tpu.memory_space<vmem>>, vector<16xf32>,
      %get3A_1800 = arith.constant 0 : i32
      %get3A_1801 = arith.constant 6 : i32
      %get3A_1802 = arith.index_cast %get3A_1800 : i32 to index
      %get3A_1803 = arith.index_cast %get3A_1801 : i32 to index
      %get3A_1804 = arith.index_cast %squeeze3A_1792 : i32 to index
      %get3A_1805 = arith.constant 0 : index
      %get3A_1806 = tpu.vector_load %arg9[%get3A_1802, %get3A_1803, %get3A_1804, %get3A_1805] {strides = array<i32>} : memref<2x16x8x64xf32, #tpu.memory_space<vmem>>, vector<16xf32>,
      %mul3A_1807 = arith.mulf %get3A_1799, %get3A_1806 : vector<16xf32>
      %get3A_1808 = arith.constant 0 : i32
      %get3A_1809 = arith.constant 6 : i32
      %get3A_1810 = arith.index_cast %get3A_1808 : i32 to index
      %get3A_1811 = arith.index_cast %get3A_1809 : i32 to index
      %get3A_1812 = arith.index_cast %squeeze3A_1790 : i32 to index
      %get3A_1813 = arith.constant 16 : index
      %get3A_1814 = tpu.vector_load %arg10[%get3A_1810, %get3A_1811, %get3A_1812, %get3A_1813] {strides = array<i32>} : memref<2x16x8x64xf32, #tpu.memory_space<vmem>>, vector<16xf32>,
      %get3A_1815 = arith.constant 0 : i32
      %get3A_1816 = arith.constant 6 : i32
      %get3A_1817 = arith.index_cast %get3A_1815 : i32 to index
      %get3A_1818 = arith.index_cast %get3A_1816 : i32 to index
      %get3A_1819 = arith.index_cast %squeeze3A_1792 : i32 to index
      %get3A_1820 = arith.constant 16 : index
      %get3A_1821 = tpu.vector_load %arg9[%get3A_1817, %get3A_1818, %get3A_1819, %get3A_1820] {strides = array<i32>} : memref<2x16x8x64xf32, #tpu.memory_space<vmem>>, vector<16xf32>,
      %mul3A_1822 = arith.mulf %get3A_1814, %get3A_1821 : vector<16xf32>
      %get3A_1823 = arith.constant 0 : i32
      %get3A_1824 = arith.constant 6 : i32
      %get3A_1825 = arith.index_cast %get3A_1823 : i32 to index
      %get3A_1826 = arith.index_cast %get3A_1824 : i32 to index
      %get3A_1827 = arith.index_cast %squeeze3A_1790 : i32 to index
      %get3A_1828 = arith.constant 32 : index
      %get3A_1829 = tpu.vector_load %arg10[%get3A_1825, %get3A_1826, %get3A_1827, %get3A_1828] {strides = array<i32>} : memref<2x16x8x64xf32, #tpu.memory_space<vmem>>, vector<16xf32>,
      %get3A_1830 = arith.constant 0 : i32
      %get3A_1831 = arith.constant 6 : i32
      %get3A_1832 = arith.index_cast %get3A_1830 : i32 to index
      %get3A_1833 = arith.index_cast %get3A_1831 : i32 to index
      %get3A_1834 = arith.index_cast %squeeze3A_1792 : i32 to index
      %get3A_1835 = arith.constant 32 : index
      %get3A_1836 = tpu.vector_load %arg9[%get3A_1832, %get3A_1833, %get3A_1834, %get3A_1835] {strides = array<i32>} : memref<2x16x8x64xf32, #tpu.memory_space<vmem>>, vector<16xf32>,
      %mul3A_1837 = arith.mulf %get3A_1829, %get3A_1836 : vector<16xf32>
      %get3A_1838 = arith.constant 0 : i32
      %get3A_1839 = arith.constant 6 : i32
      %get3A_1840 = arith.index_cast %get3A_1838 : i32 to index
      %get3A_1841 = arith.index_cast %get3A_1839 : i32 to index
      %get3A_1842 = arith.index_cast %squeeze3A_1790 : i32 to index
      %get3A_1843 = arith.constant 48 : index
      %get3A_1844 = tpu.vector_load %arg10[%get3A_1840, %get3A_1841, %get3A_1842, %get3A_1843] {strides = array<i32>} : memref<2x16x8x64xf32, #tpu.memory_space<vmem>>, vector<16xf32>,
      %get3A_1845 = arith.constant 0 : i32
      %get3A_1846 = arith.constant 6 : i32
      %get3A_1847 = arith.index_cast %get3A_1845 : i32 to index
      %get3A_1848 = arith.index_cast %get3A_1846 : i32 to index
      %get3A_1849 = arith.index_cast %squeeze3A_1792 : i32 to index
      %get3A_1850 = arith.constant 48 : index
      %get3A_1851 = tpu.vector_load %arg9[%get3A_1847, %get3A_1848, %get3A_1849, %get3A_1850] {strides = array<i32>} : memref<2x16x8x64xf32, #tpu.memory_space<vmem>>, vector<16xf32>,
      %mul3A_1852 = arith.mulf %get3A_1844, %get3A_1851 : vector<16xf32>
      %add3A_1853 = arith.addf %mul3A_1807, %mul3A_1822 : vector<16xf32>
      %add3A_1854 = arith.addf %mul3A_1837, %mul3A_1852 : vector<16xf32>
      %add3A_1855 = arith.addf %add3A_1853, %add3A_1854 : vector<16xf32>
      %add3A_1856 = arith.constant 6 : i32
      %add3A_1857 = vector.broadcast %add3A_1856 : i32 to vector<16xi32>
      %add3A_1858 = arith.addi %mul3A_5, %add3A_1857 : vector<16xi32>
      tpu.vector_store_idx %arg12[%add3A_1858], %add3A_1855 : memref<256xf32, #tpu.memory_space<vmem>>[vector<16xi32>], vector<16xf32>,
      %slice3A_1859 = vector.extract_strided_slice %and3A_1363 {offsets = [7], sizes = [1], strides = [1]} : vector<16xi32> to vector<1xi32>
      %squeeze3A_1860 = vector.extract %slice3A_1859[0] : i32 from vector<1xi32>
      %slice3A_1861 = vector.extract_strided_slice %and3A_1368 {offsets = [7], sizes = [1], strides = [1]} : vector<16xi32> to vector<1xi32>
      %squeeze3A_1862 = vector.extract %slice3A_1861[0] : i32 from vector<1xi32>
      %get3A_1863 = arith.constant 0 : i32
      %get3A_1864 = arith.constant 7 : i32
      %get3A_1865 = arith.index_cast %get3A_1863 : i32 to index
      %get3A_1866 = arith.index_cast %get3A_1864 : i32 to index
      %get3A_1867 = arith.index_cast %squeeze3A_1860 : i32 to index
      %get3A_1868 = arith.constant 0 : index
      %get3A_1869 = tpu.vector_load %arg10[%get3A_1865, %get3A_1866, %get3A_1867, %get3A_1868] {strides = array<i32>} : memref<2x16x8x64xf32, #tpu.memory_space<vmem>>, vector<16xf32>,
      %get3A_1870 = arith.constant 0 : i32
      %get3A_1871 = arith.constant 7 : i32
      %get3A_1872 = arith.index_cast %get3A_1870 : i32 to index
      %get3A_1873 = arith.index_cast %get3A_1871 : i32 to index
      %get3A_1874 = arith.index_cast %squeeze3A_1862 : i32 to index
      %get3A_1875 = arith.constant 0 : index
      %get3A_1876 = tpu.vector_load %arg9[%get3A_1872, %get3A_1873, %get3A_1874, %get3A_1875] {strides = array<i32>} : memref<2x16x8x64xf32, #tpu.memory_space<vmem>>, vector<16xf32>,
      %mul3A_1877 = arith.mulf %get3A_1869, %get3A_1876 : vector<16xf32>
      %get3A_1878 = arith.constant 0 : i32
      %get3A_1879 = arith.constant 7 : i32
      %get3A_1880 = arith.index_cast %get3A_1878 : i32 to index
      %get3A_1881 = arith.index_cast %get3A_1879 : i32 to index
      %get3A_1882 = arith.index_cast %squeeze3A_1860 : i32 to index
      %get3A_1883 = arith.constant 16 : index
      %get3A_1884 = tpu.vector_load %arg10[%get3A_1880, %get3A_1881, %get3A_1882, %get3A_1883] {strides = array<i32>} : memref<2x16x8x64xf32, #tpu.memory_space<vmem>>, vector<16xf32>,
      %get3A_1885 = arith.constant 0 : i32
      %get3A_1886 = arith.constant 7 : i32
      %get3A_1887 = arith.index_cast %get3A_1885 : i32 to index
      %get3A_1888 = arith.index_cast %get3A_1886 : i32 to index
      %get3A_1889 = arith.index_cast %squeeze3A_1862 : i32 to index
      %get3A_1890 = arith.constant 16 : index
      %get3A_1891 = tpu.vector_load %arg9[%get3A_1887, %get3A_1888, %get3A_1889, %get3A_1890] {strides = array<i32>} : memref<2x16x8x64xf32, #tpu.memory_space<vmem>>, vector<16xf32>,
      %mul3A_1892 = arith.mulf %get3A_1884, %get3A_1891 : vector<16xf32>
      %get3A_1893 = arith.constant 0 : i32
      %get3A_1894 = arith.constant 7 : i32
      %get3A_1895 = arith.index_cast %get3A_1893 : i32 to index
      %get3A_1896 = arith.index_cast %get3A_1894 : i32 to index
      %get3A_1897 = arith.index_cast %squeeze3A_1860 : i32 to index
      %get3A_1898 = arith.constant 32 : index
      %get3A_1899 = tpu.vector_load %arg10[%get3A_1895, %get3A_1896, %get3A_1897, %get3A_1898] {strides = array<i32>} : memref<2x16x8x64xf32, #tpu.memory_space<vmem>>, vector<16xf32>,
      %get3A_1900 = arith.constant 0 : i32
      %get3A_1901 = arith.constant 7 : i32
      %get3A_1902 = arith.index_cast %get3A_1900 : i32 to index
      %get3A_1903 = arith.index_cast %get3A_1901 : i32 to index
      %get3A_1904 = arith.index_cast %squeeze3A_1862 : i32 to index
      %get3A_1905 = arith.constant 32 : index
      %get3A_1906 = tpu.vector_load %arg9[%get3A_1902, %get3A_1903, %get3A_1904, %get3A_1905] {strides = array<i32>} : memref<2x16x8x64xf32, #tpu.memory_space<vmem>>, vector<16xf32>,
      %mul3A_1907 = arith.mulf %get3A_1899, %get3A_1906 : vector<16xf32>
      %get3A_1908 = arith.constant 0 : i32
      %get3A_1909 = arith.constant 7 : i32
      %get3A_1910 = arith.index_cast %get3A_1908 : i32 to index
      %get3A_1911 = arith.index_cast %get3A_1909 : i32 to index
      %get3A_1912 = arith.index_cast %squeeze3A_1860 : i32 to index
      %get3A_1913 = arith.constant 48 : index
      %get3A_1914 = tpu.vector_load %arg10[%get3A_1910, %get3A_1911, %get3A_1912, %get3A_1913] {strides = array<i32>} : memref<2x16x8x64xf32, #tpu.memory_space<vmem>>, vector<16xf32>,
      %get3A_1915 = arith.constant 0 : i32
      %get3A_1916 = arith.constant 7 : i32
      %get3A_1917 = arith.index_cast %get3A_1915 : i32 to index
      %get3A_1918 = arith.index_cast %get3A_1916 : i32 to index
      %get3A_1919 = arith.index_cast %squeeze3A_1862 : i32 to index
      %get3A_1920 = arith.constant 48 : index
      %get3A_1921 = tpu.vector_load %arg9[%get3A_1917, %get3A_1918, %get3A_1919, %get3A_1920] {strides = array<i32>} : memref<2x16x8x64xf32, #tpu.memory_space<vmem>>, vector<16xf32>,
      %mul3A_1922 = arith.mulf %get3A_1914, %get3A_1921 : vector<16xf32>
      %add3A_1923 = arith.addf %mul3A_1877, %mul3A_1892 : vector<16xf32>
      %add3A_1924 = arith.addf %mul3A_1907, %mul3A_1922 : vector<16xf32>
      %add3A_1925 = arith.addf %add3A_1923, %add3A_1924 : vector<16xf32>
      %add3A_1926 = arith.constant 7 : i32
      %add3A_1927 = vector.broadcast %add3A_1926 : i32 to vector<16xi32>
      %add3A_1928 = arith.addi %mul3A_5, %add3A_1927 : vector<16xi32>
      tpu.vector_store_idx %arg12[%add3A_1928], %add3A_1925 : memref<256xf32, #tpu.memory_space<vmem>>[vector<16xi32>], vector<16xf32>,
      %slice3A_1929 = vector.extract_strided_slice %and3A_1363 {offsets = [8], sizes = [1], strides = [1]} : vector<16xi32> to vector<1xi32>
      %squeeze3A_1930 = vector.extract %slice3A_1929[0] : i32 from vector<1xi32>
      %slice3A_1931 = vector.extract_strided_slice %and3A_1368 {offsets = [8], sizes = [1], strides = [1]} : vector<16xi32> to vector<1xi32>
      %squeeze3A_1932 = vector.extract %slice3A_1931[0] : i32 from vector<1xi32>
      %get3A_1933 = arith.constant 0 : i32
      %get3A_1934 = arith.constant 8 : i32
      %get3A_1935 = arith.index_cast %get3A_1933 : i32 to index
      %get3A_1936 = arith.index_cast %get3A_1934 : i32 to index
      %get3A_1937 = arith.index_cast %squeeze3A_1930 : i32 to index
      %get3A_1938 = arith.constant 0 : index
      %get3A_1939 = tpu.vector_load %arg10[%get3A_1935, %get3A_1936, %get3A_1937, %get3A_1938] {strides = array<i32>} : memref<2x16x8x64xf32, #tpu.memory_space<vmem>>, vector<16xf32>,
      %get3A_1940 = arith.constant 0 : i32
      %get3A_1941 = arith.constant 8 : i32
      %get3A_1942 = arith.index_cast %get3A_1940 : i32 to index
      %get3A_1943 = arith.index_cast %get3A_1941 : i32 to index
      %get3A_1944 = arith.index_cast %squeeze3A_1932 : i32 to index
      %get3A_1945 = arith.constant 0 : index
      %get3A_1946 = tpu.vector_load %arg9[%get3A_1942, %get3A_1943, %get3A_1944, %get3A_1945] {strides = array<i32>} : memref<2x16x8x64xf32, #tpu.memory_space<vmem>>, vector<16xf32>,
      %mul3A_1947 = arith.mulf %get3A_1939, %get3A_1946 : vector<16xf32>
      %get3A_1948 = arith.constant 0 : i32
      %get3A_1949 = arith.constant 8 : i32
      %get3A_1950 = arith.index_cast %get3A_1948 : i32 to index
      %get3A_1951 = arith.index_cast %get3A_1949 : i32 to index
      %get3A_1952 = arith.index_cast %squeeze3A_1930 : i32 to index
      %get3A_1953 = arith.constant 16 : index
      %get3A_1954 = tpu.vector_load %arg10[%get3A_1950, %get3A_1951, %get3A_1952, %get3A_1953] {strides = array<i32>} : memref<2x16x8x64xf32, #tpu.memory_space<vmem>>, vector<16xf32>,
      %get3A_1955 = arith.constant 0 : i32
      %get3A_1956 = arith.constant 8 : i32
      %get3A_1957 = arith.index_cast %get3A_1955 : i32 to index
      %get3A_1958 = arith.index_cast %get3A_1956 : i32 to index
      %get3A_1959 = arith.index_cast %squeeze3A_1932 : i32 to index
      %get3A_1960 = arith.constant 16 : index
      %get3A_1961 = tpu.vector_load %arg9[%get3A_1957, %get3A_1958, %get3A_1959, %get3A_1960] {strides = array<i32>} : memref<2x16x8x64xf32, #tpu.memory_space<vmem>>, vector<16xf32>,
      %mul3A_1962 = arith.mulf %get3A_1954, %get3A_1961 : vector<16xf32>
      %get3A_1963 = arith.constant 0 : i32
      %get3A_1964 = arith.constant 8 : i32
      %get3A_1965 = arith.index_cast %get3A_1963 : i32 to index
      %get3A_1966 = arith.index_cast %get3A_1964 : i32 to index
      %get3A_1967 = arith.index_cast %squeeze3A_1930 : i32 to index
      %get3A_1968 = arith.constant 32 : index
      %get3A_1969 = tpu.vector_load %arg10[%get3A_1965, %get3A_1966, %get3A_1967, %get3A_1968] {strides = array<i32>} : memref<2x16x8x64xf32, #tpu.memory_space<vmem>>, vector<16xf32>,
      %get3A_1970 = arith.constant 0 : i32
      %get3A_1971 = arith.constant 8 : i32
      %get3A_1972 = arith.index_cast %get3A_1970 : i32 to index
      %get3A_1973 = arith.index_cast %get3A_1971 : i32 to index
      %get3A_1974 = arith.index_cast %squeeze3A_1932 : i32 to index
      %get3A_1975 = arith.constant 32 : index
      %get3A_1976 = tpu.vector_load %arg9[%get3A_1972, %get3A_1973, %get3A_1974, %get3A_1975] {strides = array<i32>} : memref<2x16x8x64xf32, #tpu.memory_space<vmem>>, vector<16xf32>,
      %mul3A_1977 = arith.mulf %get3A_1969, %get3A_1976 : vector<16xf32>
      %get3A_1978 = arith.constant 0 : i32
      %get3A_1979 = arith.constant 8 : i32
      %get3A_1980 = arith.index_cast %get3A_1978 : i32 to index
      %get3A_1981 = arith.index_cast %get3A_1979 : i32 to index
      %get3A_1982 = arith.index_cast %squeeze3A_1930 : i32 to index
      %get3A_1983 = arith.constant 48 : index
      %get3A_1984 = tpu.vector_load %arg10[%get3A_1980, %get3A_1981, %get3A_1982, %get3A_1983] {strides = array<i32>} : memref<2x16x8x64xf32, #tpu.memory_space<vmem>>, vector<16xf32>,
      %get3A_1985 = arith.constant 0 : i32
      %get3A_1986 = arith.constant 8 : i32
      %get3A_1987 = arith.index_cast %get3A_1985 : i32 to index
      %get3A_1988 = arith.index_cast %get3A_1986 : i32 to index
      %get3A_1989 = arith.index_cast %squeeze3A_1932 : i32 to index
      %get3A_1990 = arith.constant 48 : index
      %get3A_1991 = tpu.vector_load %arg9[%get3A_1987, %get3A_1988, %get3A_1989, %get3A_1990] {strides = array<i32>} : memref<2x16x8x64xf32, #tpu.memory_space<vmem>>, vector<16xf32>,
      %mul3A_1992 = arith.mulf %get3A_1984, %get3A_1991 : vector<16xf32>
      %add3A_1993 = arith.addf %mul3A_1947, %mul3A_1962 : vector<16xf32>
      %add3A_1994 = arith.addf %mul3A_1977, %mul3A_1992 : vector<16xf32>
      %add3A_1995 = arith.addf %add3A_1993, %add3A_1994 : vector<16xf32>
      %add3A_1996 = arith.constant 8 : i32
      %add3A_1997 = vector.broadcast %add3A_1996 : i32 to vector<16xi32>
      %add3A_1998 = arith.addi %mul3A_5, %add3A_1997 : vector<16xi32>
      tpu.vector_store_idx %arg12[%add3A_1998], %add3A_1995 : memref<256xf32, #tpu.memory_space<vmem>>[vector<16xi32>], vector<16xf32>,
      %slice3A_1999 = vector.extract_strided_slice %and3A_1363 {offsets = [9], sizes = [1], strides = [1]} : vector<16xi32> to vector<1xi32>
      %squeeze3A_2000 = vector.extract %slice3A_1999[0] : i32 from vector<1xi32>
      %slice3A_2001 = vector.extract_strided_slice %and3A_1368 {offsets = [9], sizes = [1], strides = [1]} : vector<16xi32> to vector<1xi32>
      %squeeze3A_2002 = vector.extract %slice3A_2001[0] : i32 from vector<1xi32>
      %get3A_2003 = arith.constant 0 : i32
      %get3A_2004 = arith.constant 9 : i32
      %get3A_2005 = arith.index_cast %get3A_2003 : i32 to index
      %get3A_2006 = arith.index_cast %get3A_2004 : i32 to index
      %get3A_2007 = arith.index_cast %squeeze3A_2000 : i32 to index
      %get3A_2008 = arith.constant 0 : index
      %get3A_2009 = tpu.vector_load %arg10[%get3A_2005, %get3A_2006, %get3A_2007, %get3A_2008] {strides = array<i32>} : memref<2x16x8x64xf32, #tpu.memory_space<vmem>>, vector<16xf32>,
      %get3A_2010 = arith.constant 0 : i32
      %get3A_2011 = arith.constant 9 : i32
      %get3A_2012 = arith.index_cast %get3A_2010 : i32 to index
      %get3A_2013 = arith.index_cast %get3A_2011 : i32 to index
      %get3A_2014 = arith.index_cast %squeeze3A_2002 : i32 to index
      %get3A_2015 = arith.constant 0 : index
      %get3A_2016 = tpu.vector_load %arg9[%get3A_2012, %get3A_2013, %get3A_2014, %get3A_2015] {strides = array<i32>} : memref<2x16x8x64xf32, #tpu.memory_space<vmem>>, vector<16xf32>,
      %mul3A_2017 = arith.mulf %get3A_2009, %get3A_2016 : vector<16xf32>
      %get3A_2018 = arith.constant 0 : i32
      %get3A_2019 = arith.constant 9 : i32
      %get3A_2020 = arith.index_cast %get3A_2018 : i32 to index
      %get3A_2021 = arith.index_cast %get3A_2019 : i32 to index
      %get3A_2022 = arith.index_cast %squeeze3A_2000 : i32 to index
      %get3A_2023 = arith.constant 16 : index
      %get3A_2024 = tpu.vector_load %arg10[%get3A_2020, %get3A_2021, %get3A_2022, %get3A_2023] {strides = array<i32>} : memref<2x16x8x64xf32, #tpu.memory_space<vmem>>, vector<16xf32>,
      %get3A_2025 = arith.constant 0 : i32
      %get3A_2026 = arith.constant 9 : i32
      %get3A_2027 = arith.index_cast %get3A_2025 : i32 to index
      %get3A_2028 = arith.index_cast %get3A_2026 : i32 to index
      %get3A_2029 = arith.index_cast %squeeze3A_2002 : i32 to index
      %get3A_2030 = arith.constant 16 : index
      %get3A_2031 = tpu.vector_load %arg9[%get3A_2027, %get3A_2028, %get3A_2029, %get3A_2030] {strides = array<i32>} : memref<2x16x8x64xf32, #tpu.memory_space<vmem>>, vector<16xf32>,
      %mul3A_2032 = arith.mulf %get3A_2024, %get3A_2031 : vector<16xf32>
      %get3A_2033 = arith.constant 0 : i32
      %get3A_2034 = arith.constant 9 : i32
      %get3A_2035 = arith.index_cast %get3A_2033 : i32 to index
      %get3A_2036 = arith.index_cast %get3A_2034 : i32 to index
      %get3A_2037 = arith.index_cast %squeeze3A_2000 : i32 to index
      %get3A_2038 = arith.constant 32 : index
      %get3A_2039 = tpu.vector_load %arg10[%get3A_2035, %get3A_2036, %get3A_2037, %get3A_2038] {strides = array<i32>} : memref<2x16x8x64xf32, #tpu.memory_space<vmem>>, vector<16xf32>,
      %get3A_2040 = arith.constant 0 : i32
      %get3A_2041 = arith.constant 9 : i32
      %get3A_2042 = arith.index_cast %get3A_2040 : i32 to index
      %get3A_2043 = arith.index_cast %get3A_2041 : i32 to index
      %get3A_2044 = arith.index_cast %squeeze3A_2002 : i32 to index
      %get3A_2045 = arith.constant 32 : index
      %get3A_2046 = tpu.vector_load %arg9[%get3A_2042, %get3A_2043, %get3A_2044, %get3A_2045] {strides = array<i32>} : memref<2x16x8x64xf32, #tpu.memory_space<vmem>>, vector<16xf32>,
      %mul3A_2047 = arith.mulf %get3A_2039, %get3A_2046 : vector<16xf32>
      %get3A_2048 = arith.constant 0 : i32
      %get3A_2049 = arith.constant 9 : i32
      %get3A_2050 = arith.index_cast %get3A_2048 : i32 to index
      %get3A_2051 = arith.index_cast %get3A_2049 : i32 to index
      %get3A_2052 = arith.index_cast %squeeze3A_2000 : i32 to index
      %get3A_2053 = arith.constant 48 : index
      %get3A_2054 = tpu.vector_load %arg10[%get3A_2050, %get3A_2051, %get3A_2052, %get3A_2053] {strides = array<i32>} : memref<2x16x8x64xf32, #tpu.memory_space<vmem>>, vector<16xf32>,
      %get3A_2055 = arith.constant 0 : i32
      %get3A_2056 = arith.constant 9 : i32
      %get3A_2057 = arith.index_cast %get3A_2055 : i32 to index
      %get3A_2058 = arith.index_cast %get3A_2056 : i32 to index
      %get3A_2059 = arith.index_cast %squeeze3A_2002 : i32 to index
      %get3A_2060 = arith.constant 48 : index
      %get3A_2061 = tpu.vector_load %arg9[%get3A_2057, %get3A_2058, %get3A_2059, %get3A_2060] {strides = array<i32>} : memref<2x16x8x64xf32, #tpu.memory_space<vmem>>, vector<16xf32>,
      %mul3A_2062 = arith.mulf %get3A_2054, %get3A_2061 : vector<16xf32>
      %add3A_2063 = arith.addf %mul3A_2017, %mul3A_2032 : vector<16xf32>
      %add3A_2064 = arith.addf %mul3A_2047, %mul3A_2062 : vector<16xf32>
      %add3A_2065 = arith.addf %add3A_2063, %add3A_2064 : vector<16xf32>
      %add3A_2066 = arith.constant 9 : i32
      %add3A_2067 = vector.broadcast %add3A_2066 : i32 to vector<16xi32>
      %add3A_2068 = arith.addi %mul3A_5, %add3A_2067 : vector<16xi32>
      tpu.vector_store_idx %arg12[%add3A_2068], %add3A_2065 : memref<256xf32, #tpu.memory_space<vmem>>[vector<16xi32>], vector<16xf32>,
      %slice3A_2069 = vector.extract_strided_slice %and3A_1363 {offsets = [10], sizes = [1], strides = [1]} : vector<16xi32> to vector<1xi32>
      %squeeze3A_2070 = vector.extract %slice3A_2069[0] : i32 from vector<1xi32>
      %slice3A_2071 = vector.extract_strided_slice %and3A_1368 {offsets = [10], sizes = [1], strides = [1]} : vector<16xi32> to vector<1xi32>
      %squeeze3A_2072 = vector.extract %slice3A_2071[0] : i32 from vector<1xi32>
      %get3A_2073 = arith.constant 0 : i32
      %get3A_2074 = arith.constant 10 : i32
      %get3A_2075 = arith.index_cast %get3A_2073 : i32 to index
      %get3A_2076 = arith.index_cast %get3A_2074 : i32 to index
      %get3A_2077 = arith.index_cast %squeeze3A_2070 : i32 to index
      %get3A_2078 = arith.constant 0 : index
      %get3A_2079 = tpu.vector_load %arg10[%get3A_2075, %get3A_2076, %get3A_2077, %get3A_2078] {strides = array<i32>} : memref<2x16x8x64xf32, #tpu.memory_space<vmem>>, vector<16xf32>,
      %get3A_2080 = arith.constant 0 : i32
      %get3A_2081 = arith.constant 10 : i32
      %get3A_2082 = arith.index_cast %get3A_2080 : i32 to index
      %get3A_2083 = arith.index_cast %get3A_2081 : i32 to index
      %get3A_2084 = arith.index_cast %squeeze3A_2072 : i32 to index
      %get3A_2085 = arith.constant 0 : index
      %get3A_2086 = tpu.vector_load %arg9[%get3A_2082, %get3A_2083, %get3A_2084, %get3A_2085] {strides = array<i32>} : memref<2x16x8x64xf32, #tpu.memory_space<vmem>>, vector<16xf32>,
      %mul3A_2087 = arith.mulf %get3A_2079, %get3A_2086 : vector<16xf32>
      %get3A_2088 = arith.constant 0 : i32
      %get3A_2089 = arith.constant 10 : i32
      %get3A_2090 = arith.index_cast %get3A_2088 : i32 to index
      %get3A_2091 = arith.index_cast %get3A_2089 : i32 to index
      %get3A_2092 = arith.index_cast %squeeze3A_2070 : i32 to index
      %get3A_2093 = arith.constant 16 : index
      %get3A_2094 = tpu.vector_load %arg10[%get3A_2090, %get3A_2091, %get3A_2092, %get3A_2093] {strides = array<i32>} : memref<2x16x8x64xf32, #tpu.memory_space<vmem>>, vector<16xf32>,
      %get3A_2095 = arith.constant 0 : i32
      %get3A_2096 = arith.constant 10 : i32
      %get3A_2097 = arith.index_cast %get3A_2095 : i32 to index
      %get3A_2098 = arith.index_cast %get3A_2096 : i32 to index
      %get3A_2099 = arith.index_cast %squeeze3A_2072 : i32 to index
      %get3A_2100 = arith.constant 16 : index
      %get3A_2101 = tpu.vector_load %arg9[%get3A_2097, %get3A_2098, %get3A_2099, %get3A_2100] {strides = array<i32>} : memref<2x16x8x64xf32, #tpu.memory_space<vmem>>, vector<16xf32>,
      %mul3A_2102 = arith.mulf %get3A_2094, %get3A_2101 : vector<16xf32>
      %get3A_2103 = arith.constant 0 : i32
      %get3A_2104 = arith.constant 10 : i32
      %get3A_2105 = arith.index_cast %get3A_2103 : i32 to index
      %get3A_2106 = arith.index_cast %get3A_2104 : i32 to index
      %get3A_2107 = arith.index_cast %squeeze3A_2070 : i32 to index
      %get3A_2108 = arith.constant 32 : index
      %get3A_2109 = tpu.vector_load %arg10[%get3A_2105, %get3A_2106, %get3A_2107, %get3A_2108] {strides = array<i32>} : memref<2x16x8x64xf32, #tpu.memory_space<vmem>>, vector<16xf32>,
      %get3A_2110 = arith.constant 0 : i32
      %get3A_2111 = arith.constant 10 : i32
      %get3A_2112 = arith.index_cast %get3A_2110 : i32 to index
      %get3A_2113 = arith.index_cast %get3A_2111 : i32 to index
      %get3A_2114 = arith.index_cast %squeeze3A_2072 : i32 to index
      %get3A_2115 = arith.constant 32 : index
      %get3A_2116 = tpu.vector_load %arg9[%get3A_2112, %get3A_2113, %get3A_2114, %get3A_2115] {strides = array<i32>} : memref<2x16x8x64xf32, #tpu.memory_space<vmem>>, vector<16xf32>,
      %mul3A_2117 = arith.mulf %get3A_2109, %get3A_2116 : vector<16xf32>
      %get3A_2118 = arith.constant 0 : i32
      %get3A_2119 = arith.constant 10 : i32
      %get3A_2120 = arith.index_cast %get3A_2118 : i32 to index
      %get3A_2121 = arith.index_cast %get3A_2119 : i32 to index
      %get3A_2122 = arith.index_cast %squeeze3A_2070 : i32 to index
      %get3A_2123 = arith.constant 48 : index
      %get3A_2124 = tpu.vector_load %arg10[%get3A_2120, %get3A_2121, %get3A_2122, %get3A_2123] {strides = array<i32>} : memref<2x16x8x64xf32, #tpu.memory_space<vmem>>, vector<16xf32>,
      %get3A_2125 = arith.constant 0 : i32
      %get3A_2126 = arith.constant 10 : i32
      %get3A_2127 = arith.index_cast %get3A_2125 : i32 to index
      %get3A_2128 = arith.index_cast %get3A_2126 : i32 to index
      %get3A_2129 = arith.index_cast %squeeze3A_2072 : i32 to index
      %get3A_2130 = arith.constant 48 : index
      %get3A_2131 = tpu.vector_load %arg9[%get3A_2127, %get3A_2128, %get3A_2129, %get3A_2130] {strides = array<i32>} : memref<2x16x8x64xf32, #tpu.memory_space<vmem>>, vector<16xf32>,
      %mul3A_2132 = arith.mulf %get3A_2124, %get3A_2131 : vector<16xf32>
      %add3A_2133 = arith.addf %mul3A_2087, %mul3A_2102 : vector<16xf32>
      %add3A_2134 = arith.addf %mul3A_2117, %mul3A_2132 : vector<16xf32>
      %add3A_2135 = arith.addf %add3A_2133, %add3A_2134 : vector<16xf32>
      %add3A_2136 = arith.constant 10 : i32
      %add3A_2137 = vector.broadcast %add3A_2136 : i32 to vector<16xi32>
      %add3A_2138 = arith.addi %mul3A_5, %add3A_2137 : vector<16xi32>
      tpu.vector_store_idx %arg12[%add3A_2138], %add3A_2135 : memref<256xf32, #tpu.memory_space<vmem>>[vector<16xi32>], vector<16xf32>,
      %slice3A_2139 = vector.extract_strided_slice %and3A_1363 {offsets = [11], sizes = [1], strides = [1]} : vector<16xi32> to vector<1xi32>
      %squeeze3A_2140 = vector.extract %slice3A_2139[0] : i32 from vector<1xi32>
      %slice3A_2141 = vector.extract_strided_slice %and3A_1368 {offsets = [11], sizes = [1], strides = [1]} : vector<16xi32> to vector<1xi32>
      %squeeze3A_2142 = vector.extract %slice3A_2141[0] : i32 from vector<1xi32>
      %get3A_2143 = arith.constant 0 : i32
      %get3A_2144 = arith.constant 11 : i32
      %get3A_2145 = arith.index_cast %get3A_2143 : i32 to index
      %get3A_2146 = arith.index_cast %get3A_2144 : i32 to index
      %get3A_2147 = arith.index_cast %squeeze3A_2140 : i32 to index
      %get3A_2148 = arith.constant 0 : index
      %get3A_2149 = tpu.vector_load %arg10[%get3A_2145, %get3A_2146, %get3A_2147, %get3A_2148] {strides = array<i32>} : memref<2x16x8x64xf32, #tpu.memory_space<vmem>>, vector<16xf32>,
      %get3A_2150 = arith.constant 0 : i32
      %get3A_2151 = arith.constant 11 : i32
      %get3A_2152 = arith.index_cast %get3A_2150 : i32 to index
      %get3A_2153 = arith.index_cast %get3A_2151 : i32 to index
      %get3A_2154 = arith.index_cast %squeeze3A_2142 : i32 to index
      %get3A_2155 = arith.constant 0 : index
      %get3A_2156 = tpu.vector_load %arg9[%get3A_2152, %get3A_2153, %get3A_2154, %get3A_2155] {strides = array<i32>} : memref<2x16x8x64xf32, #tpu.memory_space<vmem>>, vector<16xf32>,
      %mul3A_2157 = arith.mulf %get3A_2149, %get3A_2156 : vector<16xf32>
      %get3A_2158 = arith.constant 0 : i32
      %get3A_2159 = arith.constant 11 : i32
      %get3A_2160 = arith.index_cast %get3A_2158 : i32 to index
      %get3A_2161 = arith.index_cast %get3A_2159 : i32 to index
      %get3A_2162 = arith.index_cast %squeeze3A_2140 : i32 to index
      %get3A_2163 = arith.constant 16 : index
      %get3A_2164 = tpu.vector_load %arg10[%get3A_2160, %get3A_2161, %get3A_2162, %get3A_2163] {strides = array<i32>} : memref<2x16x8x64xf32, #tpu.memory_space<vmem>>, vector<16xf32>,
      %get3A_2165 = arith.constant 0 : i32
      %get3A_2166 = arith.constant 11 : i32
      %get3A_2167 = arith.index_cast %get3A_2165 : i32 to index
      %get3A_2168 = arith.index_cast %get3A_2166 : i32 to index
      %get3A_2169 = arith.index_cast %squeeze3A_2142 : i32 to index
      %get3A_2170 = arith.constant 16 : index
      %get3A_2171 = tpu.vector_load %arg9[%get3A_2167, %get3A_2168, %get3A_2169, %get3A_2170] {strides = array<i32>} : memref<2x16x8x64xf32, #tpu.memory_space<vmem>>, vector<16xf32>,
      %mul3A_2172 = arith.mulf %get3A_2164, %get3A_2171 : vector<16xf32>
      %get3A_2173 = arith.constant 0 : i32
      %get3A_2174 = arith.constant 11 : i32
      %get3A_2175 = arith.index_cast %get3A_2173 : i32 to index
      %get3A_2176 = arith.index_cast %get3A_2174 : i32 to index
      %get3A_2177 = arith.index_cast %squeeze3A_2140 : i32 to index
      %get3A_2178 = arith.constant 32 : index
      %get3A_2179 = tpu.vector_load %arg10[%get3A_2175, %get3A_2176, %get3A_2177, %get3A_2178] {strides = array<i32>} : memref<2x16x8x64xf32, #tpu.memory_space<vmem>>, vector<16xf32>,
      %get3A_2180 = arith.constant 0 : i32
      %get3A_2181 = arith.constant 11 : i32
      %get3A_2182 = arith.index_cast %get3A_2180 : i32 to index
      %get3A_2183 = arith.index_cast %get3A_2181 : i32 to index
      %get3A_2184 = arith.index_cast %squeeze3A_2142 : i32 to index
      %get3A_2185 = arith.constant 32 : index
      %get3A_2186 = tpu.vector_load %arg9[%get3A_2182, %get3A_2183, %get3A_2184, %get3A_2185] {strides = array<i32>} : memref<2x16x8x64xf32, #tpu.memory_space<vmem>>, vector<16xf32>,
      %mul3A_2187 = arith.mulf %get3A_2179, %get3A_2186 : vector<16xf32>
      %get3A_2188 = arith.constant 0 : i32
      %get3A_2189 = arith.constant 11 : i32
      %get3A_2190 = arith.index_cast %get3A_2188 : i32 to index
      %get3A_2191 = arith.index_cast %get3A_2189 : i32 to index
      %get3A_2192 = arith.index_cast %squeeze3A_2140 : i32 to index
      %get3A_2193 = arith.constant 48 : index
      %get3A_2194 = tpu.vector_load %arg10[%get3A_2190, %get3A_2191, %get3A_2192, %get3A_2193] {strides = array<i32>} : memref<2x16x8x64xf32, #tpu.memory_space<vmem>>, vector<16xf32>,
      %get3A_2195 = arith.constant 0 : i32
      %get3A_2196 = arith.constant 11 : i32
      %get3A_2197 = arith.index_cast %get3A_2195 : i32 to index
      %get3A_2198 = arith.index_cast %get3A_2196 : i32 to index
      %get3A_2199 = arith.index_cast %squeeze3A_2142 : i32 to index
      %get3A_2200 = arith.constant 48 : index
      %get3A_2201 = tpu.vector_load %arg9[%get3A_2197, %get3A_2198, %get3A_2199, %get3A_2200] {strides = array<i32>} : memref<2x16x8x64xf32, #tpu.memory_space<vmem>>, vector<16xf32>,
      %mul3A_2202 = arith.mulf %get3A_2194, %get3A_2201 : vector<16xf32>
      %add3A_2203 = arith.addf %mul3A_2157, %mul3A_2172 : vector<16xf32>
      %add3A_2204 = arith.addf %mul3A_2187, %mul3A_2202 : vector<16xf32>
      %add3A_2205 = arith.addf %add3A_2203, %add3A_2204 : vector<16xf32>
      %add3A_2206 = arith.constant 11 : i32
      %add3A_2207 = vector.broadcast %add3A_2206 : i32 to vector<16xi32>
      %add3A_2208 = arith.addi %mul3A_5, %add3A_2207 : vector<16xi32>
      tpu.vector_store_idx %arg12[%add3A_2208], %add3A_2205 : memref<256xf32, #tpu.memory_space<vmem>>[vector<16xi32>], vector<16xf32>,
      %slice3A_2209 = vector.extract_strided_slice %and3A_1363 {offsets = [12], sizes = [1], strides = [1]} : vector<16xi32> to vector<1xi32>
      %squeeze3A_2210 = vector.extract %slice3A_2209[0] : i32 from vector<1xi32>
      %slice3A_2211 = vector.extract_strided_slice %and3A_1368 {offsets = [12], sizes = [1], strides = [1]} : vector<16xi32> to vector<1xi32>
      %squeeze3A_2212 = vector.extract %slice3A_2211[0] : i32 from vector<1xi32>
      %get3A_2213 = arith.constant 0 : i32
      %get3A_2214 = arith.constant 12 : i32
      %get3A_2215 = arith.index_cast %get3A_2213 : i32 to index
      %get3A_2216 = arith.index_cast %get3A_2214 : i32 to index
      %get3A_2217 = arith.index_cast %squeeze3A_2210 : i32 to index
      %get3A_2218 = arith.constant 0 : index
      %get3A_2219 = tpu.vector_load %arg10[%get3A_2215, %get3A_2216, %get3A_2217, %get3A_2218] {strides = array<i32>} : memref<2x16x8x64xf32, #tpu.memory_space<vmem>>, vector<16xf32>,
      %get3A_2220 = arith.constant 0 : i32
      %get3A_2221 = arith.constant 12 : i32
      %get3A_2222 = arith.index_cast %get3A_2220 : i32 to index
      %get3A_2223 = arith.index_cast %get3A_2221 : i32 to index
      %get3A_2224 = arith.index_cast %squeeze3A_2212 : i32 to index
      %get3A_2225 = arith.constant 0 : index
      %get3A_2226 = tpu.vector_load %arg9[%get3A_2222, %get3A_2223, %get3A_2224, %get3A_2225] {strides = array<i32>} : memref<2x16x8x64xf32, #tpu.memory_space<vmem>>, vector<16xf32>,
      %mul3A_2227 = arith.mulf %get3A_2219, %get3A_2226 : vector<16xf32>
      %get3A_2228 = arith.constant 0 : i32
      %get3A_2229 = arith.constant 12 : i32
      %get3A_2230 = arith.index_cast %get3A_2228 : i32 to index
      %get3A_2231 = arith.index_cast %get3A_2229 : i32 to index
      %get3A_2232 = arith.index_cast %squeeze3A_2210 : i32 to index
      %get3A_2233 = arith.constant 16 : index
      %get3A_2234 = tpu.vector_load %arg10[%get3A_2230, %get3A_2231, %get3A_2232, %get3A_2233] {strides = array<i32>} : memref<2x16x8x64xf32, #tpu.memory_space<vmem>>, vector<16xf32>,
      %get3A_2235 = arith.constant 0 : i32
      %get3A_2236 = arith.constant 12 : i32
      %get3A_2237 = arith.index_cast %get3A_2235 : i32 to index
      %get3A_2238 = arith.index_cast %get3A_2236 : i32 to index
      %get3A_2239 = arith.index_cast %squeeze3A_2212 : i32 to index
      %get3A_2240 = arith.constant 16 : index
      %get3A_2241 = tpu.vector_load %arg9[%get3A_2237, %get3A_2238, %get3A_2239, %get3A_2240] {strides = array<i32>} : memref<2x16x8x64xf32, #tpu.memory_space<vmem>>, vector<16xf32>,
      %mul3A_2242 = arith.mulf %get3A_2234, %get3A_2241 : vector<16xf32>
      %get3A_2243 = arith.constant 0 : i32
      %get3A_2244 = arith.constant 12 : i32
      %get3A_2245 = arith.index_cast %get3A_2243 : i32 to index
      %get3A_2246 = arith.index_cast %get3A_2244 : i32 to index
      %get3A_2247 = arith.index_cast %squeeze3A_2210 : i32 to index
      %get3A_2248 = arith.constant 32 : index
      %get3A_2249 = tpu.vector_load %arg10[%get3A_2245, %get3A_2246, %get3A_2247, %get3A_2248] {strides = array<i32>} : memref<2x16x8x64xf32, #tpu.memory_space<vmem>>, vector<16xf32>,
      %get3A_2250 = arith.constant 0 : i32
      %get3A_2251 = arith.constant 12 : i32
      %get3A_2252 = arith.index_cast %get3A_2250 : i32 to index
      %get3A_2253 = arith.index_cast %get3A_2251 : i32 to index
      %get3A_2254 = arith.index_cast %squeeze3A_2212 : i32 to index
      %get3A_2255 = arith.constant 32 : index
      %get3A_2256 = tpu.vector_load %arg9[%get3A_2252, %get3A_2253, %get3A_2254, %get3A_2255] {strides = array<i32>} : memref<2x16x8x64xf32, #tpu.memory_space<vmem>>, vector<16xf32>,
      %mul3A_2257 = arith.mulf %get3A_2249, %get3A_2256 : vector<16xf32>
      %get3A_2258 = arith.constant 0 : i32
      %get3A_2259 = arith.constant 12 : i32
      %get3A_2260 = arith.index_cast %get3A_2258 : i32 to index
      %get3A_2261 = arith.index_cast %get3A_2259 : i32 to index
      %get3A_2262 = arith.index_cast %squeeze3A_2210 : i32 to index
      %get3A_2263 = arith.constant 48 : index
      %get3A_2264 = tpu.vector_load %arg10[%get3A_2260, %get3A_2261, %get3A_2262, %get3A_2263] {strides = array<i32>} : memref<2x16x8x64xf32, #tpu.memory_space<vmem>>, vector<16xf32>,
      %get3A_2265 = arith.constant 0 : i32
      %get3A_2266 = arith.constant 12 : i32
      %get3A_2267 = arith.index_cast %get3A_2265 : i32 to index
      %get3A_2268 = arith.index_cast %get3A_2266 : i32 to index
      %get3A_2269 = arith.index_cast %squeeze3A_2212 : i32 to index
      %get3A_2270 = arith.constant 48 : index
      %get3A_2271 = tpu.vector_load %arg9[%get3A_2267, %get3A_2268, %get3A_2269, %get3A_2270] {strides = array<i32>} : memref<2x16x8x64xf32, #tpu.memory_space<vmem>>, vector<16xf32>,
      %mul3A_2272 = arith.mulf %get3A_2264, %get3A_2271 : vector<16xf32>
      %add3A_2273 = arith.addf %mul3A_2227, %mul3A_2242 : vector<16xf32>
      %add3A_2274 = arith.addf %mul3A_2257, %mul3A_2272 : vector<16xf32>
      %add3A_2275 = arith.addf %add3A_2273, %add3A_2274 : vector<16xf32>
      %add3A_2276 = arith.constant 12 : i32
      %add3A_2277 = vector.broadcast %add3A_2276 : i32 to vector<16xi32>
      %add3A_2278 = arith.addi %mul3A_5, %add3A_2277 : vector<16xi32>
      tpu.vector_store_idx %arg12[%add3A_2278], %add3A_2275 : memref<256xf32, #tpu.memory_space<vmem>>[vector<16xi32>], vector<16xf32>,
      %slice3A_2279 = vector.extract_strided_slice %and3A_1363 {offsets = [13], sizes = [1], strides = [1]} : vector<16xi32> to vector<1xi32>
      %squeeze3A_2280 = vector.extract %slice3A_2279[0] : i32 from vector<1xi32>
      %slice3A_2281 = vector.extract_strided_slice %and3A_1368 {offsets = [13], sizes = [1], strides = [1]} : vector<16xi32> to vector<1xi32>
      %squeeze3A_2282 = vector.extract %slice3A_2281[0] : i32 from vector<1xi32>
      %get3A_2283 = arith.constant 0 : i32
      %get3A_2284 = arith.constant 13 : i32
      %get3A_2285 = arith.index_cast %get3A_2283 : i32 to index
      %get3A_2286 = arith.index_cast %get3A_2284 : i32 to index
      %get3A_2287 = arith.index_cast %squeeze3A_2280 : i32 to index
      %get3A_2288 = arith.constant 0 : index
      %get3A_2289 = tpu.vector_load %arg10[%get3A_2285, %get3A_2286, %get3A_2287, %get3A_2288] {strides = array<i32>} : memref<2x16x8x64xf32, #tpu.memory_space<vmem>>, vector<16xf32>,
      %get3A_2290 = arith.constant 0 : i32
      %get3A_2291 = arith.constant 13 : i32
      %get3A_2292 = arith.index_cast %get3A_2290 : i32 to index
      %get3A_2293 = arith.index_cast %get3A_2291 : i32 to index
      %get3A_2294 = arith.index_cast %squeeze3A_2282 : i32 to index
      %get3A_2295 = arith.constant 0 : index
      %get3A_2296 = tpu.vector_load %arg9[%get3A_2292, %get3A_2293, %get3A_2294, %get3A_2295] {strides = array<i32>} : memref<2x16x8x64xf32, #tpu.memory_space<vmem>>, vector<16xf32>,
      %mul3A_2297 = arith.mulf %get3A_2289, %get3A_2296 : vector<16xf32>
      %get3A_2298 = arith.constant 0 : i32
      %get3A_2299 = arith.constant 13 : i32
      %get3A_2300 = arith.index_cast %get3A_2298 : i32 to index
      %get3A_2301 = arith.index_cast %get3A_2299 : i32 to index
      %get3A_2302 = arith.index_cast %squeeze3A_2280 : i32 to index
      %get3A_2303 = arith.constant 16 : index
      %get3A_2304 = tpu.vector_load %arg10[%get3A_2300, %get3A_2301, %get3A_2302, %get3A_2303] {strides = array<i32>} : memref<2x16x8x64xf32, #tpu.memory_space<vmem>>, vector<16xf32>,
      %get3A_2305 = arith.constant 0 : i32
      %get3A_2306 = arith.constant 13 : i32
      %get3A_2307 = arith.index_cast %get3A_2305 : i32 to index
      %get3A_2308 = arith.index_cast %get3A_2306 : i32 to index
      %get3A_2309 = arith.index_cast %squeeze3A_2282 : i32 to index
      %get3A_2310 = arith.constant 16 : index
      %get3A_2311 = tpu.vector_load %arg9[%get3A_2307, %get3A_2308, %get3A_2309, %get3A_2310] {strides = array<i32>} : memref<2x16x8x64xf32, #tpu.memory_space<vmem>>, vector<16xf32>,
      %mul3A_2312 = arith.mulf %get3A_2304, %get3A_2311 : vector<16xf32>
      %get3A_2313 = arith.constant 0 : i32
      %get3A_2314 = arith.constant 13 : i32
      %get3A_2315 = arith.index_cast %get3A_2313 : i32 to index
      %get3A_2316 = arith.index_cast %get3A_2314 : i32 to index
      %get3A_2317 = arith.index_cast %squeeze3A_2280 : i32 to index
      %get3A_2318 = arith.constant 32 : index
      %get3A_2319 = tpu.vector_load %arg10[%get3A_2315, %get3A_2316, %get3A_2317, %get3A_2318] {strides = array<i32>} : memref<2x16x8x64xf32, #tpu.memory_space<vmem>>, vector<16xf32>,
      %get3A_2320 = arith.constant 0 : i32
      %get3A_2321 = arith.constant 13 : i32
      %get3A_2322 = arith.index_cast %get3A_2320 : i32 to index
      %get3A_2323 = arith.index_cast %get3A_2321 : i32 to index
      %get3A_2324 = arith.index_cast %squeeze3A_2282 : i32 to index
      %get3A_2325 = arith.constant 32 : index
      %get3A_2326 = tpu.vector_load %arg9[%get3A_2322, %get3A_2323, %get3A_2324, %get3A_2325] {strides = array<i32>} : memref<2x16x8x64xf32, #tpu.memory_space<vmem>>, vector<16xf32>,
      %mul3A_2327 = arith.mulf %get3A_2319, %get3A_2326 : vector<16xf32>
      %get3A_2328 = arith.constant 0 : i32
      %get3A_2329 = arith.constant 13 : i32
      %get3A_2330 = arith.index_cast %get3A_2328 : i32 to index
      %get3A_2331 = arith.index_cast %get3A_2329 : i32 to index
      %get3A_2332 = arith.index_cast %squeeze3A_2280 : i32 to index
      %get3A_2333 = arith.constant 48 : index
      %get3A_2334 = tpu.vector_load %arg10[%get3A_2330, %get3A_2331, %get3A_2332, %get3A_2333] {strides = array<i32>} : memref<2x16x8x64xf32, #tpu.memory_space<vmem>>, vector<16xf32>,
      %get3A_2335 = arith.constant 0 : i32
      %get3A_2336 = arith.constant 13 : i32
      %get3A_2337 = arith.index_cast %get3A_2335 : i32 to index
      %get3A_2338 = arith.index_cast %get3A_2336 : i32 to index
      %get3A_2339 = arith.index_cast %squeeze3A_2282 : i32 to index
      %get3A_2340 = arith.constant 48 : index
      %get3A_2341 = tpu.vector_load %arg9[%get3A_2337, %get3A_2338, %get3A_2339, %get3A_2340] {strides = array<i32>} : memref<2x16x8x64xf32, #tpu.memory_space<vmem>>, vector<16xf32>,
      %mul3A_2342 = arith.mulf %get3A_2334, %get3A_2341 : vector<16xf32>
      %add3A_2343 = arith.addf %mul3A_2297, %mul3A_2312 : vector<16xf32>
      %add3A_2344 = arith.addf %mul3A_2327, %mul3A_2342 : vector<16xf32>
      %add3A_2345 = arith.addf %add3A_2343, %add3A_2344 : vector<16xf32>
      %add3A_2346 = arith.constant 13 : i32
      %add3A_2347 = vector.broadcast %add3A_2346 : i32 to vector<16xi32>
      %add3A_2348 = arith.addi %mul3A_5, %add3A_2347 : vector<16xi32>
      tpu.vector_store_idx %arg12[%add3A_2348], %add3A_2345 : memref<256xf32, #tpu.memory_space<vmem>>[vector<16xi32>], vector<16xf32>,
      %slice3A_2349 = vector.extract_strided_slice %and3A_1363 {offsets = [14], sizes = [1], strides = [1]} : vector<16xi32> to vector<1xi32>
      %squeeze3A_2350 = vector.extract %slice3A_2349[0] : i32 from vector<1xi32>
      %slice3A_2351 = vector.extract_strided_slice %and3A_1368 {offsets = [14], sizes = [1], strides = [1]} : vector<16xi32> to vector<1xi32>
      %squeeze3A_2352 = vector.extract %slice3A_2351[0] : i32 from vector<1xi32>
      %get3A_2353 = arith.constant 0 : i32
      %get3A_2354 = arith.constant 14 : i32
      %get3A_2355 = arith.index_cast %get3A_2353 : i32 to index
      %get3A_2356 = arith.index_cast %get3A_2354 : i32 to index
      %get3A_2357 = arith.index_cast %squeeze3A_2350 : i32 to index
      %get3A_2358 = arith.constant 0 : index
      %get3A_2359 = tpu.vector_load %arg10[%get3A_2355, %get3A_2356, %get3A_2357, %get3A_2358] {strides = array<i32>} : memref<2x16x8x64xf32, #tpu.memory_space<vmem>>, vector<16xf32>,
      %get3A_2360 = arith.constant 0 : i32
      %get3A_2361 = arith.constant 14 : i32
      %get3A_2362 = arith.index_cast %get3A_2360 : i32 to index
      %get3A_2363 = arith.index_cast %get3A_2361 : i32 to index
      %get3A_2364 = arith.index_cast %squeeze3A_2352 : i32 to index
      %get3A_2365 = arith.constant 0 : index
      %get3A_2366 = tpu.vector_load %arg9[%get3A_2362, %get3A_2363, %get3A_2364, %get3A_2365] {strides = array<i32>} : memref<2x16x8x64xf32, #tpu.memory_space<vmem>>, vector<16xf32>,
      %mul3A_2367 = arith.mulf %get3A_2359, %get3A_2366 : vector<16xf32>
      %get3A_2368 = arith.constant 0 : i32
      %get3A_2369 = arith.constant 14 : i32
      %get3A_2370 = arith.index_cast %get3A_2368 : i32 to index
      %get3A_2371 = arith.index_cast %get3A_2369 : i32 to index
      %get3A_2372 = arith.index_cast %squeeze3A_2350 : i32 to index
      %get3A_2373 = arith.constant 16 : index
      %get3A_2374 = tpu.vector_load %arg10[%get3A_2370, %get3A_2371, %get3A_2372, %get3A_2373] {strides = array<i32>} : memref<2x16x8x64xf32, #tpu.memory_space<vmem>>, vector<16xf32>,
      %get3A_2375 = arith.constant 0 : i32
      %get3A_2376 = arith.constant 14 : i32
      %get3A_2377 = arith.index_cast %get3A_2375 : i32 to index
      %get3A_2378 = arith.index_cast %get3A_2376 : i32 to index
      %get3A_2379 = arith.index_cast %squeeze3A_2352 : i32 to index
      %get3A_2380 = arith.constant 16 : index
      %get3A_2381 = tpu.vector_load %arg9[%get3A_2377, %get3A_2378, %get3A_2379, %get3A_2380] {strides = array<i32>} : memref<2x16x8x64xf32, #tpu.memory_space<vmem>>, vector<16xf32>,
      %mul3A_2382 = arith.mulf %get3A_2374, %get3A_2381 : vector<16xf32>
      %get3A_2383 = arith.constant 0 : i32
      %get3A_2384 = arith.constant 14 : i32
      %get3A_2385 = arith.index_cast %get3A_2383 : i32 to index
      %get3A_2386 = arith.index_cast %get3A_2384 : i32 to index
      %get3A_2387 = arith.index_cast %squeeze3A_2350 : i32 to index
      %get3A_2388 = arith.constant 32 : index
      %get3A_2389 = tpu.vector_load %arg10[%get3A_2385, %get3A_2386, %get3A_2387, %get3A_2388] {strides = array<i32>} : memref<2x16x8x64xf32, #tpu.memory_space<vmem>>, vector<16xf32>,
      %get3A_2390 = arith.constant 0 : i32
      %get3A_2391 = arith.constant 14 : i32
      %get3A_2392 = arith.index_cast %get3A_2390 : i32 to index
      %get3A_2393 = arith.index_cast %get3A_2391 : i32 to index
      %get3A_2394 = arith.index_cast %squeeze3A_2352 : i32 to index
      %get3A_2395 = arith.constant 32 : index
      %get3A_2396 = tpu.vector_load %arg9[%get3A_2392, %get3A_2393, %get3A_2394, %get3A_2395] {strides = array<i32>} : memref<2x16x8x64xf32, #tpu.memory_space<vmem>>, vector<16xf32>,
      %mul3A_2397 = arith.mulf %get3A_2389, %get3A_2396 : vector<16xf32>
      %get3A_2398 = arith.constant 0 : i32
      %get3A_2399 = arith.constant 14 : i32
      %get3A_2400 = arith.index_cast %get3A_2398 : i32 to index
      %get3A_2401 = arith.index_cast %get3A_2399 : i32 to index
      %get3A_2402 = arith.index_cast %squeeze3A_2350 : i32 to index
      %get3A_2403 = arith.constant 48 : index
      %get3A_2404 = tpu.vector_load %arg10[%get3A_2400, %get3A_2401, %get3A_2402, %get3A_2403] {strides = array<i32>} : memref<2x16x8x64xf32, #tpu.memory_space<vmem>>, vector<16xf32>,
      %get3A_2405 = arith.constant 0 : i32
      %get3A_2406 = arith.constant 14 : i32
      %get3A_2407 = arith.index_cast %get3A_2405 : i32 to index
      %get3A_2408 = arith.index_cast %get3A_2406 : i32 to index
      %get3A_2409 = arith.index_cast %squeeze3A_2352 : i32 to index
      %get3A_2410 = arith.constant 48 : index
      %get3A_2411 = tpu.vector_load %arg9[%get3A_2407, %get3A_2408, %get3A_2409, %get3A_2410] {strides = array<i32>} : memref<2x16x8x64xf32, #tpu.memory_space<vmem>>, vector<16xf32>,
      %mul3A_2412 = arith.mulf %get3A_2404, %get3A_2411 : vector<16xf32>
      %add3A_2413 = arith.addf %mul3A_2367, %mul3A_2382 : vector<16xf32>
      %add3A_2414 = arith.addf %mul3A_2397, %mul3A_2412 : vector<16xf32>
      %add3A_2415 = arith.addf %add3A_2413, %add3A_2414 : vector<16xf32>
      %add3A_2416 = arith.constant 14 : i32
      %add3A_2417 = vector.broadcast %add3A_2416 : i32 to vector<16xi32>
      %add3A_2418 = arith.addi %mul3A_5, %add3A_2417 : vector<16xi32>
      tpu.vector_store_idx %arg12[%add3A_2418], %add3A_2415 : memref<256xf32, #tpu.memory_space<vmem>>[vector<16xi32>], vector<16xf32>,
      %slice3A_2419 = vector.extract_strided_slice %and3A_1363 {offsets = [15], sizes = [1], strides = [1]} : vector<16xi32> to vector<1xi32>
      %squeeze3A_2420 = vector.extract %slice3A_2419[0] : i32 from vector<1xi32>
      %slice3A_2421 = vector.extract_strided_slice %and3A_1368 {offsets = [15], sizes = [1], strides = [1]} : vector<16xi32> to vector<1xi32>
      %squeeze3A_2422 = vector.extract %slice3A_2421[0] : i32 from vector<1xi32>
      %get3A_2423 = arith.constant 0 : i32
      %get3A_2424 = arith.constant 15 : i32
      %get3A_2425 = arith.index_cast %get3A_2423 : i32 to index
      %get3A_2426 = arith.index_cast %get3A_2424 : i32 to index
      %get3A_2427 = arith.index_cast %squeeze3A_2420 : i32 to index
      %get3A_2428 = arith.constant 0 : index
      %get3A_2429 = tpu.vector_load %arg10[%get3A_2425, %get3A_2426, %get3A_2427, %get3A_2428] {strides = array<i32>} : memref<2x16x8x64xf32, #tpu.memory_space<vmem>>, vector<16xf32>,
      %get3A_2430 = arith.constant 0 : i32
      %get3A_2431 = arith.constant 15 : i32
      %get3A_2432 = arith.index_cast %get3A_2430 : i32 to index
      %get3A_2433 = arith.index_cast %get3A_2431 : i32 to index
      %get3A_2434 = arith.index_cast %squeeze3A_2422 : i32 to index
      %get3A_2435 = arith.constant 0 : index
      %get3A_2436 = tpu.vector_load %arg9[%get3A_2432, %get3A_2433, %get3A_2434, %get3A_2435] {strides = array<i32>} : memref<2x16x8x64xf32, #tpu.memory_space<vmem>>, vector<16xf32>,
      %mul3A_2437 = arith.mulf %get3A_2429, %get3A_2436 : vector<16xf32>
      %get3A_2438 = arith.constant 0 : i32
      %get3A_2439 = arith.constant 15 : i32
      %get3A_2440 = arith.index_cast %get3A_2438 : i32 to index
      %get3A_2441 = arith.index_cast %get3A_2439 : i32 to index
      %get3A_2442 = arith.index_cast %squeeze3A_2420 : i32 to index
      %get3A_2443 = arith.constant 16 : index
      %get3A_2444 = tpu.vector_load %arg10[%get3A_2440, %get3A_2441, %get3A_2442, %get3A_2443] {strides = array<i32>} : memref<2x16x8x64xf32, #tpu.memory_space<vmem>>, vector<16xf32>,
      %get3A_2445 = arith.constant 0 : i32
      %get3A_2446 = arith.constant 15 : i32
      %get3A_2447 = arith.index_cast %get3A_2445 : i32 to index
      %get3A_2448 = arith.index_cast %get3A_2446 : i32 to index
      %get3A_2449 = arith.index_cast %squeeze3A_2422 : i32 to index
      %get3A_2450 = arith.constant 16 : index
      %get3A_2451 = tpu.vector_load %arg9[%get3A_2447, %get3A_2448, %get3A_2449, %get3A_2450] {strides = array<i32>} : memref<2x16x8x64xf32, #tpu.memory_space<vmem>>, vector<16xf32>,
      %mul3A_2452 = arith.mulf %get3A_2444, %get3A_2451 : vector<16xf32>
      %get3A_2453 = arith.constant 0 : i32
      %get3A_2454 = arith.constant 15 : i32
      %get3A_2455 = arith.index_cast %get3A_2453 : i32 to index
      %get3A_2456 = arith.index_cast %get3A_2454 : i32 to index
      %get3A_2457 = arith.index_cast %squeeze3A_2420 : i32 to index
      %get3A_2458 = arith.constant 32 : index
      %get3A_2459 = tpu.vector_load %arg10[%get3A_2455, %get3A_2456, %get3A_2457, %get3A_2458] {strides = array<i32>} : memref<2x16x8x64xf32, #tpu.memory_space<vmem>>, vector<16xf32>,
      %get3A_2460 = arith.constant 0 : i32
      %get3A_2461 = arith.constant 15 : i32
      %get3A_2462 = arith.index_cast %get3A_2460 : i32 to index
      %get3A_2463 = arith.index_cast %get3A_2461 : i32 to index
      %get3A_2464 = arith.index_cast %squeeze3A_2422 : i32 to index
      %get3A_2465 = arith.constant 32 : index
      %get3A_2466 = tpu.vector_load %arg9[%get3A_2462, %get3A_2463, %get3A_2464, %get3A_2465] {strides = array<i32>} : memref<2x16x8x64xf32, #tpu.memory_space<vmem>>, vector<16xf32>,
      %mul3A_2467 = arith.mulf %get3A_2459, %get3A_2466 : vector<16xf32>
      %get3A_2468 = arith.constant 0 : i32
      %get3A_2469 = arith.constant 15 : i32
      %get3A_2470 = arith.index_cast %get3A_2468 : i32 to index
      %get3A_2471 = arith.index_cast %get3A_2469 : i32 to index
      %get3A_2472 = arith.index_cast %squeeze3A_2420 : i32 to index
      %get3A_2473 = arith.constant 48 : index
      %get3A_2474 = tpu.vector_load %arg10[%get3A_2470, %get3A_2471, %get3A_2472, %get3A_2473] {strides = array<i32>} : memref<2x16x8x64xf32, #tpu.memory_space<vmem>>, vector<16xf32>,
      %get3A_2475 = arith.constant 0 : i32
      %get3A_2476 = arith.constant 15 : i32
      %get3A_2477 = arith.index_cast %get3A_2475 : i32 to index
      %get3A_2478 = arith.index_cast %get3A_2476 : i32 to index
      %get3A_2479 = arith.index_cast %squeeze3A_2422 : i32 to index
      %get3A_2480 = arith.constant 48 : index
      %get3A_2481 = tpu.vector_load %arg9[%get3A_2477, %get3A_2478, %get3A_2479, %get3A_2480] {strides = array<i32>} : memref<2x16x8x64xf32, #tpu.memory_space<vmem>>, vector<16xf32>,
      %mul3A_2482 = arith.mulf %get3A_2474, %get3A_2481 : vector<16xf32>
      %add3A_2483 = arith.addf %mul3A_2437, %mul3A_2452 : vector<16xf32>
      %add3A_2484 = arith.addf %mul3A_2467, %mul3A_2482 : vector<16xf32>
      %add3A_2485 = arith.addf %add3A_2483, %add3A_2484 : vector<16xf32>
      %add3A_2486 = arith.constant 15 : i32
      %add3A_2487 = vector.broadcast %add3A_2486 : i32 to vector<16xi32>
      %add3A_2488 = arith.addi %mul3A_5, %add3A_2487 : vector<16xi32>
      tpu.vector_store_idx %arg12[%add3A_2488], %add3A_2485 : memref<256xf32, #tpu.memory_space<vmem>>[vector<16xi32>], vector<16xf32>,
      %get3A_2489 = arith.constant 0 : index
      %get3A_2490 = tpu.vector_load %arg12[%get3A_2489] {strides = array<i32>} : memref<256xf32, #tpu.memory_space<vmem>>, vector<16xf32>,
      %get3A_2491 = arith.constant 16 : index
      %get3A_2492 = tpu.vector_load %arg12[%get3A_2491] {strides = array<i32>} : memref<256xf32, #tpu.memory_space<vmem>>, vector<16xf32>,
      %get3A_2493 = arith.constant 32 : index
      %get3A_2494 = tpu.vector_load %arg12[%get3A_2493] {strides = array<i32>} : memref<256xf32, #tpu.memory_space<vmem>>, vector<16xf32>,
      %get3A_2495 = arith.constant 48 : index
      %get3A_2496 = tpu.vector_load %arg12[%get3A_2495] {strides = array<i32>} : memref<256xf32, #tpu.memory_space<vmem>>, vector<16xf32>,
      %get3A_2497 = arith.constant 64 : index
      %get3A_2498 = tpu.vector_load %arg12[%get3A_2497] {strides = array<i32>} : memref<256xf32, #tpu.memory_space<vmem>>, vector<16xf32>,
      %get3A_2499 = arith.constant 80 : index
      %get3A_2500 = tpu.vector_load %arg12[%get3A_2499] {strides = array<i32>} : memref<256xf32, #tpu.memory_space<vmem>>, vector<16xf32>,
      %get3A_2501 = arith.constant 96 : index
      %get3A_2502 = tpu.vector_load %arg12[%get3A_2501] {strides = array<i32>} : memref<256xf32, #tpu.memory_space<vmem>>, vector<16xf32>,
      %get3A_2503 = arith.constant 112 : index
      %get3A_2504 = tpu.vector_load %arg12[%get3A_2503] {strides = array<i32>} : memref<256xf32, #tpu.memory_space<vmem>>, vector<16xf32>,
      %get3A_2505 = arith.constant 128 : index
      %get3A_2506 = tpu.vector_load %arg12[%get3A_2505] {strides = array<i32>} : memref<256xf32, #tpu.memory_space<vmem>>, vector<16xf32>,
      %get3A_2507 = arith.constant 144 : index
      %get3A_2508 = tpu.vector_load %arg12[%get3A_2507] {strides = array<i32>} : memref<256xf32, #tpu.memory_space<vmem>>, vector<16xf32>,
      %get3A_2509 = arith.constant 160 : index
      %get3A_2510 = tpu.vector_load %arg12[%get3A_2509] {strides = array<i32>} : memref<256xf32, #tpu.memory_space<vmem>>, vector<16xf32>,
      %get3A_2511 = arith.constant 176 : index
      %get3A_2512 = tpu.vector_load %arg12[%get3A_2511] {strides = array<i32>} : memref<256xf32, #tpu.memory_space<vmem>>, vector<16xf32>,
      %get3A_2513 = arith.constant 192 : index
      %get3A_2514 = tpu.vector_load %arg12[%get3A_2513] {strides = array<i32>} : memref<256xf32, #tpu.memory_space<vmem>>, vector<16xf32>,
      %get3A_2515 = arith.constant 208 : index
      %get3A_2516 = tpu.vector_load %arg12[%get3A_2515] {strides = array<i32>} : memref<256xf32, #tpu.memory_space<vmem>>, vector<16xf32>,
      %get3A_2517 = arith.constant 224 : index
      %get3A_2518 = tpu.vector_load %arg12[%get3A_2517] {strides = array<i32>} : memref<256xf32, #tpu.memory_space<vmem>>, vector<16xf32>,
      %get3A_2519 = arith.constant 240 : index
      %get3A_2520 = tpu.vector_load %arg12[%get3A_2519] {strides = array<i32>} : memref<256xf32, #tpu.memory_space<vmem>>, vector<16xf32>,
      %add3A_2521 = arith.addf %get3A_2490, %get3A_2492 : vector<16xf32>
      %add3A_2522 = arith.addf %get3A_2494, %get3A_2496 : vector<16xf32>
      %add3A_2523 = arith.addf %get3A_2498, %get3A_2500 : vector<16xf32>
      %add3A_2524 = arith.addf %get3A_2502, %get3A_2504 : vector<16xf32>
      %add3A_2525 = arith.addf %get3A_2506, %get3A_2508 : vector<16xf32>
      %add3A_2526 = arith.addf %get3A_2510, %get3A_2512 : vector<16xf32>
      %add3A_2527 = arith.addf %get3A_2514, %get3A_2516 : vector<16xf32>
      %add3A_2528 = arith.addf %get3A_2518, %get3A_2520 : vector<16xf32>
      %add3A_2529 = arith.addf %add3A_2521, %add3A_2522 : vector<16xf32>
      %add3A_2530 = arith.addf %add3A_2523, %add3A_2524 : vector<16xf32>
      %add3A_2531 = arith.addf %add3A_2525, %add3A_2526 : vector<16xf32>
      %add3A_2532 = arith.addf %add3A_2527, %add3A_2528 : vector<16xf32>
      %add3A_2533 = arith.addf %add3A_2529, %add3A_2530 : vector<16xf32>
      %add3A_2534 = arith.addf %add3A_2531, %add3A_2532 : vector<16xf32>
      %add3A_2535 = arith.addf %add3A_2533, %add3A_2534 : vector<16xf32>
      %swap3A = arith.index_cast %add3A_1359 : i32 to index
      %swap3A_2536 = tpu.vector_load %arg11[%swap3A] {strides = array<i32>} : memref<512xf32, #tpu.memory_space<vmem>>, vector<16xf32>,
      tpu.vector_store %arg11[%swap3A], %add3A_2535 {strides = array<i32>} : memref<512xf32, #tpu.memory_space<vmem>>, vector<16xf32>,
      %lt3A = arith.constant 15 : i32
      %lt3A_2537 = arith.cmpi slt, %scan3A_656, %lt3A : i32
      %convert_element_type3A = arith.extui %lt3A_2537 : i1 to i32
      %cond3A = arith.constant 0 : i32
      %cond3A_2538 = arith.cmpi ne, %convert_element_type3A, %cond3A : i32
      scf.if %cond3A_2538 {
        %add3A_3764 = arith.constant 2 : i32
        %add3A_3765 = arith.addi %mul3A_658, %add3A_3764 : i32
        %mul3A_3766 = arith.constant 16 : i32
        %mul3A_3767 = arith.muli %add3A_3765, %mul3A_3766 : i32
        %add3A_3768 = arith.constant 0 : i32
        %add3A_3769 = arith.addi %mul3A_3767, %add3A_3768 : i32
        %get3A_3770 = arith.index_cast %add3A_3769 : i32 to index
        %get3A_3771 = tpu.vector_load %arg7[%get3A_3770] {strides = array<i32>} : memref<512xi32, #tpu.memory_space<vmem>>, vector<16xi32>,
        %shift_right_arithmetic3A_3772 = arith.constant 3 : i32
        %shift_right_arithmetic3A_3773 = vector.broadcast %shift_right_arithmetic3A_3772 : i32 to vector<16xi32>
        %shift_right_arithmetic3A_3774 = arith.shrsi %get3A_3771, %shift_right_arithmetic3A_3773 : vector<16xi32>
        %mul3A_3775 = arith.constant 16 : i32
        %mul3A_3776 = arith.muli %add3A_3765, %mul3A_3775 : i32
        %add3A_3777 = arith.constant 0 : i32
        %add3A_3778 = arith.addi %mul3A_3776, %add3A_3777 : i32
        %get3A_3779 = arith.index_cast %add3A_3778 : i32 to index
        %get3A_3780 = tpu.vector_load %arg8[%get3A_3779] {strides = array<i32>} : memref<512xi32, #tpu.memory_space<vmem>>, vector<16xi32>,
        %shift_right_arithmetic3A_3781 = arith.constant 3 : i32
        %shift_right_arithmetic3A_3782 = vector.broadcast %shift_right_arithmetic3A_3781 : i32 to vector<16xi32>
        %shift_right_arithmetic3A_3783 = arith.shrsi %get3A_3780, %shift_right_arithmetic3A_3782 : vector<16xi32>
        %slice3A_3784 = vector.extract_strided_slice %shift_right_arithmetic3A_3774 {offsets = [0], sizes = [1], strides = [1]} : vector<16xi32> to vector<1xi32>
        %squeeze3A_3785 = vector.extract %slice3A_3784[0] : i32 from vector<1xi32>
        %dma_start3A_3786 = arith.constant 0 : i32
        %dma_start3A_3787 = arith.constant 0 : i32
        %dma_start3A_3788 = arith.constant 0 : i32
        %dma_start3A_3789 = arith.constant 0 : i32
        %dma_start3A_3790 = tpu.memref_slice %arg9[%dma_start3A_3786, %dma_start3A_3787, %dma_start3A_3788, %dma_start3A_3789] : memref<2x16x8x64xf32, #tpu.memory_space<vmem>> -> memref<1x1x8x64xf32, #tpu.memory_space<vmem>>
        %dma_start3A_3791 = tpu.memref_squeeze %dma_start3A_3790 : memref<1x1x8x64xf32, #tpu.memory_space<vmem>> -> memref<8x64xf32, #tpu.memory_space<vmem>>
        %dma_start3A_3792 = arith.constant 0 : i32
        %dma_start3A_3793 = arith.constant 0 : i32
        %dma_start3A_3794 = tpu.memref_slice %arg5[%squeeze3A_3785, %dma_start3A_3792, %dma_start3A_3793] : memref<125000x8x64xf32, #tpu.memory_space<hbm>> -> memref<1x8x64xf32, #tpu.memory_space<hbm>>
        %dma_start3A_3795 = tpu.memref_squeeze %dma_start3A_3794 : memref<1x8x64xf32, #tpu.memory_space<hbm>> -> memref<8x64xf32, #tpu.memory_space<hbm>>
        %dma_start3A_3796 = arith.constant 0 : i32
        %dma_start3A_3797 = arith.constant 0 : i32
        %dma_start3A_3798 = tpu.memref_slice %arg9[%dma_start3A_3786, %dma_start3A_3787, %dma_start3A_3796, %dma_start3A_3797] : memref<2x16x8x64xf32, #tpu.memory_space<vmem>> -> memref<1x1x8x64xf32, #tpu.memory_space<vmem>>
        %dma_start3A_3799 = tpu.memref_squeeze %dma_start3A_3798 : memref<1x1x8x64xf32, #tpu.memory_space<vmem>> -> memref<8x64xf32, #tpu.memory_space<vmem>>
        %dma_start3A_3800 = arith.constant 0 : i32
        %dma_start3A_3801 = arith.constant 0 : i32
        %dma_start3A_3802 = tpu.memref_slice %arg5[%squeeze3A_3785, %dma_start3A_3800, %dma_start3A_3801] : memref<125000x8x64xf32, #tpu.memory_space<hbm>> -> memref<1x8x64xf32, #tpu.memory_space<hbm>>
        %dma_start3A_3803 = tpu.memref_squeeze %dma_start3A_3802 : memref<1x8x64xf32, #tpu.memory_space<hbm>> -> memref<8x64xf32, #tpu.memory_space<hbm>>
        tpu.enqueue_dma source(%dma_start3A_3803 : memref<8x64xf32, #tpu.memory_space<hbm>>) target(%dma_start3A_3799 : memref<8x64xf32, #tpu.memory_space<vmem>>) target_semaphore(%arg13 : memref<!tpu.dma_semaphore, #tpu.memory_space<semaphore_mem>>)
        %slice3A_3804 = vector.extract_strided_slice %shift_right_arithmetic3A_3783 {offsets = [0], sizes = [1], strides = [1]} : vector<16xi32> to vector<1xi32>
        %squeeze3A_3805 = vector.extract %slice3A_3804[0] : i32 from vector<1xi32>
        %dma_start3A_3806 = arith.constant 0 : i32
        %dma_start3A_3807 = arith.constant 0 : i32
        %dma_start3A_3808 = arith.constant 0 : i32
        %dma_start3A_3809 = arith.constant 0 : i32
        %dma_start3A_3810 = tpu.memref_slice %arg10[%dma_start3A_3806, %dma_start3A_3807, %dma_start3A_3808, %dma_start3A_3809] : memref<2x16x8x64xf32, #tpu.memory_space<vmem>> -> memref<1x1x8x64xf32, #tpu.memory_space<vmem>>
        %dma_start3A_3811 = tpu.memref_squeeze %dma_start3A_3810 : memref<1x1x8x64xf32, #tpu.memory_space<vmem>> -> memref<8x64xf32, #tpu.memory_space<vmem>>
        %dma_start3A_3812 = arith.constant 0 : i32
        %dma_start3A_3813 = arith.constant 0 : i32
        %dma_start3A_3814 = tpu.memref_slice %arg4[%squeeze3A_3805, %dma_start3A_3812, %dma_start3A_3813] : memref<125000x8x64xf32, #tpu.memory_space<hbm>> -> memref<1x8x64xf32, #tpu.memory_space<hbm>>
        %dma_start3A_3815 = tpu.memref_squeeze %dma_start3A_3814 : memref<1x8x64xf32, #tpu.memory_space<hbm>> -> memref<8x64xf32, #tpu.memory_space<hbm>>
        %dma_start3A_3816 = arith.constant 0 : i32
        %dma_start3A_3817 = arith.constant 0 : i32
        %dma_start3A_3818 = tpu.memref_slice %arg10[%dma_start3A_3806, %dma_start3A_3807, %dma_start3A_3816, %dma_start3A_3817] : memref<2x16x8x64xf32, #tpu.memory_space<vmem>> -> memref<1x1x8x64xf32, #tpu.memory_space<vmem>>
        %dma_start3A_3819 = tpu.memref_squeeze %dma_start3A_3818 : memref<1x1x8x64xf32, #tpu.memory_space<vmem>> -> memref<8x64xf32, #tpu.memory_space<vmem>>
        %dma_start3A_3820 = arith.constant 0 : i32
        %dma_start3A_3821 = arith.constant 0 : i32
        %dma_start3A_3822 = tpu.memref_slice %arg4[%squeeze3A_3805, %dma_start3A_3820, %dma_start3A_3821] : memref<125000x8x64xf32, #tpu.memory_space<hbm>> -> memref<1x8x64xf32, #tpu.memory_space<hbm>>
        %dma_start3A_3823 = tpu.memref_squeeze %dma_start3A_3822 : memref<1x8x64xf32, #tpu.memory_space<hbm>> -> memref<8x64xf32, #tpu.memory_space<hbm>>
        tpu.enqueue_dma source(%dma_start3A_3823 : memref<8x64xf32, #tpu.memory_space<hbm>>) target(%dma_start3A_3819 : memref<8x64xf32, #tpu.memory_space<vmem>>) target_semaphore(%arg13 : memref<!tpu.dma_semaphore, #tpu.memory_space<semaphore_mem>>)
        %slice3A_3824 = vector.extract_strided_slice %shift_right_arithmetic3A_3774 {offsets = [1], sizes = [1], strides = [1]} : vector<16xi32> to vector<1xi32>
        %squeeze3A_3825 = vector.extract %slice3A_3824[0] : i32 from vector<1xi32>
        %dma_start3A_3826 = arith.constant 0 : i32
        %dma_start3A_3827 = arith.constant 1 : i32
        %dma_start3A_3828 = arith.constant 0 : i32
        %dma_start3A_3829 = arith.constant 0 : i32
        %dma_start3A_3830 = tpu.memref_slice %arg9[%dma_start3A_3826, %dma_start3A_3827, %dma_start3A_3828, %dma_start3A_3829] : memref<2x16x8x64xf32, #tpu.memory_space<vmem>> -> memref<1x1x8x64xf32, #tpu.memory_space<vmem>>
        %dma_start3A_3831 = tpu.memref_squeeze %dma_start3A_3830 : memref<1x1x8x64xf32, #tpu.memory_space<vmem>> -> memref<8x64xf32, #tpu.memory_space<vmem>>
        %dma_start3A_3832 = arith.constant 0 : i32
        %dma_start3A_3833 = arith.constant 0 : i32
        %dma_start3A_3834 = tpu.memref_slice %arg5[%squeeze3A_3825, %dma_start3A_3832, %dma_start3A_3833] : memref<125000x8x64xf32, #tpu.memory_space<hbm>> -> memref<1x8x64xf32, #tpu.memory_space<hbm>>
        %dma_start3A_3835 = tpu.memref_squeeze %dma_start3A_3834 : memref<1x8x64xf32, #tpu.memory_space<hbm>> -> memref<8x64xf32, #tpu.memory_space<hbm>>
        %dma_start3A_3836 = arith.constant 0 : i32
        %dma_start3A_3837 = arith.constant 0 : i32
        %dma_start3A_3838 = tpu.memref_slice %arg9[%dma_start3A_3826, %dma_start3A_3827, %dma_start3A_3836, %dma_start3A_3837] : memref<2x16x8x64xf32, #tpu.memory_space<vmem>> -> memref<1x1x8x64xf32, #tpu.memory_space<vmem>>
        %dma_start3A_3839 = tpu.memref_squeeze %dma_start3A_3838 : memref<1x1x8x64xf32, #tpu.memory_space<vmem>> -> memref<8x64xf32, #tpu.memory_space<vmem>>
        %dma_start3A_3840 = arith.constant 0 : i32
        %dma_start3A_3841 = arith.constant 0 : i32
        %dma_start3A_3842 = tpu.memref_slice %arg5[%squeeze3A_3825, %dma_start3A_3840, %dma_start3A_3841] : memref<125000x8x64xf32, #tpu.memory_space<hbm>> -> memref<1x8x64xf32, #tpu.memory_space<hbm>>
        %dma_start3A_3843 = tpu.memref_squeeze %dma_start3A_3842 : memref<1x8x64xf32, #tpu.memory_space<hbm>> -> memref<8x64xf32, #tpu.memory_space<hbm>>
        tpu.enqueue_dma source(%dma_start3A_3843 : memref<8x64xf32, #tpu.memory_space<hbm>>) target(%dma_start3A_3839 : memref<8x64xf32, #tpu.memory_space<vmem>>) target_semaphore(%arg13 : memref<!tpu.dma_semaphore, #tpu.memory_space<semaphore_mem>>)
        %slice3A_3844 = vector.extract_strided_slice %shift_right_arithmetic3A_3783 {offsets = [1], sizes = [1], strides = [1]} : vector<16xi32> to vector<1xi32>
        %squeeze3A_3845 = vector.extract %slice3A_3844[0] : i32 from vector<1xi32>
        %dma_start3A_3846 = arith.constant 0 : i32
        %dma_start3A_3847 = arith.constant 1 : i32
        %dma_start3A_3848 = arith.constant 0 : i32
        %dma_start3A_3849 = arith.constant 0 : i32
        %dma_start3A_3850 = tpu.memref_slice %arg10[%dma_start3A_3846, %dma_start3A_3847, %dma_start3A_3848, %dma_start3A_3849] : memref<2x16x8x64xf32, #tpu.memory_space<vmem>> -> memref<1x1x8x64xf32, #tpu.memory_space<vmem>>
        %dma_start3A_3851 = tpu.memref_squeeze %dma_start3A_3850 : memref<1x1x8x64xf32, #tpu.memory_space<vmem>> -> memref<8x64xf32, #tpu.memory_space<vmem>>
        %dma_start3A_3852 = arith.constant 0 : i32
        %dma_start3A_3853 = arith.constant 0 : i32
        %dma_start3A_3854 = tpu.memref_slice %arg4[%squeeze3A_3845, %dma_start3A_3852, %dma_start3A_3853] : memref<125000x8x64xf32, #tpu.memory_space<hbm>> -> memref<1x8x64xf32, #tpu.memory_space<hbm>>
        %dma_start3A_3855 = tpu.memref_squeeze %dma_start3A_3854 : memref<1x8x64xf32, #tpu.memory_space<hbm>> -> memref<8x64xf32, #tpu.memory_space<hbm>>
        %dma_start3A_3856 = arith.constant 0 : i32
        %dma_start3A_3857 = arith.constant 0 : i32
        %dma_start3A_3858 = tpu.memref_slice %arg10[%dma_start3A_3846, %dma_start3A_3847, %dma_start3A_3856, %dma_start3A_3857] : memref<2x16x8x64xf32, #tpu.memory_space<vmem>> -> memref<1x1x8x64xf32, #tpu.memory_space<vmem>>
        %dma_start3A_3859 = tpu.memref_squeeze %dma_start3A_3858 : memref<1x1x8x64xf32, #tpu.memory_space<vmem>> -> memref<8x64xf32, #tpu.memory_space<vmem>>
        %dma_start3A_3860 = arith.constant 0 : i32
        %dma_start3A_3861 = arith.constant 0 : i32
        %dma_start3A_3862 = tpu.memref_slice %arg4[%squeeze3A_3845, %dma_start3A_3860, %dma_start3A_3861] : memref<125000x8x64xf32, #tpu.memory_space<hbm>> -> memref<1x8x64xf32, #tpu.memory_space<hbm>>
        %dma_start3A_3863 = tpu.memref_squeeze %dma_start3A_3862 : memref<1x8x64xf32, #tpu.memory_space<hbm>> -> memref<8x64xf32, #tpu.memory_space<hbm>>
        tpu.enqueue_dma source(%dma_start3A_3863 : memref<8x64xf32, #tpu.memory_space<hbm>>) target(%dma_start3A_3859 : memref<8x64xf32, #tpu.memory_space<vmem>>) target_semaphore(%arg13 : memref<!tpu.dma_semaphore, #tpu.memory_space<semaphore_mem>>)
        %slice3A_3864 = vector.extract_strided_slice %shift_right_arithmetic3A_3774 {offsets = [2], sizes = [1], strides = [1]} : vector<16xi32> to vector<1xi32>
        %squeeze3A_3865 = vector.extract %slice3A_3864[0] : i32 from vector<1xi32>
        %dma_start3A_3866 = arith.constant 0 : i32
        %dma_start3A_3867 = arith.constant 2 : i32
        %dma_start3A_3868 = arith.constant 0 : i32
        %dma_start3A_3869 = arith.constant 0 : i32
        %dma_start3A_3870 = tpu.memref_slice %arg9[%dma_start3A_3866, %dma_start3A_3867, %dma_start3A_3868, %dma_start3A_3869] : memref<2x16x8x64xf32, #tpu.memory_space<vmem>> -> memref<1x1x8x64xf32, #tpu.memory_space<vmem>>
        %dma_start3A_3871 = tpu.memref_squeeze %dma_start3A_3870 : memref<1x1x8x64xf32, #tpu.memory_space<vmem>> -> memref<8x64xf32, #tpu.memory_space<vmem>>
        %dma_start3A_3872 = arith.constant 0 : i32
        %dma_start3A_3873 = arith.constant 0 : i32
        %dma_start3A_3874 = tpu.memref_slice %arg5[%squeeze3A_3865, %dma_start3A_3872, %dma_start3A_3873] : memref<125000x8x64xf32, #tpu.memory_space<hbm>> -> memref<1x8x64xf32, #tpu.memory_space<hbm>>
        %dma_start3A_3875 = tpu.memref_squeeze %dma_start3A_3874 : memref<1x8x64xf32, #tpu.memory_space<hbm>> -> memref<8x64xf32, #tpu.memory_space<hbm>>
        %dma_start3A_3876 = arith.constant 0 : i32
        %dma_start3A_3877 = arith.constant 0 : i32
        %dma_start3A_3878 = tpu.memref_slice %arg9[%dma_start3A_3866, %dma_start3A_3867, %dma_start3A_3876, %dma_start3A_3877] : memref<2x16x8x64xf32, #tpu.memory_space<vmem>> -> memref<1x1x8x64xf32, #tpu.memory_space<vmem>>
        %dma_start3A_3879 = tpu.memref_squeeze %dma_start3A_3878 : memref<1x1x8x64xf32, #tpu.memory_space<vmem>> -> memref<8x64xf32, #tpu.memory_space<vmem>>
        %dma_start3A_3880 = arith.constant 0 : i32
        %dma_start3A_3881 = arith.constant 0 : i32
        %dma_start3A_3882 = tpu.memref_slice %arg5[%squeeze3A_3865, %dma_start3A_3880, %dma_start3A_3881] : memref<125000x8x64xf32, #tpu.memory_space<hbm>> -> memref<1x8x64xf32, #tpu.memory_space<hbm>>
        %dma_start3A_3883 = tpu.memref_squeeze %dma_start3A_3882 : memref<1x8x64xf32, #tpu.memory_space<hbm>> -> memref<8x64xf32, #tpu.memory_space<hbm>>
        tpu.enqueue_dma source(%dma_start3A_3883 : memref<8x64xf32, #tpu.memory_space<hbm>>) target(%dma_start3A_3879 : memref<8x64xf32, #tpu.memory_space<vmem>>) target_semaphore(%arg13 : memref<!tpu.dma_semaphore, #tpu.memory_space<semaphore_mem>>)
        %slice3A_3884 = vector.extract_strided_slice %shift_right_arithmetic3A_3783 {offsets = [2], sizes = [1], strides = [1]} : vector<16xi32> to vector<1xi32>
        %squeeze3A_3885 = vector.extract %slice3A_3884[0] : i32 from vector<1xi32>
        %dma_start3A_3886 = arith.constant 0 : i32
        %dma_start3A_3887 = arith.constant 2 : i32
        %dma_start3A_3888 = arith.constant 0 : i32
        %dma_start3A_3889 = arith.constant 0 : i32
        %dma_start3A_3890 = tpu.memref_slice %arg10[%dma_start3A_3886, %dma_start3A_3887, %dma_start3A_3888, %dma_start3A_3889] : memref<2x16x8x64xf32, #tpu.memory_space<vmem>> -> memref<1x1x8x64xf32, #tpu.memory_space<vmem>>
        %dma_start3A_3891 = tpu.memref_squeeze %dma_start3A_3890 : memref<1x1x8x64xf32, #tpu.memory_space<vmem>> -> memref<8x64xf32, #tpu.memory_space<vmem>>
        %dma_start3A_3892 = arith.constant 0 : i32
        %dma_start3A_3893 = arith.constant 0 : i32
        %dma_start3A_3894 = tpu.memref_slice %arg4[%squeeze3A_3885, %dma_start3A_3892, %dma_start3A_3893] : memref<125000x8x64xf32, #tpu.memory_space<hbm>> -> memref<1x8x64xf32, #tpu.memory_space<hbm>>
        %dma_start3A_3895 = tpu.memref_squeeze %dma_start3A_3894 : memref<1x8x64xf32, #tpu.memory_space<hbm>> -> memref<8x64xf32, #tpu.memory_space<hbm>>
        %dma_start3A_3896 = arith.constant 0 : i32
        %dma_start3A_3897 = arith.constant 0 : i32
        %dma_start3A_3898 = tpu.memref_slice %arg10[%dma_start3A_3886, %dma_start3A_3887, %dma_start3A_3896, %dma_start3A_3897] : memref<2x16x8x64xf32, #tpu.memory_space<vmem>> -> memref<1x1x8x64xf32, #tpu.memory_space<vmem>>
        %dma_start3A_3899 = tpu.memref_squeeze %dma_start3A_3898 : memref<1x1x8x64xf32, #tpu.memory_space<vmem>> -> memref<8x64xf32, #tpu.memory_space<vmem>>
        %dma_start3A_3900 = arith.constant 0 : i32
        %dma_start3A_3901 = arith.constant 0 : i32
        %dma_start3A_3902 = tpu.memref_slice %arg4[%squeeze3A_3885, %dma_start3A_3900, %dma_start3A_3901] : memref<125000x8x64xf32, #tpu.memory_space<hbm>> -> memref<1x8x64xf32, #tpu.memory_space<hbm>>
        %dma_start3A_3903 = tpu.memref_squeeze %dma_start3A_3902 : memref<1x8x64xf32, #tpu.memory_space<hbm>> -> memref<8x64xf32, #tpu.memory_space<hbm>>
        tpu.enqueue_dma source(%dma_start3A_3903 : memref<8x64xf32, #tpu.memory_space<hbm>>) target(%dma_start3A_3899 : memref<8x64xf32, #tpu.memory_space<vmem>>) target_semaphore(%arg13 : memref<!tpu.dma_semaphore, #tpu.memory_space<semaphore_mem>>)
        %slice3A_3904 = vector.extract_strided_slice %shift_right_arithmetic3A_3774 {offsets = [3], sizes = [1], strides = [1]} : vector<16xi32> to vector<1xi32>
        %squeeze3A_3905 = vector.extract %slice3A_3904[0] : i32 from vector<1xi32>
        %dma_start3A_3906 = arith.constant 0 : i32
        %dma_start3A_3907 = arith.constant 3 : i32
        %dma_start3A_3908 = arith.constant 0 : i32
        %dma_start3A_3909 = arith.constant 0 : i32
        %dma_start3A_3910 = tpu.memref_slice %arg9[%dma_start3A_3906, %dma_start3A_3907, %dma_start3A_3908, %dma_start3A_3909] : memref<2x16x8x64xf32, #tpu.memory_space<vmem>> -> memref<1x1x8x64xf32, #tpu.memory_space<vmem>>
        %dma_start3A_3911 = tpu.memref_squeeze %dma_start3A_3910 : memref<1x1x8x64xf32, #tpu.memory_space<vmem>> -> memref<8x64xf32, #tpu.memory_space<vmem>>
        %dma_start3A_3912 = arith.constant 0 : i32
        %dma_start3A_3913 = arith.constant 0 : i32
        %dma_start3A_3914 = tpu.memref_slice %arg5[%squeeze3A_3905, %dma_start3A_3912, %dma_start3A_3913] : memref<125000x8x64xf32, #tpu.memory_space<hbm>> -> memref<1x8x64xf32, #tpu.memory_space<hbm>>
        %dma_start3A_3915 = tpu.memref_squeeze %dma_start3A_3914 : memref<1x8x64xf32, #tpu.memory_space<hbm>> -> memref<8x64xf32, #tpu.memory_space<hbm>>
        %dma_start3A_3916 = arith.constant 0 : i32
        %dma_start3A_3917 = arith.constant 0 : i32
        %dma_start3A_3918 = tpu.memref_slice %arg9[%dma_start3A_3906, %dma_start3A_3907, %dma_start3A_3916, %dma_start3A_3917] : memref<2x16x8x64xf32, #tpu.memory_space<vmem>> -> memref<1x1x8x64xf32, #tpu.memory_space<vmem>>
        %dma_start3A_3919 = tpu.memref_squeeze %dma_start3A_3918 : memref<1x1x8x64xf32, #tpu.memory_space<vmem>> -> memref<8x64xf32, #tpu.memory_space<vmem>>
        %dma_start3A_3920 = arith.constant 0 : i32
        %dma_start3A_3921 = arith.constant 0 : i32
        %dma_start3A_3922 = tpu.memref_slice %arg5[%squeeze3A_3905, %dma_start3A_3920, %dma_start3A_3921] : memref<125000x8x64xf32, #tpu.memory_space<hbm>> -> memref<1x8x64xf32, #tpu.memory_space<hbm>>
        %dma_start3A_3923 = tpu.memref_squeeze %dma_start3A_3922 : memref<1x8x64xf32, #tpu.memory_space<hbm>> -> memref<8x64xf32, #tpu.memory_space<hbm>>
        tpu.enqueue_dma source(%dma_start3A_3923 : memref<8x64xf32, #tpu.memory_space<hbm>>) target(%dma_start3A_3919 : memref<8x64xf32, #tpu.memory_space<vmem>>) target_semaphore(%arg13 : memref<!tpu.dma_semaphore, #tpu.memory_space<semaphore_mem>>)
        %slice3A_3924 = vector.extract_strided_slice %shift_right_arithmetic3A_3783 {offsets = [3], sizes = [1], strides = [1]} : vector<16xi32> to vector<1xi32>
        %squeeze3A_3925 = vector.extract %slice3A_3924[0] : i32 from vector<1xi32>
        %dma_start3A_3926 = arith.constant 0 : i32
        %dma_start3A_3927 = arith.constant 3 : i32
        %dma_start3A_3928 = arith.constant 0 : i32
        %dma_start3A_3929 = arith.constant 0 : i32
        %dma_start3A_3930 = tpu.memref_slice %arg10[%dma_start3A_3926, %dma_start3A_3927, %dma_start3A_3928, %dma_start3A_3929] : memref<2x16x8x64xf32, #tpu.memory_space<vmem>> -> memref<1x1x8x64xf32, #tpu.memory_space<vmem>>
        %dma_start3A_3931 = tpu.memref_squeeze %dma_start3A_3930 : memref<1x1x8x64xf32, #tpu.memory_space<vmem>> -> memref<8x64xf32, #tpu.memory_space<vmem>>
        %dma_start3A_3932 = arith.constant 0 : i32
        %dma_start3A_3933 = arith.constant 0 : i32
        %dma_start3A_3934 = tpu.memref_slice %arg4[%squeeze3A_3925, %dma_start3A_3932, %dma_start3A_3933] : memref<125000x8x64xf32, #tpu.memory_space<hbm>> -> memref<1x8x64xf32, #tpu.memory_space<hbm>>
        %dma_start3A_3935 = tpu.memref_squeeze %dma_start3A_3934 : memref<1x8x64xf32, #tpu.memory_space<hbm>> -> memref<8x64xf32, #tpu.memory_space<hbm>>
        %dma_start3A_3936 = arith.constant 0 : i32
        %dma_start3A_3937 = arith.constant 0 : i32
        %dma_start3A_3938 = tpu.memref_slice %arg10[%dma_start3A_3926, %dma_start3A_3927, %dma_start3A_3936, %dma_start3A_3937] : memref<2x16x8x64xf32, #tpu.memory_space<vmem>> -> memref<1x1x8x64xf32, #tpu.memory_space<vmem>>
        %dma_start3A_3939 = tpu.memref_squeeze %dma_start3A_3938 : memref<1x1x8x64xf32, #tpu.memory_space<vmem>> -> memref<8x64xf32, #tpu.memory_space<vmem>>
        %dma_start3A_3940 = arith.constant 0 : i32
        %dma_start3A_3941 = arith.constant 0 : i32
        %dma_start3A_3942 = tpu.memref_slice %arg4[%squeeze3A_3925, %dma_start3A_3940, %dma_start3A_3941] : memref<125000x8x64xf32, #tpu.memory_space<hbm>> -> memref<1x8x64xf32, #tpu.memory_space<hbm>>
        %dma_start3A_3943 = tpu.memref_squeeze %dma_start3A_3942 : memref<1x8x64xf32, #tpu.memory_space<hbm>> -> memref<8x64xf32, #tpu.memory_space<hbm>>
        tpu.enqueue_dma source(%dma_start3A_3943 : memref<8x64xf32, #tpu.memory_space<hbm>>) target(%dma_start3A_3939 : memref<8x64xf32, #tpu.memory_space<vmem>>) target_semaphore(%arg13 : memref<!tpu.dma_semaphore, #tpu.memory_space<semaphore_mem>>)
        %slice3A_3944 = vector.extract_strided_slice %shift_right_arithmetic3A_3774 {offsets = [4], sizes = [1], strides = [1]} : vector<16xi32> to vector<1xi32>
        %squeeze3A_3945 = vector.extract %slice3A_3944[0] : i32 from vector<1xi32>
        %dma_start3A_3946 = arith.constant 0 : i32
        %dma_start3A_3947 = arith.constant 4 : i32
        %dma_start3A_3948 = arith.constant 0 : i32
        %dma_start3A_3949 = arith.constant 0 : i32
        %dma_start3A_3950 = tpu.memref_slice %arg9[%dma_start3A_3946, %dma_start3A_3947, %dma_start3A_3948, %dma_start3A_3949] : memref<2x16x8x64xf32, #tpu.memory_space<vmem>> -> memref<1x1x8x64xf32, #tpu.memory_space<vmem>>
        %dma_start3A_3951 = tpu.memref_squeeze %dma_start3A_3950 : memref<1x1x8x64xf32, #tpu.memory_space<vmem>> -> memref<8x64xf32, #tpu.memory_space<vmem>>
        %dma_start3A_3952 = arith.constant 0 : i32
        %dma_start3A_3953 = arith.constant 0 : i32
        %dma_start3A_3954 = tpu.memref_slice %arg5[%squeeze3A_3945, %dma_start3A_3952, %dma_start3A_3953] : memref<125000x8x64xf32, #tpu.memory_space<hbm>> -> memref<1x8x64xf32, #tpu.memory_space<hbm>>
        %dma_start3A_3955 = tpu.memref_squeeze %dma_start3A_3954 : memref<1x8x64xf32, #tpu.memory_space<hbm>> -> memref<8x64xf32, #tpu.memory_space<hbm>>
        %dma_start3A_3956 = arith.constant 0 : i32
        %dma_start3A_3957 = arith.constant 0 : i32
        %dma_start3A_3958 = tpu.memref_slice %arg9[%dma_start3A_3946, %dma_start3A_3947, %dma_start3A_3956, %dma_start3A_3957] : memref<2x16x8x64xf32, #tpu.memory_space<vmem>> -> memref<1x1x8x64xf32, #tpu.memory_space<vmem>>
        %dma_start3A_3959 = tpu.memref_squeeze %dma_start3A_3958 : memref<1x1x8x64xf32, #tpu.memory_space<vmem>> -> memref<8x64xf32, #tpu.memory_space<vmem>>
        %dma_start3A_3960 = arith.constant 0 : i32
        %dma_start3A_3961 = arith.constant 0 : i32
        %dma_start3A_3962 = tpu.memref_slice %arg5[%squeeze3A_3945, %dma_start3A_3960, %dma_start3A_3961] : memref<125000x8x64xf32, #tpu.memory_space<hbm>> -> memref<1x8x64xf32, #tpu.memory_space<hbm>>
        %dma_start3A_3963 = tpu.memref_squeeze %dma_start3A_3962 : memref<1x8x64xf32, #tpu.memory_space<hbm>> -> memref<8x64xf32, #tpu.memory_space<hbm>>
        tpu.enqueue_dma source(%dma_start3A_3963 : memref<8x64xf32, #tpu.memory_space<hbm>>) target(%dma_start3A_3959 : memref<8x64xf32, #tpu.memory_space<vmem>>) target_semaphore(%arg13 : memref<!tpu.dma_semaphore, #tpu.memory_space<semaphore_mem>>)
        %slice3A_3964 = vector.extract_strided_slice %shift_right_arithmetic3A_3783 {offsets = [4], sizes = [1], strides = [1]} : vector<16xi32> to vector<1xi32>
        %squeeze3A_3965 = vector.extract %slice3A_3964[0] : i32 from vector<1xi32>
        %dma_start3A_3966 = arith.constant 0 : i32
        %dma_start3A_3967 = arith.constant 4 : i32
        %dma_start3A_3968 = arith.constant 0 : i32
        %dma_start3A_3969 = arith.constant 0 : i32
        %dma_start3A_3970 = tpu.memref_slice %arg10[%dma_start3A_3966, %dma_start3A_3967, %dma_start3A_3968, %dma_start3A_3969] : memref<2x16x8x64xf32, #tpu.memory_space<vmem>> -> memref<1x1x8x64xf32, #tpu.memory_space<vmem>>
        %dma_start3A_3971 = tpu.memref_squeeze %dma_start3A_3970 : memref<1x1x8x64xf32, #tpu.memory_space<vmem>> -> memref<8x64xf32, #tpu.memory_space<vmem>>
        %dma_start3A_3972 = arith.constant 0 : i32
        %dma_start3A_3973 = arith.constant 0 : i32
        %dma_start3A_3974 = tpu.memref_slice %arg4[%squeeze3A_3965, %dma_start3A_3972, %dma_start3A_3973] : memref<125000x8x64xf32, #tpu.memory_space<hbm>> -> memref<1x8x64xf32, #tpu.memory_space<hbm>>
        %dma_start3A_3975 = tpu.memref_squeeze %dma_start3A_3974 : memref<1x8x64xf32, #tpu.memory_space<hbm>> -> memref<8x64xf32, #tpu.memory_space<hbm>>
        %dma_start3A_3976 = arith.constant 0 : i32
        %dma_start3A_3977 = arith.constant 0 : i32
        %dma_start3A_3978 = tpu.memref_slice %arg10[%dma_start3A_3966, %dma_start3A_3967, %dma_start3A_3976, %dma_start3A_3977] : memref<2x16x8x64xf32, #tpu.memory_space<vmem>> -> memref<1x1x8x64xf32, #tpu.memory_space<vmem>>
        %dma_start3A_3979 = tpu.memref_squeeze %dma_start3A_3978 : memref<1x1x8x64xf32, #tpu.memory_space<vmem>> -> memref<8x64xf32, #tpu.memory_space<vmem>>
        %dma_start3A_3980 = arith.constant 0 : i32
        %dma_start3A_3981 = arith.constant 0 : i32
        %dma_start3A_3982 = tpu.memref_slice %arg4[%squeeze3A_3965, %dma_start3A_3980, %dma_start3A_3981] : memref<125000x8x64xf32, #tpu.memory_space<hbm>> -> memref<1x8x64xf32, #tpu.memory_space<hbm>>
        %dma_start3A_3983 = tpu.memref_squeeze %dma_start3A_3982 : memref<1x8x64xf32, #tpu.memory_space<hbm>> -> memref<8x64xf32, #tpu.memory_space<hbm>>
        tpu.enqueue_dma source(%dma_start3A_3983 : memref<8x64xf32, #tpu.memory_space<hbm>>) target(%dma_start3A_3979 : memref<8x64xf32, #tpu.memory_space<vmem>>) target_semaphore(%arg13 : memref<!tpu.dma_semaphore, #tpu.memory_space<semaphore_mem>>)
        %slice3A_3984 = vector.extract_strided_slice %shift_right_arithmetic3A_3774 {offsets = [5], sizes = [1], strides = [1]} : vector<16xi32> to vector<1xi32>
        %squeeze3A_3985 = vector.extract %slice3A_3984[0] : i32 from vector<1xi32>
        %dma_start3A_3986 = arith.constant 0 : i32
        %dma_start3A_3987 = arith.constant 5 : i32
        %dma_start3A_3988 = arith.constant 0 : i32
        %dma_start3A_3989 = arith.constant 0 : i32
        %dma_start3A_3990 = tpu.memref_slice %arg9[%dma_start3A_3986, %dma_start3A_3987, %dma_start3A_3988, %dma_start3A_3989] : memref<2x16x8x64xf32, #tpu.memory_space<vmem>> -> memref<1x1x8x64xf32, #tpu.memory_space<vmem>>
        %dma_start3A_3991 = tpu.memref_squeeze %dma_start3A_3990 : memref<1x1x8x64xf32, #tpu.memory_space<vmem>> -> memref<8x64xf32, #tpu.memory_space<vmem>>
        %dma_start3A_3992 = arith.constant 0 : i32
        %dma_start3A_3993 = arith.constant 0 : i32
        %dma_start3A_3994 = tpu.memref_slice %arg5[%squeeze3A_3985, %dma_start3A_3992, %dma_start3A_3993] : memref<125000x8x64xf32, #tpu.memory_space<hbm>> -> memref<1x8x64xf32, #tpu.memory_space<hbm>>
        %dma_start3A_3995 = tpu.memref_squeeze %dma_start3A_3994 : memref<1x8x64xf32, #tpu.memory_space<hbm>> -> memref<8x64xf32, #tpu.memory_space<hbm>>
        %dma_start3A_3996 = arith.constant 0 : i32
        %dma_start3A_3997 = arith.constant 0 : i32
        %dma_start3A_3998 = tpu.memref_slice %arg9[%dma_start3A_3986, %dma_start3A_3987, %dma_start3A_3996, %dma_start3A_3997] : memref<2x16x8x64xf32, #tpu.memory_space<vmem>> -> memref<1x1x8x64xf32, #tpu.memory_space<vmem>>
        %dma_start3A_3999 = tpu.memref_squeeze %dma_start3A_3998 : memref<1x1x8x64xf32, #tpu.memory_space<vmem>> -> memref<8x64xf32, #tpu.memory_space<vmem>>
        %dma_start3A_4000 = arith.constant 0 : i32
        %dma_start3A_4001 = arith.constant 0 : i32
        %dma_start3A_4002 = tpu.memref_slice %arg5[%squeeze3A_3985, %dma_start3A_4000, %dma_start3A_4001] : memref<125000x8x64xf32, #tpu.memory_space<hbm>> -> memref<1x8x64xf32, #tpu.memory_space<hbm>>
        %dma_start3A_4003 = tpu.memref_squeeze %dma_start3A_4002 : memref<1x8x64xf32, #tpu.memory_space<hbm>> -> memref<8x64xf32, #tpu.memory_space<hbm>>
        tpu.enqueue_dma source(%dma_start3A_4003 : memref<8x64xf32, #tpu.memory_space<hbm>>) target(%dma_start3A_3999 : memref<8x64xf32, #tpu.memory_space<vmem>>) target_semaphore(%arg13 : memref<!tpu.dma_semaphore, #tpu.memory_space<semaphore_mem>>)
        %slice3A_4004 = vector.extract_strided_slice %shift_right_arithmetic3A_3783 {offsets = [5], sizes = [1], strides = [1]} : vector<16xi32> to vector<1xi32>
        %squeeze3A_4005 = vector.extract %slice3A_4004[0] : i32 from vector<1xi32>
        %dma_start3A_4006 = arith.constant 0 : i32
        %dma_start3A_4007 = arith.constant 5 : i32
        %dma_start3A_4008 = arith.constant 0 : i32
        %dma_start3A_4009 = arith.constant 0 : i32
        %dma_start3A_4010 = tpu.memref_slice %arg10[%dma_start3A_4006, %dma_start3A_4007, %dma_start3A_4008, %dma_start3A_4009] : memref<2x16x8x64xf32, #tpu.memory_space<vmem>> -> memref<1x1x8x64xf32, #tpu.memory_space<vmem>>
        %dma_start3A_4011 = tpu.memref_squeeze %dma_start3A_4010 : memref<1x1x8x64xf32, #tpu.memory_space<vmem>> -> memref<8x64xf32, #tpu.memory_space<vmem>>
        %dma_start3A_4012 = arith.constant 0 : i32
        %dma_start3A_4013 = arith.constant 0 : i32
        %dma_start3A_4014 = tpu.memref_slice %arg4[%squeeze3A_4005, %dma_start3A_4012, %dma_start3A_4013] : memref<125000x8x64xf32, #tpu.memory_space<hbm>> -> memref<1x8x64xf32, #tpu.memory_space<hbm>>
        %dma_start3A_4015 = tpu.memref_squeeze %dma_start3A_4014 : memref<1x8x64xf32, #tpu.memory_space<hbm>> -> memref<8x64xf32, #tpu.memory_space<hbm>>
        %dma_start3A_4016 = arith.constant 0 : i32
        %dma_start3A_4017 = arith.constant 0 : i32
        %dma_start3A_4018 = tpu.memref_slice %arg10[%dma_start3A_4006, %dma_start3A_4007, %dma_start3A_4016, %dma_start3A_4017] : memref<2x16x8x64xf32, #tpu.memory_space<vmem>> -> memref<1x1x8x64xf32, #tpu.memory_space<vmem>>
        %dma_start3A_4019 = tpu.memref_squeeze %dma_start3A_4018 : memref<1x1x8x64xf32, #tpu.memory_space<vmem>> -> memref<8x64xf32, #tpu.memory_space<vmem>>
        %dma_start3A_4020 = arith.constant 0 : i32
        %dma_start3A_4021 = arith.constant 0 : i32
        %dma_start3A_4022 = tpu.memref_slice %arg4[%squeeze3A_4005, %dma_start3A_4020, %dma_start3A_4021] : memref<125000x8x64xf32, #tpu.memory_space<hbm>> -> memref<1x8x64xf32, #tpu.memory_space<hbm>>
        %dma_start3A_4023 = tpu.memref_squeeze %dma_start3A_4022 : memref<1x8x64xf32, #tpu.memory_space<hbm>> -> memref<8x64xf32, #tpu.memory_space<hbm>>
        tpu.enqueue_dma source(%dma_start3A_4023 : memref<8x64xf32, #tpu.memory_space<hbm>>) target(%dma_start3A_4019 : memref<8x64xf32, #tpu.memory_space<vmem>>) target_semaphore(%arg13 : memref<!tpu.dma_semaphore, #tpu.memory_space<semaphore_mem>>)
        %slice3A_4024 = vector.extract_strided_slice %shift_right_arithmetic3A_3774 {offsets = [6], sizes = [1], strides = [1]} : vector<16xi32> to vector<1xi32>
        %squeeze3A_4025 = vector.extract %slice3A_4024[0] : i32 from vector<1xi32>
        %dma_start3A_4026 = arith.constant 0 : i32
        %dma_start3A_4027 = arith.constant 6 : i32
        %dma_start3A_4028 = arith.constant 0 : i32
        %dma_start3A_4029 = arith.constant 0 : i32
        %dma_start3A_4030 = tpu.memref_slice %arg9[%dma_start3A_4026, %dma_start3A_4027, %dma_start3A_4028, %dma_start3A_4029] : memref<2x16x8x64xf32, #tpu.memory_space<vmem>> -> memref<1x1x8x64xf32, #tpu.memory_space<vmem>>
        %dma_start3A_4031 = tpu.memref_squeeze %dma_start3A_4030 : memref<1x1x8x64xf32, #tpu.memory_space<vmem>> -> memref<8x64xf32, #tpu.memory_space<vmem>>
        %dma_start3A_4032 = arith.constant 0 : i32
        %dma_start3A_4033 = arith.constant 0 : i32
        %dma_start3A_4034 = tpu.memref_slice %arg5[%squeeze3A_4025, %dma_start3A_4032, %dma_start3A_4033] : memref<125000x8x64xf32, #tpu.memory_space<hbm>> -> memref<1x8x64xf32, #tpu.memory_space<hbm>>
        %dma_start3A_4035 = tpu.memref_squeeze %dma_start3A_4034 : memref<1x8x64xf32, #tpu.memory_space<hbm>> -> memref<8x64xf32, #tpu.memory_space<hbm>>
        %dma_start3A_4036 = arith.constant 0 : i32
        %dma_start3A_4037 = arith.constant 0 : i32
        %dma_start3A_4038 = tpu.memref_slice %arg9[%dma_start3A_4026, %dma_start3A_4027, %dma_start3A_4036, %dma_start3A_4037] : memref<2x16x8x64xf32, #tpu.memory_space<vmem>> -> memref<1x1x8x64xf32, #tpu.memory_space<vmem>>
        %dma_start3A_4039 = tpu.memref_squeeze %dma_start3A_4038 : memref<1x1x8x64xf32, #tpu.memory_space<vmem>> -> memref<8x64xf32, #tpu.memory_space<vmem>>
        %dma_start3A_4040 = arith.constant 0 : i32
        %dma_start3A_4041 = arith.constant 0 : i32
        %dma_start3A_4042 = tpu.memref_slice %arg5[%squeeze3A_4025, %dma_start3A_4040, %dma_start3A_4041] : memref<125000x8x64xf32, #tpu.memory_space<hbm>> -> memref<1x8x64xf32, #tpu.memory_space<hbm>>
        %dma_start3A_4043 = tpu.memref_squeeze %dma_start3A_4042 : memref<1x8x64xf32, #tpu.memory_space<hbm>> -> memref<8x64xf32, #tpu.memory_space<hbm>>
        tpu.enqueue_dma source(%dma_start3A_4043 : memref<8x64xf32, #tpu.memory_space<hbm>>) target(%dma_start3A_4039 : memref<8x64xf32, #tpu.memory_space<vmem>>) target_semaphore(%arg13 : memref<!tpu.dma_semaphore, #tpu.memory_space<semaphore_mem>>)
        %slice3A_4044 = vector.extract_strided_slice %shift_right_arithmetic3A_3783 {offsets = [6], sizes = [1], strides = [1]} : vector<16xi32> to vector<1xi32>
        %squeeze3A_4045 = vector.extract %slice3A_4044[0] : i32 from vector<1xi32>
        %dma_start3A_4046 = arith.constant 0 : i32
        %dma_start3A_4047 = arith.constant 6 : i32
        %dma_start3A_4048 = arith.constant 0 : i32
        %dma_start3A_4049 = arith.constant 0 : i32
        %dma_start3A_4050 = tpu.memref_slice %arg10[%dma_start3A_4046, %dma_start3A_4047, %dma_start3A_4048, %dma_start3A_4049] : memref<2x16x8x64xf32, #tpu.memory_space<vmem>> -> memref<1x1x8x64xf32, #tpu.memory_space<vmem>>
        %dma_start3A_4051 = tpu.memref_squeeze %dma_start3A_4050 : memref<1x1x8x64xf32, #tpu.memory_space<vmem>> -> memref<8x64xf32, #tpu.memory_space<vmem>>
        %dma_start3A_4052 = arith.constant 0 : i32
        %dma_start3A_4053 = arith.constant 0 : i32
        %dma_start3A_4054 = tpu.memref_slice %arg4[%squeeze3A_4045, %dma_start3A_4052, %dma_start3A_4053] : memref<125000x8x64xf32, #tpu.memory_space<hbm>> -> memref<1x8x64xf32, #tpu.memory_space<hbm>>
        %dma_start3A_4055 = tpu.memref_squeeze %dma_start3A_4054 : memref<1x8x64xf32, #tpu.memory_space<hbm>> -> memref<8x64xf32, #tpu.memory_space<hbm>>
        %dma_start3A_4056 = arith.constant 0 : i32
        %dma_start3A_4057 = arith.constant 0 : i32
        %dma_start3A_4058 = tpu.memref_slice %arg10[%dma_start3A_4046, %dma_start3A_4047, %dma_start3A_4056, %dma_start3A_4057] : memref<2x16x8x64xf32, #tpu.memory_space<vmem>> -> memref<1x1x8x64xf32, #tpu.memory_space<vmem>>
        %dma_start3A_4059 = tpu.memref_squeeze %dma_start3A_4058 : memref<1x1x8x64xf32, #tpu.memory_space<vmem>> -> memref<8x64xf32, #tpu.memory_space<vmem>>
        %dma_start3A_4060 = arith.constant 0 : i32
        %dma_start3A_4061 = arith.constant 0 : i32
        %dma_start3A_4062 = tpu.memref_slice %arg4[%squeeze3A_4045, %dma_start3A_4060, %dma_start3A_4061] : memref<125000x8x64xf32, #tpu.memory_space<hbm>> -> memref<1x8x64xf32, #tpu.memory_space<hbm>>
        %dma_start3A_4063 = tpu.memref_squeeze %dma_start3A_4062 : memref<1x8x64xf32, #tpu.memory_space<hbm>> -> memref<8x64xf32, #tpu.memory_space<hbm>>
        tpu.enqueue_dma source(%dma_start3A_4063 : memref<8x64xf32, #tpu.memory_space<hbm>>) target(%dma_start3A_4059 : memref<8x64xf32, #tpu.memory_space<vmem>>) target_semaphore(%arg13 : memref<!tpu.dma_semaphore, #tpu.memory_space<semaphore_mem>>)
        %slice3A_4064 = vector.extract_strided_slice %shift_right_arithmetic3A_3774 {offsets = [7], sizes = [1], strides = [1]} : vector<16xi32> to vector<1xi32>
        %squeeze3A_4065 = vector.extract %slice3A_4064[0] : i32 from vector<1xi32>
        %dma_start3A_4066 = arith.constant 0 : i32
        %dma_start3A_4067 = arith.constant 7 : i32
        %dma_start3A_4068 = arith.constant 0 : i32
        %dma_start3A_4069 = arith.constant 0 : i32
        %dma_start3A_4070 = tpu.memref_slice %arg9[%dma_start3A_4066, %dma_start3A_4067, %dma_start3A_4068, %dma_start3A_4069] : memref<2x16x8x64xf32, #tpu.memory_space<vmem>> -> memref<1x1x8x64xf32, #tpu.memory_space<vmem>>
        %dma_start3A_4071 = tpu.memref_squeeze %dma_start3A_4070 : memref<1x1x8x64xf32, #tpu.memory_space<vmem>> -> memref<8x64xf32, #tpu.memory_space<vmem>>
        %dma_start3A_4072 = arith.constant 0 : i32
        %dma_start3A_4073 = arith.constant 0 : i32
        %dma_start3A_4074 = tpu.memref_slice %arg5[%squeeze3A_4065, %dma_start3A_4072, %dma_start3A_4073] : memref<125000x8x64xf32, #tpu.memory_space<hbm>> -> memref<1x8x64xf32, #tpu.memory_space<hbm>>
        %dma_start3A_4075 = tpu.memref_squeeze %dma_start3A_4074 : memref<1x8x64xf32, #tpu.memory_space<hbm>> -> memref<8x64xf32, #tpu.memory_space<hbm>>
        %dma_start3A_4076 = arith.constant 0 : i32
        %dma_start3A_4077 = arith.constant 0 : i32
        %dma_start3A_4078 = tpu.memref_slice %arg9[%dma_start3A_4066, %dma_start3A_4067, %dma_start3A_4076, %dma_start3A_4077] : memref<2x16x8x64xf32, #tpu.memory_space<vmem>> -> memref<1x1x8x64xf32, #tpu.memory_space<vmem>>
        %dma_start3A_4079 = tpu.memref_squeeze %dma_start3A_4078 : memref<1x1x8x64xf32, #tpu.memory_space<vmem>> -> memref<8x64xf32, #tpu.memory_space<vmem>>
        %dma_start3A_4080 = arith.constant 0 : i32
        %dma_start3A_4081 = arith.constant 0 : i32
        %dma_start3A_4082 = tpu.memref_slice %arg5[%squeeze3A_4065, %dma_start3A_4080, %dma_start3A_4081] : memref<125000x8x64xf32, #tpu.memory_space<hbm>> -> memref<1x8x64xf32, #tpu.memory_space<hbm>>
        %dma_start3A_4083 = tpu.memref_squeeze %dma_start3A_4082 : memref<1x8x64xf32, #tpu.memory_space<hbm>> -> memref<8x64xf32, #tpu.memory_space<hbm>>
        tpu.enqueue_dma source(%dma_start3A_4083 : memref<8x64xf32, #tpu.memory_space<hbm>>) target(%dma_start3A_4079 : memref<8x64xf32, #tpu.memory_space<vmem>>) target_semaphore(%arg13 : memref<!tpu.dma_semaphore, #tpu.memory_space<semaphore_mem>>)
        %slice3A_4084 = vector.extract_strided_slice %shift_right_arithmetic3A_3783 {offsets = [7], sizes = [1], strides = [1]} : vector<16xi32> to vector<1xi32>
        %squeeze3A_4085 = vector.extract %slice3A_4084[0] : i32 from vector<1xi32>
        %dma_start3A_4086 = arith.constant 0 : i32
        %dma_start3A_4087 = arith.constant 7 : i32
        %dma_start3A_4088 = arith.constant 0 : i32
        %dma_start3A_4089 = arith.constant 0 : i32
        %dma_start3A_4090 = tpu.memref_slice %arg10[%dma_start3A_4086, %dma_start3A_4087, %dma_start3A_4088, %dma_start3A_4089] : memref<2x16x8x64xf32, #tpu.memory_space<vmem>> -> memref<1x1x8x64xf32, #tpu.memory_space<vmem>>
        %dma_start3A_4091 = tpu.memref_squeeze %dma_start3A_4090 : memref<1x1x8x64xf32, #tpu.memory_space<vmem>> -> memref<8x64xf32, #tpu.memory_space<vmem>>
        %dma_start3A_4092 = arith.constant 0 : i32
        %dma_start3A_4093 = arith.constant 0 : i32
        %dma_start3A_4094 = tpu.memref_slice %arg4[%squeeze3A_4085, %dma_start3A_4092, %dma_start3A_4093] : memref<125000x8x64xf32, #tpu.memory_space<hbm>> -> memref<1x8x64xf32, #tpu.memory_space<hbm>>
        %dma_start3A_4095 = tpu.memref_squeeze %dma_start3A_4094 : memref<1x8x64xf32, #tpu.memory_space<hbm>> -> memref<8x64xf32, #tpu.memory_space<hbm>>
        %dma_start3A_4096 = arith.constant 0 : i32
        %dma_start3A_4097 = arith.constant 0 : i32
        %dma_start3A_4098 = tpu.memref_slice %arg10[%dma_start3A_4086, %dma_start3A_4087, %dma_start3A_4096, %dma_start3A_4097] : memref<2x16x8x64xf32, #tpu.memory_space<vmem>> -> memref<1x1x8x64xf32, #tpu.memory_space<vmem>>
        %dma_start3A_4099 = tpu.memref_squeeze %dma_start3A_4098 : memref<1x1x8x64xf32, #tpu.memory_space<vmem>> -> memref<8x64xf32, #tpu.memory_space<vmem>>
        %dma_start3A_4100 = arith.constant 0 : i32
        %dma_start3A_4101 = arith.constant 0 : i32
        %dma_start3A_4102 = tpu.memref_slice %arg4[%squeeze3A_4085, %dma_start3A_4100, %dma_start3A_4101] : memref<125000x8x64xf32, #tpu.memory_space<hbm>> -> memref<1x8x64xf32, #tpu.memory_space<hbm>>
        %dma_start3A_4103 = tpu.memref_squeeze %dma_start3A_4102 : memref<1x8x64xf32, #tpu.memory_space<hbm>> -> memref<8x64xf32, #tpu.memory_space<hbm>>
        tpu.enqueue_dma source(%dma_start3A_4103 : memref<8x64xf32, #tpu.memory_space<hbm>>) target(%dma_start3A_4099 : memref<8x64xf32, #tpu.memory_space<vmem>>) target_semaphore(%arg13 : memref<!tpu.dma_semaphore, #tpu.memory_space<semaphore_mem>>)
        %slice3A_4104 = vector.extract_strided_slice %shift_right_arithmetic3A_3774 {offsets = [8], sizes = [1], strides = [1]} : vector<16xi32> to vector<1xi32>
        %squeeze3A_4105 = vector.extract %slice3A_4104[0] : i32 from vector<1xi32>
        %dma_start3A_4106 = arith.constant 0 : i32
        %dma_start3A_4107 = arith.constant 8 : i32
        %dma_start3A_4108 = arith.constant 0 : i32
        %dma_start3A_4109 = arith.constant 0 : i32
        %dma_start3A_4110 = tpu.memref_slice %arg9[%dma_start3A_4106, %dma_start3A_4107, %dma_start3A_4108, %dma_start3A_4109] : memref<2x16x8x64xf32, #tpu.memory_space<vmem>> -> memref<1x1x8x64xf32, #tpu.memory_space<vmem>>
        %dma_start3A_4111 = tpu.memref_squeeze %dma_start3A_4110 : memref<1x1x8x64xf32, #tpu.memory_space<vmem>> -> memref<8x64xf32, #tpu.memory_space<vmem>>
        %dma_start3A_4112 = arith.constant 0 : i32
        %dma_start3A_4113 = arith.constant 0 : i32
        %dma_start3A_4114 = tpu.memref_slice %arg5[%squeeze3A_4105, %dma_start3A_4112, %dma_start3A_4113] : memref<125000x8x64xf32, #tpu.memory_space<hbm>> -> memref<1x8x64xf32, #tpu.memory_space<hbm>>
        %dma_start3A_4115 = tpu.memref_squeeze %dma_start3A_4114 : memref<1x8x64xf32, #tpu.memory_space<hbm>> -> memref<8x64xf32, #tpu.memory_space<hbm>>
        %dma_start3A_4116 = arith.constant 0 : i32
        %dma_start3A_4117 = arith.constant 0 : i32
        %dma_start3A_4118 = tpu.memref_slice %arg9[%dma_start3A_4106, %dma_start3A_4107, %dma_start3A_4116, %dma_start3A_4117] : memref<2x16x8x64xf32, #tpu.memory_space<vmem>> -> memref<1x1x8x64xf32, #tpu.memory_space<vmem>>
        %dma_start3A_4119 = tpu.memref_squeeze %dma_start3A_4118 : memref<1x1x8x64xf32, #tpu.memory_space<vmem>> -> memref<8x64xf32, #tpu.memory_space<vmem>>
        %dma_start3A_4120 = arith.constant 0 : i32
        %dma_start3A_4121 = arith.constant 0 : i32
        %dma_start3A_4122 = tpu.memref_slice %arg5[%squeeze3A_4105, %dma_start3A_4120, %dma_start3A_4121] : memref<125000x8x64xf32, #tpu.memory_space<hbm>> -> memref<1x8x64xf32, #tpu.memory_space<hbm>>
        %dma_start3A_4123 = tpu.memref_squeeze %dma_start3A_4122 : memref<1x8x64xf32, #tpu.memory_space<hbm>> -> memref<8x64xf32, #tpu.memory_space<hbm>>
        tpu.enqueue_dma source(%dma_start3A_4123 : memref<8x64xf32, #tpu.memory_space<hbm>>) target(%dma_start3A_4119 : memref<8x64xf32, #tpu.memory_space<vmem>>) target_semaphore(%arg13 : memref<!tpu.dma_semaphore, #tpu.memory_space<semaphore_mem>>)
        %slice3A_4124 = vector.extract_strided_slice %shift_right_arithmetic3A_3783 {offsets = [8], sizes = [1], strides = [1]} : vector<16xi32> to vector<1xi32>
        %squeeze3A_4125 = vector.extract %slice3A_4124[0] : i32 from vector<1xi32>
        %dma_start3A_4126 = arith.constant 0 : i32
        %dma_start3A_4127 = arith.constant 8 : i32
        %dma_start3A_4128 = arith.constant 0 : i32
        %dma_start3A_4129 = arith.constant 0 : i32
        %dma_start3A_4130 = tpu.memref_slice %arg10[%dma_start3A_4126, %dma_start3A_4127, %dma_start3A_4128, %dma_start3A_4129] : memref<2x16x8x64xf32, #tpu.memory_space<vmem>> -> memref<1x1x8x64xf32, #tpu.memory_space<vmem>>
        %dma_start3A_4131 = tpu.memref_squeeze %dma_start3A_4130 : memref<1x1x8x64xf32, #tpu.memory_space<vmem>> -> memref<8x64xf32, #tpu.memory_space<vmem>>
        %dma_start3A_4132 = arith.constant 0 : i32
        %dma_start3A_4133 = arith.constant 0 : i32
        %dma_start3A_4134 = tpu.memref_slice %arg4[%squeeze3A_4125, %dma_start3A_4132, %dma_start3A_4133] : memref<125000x8x64xf32, #tpu.memory_space<hbm>> -> memref<1x8x64xf32, #tpu.memory_space<hbm>>
        %dma_start3A_4135 = tpu.memref_squeeze %dma_start3A_4134 : memref<1x8x64xf32, #tpu.memory_space<hbm>> -> memref<8x64xf32, #tpu.memory_space<hbm>>
        %dma_start3A_4136 = arith.constant 0 : i32
        %dma_start3A_4137 = arith.constant 0 : i32
        %dma_start3A_4138 = tpu.memref_slice %arg10[%dma_start3A_4126, %dma_start3A_4127, %dma_start3A_4136, %dma_start3A_4137] : memref<2x16x8x64xf32, #tpu.memory_space<vmem>> -> memref<1x1x8x64xf32, #tpu.memory_space<vmem>>
        %dma_start3A_4139 = tpu.memref_squeeze %dma_start3A_4138 : memref<1x1x8x64xf32, #tpu.memory_space<vmem>> -> memref<8x64xf32, #tpu.memory_space<vmem>>
        %dma_start3A_4140 = arith.constant 0 : i32
        %dma_start3A_4141 = arith.constant 0 : i32
        %dma_start3A_4142 = tpu.memref_slice %arg4[%squeeze3A_4125, %dma_start3A_4140, %dma_start3A_4141] : memref<125000x8x64xf32, #tpu.memory_space<hbm>> -> memref<1x8x64xf32, #tpu.memory_space<hbm>>
        %dma_start3A_4143 = tpu.memref_squeeze %dma_start3A_4142 : memref<1x8x64xf32, #tpu.memory_space<hbm>> -> memref<8x64xf32, #tpu.memory_space<hbm>>
        tpu.enqueue_dma source(%dma_start3A_4143 : memref<8x64xf32, #tpu.memory_space<hbm>>) target(%dma_start3A_4139 : memref<8x64xf32, #tpu.memory_space<vmem>>) target_semaphore(%arg13 : memref<!tpu.dma_semaphore, #tpu.memory_space<semaphore_mem>>)
        %slice3A_4144 = vector.extract_strided_slice %shift_right_arithmetic3A_3774 {offsets = [9], sizes = [1], strides = [1]} : vector<16xi32> to vector<1xi32>
        %squeeze3A_4145 = vector.extract %slice3A_4144[0] : i32 from vector<1xi32>
        %dma_start3A_4146 = arith.constant 0 : i32
        %dma_start3A_4147 = arith.constant 9 : i32
        %dma_start3A_4148 = arith.constant 0 : i32
        %dma_start3A_4149 = arith.constant 0 : i32
        %dma_start3A_4150 = tpu.memref_slice %arg9[%dma_start3A_4146, %dma_start3A_4147, %dma_start3A_4148, %dma_start3A_4149] : memref<2x16x8x64xf32, #tpu.memory_space<vmem>> -> memref<1x1x8x64xf32, #tpu.memory_space<vmem>>
        %dma_start3A_4151 = tpu.memref_squeeze %dma_start3A_4150 : memref<1x1x8x64xf32, #tpu.memory_space<vmem>> -> memref<8x64xf32, #tpu.memory_space<vmem>>
        %dma_start3A_4152 = arith.constant 0 : i32
        %dma_start3A_4153 = arith.constant 0 : i32
        %dma_start3A_4154 = tpu.memref_slice %arg5[%squeeze3A_4145, %dma_start3A_4152, %dma_start3A_4153] : memref<125000x8x64xf32, #tpu.memory_space<hbm>> -> memref<1x8x64xf32, #tpu.memory_space<hbm>>
        %dma_start3A_4155 = tpu.memref_squeeze %dma_start3A_4154 : memref<1x8x64xf32, #tpu.memory_space<hbm>> -> memref<8x64xf32, #tpu.memory_space<hbm>>
        %dma_start3A_4156 = arith.constant 0 : i32
        %dma_start3A_4157 = arith.constant 0 : i32
        %dma_start3A_4158 = tpu.memref_slice %arg9[%dma_start3A_4146, %dma_start3A_4147, %dma_start3A_4156, %dma_start3A_4157] : memref<2x16x8x64xf32, #tpu.memory_space<vmem>> -> memref<1x1x8x64xf32, #tpu.memory_space<vmem>>
        %dma_start3A_4159 = tpu.memref_squeeze %dma_start3A_4158 : memref<1x1x8x64xf32, #tpu.memory_space<vmem>> -> memref<8x64xf32, #tpu.memory_space<vmem>>
        %dma_start3A_4160 = arith.constant 0 : i32
        %dma_start3A_4161 = arith.constant 0 : i32
        %dma_start3A_4162 = tpu.memref_slice %arg5[%squeeze3A_4145, %dma_start3A_4160, %dma_start3A_4161] : memref<125000x8x64xf32, #tpu.memory_space<hbm>> -> memref<1x8x64xf32, #tpu.memory_space<hbm>>
        %dma_start3A_4163 = tpu.memref_squeeze %dma_start3A_4162 : memref<1x8x64xf32, #tpu.memory_space<hbm>> -> memref<8x64xf32, #tpu.memory_space<hbm>>
        tpu.enqueue_dma source(%dma_start3A_4163 : memref<8x64xf32, #tpu.memory_space<hbm>>) target(%dma_start3A_4159 : memref<8x64xf32, #tpu.memory_space<vmem>>) target_semaphore(%arg13 : memref<!tpu.dma_semaphore, #tpu.memory_space<semaphore_mem>>)
        %slice3A_4164 = vector.extract_strided_slice %shift_right_arithmetic3A_3783 {offsets = [9], sizes = [1], strides = [1]} : vector<16xi32> to vector<1xi32>
        %squeeze3A_4165 = vector.extract %slice3A_4164[0] : i32 from vector<1xi32>
        %dma_start3A_4166 = arith.constant 0 : i32
        %dma_start3A_4167 = arith.constant 9 : i32
        %dma_start3A_4168 = arith.constant 0 : i32
        %dma_start3A_4169 = arith.constant 0 : i32
        %dma_start3A_4170 = tpu.memref_slice %arg10[%dma_start3A_4166, %dma_start3A_4167, %dma_start3A_4168, %dma_start3A_4169] : memref<2x16x8x64xf32, #tpu.memory_space<vmem>> -> memref<1x1x8x64xf32, #tpu.memory_space<vmem>>
        %dma_start3A_4171 = tpu.memref_squeeze %dma_start3A_4170 : memref<1x1x8x64xf32, #tpu.memory_space<vmem>> -> memref<8x64xf32, #tpu.memory_space<vmem>>
        %dma_start3A_4172 = arith.constant 0 : i32
        %dma_start3A_4173 = arith.constant 0 : i32
        %dma_start3A_4174 = tpu.memref_slice %arg4[%squeeze3A_4165, %dma_start3A_4172, %dma_start3A_4173] : memref<125000x8x64xf32, #tpu.memory_space<hbm>> -> memref<1x8x64xf32, #tpu.memory_space<hbm>>
        %dma_start3A_4175 = tpu.memref_squeeze %dma_start3A_4174 : memref<1x8x64xf32, #tpu.memory_space<hbm>> -> memref<8x64xf32, #tpu.memory_space<hbm>>
        %dma_start3A_4176 = arith.constant 0 : i32
        %dma_start3A_4177 = arith.constant 0 : i32
        %dma_start3A_4178 = tpu.memref_slice %arg10[%dma_start3A_4166, %dma_start3A_4167, %dma_start3A_4176, %dma_start3A_4177] : memref<2x16x8x64xf32, #tpu.memory_space<vmem>> -> memref<1x1x8x64xf32, #tpu.memory_space<vmem>>
        %dma_start3A_4179 = tpu.memref_squeeze %dma_start3A_4178 : memref<1x1x8x64xf32, #tpu.memory_space<vmem>> -> memref<8x64xf32, #tpu.memory_space<vmem>>
        %dma_start3A_4180 = arith.constant 0 : i32
        %dma_start3A_4181 = arith.constant 0 : i32
        %dma_start3A_4182 = tpu.memref_slice %arg4[%squeeze3A_4165, %dma_start3A_4180, %dma_start3A_4181] : memref<125000x8x64xf32, #tpu.memory_space<hbm>> -> memref<1x8x64xf32, #tpu.memory_space<hbm>>
        %dma_start3A_4183 = tpu.memref_squeeze %dma_start3A_4182 : memref<1x8x64xf32, #tpu.memory_space<hbm>> -> memref<8x64xf32, #tpu.memory_space<hbm>>
        tpu.enqueue_dma source(%dma_start3A_4183 : memref<8x64xf32, #tpu.memory_space<hbm>>) target(%dma_start3A_4179 : memref<8x64xf32, #tpu.memory_space<vmem>>) target_semaphore(%arg13 : memref<!tpu.dma_semaphore, #tpu.memory_space<semaphore_mem>>)
        %slice3A_4184 = vector.extract_strided_slice %shift_right_arithmetic3A_3774 {offsets = [10], sizes = [1], strides = [1]} : vector<16xi32> to vector<1xi32>
        %squeeze3A_4185 = vector.extract %slice3A_4184[0] : i32 from vector<1xi32>
        %dma_start3A_4186 = arith.constant 0 : i32
        %dma_start3A_4187 = arith.constant 10 : i32
        %dma_start3A_4188 = arith.constant 0 : i32
        %dma_start3A_4189 = arith.constant 0 : i32
        %dma_start3A_4190 = tpu.memref_slice %arg9[%dma_start3A_4186, %dma_start3A_4187, %dma_start3A_4188, %dma_start3A_4189] : memref<2x16x8x64xf32, #tpu.memory_space<vmem>> -> memref<1x1x8x64xf32, #tpu.memory_space<vmem>>
        %dma_start3A_4191 = tpu.memref_squeeze %dma_start3A_4190 : memref<1x1x8x64xf32, #tpu.memory_space<vmem>> -> memref<8x64xf32, #tpu.memory_space<vmem>>
        %dma_start3A_4192 = arith.constant 0 : i32
        %dma_start3A_4193 = arith.constant 0 : i32
        %dma_start3A_4194 = tpu.memref_slice %arg5[%squeeze3A_4185, %dma_start3A_4192, %dma_start3A_4193] : memref<125000x8x64xf32, #tpu.memory_space<hbm>> -> memref<1x8x64xf32, #tpu.memory_space<hbm>>
        %dma_start3A_4195 = tpu.memref_squeeze %dma_start3A_4194 : memref<1x8x64xf32, #tpu.memory_space<hbm>> -> memref<8x64xf32, #tpu.memory_space<hbm>>
        %dma_start3A_4196 = arith.constant 0 : i32
        %dma_start3A_4197 = arith.constant 0 : i32
        %dma_start3A_4198 = tpu.memref_slice %arg9[%dma_start3A_4186, %dma_start3A_4187, %dma_start3A_4196, %dma_start3A_4197] : memref<2x16x8x64xf32, #tpu.memory_space<vmem>> -> memref<1x1x8x64xf32, #tpu.memory_space<vmem>>
        %dma_start3A_4199 = tpu.memref_squeeze %dma_start3A_4198 : memref<1x1x8x64xf32, #tpu.memory_space<vmem>> -> memref<8x64xf32, #tpu.memory_space<vmem>>
        %dma_start3A_4200 = arith.constant 0 : i32
        %dma_start3A_4201 = arith.constant 0 : i32
        %dma_start3A_4202 = tpu.memref_slice %arg5[%squeeze3A_4185, %dma_start3A_4200, %dma_start3A_4201] : memref<125000x8x64xf32, #tpu.memory_space<hbm>> -> memref<1x8x64xf32, #tpu.memory_space<hbm>>
        %dma_start3A_4203 = tpu.memref_squeeze %dma_start3A_4202 : memref<1x8x64xf32, #tpu.memory_space<hbm>> -> memref<8x64xf32, #tpu.memory_space<hbm>>
        tpu.enqueue_dma source(%dma_start3A_4203 : memref<8x64xf32, #tpu.memory_space<hbm>>) target(%dma_start3A_4199 : memref<8x64xf32, #tpu.memory_space<vmem>>) target_semaphore(%arg13 : memref<!tpu.dma_semaphore, #tpu.memory_space<semaphore_mem>>)
        %slice3A_4204 = vector.extract_strided_slice %shift_right_arithmetic3A_3783 {offsets = [10], sizes = [1], strides = [1]} : vector<16xi32> to vector<1xi32>
        %squeeze3A_4205 = vector.extract %slice3A_4204[0] : i32 from vector<1xi32>
        %dma_start3A_4206 = arith.constant 0 : i32
        %dma_start3A_4207 = arith.constant 10 : i32
        %dma_start3A_4208 = arith.constant 0 : i32
        %dma_start3A_4209 = arith.constant 0 : i32
        %dma_start3A_4210 = tpu.memref_slice %arg10[%dma_start3A_4206, %dma_start3A_4207, %dma_start3A_4208, %dma_start3A_4209] : memref<2x16x8x64xf32, #tpu.memory_space<vmem>> -> memref<1x1x8x64xf32, #tpu.memory_space<vmem>>
        %dma_start3A_4211 = tpu.memref_squeeze %dma_start3A_4210 : memref<1x1x8x64xf32, #tpu.memory_space<vmem>> -> memref<8x64xf32, #tpu.memory_space<vmem>>
        %dma_start3A_4212 = arith.constant 0 : i32
        %dma_start3A_4213 = arith.constant 0 : i32
        %dma_start3A_4214 = tpu.memref_slice %arg4[%squeeze3A_4205, %dma_start3A_4212, %dma_start3A_4213] : memref<125000x8x64xf32, #tpu.memory_space<hbm>> -> memref<1x8x64xf32, #tpu.memory_space<hbm>>
        %dma_start3A_4215 = tpu.memref_squeeze %dma_start3A_4214 : memref<1x8x64xf32, #tpu.memory_space<hbm>> -> memref<8x64xf32, #tpu.memory_space<hbm>>
        %dma_start3A_4216 = arith.constant 0 : i32
        %dma_start3A_4217 = arith.constant 0 : i32
        %dma_start3A_4218 = tpu.memref_slice %arg10[%dma_start3A_4206, %dma_start3A_4207, %dma_start3A_4216, %dma_start3A_4217] : memref<2x16x8x64xf32, #tpu.memory_space<vmem>> -> memref<1x1x8x64xf32, #tpu.memory_space<vmem>>
        %dma_start3A_4219 = tpu.memref_squeeze %dma_start3A_4218 : memref<1x1x8x64xf32, #tpu.memory_space<vmem>> -> memref<8x64xf32, #tpu.memory_space<vmem>>
        %dma_start3A_4220 = arith.constant 0 : i32
        %dma_start3A_4221 = arith.constant 0 : i32
        %dma_start3A_4222 = tpu.memref_slice %arg4[%squeeze3A_4205, %dma_start3A_4220, %dma_start3A_4221] : memref<125000x8x64xf32, #tpu.memory_space<hbm>> -> memref<1x8x64xf32, #tpu.memory_space<hbm>>
        %dma_start3A_4223 = tpu.memref_squeeze %dma_start3A_4222 : memref<1x8x64xf32, #tpu.memory_space<hbm>> -> memref<8x64xf32, #tpu.memory_space<hbm>>
        tpu.enqueue_dma source(%dma_start3A_4223 : memref<8x64xf32, #tpu.memory_space<hbm>>) target(%dma_start3A_4219 : memref<8x64xf32, #tpu.memory_space<vmem>>) target_semaphore(%arg13 : memref<!tpu.dma_semaphore, #tpu.memory_space<semaphore_mem>>)
        %slice3A_4224 = vector.extract_strided_slice %shift_right_arithmetic3A_3774 {offsets = [11], sizes = [1], strides = [1]} : vector<16xi32> to vector<1xi32>
        %squeeze3A_4225 = vector.extract %slice3A_4224[0] : i32 from vector<1xi32>
        %dma_start3A_4226 = arith.constant 0 : i32
        %dma_start3A_4227 = arith.constant 11 : i32
        %dma_start3A_4228 = arith.constant 0 : i32
        %dma_start3A_4229 = arith.constant 0 : i32
        %dma_start3A_4230 = tpu.memref_slice %arg9[%dma_start3A_4226, %dma_start3A_4227, %dma_start3A_4228, %dma_start3A_4229] : memref<2x16x8x64xf32, #tpu.memory_space<vmem>> -> memref<1x1x8x64xf32, #tpu.memory_space<vmem>>
        %dma_start3A_4231 = tpu.memref_squeeze %dma_start3A_4230 : memref<1x1x8x64xf32, #tpu.memory_space<vmem>> -> memref<8x64xf32, #tpu.memory_space<vmem>>
        %dma_start3A_4232 = arith.constant 0 : i32
        %dma_start3A_4233 = arith.constant 0 : i32
        %dma_start3A_4234 = tpu.memref_slice %arg5[%squeeze3A_4225, %dma_start3A_4232, %dma_start3A_4233] : memref<125000x8x64xf32, #tpu.memory_space<hbm>> -> memref<1x8x64xf32, #tpu.memory_space<hbm>>
        %dma_start3A_4235 = tpu.memref_squeeze %dma_start3A_4234 : memref<1x8x64xf32, #tpu.memory_space<hbm>> -> memref<8x64xf32, #tpu.memory_space<hbm>>
        %dma_start3A_4236 = arith.constant 0 : i32
        %dma_start3A_4237 = arith.constant 0 : i32
        %dma_start3A_4238 = tpu.memref_slice %arg9[%dma_start3A_4226, %dma_start3A_4227, %dma_start3A_4236, %dma_start3A_4237] : memref<2x16x8x64xf32, #tpu.memory_space<vmem>> -> memref<1x1x8x64xf32, #tpu.memory_space<vmem>>
        %dma_start3A_4239 = tpu.memref_squeeze %dma_start3A_4238 : memref<1x1x8x64xf32, #tpu.memory_space<vmem>> -> memref<8x64xf32, #tpu.memory_space<vmem>>
        %dma_start3A_4240 = arith.constant 0 : i32
        %dma_start3A_4241 = arith.constant 0 : i32
        %dma_start3A_4242 = tpu.memref_slice %arg5[%squeeze3A_4225, %dma_start3A_4240, %dma_start3A_4241] : memref<125000x8x64xf32, #tpu.memory_space<hbm>> -> memref<1x8x64xf32, #tpu.memory_space<hbm>>
        %dma_start3A_4243 = tpu.memref_squeeze %dma_start3A_4242 : memref<1x8x64xf32, #tpu.memory_space<hbm>> -> memref<8x64xf32, #tpu.memory_space<hbm>>
        tpu.enqueue_dma source(%dma_start3A_4243 : memref<8x64xf32, #tpu.memory_space<hbm>>) target(%dma_start3A_4239 : memref<8x64xf32, #tpu.memory_space<vmem>>) target_semaphore(%arg13 : memref<!tpu.dma_semaphore, #tpu.memory_space<semaphore_mem>>)
        %slice3A_4244 = vector.extract_strided_slice %shift_right_arithmetic3A_3783 {offsets = [11], sizes = [1], strides = [1]} : vector<16xi32> to vector<1xi32>
        %squeeze3A_4245 = vector.extract %slice3A_4244[0] : i32 from vector<1xi32>
        %dma_start3A_4246 = arith.constant 0 : i32
        %dma_start3A_4247 = arith.constant 11 : i32
        %dma_start3A_4248 = arith.constant 0 : i32
        %dma_start3A_4249 = arith.constant 0 : i32
        %dma_start3A_4250 = tpu.memref_slice %arg10[%dma_start3A_4246, %dma_start3A_4247, %dma_start3A_4248, %dma_start3A_4249] : memref<2x16x8x64xf32, #tpu.memory_space<vmem>> -> memref<1x1x8x64xf32, #tpu.memory_space<vmem>>
        %dma_start3A_4251 = tpu.memref_squeeze %dma_start3A_4250 : memref<1x1x8x64xf32, #tpu.memory_space<vmem>> -> memref<8x64xf32, #tpu.memory_space<vmem>>
        %dma_start3A_4252 = arith.constant 0 : i32
        %dma_start3A_4253 = arith.constant 0 : i32
        %dma_start3A_4254 = tpu.memref_slice %arg4[%squeeze3A_4245, %dma_start3A_4252, %dma_start3A_4253] : memref<125000x8x64xf32, #tpu.memory_space<hbm>> -> memref<1x8x64xf32, #tpu.memory_space<hbm>>
        %dma_start3A_4255 = tpu.memref_squeeze %dma_start3A_4254 : memref<1x8x64xf32, #tpu.memory_space<hbm>> -> memref<8x64xf32, #tpu.memory_space<hbm>>
        %dma_start3A_4256 = arith.constant 0 : i32
        %dma_start3A_4257 = arith.constant 0 : i32
        %dma_start3A_4258 = tpu.memref_slice %arg10[%dma_start3A_4246, %dma_start3A_4247, %dma_start3A_4256, %dma_start3A_4257] : memref<2x16x8x64xf32, #tpu.memory_space<vmem>> -> memref<1x1x8x64xf32, #tpu.memory_space<vmem>>
        %dma_start3A_4259 = tpu.memref_squeeze %dma_start3A_4258 : memref<1x1x8x64xf32, #tpu.memory_space<vmem>> -> memref<8x64xf32, #tpu.memory_space<vmem>>
        %dma_start3A_4260 = arith.constant 0 : i32
        %dma_start3A_4261 = arith.constant 0 : i32
        %dma_start3A_4262 = tpu.memref_slice %arg4[%squeeze3A_4245, %dma_start3A_4260, %dma_start3A_4261] : memref<125000x8x64xf32, #tpu.memory_space<hbm>> -> memref<1x8x64xf32, #tpu.memory_space<hbm>>
        %dma_start3A_4263 = tpu.memref_squeeze %dma_start3A_4262 : memref<1x8x64xf32, #tpu.memory_space<hbm>> -> memref<8x64xf32, #tpu.memory_space<hbm>>
        tpu.enqueue_dma source(%dma_start3A_4263 : memref<8x64xf32, #tpu.memory_space<hbm>>) target(%dma_start3A_4259 : memref<8x64xf32, #tpu.memory_space<vmem>>) target_semaphore(%arg13 : memref<!tpu.dma_semaphore, #tpu.memory_space<semaphore_mem>>)
        %slice3A_4264 = vector.extract_strided_slice %shift_right_arithmetic3A_3774 {offsets = [12], sizes = [1], strides = [1]} : vector<16xi32> to vector<1xi32>
        %squeeze3A_4265 = vector.extract %slice3A_4264[0] : i32 from vector<1xi32>
        %dma_start3A_4266 = arith.constant 0 : i32
        %dma_start3A_4267 = arith.constant 12 : i32
        %dma_start3A_4268 = arith.constant 0 : i32
        %dma_start3A_4269 = arith.constant 0 : i32
        %dma_start3A_4270 = tpu.memref_slice %arg9[%dma_start3A_4266, %dma_start3A_4267, %dma_start3A_4268, %dma_start3A_4269] : memref<2x16x8x64xf32, #tpu.memory_space<vmem>> -> memref<1x1x8x64xf32, #tpu.memory_space<vmem>>
        %dma_start3A_4271 = tpu.memref_squeeze %dma_start3A_4270 : memref<1x1x8x64xf32, #tpu.memory_space<vmem>> -> memref<8x64xf32, #tpu.memory_space<vmem>>
        %dma_start3A_4272 = arith.constant 0 : i32
        %dma_start3A_4273 = arith.constant 0 : i32
        %dma_start3A_4274 = tpu.memref_slice %arg5[%squeeze3A_4265, %dma_start3A_4272, %dma_start3A_4273] : memref<125000x8x64xf32, #tpu.memory_space<hbm>> -> memref<1x8x64xf32, #tpu.memory_space<hbm>>
        %dma_start3A_4275 = tpu.memref_squeeze %dma_start3A_4274 : memref<1x8x64xf32, #tpu.memory_space<hbm>> -> memref<8x64xf32, #tpu.memory_space<hbm>>
        %dma_start3A_4276 = arith.constant 0 : i32
        %dma_start3A_4277 = arith.constant 0 : i32
        %dma_start3A_4278 = tpu.memref_slice %arg9[%dma_start3A_4266, %dma_start3A_4267, %dma_start3A_4276, %dma_start3A_4277] : memref<2x16x8x64xf32, #tpu.memory_space<vmem>> -> memref<1x1x8x64xf32, #tpu.memory_space<vmem>>
        %dma_start3A_4279 = tpu.memref_squeeze %dma_start3A_4278 : memref<1x1x8x64xf32, #tpu.memory_space<vmem>> -> memref<8x64xf32, #tpu.memory_space<vmem>>
        %dma_start3A_4280 = arith.constant 0 : i32
        %dma_start3A_4281 = arith.constant 0 : i32
        %dma_start3A_4282 = tpu.memref_slice %arg5[%squeeze3A_4265, %dma_start3A_4280, %dma_start3A_4281] : memref<125000x8x64xf32, #tpu.memory_space<hbm>> -> memref<1x8x64xf32, #tpu.memory_space<hbm>>
        %dma_start3A_4283 = tpu.memref_squeeze %dma_start3A_4282 : memref<1x8x64xf32, #tpu.memory_space<hbm>> -> memref<8x64xf32, #tpu.memory_space<hbm>>
        tpu.enqueue_dma source(%dma_start3A_4283 : memref<8x64xf32, #tpu.memory_space<hbm>>) target(%dma_start3A_4279 : memref<8x64xf32, #tpu.memory_space<vmem>>) target_semaphore(%arg13 : memref<!tpu.dma_semaphore, #tpu.memory_space<semaphore_mem>>)
        %slice3A_4284 = vector.extract_strided_slice %shift_right_arithmetic3A_3783 {offsets = [12], sizes = [1], strides = [1]} : vector<16xi32> to vector<1xi32>
        %squeeze3A_4285 = vector.extract %slice3A_4284[0] : i32 from vector<1xi32>
        %dma_start3A_4286 = arith.constant 0 : i32
        %dma_start3A_4287 = arith.constant 12 : i32
        %dma_start3A_4288 = arith.constant 0 : i32
        %dma_start3A_4289 = arith.constant 0 : i32
        %dma_start3A_4290 = tpu.memref_slice %arg10[%dma_start3A_4286, %dma_start3A_4287, %dma_start3A_4288, %dma_start3A_4289] : memref<2x16x8x64xf32, #tpu.memory_space<vmem>> -> memref<1x1x8x64xf32, #tpu.memory_space<vmem>>
        %dma_start3A_4291 = tpu.memref_squeeze %dma_start3A_4290 : memref<1x1x8x64xf32, #tpu.memory_space<vmem>> -> memref<8x64xf32, #tpu.memory_space<vmem>>
        %dma_start3A_4292 = arith.constant 0 : i32
        %dma_start3A_4293 = arith.constant 0 : i32
        %dma_start3A_4294 = tpu.memref_slice %arg4[%squeeze3A_4285, %dma_start3A_4292, %dma_start3A_4293] : memref<125000x8x64xf32, #tpu.memory_space<hbm>> -> memref<1x8x64xf32, #tpu.memory_space<hbm>>
        %dma_start3A_4295 = tpu.memref_squeeze %dma_start3A_4294 : memref<1x8x64xf32, #tpu.memory_space<hbm>> -> memref<8x64xf32, #tpu.memory_space<hbm>>
        %dma_start3A_4296 = arith.constant 0 : i32
        %dma_start3A_4297 = arith.constant 0 : i32
        %dma_start3A_4298 = tpu.memref_slice %arg10[%dma_start3A_4286, %dma_start3A_4287, %dma_start3A_4296, %dma_start3A_4297] : memref<2x16x8x64xf32, #tpu.memory_space<vmem>> -> memref<1x1x8x64xf32, #tpu.memory_space<vmem>>
        %dma_start3A_4299 = tpu.memref_squeeze %dma_start3A_4298 : memref<1x1x8x64xf32, #tpu.memory_space<vmem>> -> memref<8x64xf32, #tpu.memory_space<vmem>>
        %dma_start3A_4300 = arith.constant 0 : i32
        %dma_start3A_4301 = arith.constant 0 : i32
        %dma_start3A_4302 = tpu.memref_slice %arg4[%squeeze3A_4285, %dma_start3A_4300, %dma_start3A_4301] : memref<125000x8x64xf32, #tpu.memory_space<hbm>> -> memref<1x8x64xf32, #tpu.memory_space<hbm>>
        %dma_start3A_4303 = tpu.memref_squeeze %dma_start3A_4302 : memref<1x8x64xf32, #tpu.memory_space<hbm>> -> memref<8x64xf32, #tpu.memory_space<hbm>>
        tpu.enqueue_dma source(%dma_start3A_4303 : memref<8x64xf32, #tpu.memory_space<hbm>>) target(%dma_start3A_4299 : memref<8x64xf32, #tpu.memory_space<vmem>>) target_semaphore(%arg13 : memref<!tpu.dma_semaphore, #tpu.memory_space<semaphore_mem>>)
        %slice3A_4304 = vector.extract_strided_slice %shift_right_arithmetic3A_3774 {offsets = [13], sizes = [1], strides = [1]} : vector<16xi32> to vector<1xi32>
        %squeeze3A_4305 = vector.extract %slice3A_4304[0] : i32 from vector<1xi32>
        %dma_start3A_4306 = arith.constant 0 : i32
        %dma_start3A_4307 = arith.constant 13 : i32
        %dma_start3A_4308 = arith.constant 0 : i32
        %dma_start3A_4309 = arith.constant 0 : i32
        %dma_start3A_4310 = tpu.memref_slice %arg9[%dma_start3A_4306, %dma_start3A_4307, %dma_start3A_4308, %dma_start3A_4309] : memref<2x16x8x64xf32, #tpu.memory_space<vmem>> -> memref<1x1x8x64xf32, #tpu.memory_space<vmem>>
        %dma_start3A_4311 = tpu.memref_squeeze %dma_start3A_4310 : memref<1x1x8x64xf32, #tpu.memory_space<vmem>> -> memref<8x64xf32, #tpu.memory_space<vmem>>
        %dma_start3A_4312 = arith.constant 0 : i32
        %dma_start3A_4313 = arith.constant 0 : i32
        %dma_start3A_4314 = tpu.memref_slice %arg5[%squeeze3A_4305, %dma_start3A_4312, %dma_start3A_4313] : memref<125000x8x64xf32, #tpu.memory_space<hbm>> -> memref<1x8x64xf32, #tpu.memory_space<hbm>>
        %dma_start3A_4315 = tpu.memref_squeeze %dma_start3A_4314 : memref<1x8x64xf32, #tpu.memory_space<hbm>> -> memref<8x64xf32, #tpu.memory_space<hbm>>
        %dma_start3A_4316 = arith.constant 0 : i32
        %dma_start3A_4317 = arith.constant 0 : i32
        %dma_start3A_4318 = tpu.memref_slice %arg9[%dma_start3A_4306, %dma_start3A_4307, %dma_start3A_4316, %dma_start3A_4317] : memref<2x16x8x64xf32, #tpu.memory_space<vmem>> -> memref<1x1x8x64xf32, #tpu.memory_space<vmem>>
        %dma_start3A_4319 = tpu.memref_squeeze %dma_start3A_4318 : memref<1x1x8x64xf32, #tpu.memory_space<vmem>> -> memref<8x64xf32, #tpu.memory_space<vmem>>
        %dma_start3A_4320 = arith.constant 0 : i32
        %dma_start3A_4321 = arith.constant 0 : i32
        %dma_start3A_4322 = tpu.memref_slice %arg5[%squeeze3A_4305, %dma_start3A_4320, %dma_start3A_4321] : memref<125000x8x64xf32, #tpu.memory_space<hbm>> -> memref<1x8x64xf32, #tpu.memory_space<hbm>>
        %dma_start3A_4323 = tpu.memref_squeeze %dma_start3A_4322 : memref<1x8x64xf32, #tpu.memory_space<hbm>> -> memref<8x64xf32, #tpu.memory_space<hbm>>
        tpu.enqueue_dma source(%dma_start3A_4323 : memref<8x64xf32, #tpu.memory_space<hbm>>) target(%dma_start3A_4319 : memref<8x64xf32, #tpu.memory_space<vmem>>) target_semaphore(%arg13 : memref<!tpu.dma_semaphore, #tpu.memory_space<semaphore_mem>>)
        %slice3A_4324 = vector.extract_strided_slice %shift_right_arithmetic3A_3783 {offsets = [13], sizes = [1], strides = [1]} : vector<16xi32> to vector<1xi32>
        %squeeze3A_4325 = vector.extract %slice3A_4324[0] : i32 from vector<1xi32>
        %dma_start3A_4326 = arith.constant 0 : i32
        %dma_start3A_4327 = arith.constant 13 : i32
        %dma_start3A_4328 = arith.constant 0 : i32
        %dma_start3A_4329 = arith.constant 0 : i32
        %dma_start3A_4330 = tpu.memref_slice %arg10[%dma_start3A_4326, %dma_start3A_4327, %dma_start3A_4328, %dma_start3A_4329] : memref<2x16x8x64xf32, #tpu.memory_space<vmem>> -> memref<1x1x8x64xf32, #tpu.memory_space<vmem>>
        %dma_start3A_4331 = tpu.memref_squeeze %dma_start3A_4330 : memref<1x1x8x64xf32, #tpu.memory_space<vmem>> -> memref<8x64xf32, #tpu.memory_space<vmem>>
        %dma_start3A_4332 = arith.constant 0 : i32
        %dma_start3A_4333 = arith.constant 0 : i32
        %dma_start3A_4334 = tpu.memref_slice %arg4[%squeeze3A_4325, %dma_start3A_4332, %dma_start3A_4333] : memref<125000x8x64xf32, #tpu.memory_space<hbm>> -> memref<1x8x64xf32, #tpu.memory_space<hbm>>
        %dma_start3A_4335 = tpu.memref_squeeze %dma_start3A_4334 : memref<1x8x64xf32, #tpu.memory_space<hbm>> -> memref<8x64xf32, #tpu.memory_space<hbm>>
        %dma_start3A_4336 = arith.constant 0 : i32
        %dma_start3A_4337 = arith.constant 0 : i32
        %dma_start3A_4338 = tpu.memref_slice %arg10[%dma_start3A_4326, %dma_start3A_4327, %dma_start3A_4336, %dma_start3A_4337] : memref<2x16x8x64xf32, #tpu.memory_space<vmem>> -> memref<1x1x8x64xf32, #tpu.memory_space<vmem>>
        %dma_start3A_4339 = tpu.memref_squeeze %dma_start3A_4338 : memref<1x1x8x64xf32, #tpu.memory_space<vmem>> -> memref<8x64xf32, #tpu.memory_space<vmem>>
        %dma_start3A_4340 = arith.constant 0 : i32
        %dma_start3A_4341 = arith.constant 0 : i32
        %dma_start3A_4342 = tpu.memref_slice %arg4[%squeeze3A_4325, %dma_start3A_4340, %dma_start3A_4341] : memref<125000x8x64xf32, #tpu.memory_space<hbm>> -> memref<1x8x64xf32, #tpu.memory_space<hbm>>
        %dma_start3A_4343 = tpu.memref_squeeze %dma_start3A_4342 : memref<1x8x64xf32, #tpu.memory_space<hbm>> -> memref<8x64xf32, #tpu.memory_space<hbm>>
        tpu.enqueue_dma source(%dma_start3A_4343 : memref<8x64xf32, #tpu.memory_space<hbm>>) target(%dma_start3A_4339 : memref<8x64xf32, #tpu.memory_space<vmem>>) target_semaphore(%arg13 : memref<!tpu.dma_semaphore, #tpu.memory_space<semaphore_mem>>)
        %slice3A_4344 = vector.extract_strided_slice %shift_right_arithmetic3A_3774 {offsets = [14], sizes = [1], strides = [1]} : vector<16xi32> to vector<1xi32>
        %squeeze3A_4345 = vector.extract %slice3A_4344[0] : i32 from vector<1xi32>
        %dma_start3A_4346 = arith.constant 0 : i32
        %dma_start3A_4347 = arith.constant 14 : i32
        %dma_start3A_4348 = arith.constant 0 : i32
        %dma_start3A_4349 = arith.constant 0 : i32
        %dma_start3A_4350 = tpu.memref_slice %arg9[%dma_start3A_4346, %dma_start3A_4347, %dma_start3A_4348, %dma_start3A_4349] : memref<2x16x8x64xf32, #tpu.memory_space<vmem>> -> memref<1x1x8x64xf32, #tpu.memory_space<vmem>>
        %dma_start3A_4351 = tpu.memref_squeeze %dma_start3A_4350 : memref<1x1x8x64xf32, #tpu.memory_space<vmem>> -> memref<8x64xf32, #tpu.memory_space<vmem>>
        %dma_start3A_4352 = arith.constant 0 : i32
        %dma_start3A_4353 = arith.constant 0 : i32
        %dma_start3A_4354 = tpu.memref_slice %arg5[%squeeze3A_4345, %dma_start3A_4352, %dma_start3A_4353] : memref<125000x8x64xf32, #tpu.memory_space<hbm>> -> memref<1x8x64xf32, #tpu.memory_space<hbm>>
        %dma_start3A_4355 = tpu.memref_squeeze %dma_start3A_4354 : memref<1x8x64xf32, #tpu.memory_space<hbm>> -> memref<8x64xf32, #tpu.memory_space<hbm>>
        %dma_start3A_4356 = arith.constant 0 : i32
        %dma_start3A_4357 = arith.constant 0 : i32
        %dma_start3A_4358 = tpu.memref_slice %arg9[%dma_start3A_4346, %dma_start3A_4347, %dma_start3A_4356, %dma_start3A_4357] : memref<2x16x8x64xf32, #tpu.memory_space<vmem>> -> memref<1x1x8x64xf32, #tpu.memory_space<vmem>>
        %dma_start3A_4359 = tpu.memref_squeeze %dma_start3A_4358 : memref<1x1x8x64xf32, #tpu.memory_space<vmem>> -> memref<8x64xf32, #tpu.memory_space<vmem>>
        %dma_start3A_4360 = arith.constant 0 : i32
        %dma_start3A_4361 = arith.constant 0 : i32
        %dma_start3A_4362 = tpu.memref_slice %arg5[%squeeze3A_4345, %dma_start3A_4360, %dma_start3A_4361] : memref<125000x8x64xf32, #tpu.memory_space<hbm>> -> memref<1x8x64xf32, #tpu.memory_space<hbm>>
        %dma_start3A_4363 = tpu.memref_squeeze %dma_start3A_4362 : memref<1x8x64xf32, #tpu.memory_space<hbm>> -> memref<8x64xf32, #tpu.memory_space<hbm>>
        tpu.enqueue_dma source(%dma_start3A_4363 : memref<8x64xf32, #tpu.memory_space<hbm>>) target(%dma_start3A_4359 : memref<8x64xf32, #tpu.memory_space<vmem>>) target_semaphore(%arg13 : memref<!tpu.dma_semaphore, #tpu.memory_space<semaphore_mem>>)
        %slice3A_4364 = vector.extract_strided_slice %shift_right_arithmetic3A_3783 {offsets = [14], sizes = [1], strides = [1]} : vector<16xi32> to vector<1xi32>
        %squeeze3A_4365 = vector.extract %slice3A_4364[0] : i32 from vector<1xi32>
        %dma_start3A_4366 = arith.constant 0 : i32
        %dma_start3A_4367 = arith.constant 14 : i32
        %dma_start3A_4368 = arith.constant 0 : i32
        %dma_start3A_4369 = arith.constant 0 : i32
        %dma_start3A_4370 = tpu.memref_slice %arg10[%dma_start3A_4366, %dma_start3A_4367, %dma_start3A_4368, %dma_start3A_4369] : memref<2x16x8x64xf32, #tpu.memory_space<vmem>> -> memref<1x1x8x64xf32, #tpu.memory_space<vmem>>
        %dma_start3A_4371 = tpu.memref_squeeze %dma_start3A_4370 : memref<1x1x8x64xf32, #tpu.memory_space<vmem>> -> memref<8x64xf32, #tpu.memory_space<vmem>>
        %dma_start3A_4372 = arith.constant 0 : i32
        %dma_start3A_4373 = arith.constant 0 : i32
        %dma_start3A_4374 = tpu.memref_slice %arg4[%squeeze3A_4365, %dma_start3A_4372, %dma_start3A_4373] : memref<125000x8x64xf32, #tpu.memory_space<hbm>> -> memref<1x8x64xf32, #tpu.memory_space<hbm>>
        %dma_start3A_4375 = tpu.memref_squeeze %dma_start3A_4374 : memref<1x8x64xf32, #tpu.memory_space<hbm>> -> memref<8x64xf32, #tpu.memory_space<hbm>>
        %dma_start3A_4376 = arith.constant 0 : i32
        %dma_start3A_4377 = arith.constant 0 : i32
        %dma_start3A_4378 = tpu.memref_slice %arg10[%dma_start3A_4366, %dma_start3A_4367, %dma_start3A_4376, %dma_start3A_4377] : memref<2x16x8x64xf32, #tpu.memory_space<vmem>> -> memref<1x1x8x64xf32, #tpu.memory_space<vmem>>
        %dma_start3A_4379 = tpu.memref_squeeze %dma_start3A_4378 : memref<1x1x8x64xf32, #tpu.memory_space<vmem>> -> memref<8x64xf32, #tpu.memory_space<vmem>>
        %dma_start3A_4380 = arith.constant 0 : i32
        %dma_start3A_4381 = arith.constant 0 : i32
        %dma_start3A_4382 = tpu.memref_slice %arg4[%squeeze3A_4365, %dma_start3A_4380, %dma_start3A_4381] : memref<125000x8x64xf32, #tpu.memory_space<hbm>> -> memref<1x8x64xf32, #tpu.memory_space<hbm>>
        %dma_start3A_4383 = tpu.memref_squeeze %dma_start3A_4382 : memref<1x8x64xf32, #tpu.memory_space<hbm>> -> memref<8x64xf32, #tpu.memory_space<hbm>>
        tpu.enqueue_dma source(%dma_start3A_4383 : memref<8x64xf32, #tpu.memory_space<hbm>>) target(%dma_start3A_4379 : memref<8x64xf32, #tpu.memory_space<vmem>>) target_semaphore(%arg13 : memref<!tpu.dma_semaphore, #tpu.memory_space<semaphore_mem>>)
        %slice3A_4384 = vector.extract_strided_slice %shift_right_arithmetic3A_3774 {offsets = [15], sizes = [1], strides = [1]} : vector<16xi32> to vector<1xi32>
        %squeeze3A_4385 = vector.extract %slice3A_4384[0] : i32 from vector<1xi32>
        %dma_start3A_4386 = arith.constant 0 : i32
        %dma_start3A_4387 = arith.constant 15 : i32
        %dma_start3A_4388 = arith.constant 0 : i32
        %dma_start3A_4389 = arith.constant 0 : i32
        %dma_start3A_4390 = tpu.memref_slice %arg9[%dma_start3A_4386, %dma_start3A_4387, %dma_start3A_4388, %dma_start3A_4389] : memref<2x16x8x64xf32, #tpu.memory_space<vmem>> -> memref<1x1x8x64xf32, #tpu.memory_space<vmem>>
        %dma_start3A_4391 = tpu.memref_squeeze %dma_start3A_4390 : memref<1x1x8x64xf32, #tpu.memory_space<vmem>> -> memref<8x64xf32, #tpu.memory_space<vmem>>
        %dma_start3A_4392 = arith.constant 0 : i32
        %dma_start3A_4393 = arith.constant 0 : i32
        %dma_start3A_4394 = tpu.memref_slice %arg5[%squeeze3A_4385, %dma_start3A_4392, %dma_start3A_4393] : memref<125000x8x64xf32, #tpu.memory_space<hbm>> -> memref<1x8x64xf32, #tpu.memory_space<hbm>>
        %dma_start3A_4395 = tpu.memref_squeeze %dma_start3A_4394 : memref<1x8x64xf32, #tpu.memory_space<hbm>> -> memref<8x64xf32, #tpu.memory_space<hbm>>
        %dma_start3A_4396 = arith.constant 0 : i32
        %dma_start3A_4397 = arith.constant 0 : i32
        %dma_start3A_4398 = tpu.memref_slice %arg9[%dma_start3A_4386, %dma_start3A_4387, %dma_start3A_4396, %dma_start3A_4397] : memref<2x16x8x64xf32, #tpu.memory_space<vmem>> -> memref<1x1x8x64xf32, #tpu.memory_space<vmem>>
        %dma_start3A_4399 = tpu.memref_squeeze %dma_start3A_4398 : memref<1x1x8x64xf32, #tpu.memory_space<vmem>> -> memref<8x64xf32, #tpu.memory_space<vmem>>
        %dma_start3A_4400 = arith.constant 0 : i32
        %dma_start3A_4401 = arith.constant 0 : i32
        %dma_start3A_4402 = tpu.memref_slice %arg5[%squeeze3A_4385, %dma_start3A_4400, %dma_start3A_4401] : memref<125000x8x64xf32, #tpu.memory_space<hbm>> -> memref<1x8x64xf32, #tpu.memory_space<hbm>>
        %dma_start3A_4403 = tpu.memref_squeeze %dma_start3A_4402 : memref<1x8x64xf32, #tpu.memory_space<hbm>> -> memref<8x64xf32, #tpu.memory_space<hbm>>
        tpu.enqueue_dma source(%dma_start3A_4403 : memref<8x64xf32, #tpu.memory_space<hbm>>) target(%dma_start3A_4399 : memref<8x64xf32, #tpu.memory_space<vmem>>) target_semaphore(%arg13 : memref<!tpu.dma_semaphore, #tpu.memory_space<semaphore_mem>>)
        %slice3A_4404 = vector.extract_strided_slice %shift_right_arithmetic3A_3783 {offsets = [15], sizes = [1], strides = [1]} : vector<16xi32> to vector<1xi32>
        %squeeze3A_4405 = vector.extract %slice3A_4404[0] : i32 from vector<1xi32>
        %dma_start3A_4406 = arith.constant 0 : i32
        %dma_start3A_4407 = arith.constant 15 : i32
        %dma_start3A_4408 = arith.constant 0 : i32
        %dma_start3A_4409 = arith.constant 0 : i32
        %dma_start3A_4410 = tpu.memref_slice %arg10[%dma_start3A_4406, %dma_start3A_4407, %dma_start3A_4408, %dma_start3A_4409] : memref<2x16x8x64xf32, #tpu.memory_space<vmem>> -> memref<1x1x8x64xf32, #tpu.memory_space<vmem>>
        %dma_start3A_4411 = tpu.memref_squeeze %dma_start3A_4410 : memref<1x1x8x64xf32, #tpu.memory_space<vmem>> -> memref<8x64xf32, #tpu.memory_space<vmem>>
        %dma_start3A_4412 = arith.constant 0 : i32
        %dma_start3A_4413 = arith.constant 0 : i32
        %dma_start3A_4414 = tpu.memref_slice %arg4[%squeeze3A_4405, %dma_start3A_4412, %dma_start3A_4413] : memref<125000x8x64xf32, #tpu.memory_space<hbm>> -> memref<1x8x64xf32, #tpu.memory_space<hbm>>
        %dma_start3A_4415 = tpu.memref_squeeze %dma_start3A_4414 : memref<1x8x64xf32, #tpu.memory_space<hbm>> -> memref<8x64xf32, #tpu.memory_space<hbm>>
        %dma_start3A_4416 = arith.constant 0 : i32
        %dma_start3A_4417 = arith.constant 0 : i32
        %dma_start3A_4418 = tpu.memref_slice %arg10[%dma_start3A_4406, %dma_start3A_4407, %dma_start3A_4416, %dma_start3A_4417] : memref<2x16x8x64xf32, #tpu.memory_space<vmem>> -> memref<1x1x8x64xf32, #tpu.memory_space<vmem>>
        %dma_start3A_4419 = tpu.memref_squeeze %dma_start3A_4418 : memref<1x1x8x64xf32, #tpu.memory_space<vmem>> -> memref<8x64xf32, #tpu.memory_space<vmem>>
        %dma_start3A_4420 = arith.constant 0 : i32
        %dma_start3A_4421 = arith.constant 0 : i32
        %dma_start3A_4422 = tpu.memref_slice %arg4[%squeeze3A_4405, %dma_start3A_4420, %dma_start3A_4421] : memref<125000x8x64xf32, #tpu.memory_space<hbm>> -> memref<1x8x64xf32, #tpu.memory_space<hbm>>
        %dma_start3A_4423 = tpu.memref_squeeze %dma_start3A_4422 : memref<1x8x64xf32, #tpu.memory_space<hbm>> -> memref<8x64xf32, #tpu.memory_space<hbm>>
        tpu.enqueue_dma source(%dma_start3A_4423 : memref<8x64xf32, #tpu.memory_space<hbm>>) target(%dma_start3A_4419 : memref<8x64xf32, #tpu.memory_space<vmem>>) target_semaphore(%arg13 : memref<!tpu.dma_semaphore, #tpu.memory_space<semaphore_mem>>)
      } else {
      }
      %add3A_2539 = arith.constant 1 : i32
      %add3A_2540 = arith.addi %mul3A_658, %add3A_2539 : i32
      %dma_wait3A_2541 = arith.constant 1 : i32
      %dma_wait3A_2542 = arith.constant 0 : i32
      %dma_wait3A_2543 = arith.constant 0 : i32
      %dma_wait3A_2544 = arith.constant 0 : i32
      %dma_wait3A_2545 = tpu.memref_slice %arg9[%dma_wait3A_2541, %dma_wait3A_2542, %dma_wait3A_2543, %dma_wait3A_2544] : memref<2x16x8x64xf32, #tpu.memory_space<vmem>> -> memref<1x16x8x64xf32, #tpu.memory_space<vmem>>
      %dma_wait3A_2546 = tpu.memref_squeeze %dma_wait3A_2545 : memref<1x16x8x64xf32, #tpu.memory_space<vmem>> -> memref<16x8x64xf32, #tpu.memory_space<vmem>>
      %dma_wait3A_2547 = arith.constant 0 : i32
      %dma_wait3A_2548 = arith.constant 0 : i32
      %dma_wait3A_2549 = arith.constant 0 : i32
      %dma_wait3A_2550 = tpu.memref_slice %arg5[%dma_wait3A_2547, %dma_wait3A_2548, %dma_wait3A_2549] : memref<125000x8x64xf32, #tpu.memory_space<hbm>> -> memref<16x8x64xf32, #tpu.memory_space<hbm>>
      %dma_wait3A_2551 = arith.constant 0 : i32
      %dma_wait3A_2552 = arith.constant 0 : i32
      %dma_wait3A_2553 = arith.constant 0 : i32
      %dma_wait3A_2554 = tpu.memref_slice %arg9[%dma_wait3A_2541, %dma_wait3A_2551, %dma_wait3A_2552, %dma_wait3A_2553] : memref<2x16x8x64xf32, #tpu.memory_space<vmem>> -> memref<1x16x8x64xf32, #tpu.memory_space<vmem>>
      %dma_wait3A_2555 = tpu.memref_squeeze %dma_wait3A_2554 : memref<1x16x8x64xf32, #tpu.memory_space<vmem>> -> memref<16x8x64xf32, #tpu.memory_space<vmem>>
      %dma_wait3A_2556 = arith.constant 0 : i32
      %dma_wait3A_2557 = arith.constant 0 : i32
      %dma_wait3A_2558 = arith.constant 0 : i32
      %dma_wait3A_2559 = tpu.memref_slice %arg5[%dma_wait3A_2556, %dma_wait3A_2557, %dma_wait3A_2558] : memref<125000x8x64xf32, #tpu.memory_space<hbm>> -> memref<16x8x64xf32, #tpu.memory_space<hbm>>
      tpu.wait_dma2 semaphore(%arg14 : memref<!tpu.dma_semaphore, #tpu.memory_space<semaphore_mem>>) src(%dma_wait3A_2559 : memref<16x8x64xf32, #tpu.memory_space<hbm>>) dst(%dma_wait3A_2555 : memref<16x8x64xf32, #tpu.memory_space<vmem>>)
      %dma_wait3A_2560 = arith.constant 1 : i32
      %dma_wait3A_2561 = arith.constant 0 : i32
      %dma_wait3A_2562 = arith.constant 0 : i32
      %dma_wait3A_2563 = arith.constant 0 : i32
      %dma_wait3A_2564 = tpu.memref_slice %arg10[%dma_wait3A_2560, %dma_wait3A_2561, %dma_wait3A_2562, %dma_wait3A_2563] : memref<2x16x8x64xf32, #tpu.memory_space<vmem>> -> memref<1x16x8x64xf32, #tpu.memory_space<vmem>>
      %dma_wait3A_2565 = tpu.memref_squeeze %dma_wait3A_2564 : memref<1x16x8x64xf32, #tpu.memory_space<vmem>> -> memref<16x8x64xf32, #tpu.memory_space<vmem>>
      %dma_wait3A_2566 = arith.constant 0 : i32
      %dma_wait3A_2567 = arith.constant 0 : i32
      %dma_wait3A_2568 = arith.constant 0 : i32
      %dma_wait3A_2569 = tpu.memref_slice %arg4[%dma_wait3A_2566, %dma_wait3A_2567, %dma_wait3A_2568] : memref<125000x8x64xf32, #tpu.memory_space<hbm>> -> memref<16x8x64xf32, #tpu.memory_space<hbm>>
      %dma_wait3A_2570 = arith.constant 0 : i32
      %dma_wait3A_2571 = arith.constant 0 : i32
      %dma_wait3A_2572 = arith.constant 0 : i32
      %dma_wait3A_2573 = tpu.memref_slice %arg10[%dma_wait3A_2560, %dma_wait3A_2570, %dma_wait3A_2571, %dma_wait3A_2572] : memref<2x16x8x64xf32, #tpu.memory_space<vmem>> -> memref<1x16x8x64xf32, #tpu.memory_space<vmem>>
      %dma_wait3A_2574 = tpu.memref_squeeze %dma_wait3A_2573 : memref<1x16x8x64xf32, #tpu.memory_space<vmem>> -> memref<16x8x64xf32, #tpu.memory_space<vmem>>
      %dma_wait3A_2575 = arith.constant 0 : i32
      %dma_wait3A_2576 = arith.constant 0 : i32
      %dma_wait3A_2577 = arith.constant 0 : i32
      %dma_wait3A_2578 = tpu.memref_slice %arg4[%dma_wait3A_2575, %dma_wait3A_2576, %dma_wait3A_2577] : memref<125000x8x64xf32, #tpu.memory_space<hbm>> -> memref<16x8x64xf32, #tpu.memory_space<hbm>>
      tpu.wait_dma2 semaphore(%arg14 : memref<!tpu.dma_semaphore, #tpu.memory_space<semaphore_mem>>) src(%dma_wait3A_2578 : memref<16x8x64xf32, #tpu.memory_space<hbm>>) dst(%dma_wait3A_2574 : memref<16x8x64xf32, #tpu.memory_space<vmem>>)
      %add3A_2579 = arith.constant 1 : i32
      %add3A_2580 = arith.addi %mul3A_658, %add3A_2579 : i32
      %mul3A_2581 = arith.constant 16 : i32
      %mul3A_2582 = arith.muli %add3A_2580, %mul3A_2581 : i32
      %add3A_2583 = arith.constant 0 : i32
      %add3A_2584 = arith.addi %mul3A_2582, %add3A_2583 : i32
      %get3A_2585 = arith.index_cast %add3A_2584 : i32 to index
      %get3A_2586 = tpu.vector_load %arg8[%get3A_2585] {strides = array<i32>} : memref<512xi32, #tpu.memory_space<vmem>>, vector<16xi32>,
      %and3A_2587 = arith.constant 7 : i32
      %and3A_2588 = vector.broadcast %and3A_2587 : i32 to vector<16xi32>
      %and3A_2589 = arith.andi %get3A_2586, %and3A_2588 : vector<16xi32>
      %get3A_2590 = arith.index_cast %add3A_2584 : i32 to index
      %get3A_2591 = tpu.vector_load %arg7[%get3A_2590] {strides = array<i32>} : memref<512xi32, #tpu.memory_space<vmem>>, vector<16xi32>,
      %and3A_2592 = arith.constant 7 : i32
      %and3A_2593 = vector.broadcast %and3A_2592 : i32 to vector<16xi32>
      %and3A_2594 = arith.andi %get3A_2591, %and3A_2593 : vector<16xi32>
      %slice3A_2595 = vector.extract_strided_slice %and3A_2589 {offsets = [0], sizes = [1], strides = [1]} : vector<16xi32> to vector<1xi32>
      %squeeze3A_2596 = vector.extract %slice3A_2595[0] : i32 from vector<1xi32>
      %slice3A_2597 = vector.extract_strided_slice %and3A_2594 {offsets = [0], sizes = [1], strides = [1]} : vector<16xi32> to vector<1xi32>
      %squeeze3A_2598 = vector.extract %slice3A_2597[0] : i32 from vector<1xi32>
      %get3A_2599 = arith.constant 1 : i32
      %get3A_2600 = arith.constant 0 : i32
      %get3A_2601 = arith.index_cast %get3A_2599 : i32 to index
      %get3A_2602 = arith.index_cast %get3A_2600 : i32 to index
      %get3A_2603 = arith.index_cast %squeeze3A_2596 : i32 to index
      %get3A_2604 = arith.constant 0 : index
      %get3A_2605 = tpu.vector_load %arg10[%get3A_2601, %get3A_2602, %get3A_2603, %get3A_2604] {strides = array<i32>} : memref<2x16x8x64xf32, #tpu.memory_space<vmem>>, vector<16xf32>,
      %get3A_2606 = arith.constant 1 : i32
      %get3A_2607 = arith.constant 0 : i32
      %get3A_2608 = arith.index_cast %get3A_2606 : i32 to index
      %get3A_2609 = arith.index_cast %get3A_2607 : i32 to index
      %get3A_2610 = arith.index_cast %squeeze3A_2598 : i32 to index
      %get3A_2611 = arith.constant 0 : index
      %get3A_2612 = tpu.vector_load %arg9[%get3A_2608, %get3A_2609, %get3A_2610, %get3A_2611] {strides = array<i32>} : memref<2x16x8x64xf32, #tpu.memory_space<vmem>>, vector<16xf32>,
      %mul3A_2613 = arith.mulf %get3A_2605, %get3A_2612 : vector<16xf32>
      %get3A_2614 = arith.constant 1 : i32
      %get3A_2615 = arith.constant 0 : i32
      %get3A_2616 = arith.index_cast %get3A_2614 : i32 to index
      %get3A_2617 = arith.index_cast %get3A_2615 : i32 to index
      %get3A_2618 = arith.index_cast %squeeze3A_2596 : i32 to index
      %get3A_2619 = arith.constant 16 : index
      %get3A_2620 = tpu.vector_load %arg10[%get3A_2616, %get3A_2617, %get3A_2618, %get3A_2619] {strides = array<i32>} : memref<2x16x8x64xf32, #tpu.memory_space<vmem>>, vector<16xf32>,
      %get3A_2621 = arith.constant 1 : i32
      %get3A_2622 = arith.constant 0 : i32
      %get3A_2623 = arith.index_cast %get3A_2621 : i32 to index
      %get3A_2624 = arith.index_cast %get3A_2622 : i32 to index
      %get3A_2625 = arith.index_cast %squeeze3A_2598 : i32 to index
      %get3A_2626 = arith.constant 16 : index
      %get3A_2627 = tpu.vector_load %arg9[%get3A_2623, %get3A_2624, %get3A_2625, %get3A_2626] {strides = array<i32>} : memref<2x16x8x64xf32, #tpu.memory_space<vmem>>, vector<16xf32>,
      %mul3A_2628 = arith.mulf %get3A_2620, %get3A_2627 : vector<16xf32>
      %get3A_2629 = arith.constant 1 : i32
      %get3A_2630 = arith.constant 0 : i32
      %get3A_2631 = arith.index_cast %get3A_2629 : i32 to index
      %get3A_2632 = arith.index_cast %get3A_2630 : i32 to index
      %get3A_2633 = arith.index_cast %squeeze3A_2596 : i32 to index
      %get3A_2634 = arith.constant 32 : index
      %get3A_2635 = tpu.vector_load %arg10[%get3A_2631, %get3A_2632, %get3A_2633, %get3A_2634] {strides = array<i32>} : memref<2x16x8x64xf32, #tpu.memory_space<vmem>>, vector<16xf32>,
      %get3A_2636 = arith.constant 1 : i32
      %get3A_2637 = arith.constant 0 : i32
      %get3A_2638 = arith.index_cast %get3A_2636 : i32 to index
      %get3A_2639 = arith.index_cast %get3A_2637 : i32 to index
      %get3A_2640 = arith.index_cast %squeeze3A_2598 : i32 to index
      %get3A_2641 = arith.constant 32 : index
      %get3A_2642 = tpu.vector_load %arg9[%get3A_2638, %get3A_2639, %get3A_2640, %get3A_2641] {strides = array<i32>} : memref<2x16x8x64xf32, #tpu.memory_space<vmem>>, vector<16xf32>,
      %mul3A_2643 = arith.mulf %get3A_2635, %get3A_2642 : vector<16xf32>
      %get3A_2644 = arith.constant 1 : i32
      %get3A_2645 = arith.constant 0 : i32
      %get3A_2646 = arith.index_cast %get3A_2644 : i32 to index
      %get3A_2647 = arith.index_cast %get3A_2645 : i32 to index
      %get3A_2648 = arith.index_cast %squeeze3A_2596 : i32 to index
      %get3A_2649 = arith.constant 48 : index
      %get3A_2650 = tpu.vector_load %arg10[%get3A_2646, %get3A_2647, %get3A_2648, %get3A_2649] {strides = array<i32>} : memref<2x16x8x64xf32, #tpu.memory_space<vmem>>, vector<16xf32>,
      %get3A_2651 = arith.constant 1 : i32
      %get3A_2652 = arith.constant 0 : i32
      %get3A_2653 = arith.index_cast %get3A_2651 : i32 to index
      %get3A_2654 = arith.index_cast %get3A_2652 : i32 to index
      %get3A_2655 = arith.index_cast %squeeze3A_2598 : i32 to index
      %get3A_2656 = arith.constant 48 : index
      %get3A_2657 = tpu.vector_load %arg9[%get3A_2653, %get3A_2654, %get3A_2655, %get3A_2656] {strides = array<i32>} : memref<2x16x8x64xf32, #tpu.memory_space<vmem>>, vector<16xf32>,
      %mul3A_2658 = arith.mulf %get3A_2650, %get3A_2657 : vector<16xf32>
      %add3A_2659 = arith.addf %mul3A_2613, %mul3A_2628 : vector<16xf32>
      %add3A_2660 = arith.addf %mul3A_2643, %mul3A_2658 : vector<16xf32>
      %add3A_2661 = arith.addf %add3A_2659, %add3A_2660 : vector<16xf32>
      %add3A_2662 = arith.constant 0 : i32
      %add3A_2663 = vector.broadcast %add3A_2662 : i32 to vector<16xi32>
      %add3A_2664 = arith.addi %mul3A_5, %add3A_2663 : vector<16xi32>
      tpu.vector_store_idx %arg12[%add3A_2664], %add3A_2661 : memref<256xf32, #tpu.memory_space<vmem>>[vector<16xi32>], vector<16xf32>,
      %slice3A_2665 = vector.extract_strided_slice %and3A_2589 {offsets = [1], sizes = [1], strides = [1]} : vector<16xi32> to vector<1xi32>
      %squeeze3A_2666 = vector.extract %slice3A_2665[0] : i32 from vector<1xi32>
      %slice3A_2667 = vector.extract_strided_slice %and3A_2594 {offsets = [1], sizes = [1], strides = [1]} : vector<16xi32> to vector<1xi32>
      %squeeze3A_2668 = vector.extract %slice3A_2667[0] : i32 from vector<1xi32>
      %get3A_2669 = arith.constant 1 : i32
      %get3A_2670 = arith.constant 1 : i32
      %get3A_2671 = arith.index_cast %get3A_2669 : i32 to index
      %get3A_2672 = arith.index_cast %get3A_2670 : i32 to index
      %get3A_2673 = arith.index_cast %squeeze3A_2666 : i32 to index
      %get3A_2674 = arith.constant 0 : index
      %get3A_2675 = tpu.vector_load %arg10[%get3A_2671, %get3A_2672, %get3A_2673, %get3A_2674] {strides = array<i32>} : memref<2x16x8x64xf32, #tpu.memory_space<vmem>>, vector<16xf32>,
      %get3A_2676 = arith.constant 1 : i32
      %get3A_2677 = arith.constant 1 : i32
      %get3A_2678 = arith.index_cast %get3A_2676 : i32 to index
      %get3A_2679 = arith.index_cast %get3A_2677 : i32 to index
      %get3A_2680 = arith.index_cast %squeeze3A_2668 : i32 to index
      %get3A_2681 = arith.constant 0 : index
      %get3A_2682 = tpu.vector_load %arg9[%get3A_2678, %get3A_2679, %get3A_2680, %get3A_2681] {strides = array<i32>} : memref<2x16x8x64xf32, #tpu.memory_space<vmem>>, vector<16xf32>,
      %mul3A_2683 = arith.mulf %get3A_2675, %get3A_2682 : vector<16xf32>
      %get3A_2684 = arith.constant 1 : i32
      %get3A_2685 = arith.constant 1 : i32
      %get3A_2686 = arith.index_cast %get3A_2684 : i32 to index
      %get3A_2687 = arith.index_cast %get3A_2685 : i32 to index
      %get3A_2688 = arith.index_cast %squeeze3A_2666 : i32 to index
      %get3A_2689 = arith.constant 16 : index
      %get3A_2690 = tpu.vector_load %arg10[%get3A_2686, %get3A_2687, %get3A_2688, %get3A_2689] {strides = array<i32>} : memref<2x16x8x64xf32, #tpu.memory_space<vmem>>, vector<16xf32>,
      %get3A_2691 = arith.constant 1 : i32
      %get3A_2692 = arith.constant 1 : i32
      %get3A_2693 = arith.index_cast %get3A_2691 : i32 to index
      %get3A_2694 = arith.index_cast %get3A_2692 : i32 to index
      %get3A_2695 = arith.index_cast %squeeze3A_2668 : i32 to index
      %get3A_2696 = arith.constant 16 : index
      %get3A_2697 = tpu.vector_load %arg9[%get3A_2693, %get3A_2694, %get3A_2695, %get3A_2696] {strides = array<i32>} : memref<2x16x8x64xf32, #tpu.memory_space<vmem>>, vector<16xf32>,
      %mul3A_2698 = arith.mulf %get3A_2690, %get3A_2697 : vector<16xf32>
      %get3A_2699 = arith.constant 1 : i32
      %get3A_2700 = arith.constant 1 : i32
      %get3A_2701 = arith.index_cast %get3A_2699 : i32 to index
      %get3A_2702 = arith.index_cast %get3A_2700 : i32 to index
      %get3A_2703 = arith.index_cast %squeeze3A_2666 : i32 to index
      %get3A_2704 = arith.constant 32 : index
      %get3A_2705 = tpu.vector_load %arg10[%get3A_2701, %get3A_2702, %get3A_2703, %get3A_2704] {strides = array<i32>} : memref<2x16x8x64xf32, #tpu.memory_space<vmem>>, vector<16xf32>,
      %get3A_2706 = arith.constant 1 : i32
      %get3A_2707 = arith.constant 1 : i32
      %get3A_2708 = arith.index_cast %get3A_2706 : i32 to index
      %get3A_2709 = arith.index_cast %get3A_2707 : i32 to index
      %get3A_2710 = arith.index_cast %squeeze3A_2668 : i32 to index
      %get3A_2711 = arith.constant 32 : index
      %get3A_2712 = tpu.vector_load %arg9[%get3A_2708, %get3A_2709, %get3A_2710, %get3A_2711] {strides = array<i32>} : memref<2x16x8x64xf32, #tpu.memory_space<vmem>>, vector<16xf32>,
      %mul3A_2713 = arith.mulf %get3A_2705, %get3A_2712 : vector<16xf32>
      %get3A_2714 = arith.constant 1 : i32
      %get3A_2715 = arith.constant 1 : i32
      %get3A_2716 = arith.index_cast %get3A_2714 : i32 to index
      %get3A_2717 = arith.index_cast %get3A_2715 : i32 to index
      %get3A_2718 = arith.index_cast %squeeze3A_2666 : i32 to index
      %get3A_2719 = arith.constant 48 : index
      %get3A_2720 = tpu.vector_load %arg10[%get3A_2716, %get3A_2717, %get3A_2718, %get3A_2719] {strides = array<i32>} : memref<2x16x8x64xf32, #tpu.memory_space<vmem>>, vector<16xf32>,
      %get3A_2721 = arith.constant 1 : i32
      %get3A_2722 = arith.constant 1 : i32
      %get3A_2723 = arith.index_cast %get3A_2721 : i32 to index
      %get3A_2724 = arith.index_cast %get3A_2722 : i32 to index
      %get3A_2725 = arith.index_cast %squeeze3A_2668 : i32 to index
      %get3A_2726 = arith.constant 48 : index
      %get3A_2727 = tpu.vector_load %arg9[%get3A_2723, %get3A_2724, %get3A_2725, %get3A_2726] {strides = array<i32>} : memref<2x16x8x64xf32, #tpu.memory_space<vmem>>, vector<16xf32>,
      %mul3A_2728 = arith.mulf %get3A_2720, %get3A_2727 : vector<16xf32>
      %add3A_2729 = arith.addf %mul3A_2683, %mul3A_2698 : vector<16xf32>
      %add3A_2730 = arith.addf %mul3A_2713, %mul3A_2728 : vector<16xf32>
      %add3A_2731 = arith.addf %add3A_2729, %add3A_2730 : vector<16xf32>
      %add3A_2732 = arith.constant 1 : i32
      %add3A_2733 = vector.broadcast %add3A_2732 : i32 to vector<16xi32>
      %add3A_2734 = arith.addi %mul3A_5, %add3A_2733 : vector<16xi32>
      tpu.vector_store_idx %arg12[%add3A_2734], %add3A_2731 : memref<256xf32, #tpu.memory_space<vmem>>[vector<16xi32>], vector<16xf32>,
      %slice3A_2735 = vector.extract_strided_slice %and3A_2589 {offsets = [2], sizes = [1], strides = [1]} : vector<16xi32> to vector<1xi32>
      %squeeze3A_2736 = vector.extract %slice3A_2735[0] : i32 from vector<1xi32>
      %slice3A_2737 = vector.extract_strided_slice %and3A_2594 {offsets = [2], sizes = [1], strides = [1]} : vector<16xi32> to vector<1xi32>
      %squeeze3A_2738 = vector.extract %slice3A_2737[0] : i32 from vector<1xi32>
      %get3A_2739 = arith.constant 1 : i32
      %get3A_2740 = arith.constant 2 : i32
      %get3A_2741 = arith.index_cast %get3A_2739 : i32 to index
      %get3A_2742 = arith.index_cast %get3A_2740 : i32 to index
      %get3A_2743 = arith.index_cast %squeeze3A_2736 : i32 to index
      %get3A_2744 = arith.constant 0 : index
      %get3A_2745 = tpu.vector_load %arg10[%get3A_2741, %get3A_2742, %get3A_2743, %get3A_2744] {strides = array<i32>} : memref<2x16x8x64xf32, #tpu.memory_space<vmem>>, vector<16xf32>,
      %get3A_2746 = arith.constant 1 : i32
      %get3A_2747 = arith.constant 2 : i32
      %get3A_2748 = arith.index_cast %get3A_2746 : i32 to index
      %get3A_2749 = arith.index_cast %get3A_2747 : i32 to index
      %get3A_2750 = arith.index_cast %squeeze3A_2738 : i32 to index
      %get3A_2751 = arith.constant 0 : index
      %get3A_2752 = tpu.vector_load %arg9[%get3A_2748, %get3A_2749, %get3A_2750, %get3A_2751] {strides = array<i32>} : memref<2x16x8x64xf32, #tpu.memory_space<vmem>>, vector<16xf32>,
      %mul3A_2753 = arith.mulf %get3A_2745, %get3A_2752 : vector<16xf32>
      %get3A_2754 = arith.constant 1 : i32
      %get3A_2755 = arith.constant 2 : i32
      %get3A_2756 = arith.index_cast %get3A_2754 : i32 to index
      %get3A_2757 = arith.index_cast %get3A_2755 : i32 to index
      %get3A_2758 = arith.index_cast %squeeze3A_2736 : i32 to index
      %get3A_2759 = arith.constant 16 : index
      %get3A_2760 = tpu.vector_load %arg10[%get3A_2756, %get3A_2757, %get3A_2758, %get3A_2759] {strides = array<i32>} : memref<2x16x8x64xf32, #tpu.memory_space<vmem>>, vector<16xf32>,
      %get3A_2761 = arith.constant 1 : i32
      %get3A_2762 = arith.constant 2 : i32
      %get3A_2763 = arith.index_cast %get3A_2761 : i32 to index
      %get3A_2764 = arith.index_cast %get3A_2762 : i32 to index
      %get3A_2765 = arith.index_cast %squeeze3A_2738 : i32 to index
      %get3A_2766 = arith.constant 16 : index
      %get3A_2767 = tpu.vector_load %arg9[%get3A_2763, %get3A_2764, %get3A_2765, %get3A_2766] {strides = array<i32>} : memref<2x16x8x64xf32, #tpu.memory_space<vmem>>, vector<16xf32>,
      %mul3A_2768 = arith.mulf %get3A_2760, %get3A_2767 : vector<16xf32>
      %get3A_2769 = arith.constant 1 : i32
      %get3A_2770 = arith.constant 2 : i32
      %get3A_2771 = arith.index_cast %get3A_2769 : i32 to index
      %get3A_2772 = arith.index_cast %get3A_2770 : i32 to index
      %get3A_2773 = arith.index_cast %squeeze3A_2736 : i32 to index
      %get3A_2774 = arith.constant 32 : index
      %get3A_2775 = tpu.vector_load %arg10[%get3A_2771, %get3A_2772, %get3A_2773, %get3A_2774] {strides = array<i32>} : memref<2x16x8x64xf32, #tpu.memory_space<vmem>>, vector<16xf32>,
      %get3A_2776 = arith.constant 1 : i32
      %get3A_2777 = arith.constant 2 : i32
      %get3A_2778 = arith.index_cast %get3A_2776 : i32 to index
      %get3A_2779 = arith.index_cast %get3A_2777 : i32 to index
      %get3A_2780 = arith.index_cast %squeeze3A_2738 : i32 to index
      %get3A_2781 = arith.constant 32 : index
      %get3A_2782 = tpu.vector_load %arg9[%get3A_2778, %get3A_2779, %get3A_2780, %get3A_2781] {strides = array<i32>} : memref<2x16x8x64xf32, #tpu.memory_space<vmem>>, vector<16xf32>,
      %mul3A_2783 = arith.mulf %get3A_2775, %get3A_2782 : vector<16xf32>
      %get3A_2784 = arith.constant 1 : i32
      %get3A_2785 = arith.constant 2 : i32
      %get3A_2786 = arith.index_cast %get3A_2784 : i32 to index
      %get3A_2787 = arith.index_cast %get3A_2785 : i32 to index
      %get3A_2788 = arith.index_cast %squeeze3A_2736 : i32 to index
      %get3A_2789 = arith.constant 48 : index
      %get3A_2790 = tpu.vector_load %arg10[%get3A_2786, %get3A_2787, %get3A_2788, %get3A_2789] {strides = array<i32>} : memref<2x16x8x64xf32, #tpu.memory_space<vmem>>, vector<16xf32>,
      %get3A_2791 = arith.constant 1 : i32
      %get3A_2792 = arith.constant 2 : i32
      %get3A_2793 = arith.index_cast %get3A_2791 : i32 to index
      %get3A_2794 = arith.index_cast %get3A_2792 : i32 to index
      %get3A_2795 = arith.index_cast %squeeze3A_2738 : i32 to index
      %get3A_2796 = arith.constant 48 : index
      %get3A_2797 = tpu.vector_load %arg9[%get3A_2793, %get3A_2794, %get3A_2795, %get3A_2796] {strides = array<i32>} : memref<2x16x8x64xf32, #tpu.memory_space<vmem>>, vector<16xf32>,
      %mul3A_2798 = arith.mulf %get3A_2790, %get3A_2797 : vector<16xf32>
      %add3A_2799 = arith.addf %mul3A_2753, %mul3A_2768 : vector<16xf32>
      %add3A_2800 = arith.addf %mul3A_2783, %mul3A_2798 : vector<16xf32>
      %add3A_2801 = arith.addf %add3A_2799, %add3A_2800 : vector<16xf32>
      %add3A_2802 = arith.constant 2 : i32
      %add3A_2803 = vector.broadcast %add3A_2802 : i32 to vector<16xi32>
      %add3A_2804 = arith.addi %mul3A_5, %add3A_2803 : vector<16xi32>
      tpu.vector_store_idx %arg12[%add3A_2804], %add3A_2801 : memref<256xf32, #tpu.memory_space<vmem>>[vector<16xi32>], vector<16xf32>,
      %slice3A_2805 = vector.extract_strided_slice %and3A_2589 {offsets = [3], sizes = [1], strides = [1]} : vector<16xi32> to vector<1xi32>
      %squeeze3A_2806 = vector.extract %slice3A_2805[0] : i32 from vector<1xi32>
      %slice3A_2807 = vector.extract_strided_slice %and3A_2594 {offsets = [3], sizes = [1], strides = [1]} : vector<16xi32> to vector<1xi32>
      %squeeze3A_2808 = vector.extract %slice3A_2807[0] : i32 from vector<1xi32>
      %get3A_2809 = arith.constant 1 : i32
      %get3A_2810 = arith.constant 3 : i32
      %get3A_2811 = arith.index_cast %get3A_2809 : i32 to index
      %get3A_2812 = arith.index_cast %get3A_2810 : i32 to index
      %get3A_2813 = arith.index_cast %squeeze3A_2806 : i32 to index
      %get3A_2814 = arith.constant 0 : index
      %get3A_2815 = tpu.vector_load %arg10[%get3A_2811, %get3A_2812, %get3A_2813, %get3A_2814] {strides = array<i32>} : memref<2x16x8x64xf32, #tpu.memory_space<vmem>>, vector<16xf32>,
      %get3A_2816 = arith.constant 1 : i32
      %get3A_2817 = arith.constant 3 : i32
      %get3A_2818 = arith.index_cast %get3A_2816 : i32 to index
      %get3A_2819 = arith.index_cast %get3A_2817 : i32 to index
      %get3A_2820 = arith.index_cast %squeeze3A_2808 : i32 to index
      %get3A_2821 = arith.constant 0 : index
      %get3A_2822 = tpu.vector_load %arg9[%get3A_2818, %get3A_2819, %get3A_2820, %get3A_2821] {strides = array<i32>} : memref<2x16x8x64xf32, #tpu.memory_space<vmem>>, vector<16xf32>,
      %mul3A_2823 = arith.mulf %get3A_2815, %get3A_2822 : vector<16xf32>
      %get3A_2824 = arith.constant 1 : i32
      %get3A_2825 = arith.constant 3 : i32
      %get3A_2826 = arith.index_cast %get3A_2824 : i32 to index
      %get3A_2827 = arith.index_cast %get3A_2825 : i32 to index
      %get3A_2828 = arith.index_cast %squeeze3A_2806 : i32 to index
      %get3A_2829 = arith.constant 16 : index
      %get3A_2830 = tpu.vector_load %arg10[%get3A_2826, %get3A_2827, %get3A_2828, %get3A_2829] {strides = array<i32>} : memref<2x16x8x64xf32, #tpu.memory_space<vmem>>, vector<16xf32>,
      %get3A_2831 = arith.constant 1 : i32
      %get3A_2832 = arith.constant 3 : i32
      %get3A_2833 = arith.index_cast %get3A_2831 : i32 to index
      %get3A_2834 = arith.index_cast %get3A_2832 : i32 to index
      %get3A_2835 = arith.index_cast %squeeze3A_2808 : i32 to index
      %get3A_2836 = arith.constant 16 : index
      %get3A_2837 = tpu.vector_load %arg9[%get3A_2833, %get3A_2834, %get3A_2835, %get3A_2836] {strides = array<i32>} : memref<2x16x8x64xf32, #tpu.memory_space<vmem>>, vector<16xf32>,
      %mul3A_2838 = arith.mulf %get3A_2830, %get3A_2837 : vector<16xf32>
      %get3A_2839 = arith.constant 1 : i32
      %get3A_2840 = arith.constant 3 : i32
      %get3A_2841 = arith.index_cast %get3A_2839 : i32 to index
      %get3A_2842 = arith.index_cast %get3A_2840 : i32 to index
      %get3A_2843 = arith.index_cast %squeeze3A_2806 : i32 to index
      %get3A_2844 = arith.constant 32 : index
      %get3A_2845 = tpu.vector_load %arg10[%get3A_2841, %get3A_2842, %get3A_2843, %get3A_2844] {strides = array<i32>} : memref<2x16x8x64xf32, #tpu.memory_space<vmem>>, vector<16xf32>,
      %get3A_2846 = arith.constant 1 : i32
      %get3A_2847 = arith.constant 3 : i32
      %get3A_2848 = arith.index_cast %get3A_2846 : i32 to index
      %get3A_2849 = arith.index_cast %get3A_2847 : i32 to index
      %get3A_2850 = arith.index_cast %squeeze3A_2808 : i32 to index
      %get3A_2851 = arith.constant 32 : index
      %get3A_2852 = tpu.vector_load %arg9[%get3A_2848, %get3A_2849, %get3A_2850, %get3A_2851] {strides = array<i32>} : memref<2x16x8x64xf32, #tpu.memory_space<vmem>>, vector<16xf32>,
      %mul3A_2853 = arith.mulf %get3A_2845, %get3A_2852 : vector<16xf32>
      %get3A_2854 = arith.constant 1 : i32
      %get3A_2855 = arith.constant 3 : i32
      %get3A_2856 = arith.index_cast %get3A_2854 : i32 to index
      %get3A_2857 = arith.index_cast %get3A_2855 : i32 to index
      %get3A_2858 = arith.index_cast %squeeze3A_2806 : i32 to index
      %get3A_2859 = arith.constant 48 : index
      %get3A_2860 = tpu.vector_load %arg10[%get3A_2856, %get3A_2857, %get3A_2858, %get3A_2859] {strides = array<i32>} : memref<2x16x8x64xf32, #tpu.memory_space<vmem>>, vector<16xf32>,
      %get3A_2861 = arith.constant 1 : i32
      %get3A_2862 = arith.constant 3 : i32
      %get3A_2863 = arith.index_cast %get3A_2861 : i32 to index
      %get3A_2864 = arith.index_cast %get3A_2862 : i32 to index
      %get3A_2865 = arith.index_cast %squeeze3A_2808 : i32 to index
      %get3A_2866 = arith.constant 48 : index
      %get3A_2867 = tpu.vector_load %arg9[%get3A_2863, %get3A_2864, %get3A_2865, %get3A_2866] {strides = array<i32>} : memref<2x16x8x64xf32, #tpu.memory_space<vmem>>, vector<16xf32>,
      %mul3A_2868 = arith.mulf %get3A_2860, %get3A_2867 : vector<16xf32>
      %add3A_2869 = arith.addf %mul3A_2823, %mul3A_2838 : vector<16xf32>
      %add3A_2870 = arith.addf %mul3A_2853, %mul3A_2868 : vector<16xf32>
      %add3A_2871 = arith.addf %add3A_2869, %add3A_2870 : vector<16xf32>
      %add3A_2872 = arith.constant 3 : i32
      %add3A_2873 = vector.broadcast %add3A_2872 : i32 to vector<16xi32>
      %add3A_2874 = arith.addi %mul3A_5, %add3A_2873 : vector<16xi32>
      tpu.vector_store_idx %arg12[%add3A_2874], %add3A_2871 : memref<256xf32, #tpu.memory_space<vmem>>[vector<16xi32>], vector<16xf32>,
      %slice3A_2875 = vector.extract_strided_slice %and3A_2589 {offsets = [4], sizes = [1], strides = [1]} : vector<16xi32> to vector<1xi32>
      %squeeze3A_2876 = vector.extract %slice3A_2875[0] : i32 from vector<1xi32>
      %slice3A_2877 = vector.extract_strided_slice %and3A_2594 {offsets = [4], sizes = [1], strides = [1]} : vector<16xi32> to vector<1xi32>
      %squeeze3A_2878 = vector.extract %slice3A_2877[0] : i32 from vector<1xi32>
      %get3A_2879 = arith.constant 1 : i32
      %get3A_2880 = arith.constant 4 : i32
      %get3A_2881 = arith.index_cast %get3A_2879 : i32 to index
      %get3A_2882 = arith.index_cast %get3A_2880 : i32 to index
      %get3A_2883 = arith.index_cast %squeeze3A_2876 : i32 to index
      %get3A_2884 = arith.constant 0 : index
      %get3A_2885 = tpu.vector_load %arg10[%get3A_2881, %get3A_2882, %get3A_2883, %get3A_2884] {strides = array<i32>} : memref<2x16x8x64xf32, #tpu.memory_space<vmem>>, vector<16xf32>,
      %get3A_2886 = arith.constant 1 : i32
      %get3A_2887 = arith.constant 4 : i32
      %get3A_2888 = arith.index_cast %get3A_2886 : i32 to index
      %get3A_2889 = arith.index_cast %get3A_2887 : i32 to index
      %get3A_2890 = arith.index_cast %squeeze3A_2878 : i32 to index
      %get3A_2891 = arith.constant 0 : index
      %get3A_2892 = tpu.vector_load %arg9[%get3A_2888, %get3A_2889, %get3A_2890, %get3A_2891] {strides = array<i32>} : memref<2x16x8x64xf32, #tpu.memory_space<vmem>>, vector<16xf32>,
      %mul3A_2893 = arith.mulf %get3A_2885, %get3A_2892 : vector<16xf32>
      %get3A_2894 = arith.constant 1 : i32
      %get3A_2895 = arith.constant 4 : i32
      %get3A_2896 = arith.index_cast %get3A_2894 : i32 to index
      %get3A_2897 = arith.index_cast %get3A_2895 : i32 to index
      %get3A_2898 = arith.index_cast %squeeze3A_2876 : i32 to index
      %get3A_2899 = arith.constant 16 : index
      %get3A_2900 = tpu.vector_load %arg10[%get3A_2896, %get3A_2897, %get3A_2898, %get3A_2899] {strides = array<i32>} : memref<2x16x8x64xf32, #tpu.memory_space<vmem>>, vector<16xf32>,
      %get3A_2901 = arith.constant 1 : i32
      %get3A_2902 = arith.constant 4 : i32
      %get3A_2903 = arith.index_cast %get3A_2901 : i32 to index
      %get3A_2904 = arith.index_cast %get3A_2902 : i32 to index
      %get3A_2905 = arith.index_cast %squeeze3A_2878 : i32 to index
      %get3A_2906 = arith.constant 16 : index
      %get3A_2907 = tpu.vector_load %arg9[%get3A_2903, %get3A_2904, %get3A_2905, %get3A_2906] {strides = array<i32>} : memref<2x16x8x64xf32, #tpu.memory_space<vmem>>, vector<16xf32>,
      %mul3A_2908 = arith.mulf %get3A_2900, %get3A_2907 : vector<16xf32>
      %get3A_2909 = arith.constant 1 : i32
      %get3A_2910 = arith.constant 4 : i32
      %get3A_2911 = arith.index_cast %get3A_2909 : i32 to index
      %get3A_2912 = arith.index_cast %get3A_2910 : i32 to index
      %get3A_2913 = arith.index_cast %squeeze3A_2876 : i32 to index
      %get3A_2914 = arith.constant 32 : index
      %get3A_2915 = tpu.vector_load %arg10[%get3A_2911, %get3A_2912, %get3A_2913, %get3A_2914] {strides = array<i32>} : memref<2x16x8x64xf32, #tpu.memory_space<vmem>>, vector<16xf32>,
      %get3A_2916 = arith.constant 1 : i32
      %get3A_2917 = arith.constant 4 : i32
      %get3A_2918 = arith.index_cast %get3A_2916 : i32 to index
      %get3A_2919 = arith.index_cast %get3A_2917 : i32 to index
      %get3A_2920 = arith.index_cast %squeeze3A_2878 : i32 to index
      %get3A_2921 = arith.constant 32 : index
      %get3A_2922 = tpu.vector_load %arg9[%get3A_2918, %get3A_2919, %get3A_2920, %get3A_2921] {strides = array<i32>} : memref<2x16x8x64xf32, #tpu.memory_space<vmem>>, vector<16xf32>,
      %mul3A_2923 = arith.mulf %get3A_2915, %get3A_2922 : vector<16xf32>
      %get3A_2924 = arith.constant 1 : i32
      %get3A_2925 = arith.constant 4 : i32
      %get3A_2926 = arith.index_cast %get3A_2924 : i32 to index
      %get3A_2927 = arith.index_cast %get3A_2925 : i32 to index
      %get3A_2928 = arith.index_cast %squeeze3A_2876 : i32 to index
      %get3A_2929 = arith.constant 48 : index
      %get3A_2930 = tpu.vector_load %arg10[%get3A_2926, %get3A_2927, %get3A_2928, %get3A_2929] {strides = array<i32>} : memref<2x16x8x64xf32, #tpu.memory_space<vmem>>, vector<16xf32>,
      %get3A_2931 = arith.constant 1 : i32
      %get3A_2932 = arith.constant 4 : i32
      %get3A_2933 = arith.index_cast %get3A_2931 : i32 to index
      %get3A_2934 = arith.index_cast %get3A_2932 : i32 to index
      %get3A_2935 = arith.index_cast %squeeze3A_2878 : i32 to index
      %get3A_2936 = arith.constant 48 : index
      %get3A_2937 = tpu.vector_load %arg9[%get3A_2933, %get3A_2934, %get3A_2935, %get3A_2936] {strides = array<i32>} : memref<2x16x8x64xf32, #tpu.memory_space<vmem>>, vector<16xf32>,
      %mul3A_2938 = arith.mulf %get3A_2930, %get3A_2937 : vector<16xf32>
      %add3A_2939 = arith.addf %mul3A_2893, %mul3A_2908 : vector<16xf32>
      %add3A_2940 = arith.addf %mul3A_2923, %mul3A_2938 : vector<16xf32>
      %add3A_2941 = arith.addf %add3A_2939, %add3A_2940 : vector<16xf32>
      %add3A_2942 = arith.constant 4 : i32
      %add3A_2943 = vector.broadcast %add3A_2942 : i32 to vector<16xi32>
      %add3A_2944 = arith.addi %mul3A_5, %add3A_2943 : vector<16xi32>
      tpu.vector_store_idx %arg12[%add3A_2944], %add3A_2941 : memref<256xf32, #tpu.memory_space<vmem>>[vector<16xi32>], vector<16xf32>,
      %slice3A_2945 = vector.extract_strided_slice %and3A_2589 {offsets = [5], sizes = [1], strides = [1]} : vector<16xi32> to vector<1xi32>
      %squeeze3A_2946 = vector.extract %slice3A_2945[0] : i32 from vector<1xi32>
      %slice3A_2947 = vector.extract_strided_slice %and3A_2594 {offsets = [5], sizes = [1], strides = [1]} : vector<16xi32> to vector<1xi32>
      %squeeze3A_2948 = vector.extract %slice3A_2947[0] : i32 from vector<1xi32>
      %get3A_2949 = arith.constant 1 : i32
      %get3A_2950 = arith.constant 5 : i32
      %get3A_2951 = arith.index_cast %get3A_2949 : i32 to index
      %get3A_2952 = arith.index_cast %get3A_2950 : i32 to index
      %get3A_2953 = arith.index_cast %squeeze3A_2946 : i32 to index
      %get3A_2954 = arith.constant 0 : index
      %get3A_2955 = tpu.vector_load %arg10[%get3A_2951, %get3A_2952, %get3A_2953, %get3A_2954] {strides = array<i32>} : memref<2x16x8x64xf32, #tpu.memory_space<vmem>>, vector<16xf32>,
      %get3A_2956 = arith.constant 1 : i32
      %get3A_2957 = arith.constant 5 : i32
      %get3A_2958 = arith.index_cast %get3A_2956 : i32 to index
      %get3A_2959 = arith.index_cast %get3A_2957 : i32 to index
      %get3A_2960 = arith.index_cast %squeeze3A_2948 : i32 to index
      %get3A_2961 = arith.constant 0 : index
      %get3A_2962 = tpu.vector_load %arg9[%get3A_2958, %get3A_2959, %get3A_2960, %get3A_2961] {strides = array<i32>} : memref<2x16x8x64xf32, #tpu.memory_space<vmem>>, vector<16xf32>,
      %mul3A_2963 = arith.mulf %get3A_2955, %get3A_2962 : vector<16xf32>
      %get3A_2964 = arith.constant 1 : i32
      %get3A_2965 = arith.constant 5 : i32
      %get3A_2966 = arith.index_cast %get3A_2964 : i32 to index
      %get3A_2967 = arith.index_cast %get3A_2965 : i32 to index
      %get3A_2968 = arith.index_cast %squeeze3A_2946 : i32 to index
      %get3A_2969 = arith.constant 16 : index
      %get3A_2970 = tpu.vector_load %arg10[%get3A_2966, %get3A_2967, %get3A_2968, %get3A_2969] {strides = array<i32>} : memref<2x16x8x64xf32, #tpu.memory_space<vmem>>, vector<16xf32>,
      %get3A_2971 = arith.constant 1 : i32
      %get3A_2972 = arith.constant 5 : i32
      %get3A_2973 = arith.index_cast %get3A_2971 : i32 to index
      %get3A_2974 = arith.index_cast %get3A_2972 : i32 to index
      %get3A_2975 = arith.index_cast %squeeze3A_2948 : i32 to index
      %get3A_2976 = arith.constant 16 : index
      %get3A_2977 = tpu.vector_load %arg9[%get3A_2973, %get3A_2974, %get3A_2975, %get3A_2976] {strides = array<i32>} : memref<2x16x8x64xf32, #tpu.memory_space<vmem>>, vector<16xf32>,
      %mul3A_2978 = arith.mulf %get3A_2970, %get3A_2977 : vector<16xf32>
      %get3A_2979 = arith.constant 1 : i32
      %get3A_2980 = arith.constant 5 : i32
      %get3A_2981 = arith.index_cast %get3A_2979 : i32 to index
      %get3A_2982 = arith.index_cast %get3A_2980 : i32 to index
      %get3A_2983 = arith.index_cast %squeeze3A_2946 : i32 to index
      %get3A_2984 = arith.constant 32 : index
      %get3A_2985 = tpu.vector_load %arg10[%get3A_2981, %get3A_2982, %get3A_2983, %get3A_2984] {strides = array<i32>} : memref<2x16x8x64xf32, #tpu.memory_space<vmem>>, vector<16xf32>,
      %get3A_2986 = arith.constant 1 : i32
      %get3A_2987 = arith.constant 5 : i32
      %get3A_2988 = arith.index_cast %get3A_2986 : i32 to index
      %get3A_2989 = arith.index_cast %get3A_2987 : i32 to index
      %get3A_2990 = arith.index_cast %squeeze3A_2948 : i32 to index
      %get3A_2991 = arith.constant 32 : index
      %get3A_2992 = tpu.vector_load %arg9[%get3A_2988, %get3A_2989, %get3A_2990, %get3A_2991] {strides = array<i32>} : memref<2x16x8x64xf32, #tpu.memory_space<vmem>>, vector<16xf32>,
      %mul3A_2993 = arith.mulf %get3A_2985, %get3A_2992 : vector<16xf32>
      %get3A_2994 = arith.constant 1 : i32
      %get3A_2995 = arith.constant 5 : i32
      %get3A_2996 = arith.index_cast %get3A_2994 : i32 to index
      %get3A_2997 = arith.index_cast %get3A_2995 : i32 to index
      %get3A_2998 = arith.index_cast %squeeze3A_2946 : i32 to index
      %get3A_2999 = arith.constant 48 : index
      %get3A_3000 = tpu.vector_load %arg10[%get3A_2996, %get3A_2997, %get3A_2998, %get3A_2999] {strides = array<i32>} : memref<2x16x8x64xf32, #tpu.memory_space<vmem>>, vector<16xf32>,
      %get3A_3001 = arith.constant 1 : i32
      %get3A_3002 = arith.constant 5 : i32
      %get3A_3003 = arith.index_cast %get3A_3001 : i32 to index
      %get3A_3004 = arith.index_cast %get3A_3002 : i32 to index
      %get3A_3005 = arith.index_cast %squeeze3A_2948 : i32 to index
      %get3A_3006 = arith.constant 48 : index
      %get3A_3007 = tpu.vector_load %arg9[%get3A_3003, %get3A_3004, %get3A_3005, %get3A_3006] {strides = array<i32>} : memref<2x16x8x64xf32, #tpu.memory_space<vmem>>, vector<16xf32>,
      %mul3A_3008 = arith.mulf %get3A_3000, %get3A_3007 : vector<16xf32>
      %add3A_3009 = arith.addf %mul3A_2963, %mul3A_2978 : vector<16xf32>
      %add3A_3010 = arith.addf %mul3A_2993, %mul3A_3008 : vector<16xf32>
      %add3A_3011 = arith.addf %add3A_3009, %add3A_3010 : vector<16xf32>
      %add3A_3012 = arith.constant 5 : i32
      %add3A_3013 = vector.broadcast %add3A_3012 : i32 to vector<16xi32>
      %add3A_3014 = arith.addi %mul3A_5, %add3A_3013 : vector<16xi32>
      tpu.vector_store_idx %arg12[%add3A_3014], %add3A_3011 : memref<256xf32, #tpu.memory_space<vmem>>[vector<16xi32>], vector<16xf32>,
      %slice3A_3015 = vector.extract_strided_slice %and3A_2589 {offsets = [6], sizes = [1], strides = [1]} : vector<16xi32> to vector<1xi32>
      %squeeze3A_3016 = vector.extract %slice3A_3015[0] : i32 from vector<1xi32>
      %slice3A_3017 = vector.extract_strided_slice %and3A_2594 {offsets = [6], sizes = [1], strides = [1]} : vector<16xi32> to vector<1xi32>
      %squeeze3A_3018 = vector.extract %slice3A_3017[0] : i32 from vector<1xi32>
      %get3A_3019 = arith.constant 1 : i32
      %get3A_3020 = arith.constant 6 : i32
      %get3A_3021 = arith.index_cast %get3A_3019 : i32 to index
      %get3A_3022 = arith.index_cast %get3A_3020 : i32 to index
      %get3A_3023 = arith.index_cast %squeeze3A_3016 : i32 to index
      %get3A_3024 = arith.constant 0 : index
      %get3A_3025 = tpu.vector_load %arg10[%get3A_3021, %get3A_3022, %get3A_3023, %get3A_3024] {strides = array<i32>} : memref<2x16x8x64xf32, #tpu.memory_space<vmem>>, vector<16xf32>,
      %get3A_3026 = arith.constant 1 : i32
      %get3A_3027 = arith.constant 6 : i32
      %get3A_3028 = arith.index_cast %get3A_3026 : i32 to index
      %get3A_3029 = arith.index_cast %get3A_3027 : i32 to index
      %get3A_3030 = arith.index_cast %squeeze3A_3018 : i32 to index
      %get3A_3031 = arith.constant 0 : index
      %get3A_3032 = tpu.vector_load %arg9[%get3A_3028, %get3A_3029, %get3A_3030, %get3A_3031] {strides = array<i32>} : memref<2x16x8x64xf32, #tpu.memory_space<vmem>>, vector<16xf32>,
      %mul3A_3033 = arith.mulf %get3A_3025, %get3A_3032 : vector<16xf32>
      %get3A_3034 = arith.constant 1 : i32
      %get3A_3035 = arith.constant 6 : i32
      %get3A_3036 = arith.index_cast %get3A_3034 : i32 to index
      %get3A_3037 = arith.index_cast %get3A_3035 : i32 to index
      %get3A_3038 = arith.index_cast %squeeze3A_3016 : i32 to index
      %get3A_3039 = arith.constant 16 : index
      %get3A_3040 = tpu.vector_load %arg10[%get3A_3036, %get3A_3037, %get3A_3038, %get3A_3039] {strides = array<i32>} : memref<2x16x8x64xf32, #tpu.memory_space<vmem>>, vector<16xf32>,
      %get3A_3041 = arith.constant 1 : i32
      %get3A_3042 = arith.constant 6 : i32
      %get3A_3043 = arith.index_cast %get3A_3041 : i32 to index
      %get3A_3044 = arith.index_cast %get3A_3042 : i32 to index
      %get3A_3045 = arith.index_cast %squeeze3A_3018 : i32 to index
      %get3A_3046 = arith.constant 16 : index
      %get3A_3047 = tpu.vector_load %arg9[%get3A_3043, %get3A_3044, %get3A_3045, %get3A_3046] {strides = array<i32>} : memref<2x16x8x64xf32, #tpu.memory_space<vmem>>, vector<16xf32>,
      %mul3A_3048 = arith.mulf %get3A_3040, %get3A_3047 : vector<16xf32>
      %get3A_3049 = arith.constant 1 : i32
      %get3A_3050 = arith.constant 6 : i32
      %get3A_3051 = arith.index_cast %get3A_3049 : i32 to index
      %get3A_3052 = arith.index_cast %get3A_3050 : i32 to index
      %get3A_3053 = arith.index_cast %squeeze3A_3016 : i32 to index
      %get3A_3054 = arith.constant 32 : index
      %get3A_3055 = tpu.vector_load %arg10[%get3A_3051, %get3A_3052, %get3A_3053, %get3A_3054] {strides = array<i32>} : memref<2x16x8x64xf32, #tpu.memory_space<vmem>>, vector<16xf32>,
      %get3A_3056 = arith.constant 1 : i32
      %get3A_3057 = arith.constant 6 : i32
      %get3A_3058 = arith.index_cast %get3A_3056 : i32 to index
      %get3A_3059 = arith.index_cast %get3A_3057 : i32 to index
      %get3A_3060 = arith.index_cast %squeeze3A_3018 : i32 to index
      %get3A_3061 = arith.constant 32 : index
      %get3A_3062 = tpu.vector_load %arg9[%get3A_3058, %get3A_3059, %get3A_3060, %get3A_3061] {strides = array<i32>} : memref<2x16x8x64xf32, #tpu.memory_space<vmem>>, vector<16xf32>,
      %mul3A_3063 = arith.mulf %get3A_3055, %get3A_3062 : vector<16xf32>
      %get3A_3064 = arith.constant 1 : i32
      %get3A_3065 = arith.constant 6 : i32
      %get3A_3066 = arith.index_cast %get3A_3064 : i32 to index
      %get3A_3067 = arith.index_cast %get3A_3065 : i32 to index
      %get3A_3068 = arith.index_cast %squeeze3A_3016 : i32 to index
      %get3A_3069 = arith.constant 48 : index
      %get3A_3070 = tpu.vector_load %arg10[%get3A_3066, %get3A_3067, %get3A_3068, %get3A_3069] {strides = array<i32>} : memref<2x16x8x64xf32, #tpu.memory_space<vmem>>, vector<16xf32>,
      %get3A_3071 = arith.constant 1 : i32
      %get3A_3072 = arith.constant 6 : i32
      %get3A_3073 = arith.index_cast %get3A_3071 : i32 to index
      %get3A_3074 = arith.index_cast %get3A_3072 : i32 to index
      %get3A_3075 = arith.index_cast %squeeze3A_3018 : i32 to index
      %get3A_3076 = arith.constant 48 : index
      %get3A_3077 = tpu.vector_load %arg9[%get3A_3073, %get3A_3074, %get3A_3075, %get3A_3076] {strides = array<i32>} : memref<2x16x8x64xf32, #tpu.memory_space<vmem>>, vector<16xf32>,
      %mul3A_3078 = arith.mulf %get3A_3070, %get3A_3077 : vector<16xf32>
      %add3A_3079 = arith.addf %mul3A_3033, %mul3A_3048 : vector<16xf32>
      %add3A_3080 = arith.addf %mul3A_3063, %mul3A_3078 : vector<16xf32>
      %add3A_3081 = arith.addf %add3A_3079, %add3A_3080 : vector<16xf32>
      %add3A_3082 = arith.constant 6 : i32
      %add3A_3083 = vector.broadcast %add3A_3082 : i32 to vector<16xi32>
      %add3A_3084 = arith.addi %mul3A_5, %add3A_3083 : vector<16xi32>
      tpu.vector_store_idx %arg12[%add3A_3084], %add3A_3081 : memref<256xf32, #tpu.memory_space<vmem>>[vector<16xi32>], vector<16xf32>,
      %slice3A_3085 = vector.extract_strided_slice %and3A_2589 {offsets = [7], sizes = [1], strides = [1]} : vector<16xi32> to vector<1xi32>
      %squeeze3A_3086 = vector.extract %slice3A_3085[0] : i32 from vector<1xi32>
      %slice3A_3087 = vector.extract_strided_slice %and3A_2594 {offsets = [7], sizes = [1], strides = [1]} : vector<16xi32> to vector<1xi32>
      %squeeze3A_3088 = vector.extract %slice3A_3087[0] : i32 from vector<1xi32>
      %get3A_3089 = arith.constant 1 : i32
      %get3A_3090 = arith.constant 7 : i32
      %get3A_3091 = arith.index_cast %get3A_3089 : i32 to index
      %get3A_3092 = arith.index_cast %get3A_3090 : i32 to index
      %get3A_3093 = arith.index_cast %squeeze3A_3086 : i32 to index
      %get3A_3094 = arith.constant 0 : index
      %get3A_3095 = tpu.vector_load %arg10[%get3A_3091, %get3A_3092, %get3A_3093, %get3A_3094] {strides = array<i32>} : memref<2x16x8x64xf32, #tpu.memory_space<vmem>>, vector<16xf32>,
      %get3A_3096 = arith.constant 1 : i32
      %get3A_3097 = arith.constant 7 : i32
      %get3A_3098 = arith.index_cast %get3A_3096 : i32 to index
      %get3A_3099 = arith.index_cast %get3A_3097 : i32 to index
      %get3A_3100 = arith.index_cast %squeeze3A_3088 : i32 to index
      %get3A_3101 = arith.constant 0 : index
      %get3A_3102 = tpu.vector_load %arg9[%get3A_3098, %get3A_3099, %get3A_3100, %get3A_3101] {strides = array<i32>} : memref<2x16x8x64xf32, #tpu.memory_space<vmem>>, vector<16xf32>,
      %mul3A_3103 = arith.mulf %get3A_3095, %get3A_3102 : vector<16xf32>
      %get3A_3104 = arith.constant 1 : i32
      %get3A_3105 = arith.constant 7 : i32
      %get3A_3106 = arith.index_cast %get3A_3104 : i32 to index
      %get3A_3107 = arith.index_cast %get3A_3105 : i32 to index
      %get3A_3108 = arith.index_cast %squeeze3A_3086 : i32 to index
      %get3A_3109 = arith.constant 16 : index
      %get3A_3110 = tpu.vector_load %arg10[%get3A_3106, %get3A_3107, %get3A_3108, %get3A_3109] {strides = array<i32>} : memref<2x16x8x64xf32, #tpu.memory_space<vmem>>, vector<16xf32>,
      %get3A_3111 = arith.constant 1 : i32
      %get3A_3112 = arith.constant 7 : i32
      %get3A_3113 = arith.index_cast %get3A_3111 : i32 to index
      %get3A_3114 = arith.index_cast %get3A_3112 : i32 to index
      %get3A_3115 = arith.index_cast %squeeze3A_3088 : i32 to index
      %get3A_3116 = arith.constant 16 : index
      %get3A_3117 = tpu.vector_load %arg9[%get3A_3113, %get3A_3114, %get3A_3115, %get3A_3116] {strides = array<i32>} : memref<2x16x8x64xf32, #tpu.memory_space<vmem>>, vector<16xf32>,
      %mul3A_3118 = arith.mulf %get3A_3110, %get3A_3117 : vector<16xf32>
      %get3A_3119 = arith.constant 1 : i32
      %get3A_3120 = arith.constant 7 : i32
      %get3A_3121 = arith.index_cast %get3A_3119 : i32 to index
      %get3A_3122 = arith.index_cast %get3A_3120 : i32 to index
      %get3A_3123 = arith.index_cast %squeeze3A_3086 : i32 to index
      %get3A_3124 = arith.constant 32 : index
      %get3A_3125 = tpu.vector_load %arg10[%get3A_3121, %get3A_3122, %get3A_3123, %get3A_3124] {strides = array<i32>} : memref<2x16x8x64xf32, #tpu.memory_space<vmem>>, vector<16xf32>,
      %get3A_3126 = arith.constant 1 : i32
      %get3A_3127 = arith.constant 7 : i32
      %get3A_3128 = arith.index_cast %get3A_3126 : i32 to index
      %get3A_3129 = arith.index_cast %get3A_3127 : i32 to index
      %get3A_3130 = arith.index_cast %squeeze3A_3088 : i32 to index
      %get3A_3131 = arith.constant 32 : index
      %get3A_3132 = tpu.vector_load %arg9[%get3A_3128, %get3A_3129, %get3A_3130, %get3A_3131] {strides = array<i32>} : memref<2x16x8x64xf32, #tpu.memory_space<vmem>>, vector<16xf32>,
      %mul3A_3133 = arith.mulf %get3A_3125, %get3A_3132 : vector<16xf32>
      %get3A_3134 = arith.constant 1 : i32
      %get3A_3135 = arith.constant 7 : i32
      %get3A_3136 = arith.index_cast %get3A_3134 : i32 to index
      %get3A_3137 = arith.index_cast %get3A_3135 : i32 to index
      %get3A_3138 = arith.index_cast %squeeze3A_3086 : i32 to index
      %get3A_3139 = arith.constant 48 : index
      %get3A_3140 = tpu.vector_load %arg10[%get3A_3136, %get3A_3137, %get3A_3138, %get3A_3139] {strides = array<i32>} : memref<2x16x8x64xf32, #tpu.memory_space<vmem>>, vector<16xf32>,
      %get3A_3141 = arith.constant 1 : i32
      %get3A_3142 = arith.constant 7 : i32
      %get3A_3143 = arith.index_cast %get3A_3141 : i32 to index
      %get3A_3144 = arith.index_cast %get3A_3142 : i32 to index
      %get3A_3145 = arith.index_cast %squeeze3A_3088 : i32 to index
      %get3A_3146 = arith.constant 48 : index
      %get3A_3147 = tpu.vector_load %arg9[%get3A_3143, %get3A_3144, %get3A_3145, %get3A_3146] {strides = array<i32>} : memref<2x16x8x64xf32, #tpu.memory_space<vmem>>, vector<16xf32>,
      %mul3A_3148 = arith.mulf %get3A_3140, %get3A_3147 : vector<16xf32>
      %add3A_3149 = arith.addf %mul3A_3103, %mul3A_3118 : vector<16xf32>
      %add3A_3150 = arith.addf %mul3A_3133, %mul3A_3148 : vector<16xf32>
      %add3A_3151 = arith.addf %add3A_3149, %add3A_3150 : vector<16xf32>
      %add3A_3152 = arith.constant 7 : i32
      %add3A_3153 = vector.broadcast %add3A_3152 : i32 to vector<16xi32>
      %add3A_3154 = arith.addi %mul3A_5, %add3A_3153 : vector<16xi32>
      tpu.vector_store_idx %arg12[%add3A_3154], %add3A_3151 : memref<256xf32, #tpu.memory_space<vmem>>[vector<16xi32>], vector<16xf32>,
      %slice3A_3155 = vector.extract_strided_slice %and3A_2589 {offsets = [8], sizes = [1], strides = [1]} : vector<16xi32> to vector<1xi32>
      %squeeze3A_3156 = vector.extract %slice3A_3155[0] : i32 from vector<1xi32>
      %slice3A_3157 = vector.extract_strided_slice %and3A_2594 {offsets = [8], sizes = [1], strides = [1]} : vector<16xi32> to vector<1xi32>
      %squeeze3A_3158 = vector.extract %slice3A_3157[0] : i32 from vector<1xi32>
      %get3A_3159 = arith.constant 1 : i32
      %get3A_3160 = arith.constant 8 : i32
      %get3A_3161 = arith.index_cast %get3A_3159 : i32 to index
      %get3A_3162 = arith.index_cast %get3A_3160 : i32 to index
      %get3A_3163 = arith.index_cast %squeeze3A_3156 : i32 to index
      %get3A_3164 = arith.constant 0 : index
      %get3A_3165 = tpu.vector_load %arg10[%get3A_3161, %get3A_3162, %get3A_3163, %get3A_3164] {strides = array<i32>} : memref<2x16x8x64xf32, #tpu.memory_space<vmem>>, vector<16xf32>,
      %get3A_3166 = arith.constant 1 : i32
      %get3A_3167 = arith.constant 8 : i32
      %get3A_3168 = arith.index_cast %get3A_3166 : i32 to index
      %get3A_3169 = arith.index_cast %get3A_3167 : i32 to index
      %get3A_3170 = arith.index_cast %squeeze3A_3158 : i32 to index
      %get3A_3171 = arith.constant 0 : index
      %get3A_3172 = tpu.vector_load %arg9[%get3A_3168, %get3A_3169, %get3A_3170, %get3A_3171] {strides = array<i32>} : memref<2x16x8x64xf32, #tpu.memory_space<vmem>>, vector<16xf32>,
      %mul3A_3173 = arith.mulf %get3A_3165, %get3A_3172 : vector<16xf32>
      %get3A_3174 = arith.constant 1 : i32
      %get3A_3175 = arith.constant 8 : i32
      %get3A_3176 = arith.index_cast %get3A_3174 : i32 to index
      %get3A_3177 = arith.index_cast %get3A_3175 : i32 to index
      %get3A_3178 = arith.index_cast %squeeze3A_3156 : i32 to index
      %get3A_3179 = arith.constant 16 : index
      %get3A_3180 = tpu.vector_load %arg10[%get3A_3176, %get3A_3177, %get3A_3178, %get3A_3179] {strides = array<i32>} : memref<2x16x8x64xf32, #tpu.memory_space<vmem>>, vector<16xf32>,
      %get3A_3181 = arith.constant 1 : i32
      %get3A_3182 = arith.constant 8 : i32
      %get3A_3183 = arith.index_cast %get3A_3181 : i32 to index
      %get3A_3184 = arith.index_cast %get3A_3182 : i32 to index
      %get3A_3185 = arith.index_cast %squeeze3A_3158 : i32 to index
      %get3A_3186 = arith.constant 16 : index
      %get3A_3187 = tpu.vector_load %arg9[%get3A_3183, %get3A_3184, %get3A_3185, %get3A_3186] {strides = array<i32>} : memref<2x16x8x64xf32, #tpu.memory_space<vmem>>, vector<16xf32>,
      %mul3A_3188 = arith.mulf %get3A_3180, %get3A_3187 : vector<16xf32>
      %get3A_3189 = arith.constant 1 : i32
      %get3A_3190 = arith.constant 8 : i32
      %get3A_3191 = arith.index_cast %get3A_3189 : i32 to index
      %get3A_3192 = arith.index_cast %get3A_3190 : i32 to index
      %get3A_3193 = arith.index_cast %squeeze3A_3156 : i32 to index
      %get3A_3194 = arith.constant 32 : index
      %get3A_3195 = tpu.vector_load %arg10[%get3A_3191, %get3A_3192, %get3A_3193, %get3A_3194] {strides = array<i32>} : memref<2x16x8x64xf32, #tpu.memory_space<vmem>>, vector<16xf32>,
      %get3A_3196 = arith.constant 1 : i32
      %get3A_3197 = arith.constant 8 : i32
      %get3A_3198 = arith.index_cast %get3A_3196 : i32 to index
      %get3A_3199 = arith.index_cast %get3A_3197 : i32 to index
      %get3A_3200 = arith.index_cast %squeeze3A_3158 : i32 to index
      %get3A_3201 = arith.constant 32 : index
      %get3A_3202 = tpu.vector_load %arg9[%get3A_3198, %get3A_3199, %get3A_3200, %get3A_3201] {strides = array<i32>} : memref<2x16x8x64xf32, #tpu.memory_space<vmem>>, vector<16xf32>,
      %mul3A_3203 = arith.mulf %get3A_3195, %get3A_3202 : vector<16xf32>
      %get3A_3204 = arith.constant 1 : i32
      %get3A_3205 = arith.constant 8 : i32
      %get3A_3206 = arith.index_cast %get3A_3204 : i32 to index
      %get3A_3207 = arith.index_cast %get3A_3205 : i32 to index
      %get3A_3208 = arith.index_cast %squeeze3A_3156 : i32 to index
      %get3A_3209 = arith.constant 48 : index
      %get3A_3210 = tpu.vector_load %arg10[%get3A_3206, %get3A_3207, %get3A_3208, %get3A_3209] {strides = array<i32>} : memref<2x16x8x64xf32, #tpu.memory_space<vmem>>, vector<16xf32>,
      %get3A_3211 = arith.constant 1 : i32
      %get3A_3212 = arith.constant 8 : i32
      %get3A_3213 = arith.index_cast %get3A_3211 : i32 to index
      %get3A_3214 = arith.index_cast %get3A_3212 : i32 to index
      %get3A_3215 = arith.index_cast %squeeze3A_3158 : i32 to index
      %get3A_3216 = arith.constant 48 : index
      %get3A_3217 = tpu.vector_load %arg9[%get3A_3213, %get3A_3214, %get3A_3215, %get3A_3216] {strides = array<i32>} : memref<2x16x8x64xf32, #tpu.memory_space<vmem>>, vector<16xf32>,
      %mul3A_3218 = arith.mulf %get3A_3210, %get3A_3217 : vector<16xf32>
      %add3A_3219 = arith.addf %mul3A_3173, %mul3A_3188 : vector<16xf32>
      %add3A_3220 = arith.addf %mul3A_3203, %mul3A_3218 : vector<16xf32>
      %add3A_3221 = arith.addf %add3A_3219, %add3A_3220 : vector<16xf32>
      %add3A_3222 = arith.constant 8 : i32
      %add3A_3223 = vector.broadcast %add3A_3222 : i32 to vector<16xi32>
      %add3A_3224 = arith.addi %mul3A_5, %add3A_3223 : vector<16xi32>
      tpu.vector_store_idx %arg12[%add3A_3224], %add3A_3221 : memref<256xf32, #tpu.memory_space<vmem>>[vector<16xi32>], vector<16xf32>,
      %slice3A_3225 = vector.extract_strided_slice %and3A_2589 {offsets = [9], sizes = [1], strides = [1]} : vector<16xi32> to vector<1xi32>
      %squeeze3A_3226 = vector.extract %slice3A_3225[0] : i32 from vector<1xi32>
      %slice3A_3227 = vector.extract_strided_slice %and3A_2594 {offsets = [9], sizes = [1], strides = [1]} : vector<16xi32> to vector<1xi32>
      %squeeze3A_3228 = vector.extract %slice3A_3227[0] : i32 from vector<1xi32>
      %get3A_3229 = arith.constant 1 : i32
      %get3A_3230 = arith.constant 9 : i32
      %get3A_3231 = arith.index_cast %get3A_3229 : i32 to index
      %get3A_3232 = arith.index_cast %get3A_3230 : i32 to index
      %get3A_3233 = arith.index_cast %squeeze3A_3226 : i32 to index
      %get3A_3234 = arith.constant 0 : index
      %get3A_3235 = tpu.vector_load %arg10[%get3A_3231, %get3A_3232, %get3A_3233, %get3A_3234] {strides = array<i32>} : memref<2x16x8x64xf32, #tpu.memory_space<vmem>>, vector<16xf32>,
      %get3A_3236 = arith.constant 1 : i32
      %get3A_3237 = arith.constant 9 : i32
      %get3A_3238 = arith.index_cast %get3A_3236 : i32 to index
      %get3A_3239 = arith.index_cast %get3A_3237 : i32 to index
      %get3A_3240 = arith.index_cast %squeeze3A_3228 : i32 to index
      %get3A_3241 = arith.constant 0 : index
      %get3A_3242 = tpu.vector_load %arg9[%get3A_3238, %get3A_3239, %get3A_3240, %get3A_3241] {strides = array<i32>} : memref<2x16x8x64xf32, #tpu.memory_space<vmem>>, vector<16xf32>,
      %mul3A_3243 = arith.mulf %get3A_3235, %get3A_3242 : vector<16xf32>
      %get3A_3244 = arith.constant 1 : i32
      %get3A_3245 = arith.constant 9 : i32
      %get3A_3246 = arith.index_cast %get3A_3244 : i32 to index
      %get3A_3247 = arith.index_cast %get3A_3245 : i32 to index
      %get3A_3248 = arith.index_cast %squeeze3A_3226 : i32 to index
      %get3A_3249 = arith.constant 16 : index
      %get3A_3250 = tpu.vector_load %arg10[%get3A_3246, %get3A_3247, %get3A_3248, %get3A_3249] {strides = array<i32>} : memref<2x16x8x64xf32, #tpu.memory_space<vmem>>, vector<16xf32>,
      %get3A_3251 = arith.constant 1 : i32
      %get3A_3252 = arith.constant 9 : i32
      %get3A_3253 = arith.index_cast %get3A_3251 : i32 to index
      %get3A_3254 = arith.index_cast %get3A_3252 : i32 to index
      %get3A_3255 = arith.index_cast %squeeze3A_3228 : i32 to index
      %get3A_3256 = arith.constant 16 : index
      %get3A_3257 = tpu.vector_load %arg9[%get3A_3253, %get3A_3254, %get3A_3255, %get3A_3256] {strides = array<i32>} : memref<2x16x8x64xf32, #tpu.memory_space<vmem>>, vector<16xf32>,
      %mul3A_3258 = arith.mulf %get3A_3250, %get3A_3257 : vector<16xf32>
      %get3A_3259 = arith.constant 1 : i32
      %get3A_3260 = arith.constant 9 : i32
      %get3A_3261 = arith.index_cast %get3A_3259 : i32 to index
      %get3A_3262 = arith.index_cast %get3A_3260 : i32 to index
      %get3A_3263 = arith.index_cast %squeeze3A_3226 : i32 to index
      %get3A_3264 = arith.constant 32 : index
      %get3A_3265 = tpu.vector_load %arg10[%get3A_3261, %get3A_3262, %get3A_3263, %get3A_3264] {strides = array<i32>} : memref<2x16x8x64xf32, #tpu.memory_space<vmem>>, vector<16xf32>,
      %get3A_3266 = arith.constant 1 : i32
      %get3A_3267 = arith.constant 9 : i32
      %get3A_3268 = arith.index_cast %get3A_3266 : i32 to index
      %get3A_3269 = arith.index_cast %get3A_3267 : i32 to index
      %get3A_3270 = arith.index_cast %squeeze3A_3228 : i32 to index
      %get3A_3271 = arith.constant 32 : index
      %get3A_3272 = tpu.vector_load %arg9[%get3A_3268, %get3A_3269, %get3A_3270, %get3A_3271] {strides = array<i32>} : memref<2x16x8x64xf32, #tpu.memory_space<vmem>>, vector<16xf32>,
      %mul3A_3273 = arith.mulf %get3A_3265, %get3A_3272 : vector<16xf32>
      %get3A_3274 = arith.constant 1 : i32
      %get3A_3275 = arith.constant 9 : i32
      %get3A_3276 = arith.index_cast %get3A_3274 : i32 to index
      %get3A_3277 = arith.index_cast %get3A_3275 : i32 to index
      %get3A_3278 = arith.index_cast %squeeze3A_3226 : i32 to index
      %get3A_3279 = arith.constant 48 : index
      %get3A_3280 = tpu.vector_load %arg10[%get3A_3276, %get3A_3277, %get3A_3278, %get3A_3279] {strides = array<i32>} : memref<2x16x8x64xf32, #tpu.memory_space<vmem>>, vector<16xf32>,
      %get3A_3281 = arith.constant 1 : i32
      %get3A_3282 = arith.constant 9 : i32
      %get3A_3283 = arith.index_cast %get3A_3281 : i32 to index
      %get3A_3284 = arith.index_cast %get3A_3282 : i32 to index
      %get3A_3285 = arith.index_cast %squeeze3A_3228 : i32 to index
      %get3A_3286 = arith.constant 48 : index
      %get3A_3287 = tpu.vector_load %arg9[%get3A_3283, %get3A_3284, %get3A_3285, %get3A_3286] {strides = array<i32>} : memref<2x16x8x64xf32, #tpu.memory_space<vmem>>, vector<16xf32>,
      %mul3A_3288 = arith.mulf %get3A_3280, %get3A_3287 : vector<16xf32>
      %add3A_3289 = arith.addf %mul3A_3243, %mul3A_3258 : vector<16xf32>
      %add3A_3290 = arith.addf %mul3A_3273, %mul3A_3288 : vector<16xf32>
      %add3A_3291 = arith.addf %add3A_3289, %add3A_3290 : vector<16xf32>
      %add3A_3292 = arith.constant 9 : i32
      %add3A_3293 = vector.broadcast %add3A_3292 : i32 to vector<16xi32>
      %add3A_3294 = arith.addi %mul3A_5, %add3A_3293 : vector<16xi32>
      tpu.vector_store_idx %arg12[%add3A_3294], %add3A_3291 : memref<256xf32, #tpu.memory_space<vmem>>[vector<16xi32>], vector<16xf32>,
      %slice3A_3295 = vector.extract_strided_slice %and3A_2589 {offsets = [10], sizes = [1], strides = [1]} : vector<16xi32> to vector<1xi32>
      %squeeze3A_3296 = vector.extract %slice3A_3295[0] : i32 from vector<1xi32>
      %slice3A_3297 = vector.extract_strided_slice %and3A_2594 {offsets = [10], sizes = [1], strides = [1]} : vector<16xi32> to vector<1xi32>
      %squeeze3A_3298 = vector.extract %slice3A_3297[0] : i32 from vector<1xi32>
      %get3A_3299 = arith.constant 1 : i32
      %get3A_3300 = arith.constant 10 : i32
      %get3A_3301 = arith.index_cast %get3A_3299 : i32 to index
      %get3A_3302 = arith.index_cast %get3A_3300 : i32 to index
      %get3A_3303 = arith.index_cast %squeeze3A_3296 : i32 to index
      %get3A_3304 = arith.constant 0 : index
      %get3A_3305 = tpu.vector_load %arg10[%get3A_3301, %get3A_3302, %get3A_3303, %get3A_3304] {strides = array<i32>} : memref<2x16x8x64xf32, #tpu.memory_space<vmem>>, vector<16xf32>,
      %get3A_3306 = arith.constant 1 : i32
      %get3A_3307 = arith.constant 10 : i32
      %get3A_3308 = arith.index_cast %get3A_3306 : i32 to index
      %get3A_3309 = arith.index_cast %get3A_3307 : i32 to index
      %get3A_3310 = arith.index_cast %squeeze3A_3298 : i32 to index
      %get3A_3311 = arith.constant 0 : index
      %get3A_3312 = tpu.vector_load %arg9[%get3A_3308, %get3A_3309, %get3A_3310, %get3A_3311] {strides = array<i32>} : memref<2x16x8x64xf32, #tpu.memory_space<vmem>>, vector<16xf32>,
      %mul3A_3313 = arith.mulf %get3A_3305, %get3A_3312 : vector<16xf32>
      %get3A_3314 = arith.constant 1 : i32
      %get3A_3315 = arith.constant 10 : i32
      %get3A_3316 = arith.index_cast %get3A_3314 : i32 to index
      %get3A_3317 = arith.index_cast %get3A_3315 : i32 to index
      %get3A_3318 = arith.index_cast %squeeze3A_3296 : i32 to index
      %get3A_3319 = arith.constant 16 : index
      %get3A_3320 = tpu.vector_load %arg10[%get3A_3316, %get3A_3317, %get3A_3318, %get3A_3319] {strides = array<i32>} : memref<2x16x8x64xf32, #tpu.memory_space<vmem>>, vector<16xf32>,
      %get3A_3321 = arith.constant 1 : i32
      %get3A_3322 = arith.constant 10 : i32
      %get3A_3323 = arith.index_cast %get3A_3321 : i32 to index
      %get3A_3324 = arith.index_cast %get3A_3322 : i32 to index
      %get3A_3325 = arith.index_cast %squeeze3A_3298 : i32 to index
      %get3A_3326 = arith.constant 16 : index
      %get3A_3327 = tpu.vector_load %arg9[%get3A_3323, %get3A_3324, %get3A_3325, %get3A_3326] {strides = array<i32>} : memref<2x16x8x64xf32, #tpu.memory_space<vmem>>, vector<16xf32>,
      %mul3A_3328 = arith.mulf %get3A_3320, %get3A_3327 : vector<16xf32>
      %get3A_3329 = arith.constant 1 : i32
      %get3A_3330 = arith.constant 10 : i32
      %get3A_3331 = arith.index_cast %get3A_3329 : i32 to index
      %get3A_3332 = arith.index_cast %get3A_3330 : i32 to index
      %get3A_3333 = arith.index_cast %squeeze3A_3296 : i32 to index
      %get3A_3334 = arith.constant 32 : index
      %get3A_3335 = tpu.vector_load %arg10[%get3A_3331, %get3A_3332, %get3A_3333, %get3A_3334] {strides = array<i32>} : memref<2x16x8x64xf32, #tpu.memory_space<vmem>>, vector<16xf32>,
      %get3A_3336 = arith.constant 1 : i32
      %get3A_3337 = arith.constant 10 : i32
      %get3A_3338 = arith.index_cast %get3A_3336 : i32 to index
      %get3A_3339 = arith.index_cast %get3A_3337 : i32 to index
      %get3A_3340 = arith.index_cast %squeeze3A_3298 : i32 to index
      %get3A_3341 = arith.constant 32 : index
      %get3A_3342 = tpu.vector_load %arg9[%get3A_3338, %get3A_3339, %get3A_3340, %get3A_3341] {strides = array<i32>} : memref<2x16x8x64xf32, #tpu.memory_space<vmem>>, vector<16xf32>,
      %mul3A_3343 = arith.mulf %get3A_3335, %get3A_3342 : vector<16xf32>
      %get3A_3344 = arith.constant 1 : i32
      %get3A_3345 = arith.constant 10 : i32
      %get3A_3346 = arith.index_cast %get3A_3344 : i32 to index
      %get3A_3347 = arith.index_cast %get3A_3345 : i32 to index
      %get3A_3348 = arith.index_cast %squeeze3A_3296 : i32 to index
      %get3A_3349 = arith.constant 48 : index
      %get3A_3350 = tpu.vector_load %arg10[%get3A_3346, %get3A_3347, %get3A_3348, %get3A_3349] {strides = array<i32>} : memref<2x16x8x64xf32, #tpu.memory_space<vmem>>, vector<16xf32>,
      %get3A_3351 = arith.constant 1 : i32
      %get3A_3352 = arith.constant 10 : i32
      %get3A_3353 = arith.index_cast %get3A_3351 : i32 to index
      %get3A_3354 = arith.index_cast %get3A_3352 : i32 to index
      %get3A_3355 = arith.index_cast %squeeze3A_3298 : i32 to index
      %get3A_3356 = arith.constant 48 : index
      %get3A_3357 = tpu.vector_load %arg9[%get3A_3353, %get3A_3354, %get3A_3355, %get3A_3356] {strides = array<i32>} : memref<2x16x8x64xf32, #tpu.memory_space<vmem>>, vector<16xf32>,
      %mul3A_3358 = arith.mulf %get3A_3350, %get3A_3357 : vector<16xf32>
      %add3A_3359 = arith.addf %mul3A_3313, %mul3A_3328 : vector<16xf32>
      %add3A_3360 = arith.addf %mul3A_3343, %mul3A_3358 : vector<16xf32>
      %add3A_3361 = arith.addf %add3A_3359, %add3A_3360 : vector<16xf32>
      %add3A_3362 = arith.constant 10 : i32
      %add3A_3363 = vector.broadcast %add3A_3362 : i32 to vector<16xi32>
      %add3A_3364 = arith.addi %mul3A_5, %add3A_3363 : vector<16xi32>
      tpu.vector_store_idx %arg12[%add3A_3364], %add3A_3361 : memref<256xf32, #tpu.memory_space<vmem>>[vector<16xi32>], vector<16xf32>,
      %slice3A_3365 = vector.extract_strided_slice %and3A_2589 {offsets = [11], sizes = [1], strides = [1]} : vector<16xi32> to vector<1xi32>
      %squeeze3A_3366 = vector.extract %slice3A_3365[0] : i32 from vector<1xi32>
      %slice3A_3367 = vector.extract_strided_slice %and3A_2594 {offsets = [11], sizes = [1], strides = [1]} : vector<16xi32> to vector<1xi32>
      %squeeze3A_3368 = vector.extract %slice3A_3367[0] : i32 from vector<1xi32>
      %get3A_3369 = arith.constant 1 : i32
      %get3A_3370 = arith.constant 11 : i32
      %get3A_3371 = arith.index_cast %get3A_3369 : i32 to index
      %get3A_3372 = arith.index_cast %get3A_3370 : i32 to index
      %get3A_3373 = arith.index_cast %squeeze3A_3366 : i32 to index
      %get3A_3374 = arith.constant 0 : index
      %get3A_3375 = tpu.vector_load %arg10[%get3A_3371, %get3A_3372, %get3A_3373, %get3A_3374] {strides = array<i32>} : memref<2x16x8x64xf32, #tpu.memory_space<vmem>>, vector<16xf32>,
      %get3A_3376 = arith.constant 1 : i32
      %get3A_3377 = arith.constant 11 : i32
      %get3A_3378 = arith.index_cast %get3A_3376 : i32 to index
      %get3A_3379 = arith.index_cast %get3A_3377 : i32 to index
      %get3A_3380 = arith.index_cast %squeeze3A_3368 : i32 to index
      %get3A_3381 = arith.constant 0 : index
      %get3A_3382 = tpu.vector_load %arg9[%get3A_3378, %get3A_3379, %get3A_3380, %get3A_3381] {strides = array<i32>} : memref<2x16x8x64xf32, #tpu.memory_space<vmem>>, vector<16xf32>,
      %mul3A_3383 = arith.mulf %get3A_3375, %get3A_3382 : vector<16xf32>
      %get3A_3384 = arith.constant 1 : i32
      %get3A_3385 = arith.constant 11 : i32
      %get3A_3386 = arith.index_cast %get3A_3384 : i32 to index
      %get3A_3387 = arith.index_cast %get3A_3385 : i32 to index
      %get3A_3388 = arith.index_cast %squeeze3A_3366 : i32 to index
      %get3A_3389 = arith.constant 16 : index
      %get3A_3390 = tpu.vector_load %arg10[%get3A_3386, %get3A_3387, %get3A_3388, %get3A_3389] {strides = array<i32>} : memref<2x16x8x64xf32, #tpu.memory_space<vmem>>, vector<16xf32>,
      %get3A_3391 = arith.constant 1 : i32
      %get3A_3392 = arith.constant 11 : i32
      %get3A_3393 = arith.index_cast %get3A_3391 : i32 to index
      %get3A_3394 = arith.index_cast %get3A_3392 : i32 to index
      %get3A_3395 = arith.index_cast %squeeze3A_3368 : i32 to index
      %get3A_3396 = arith.constant 16 : index
      %get3A_3397 = tpu.vector_load %arg9[%get3A_3393, %get3A_3394, %get3A_3395, %get3A_3396] {strides = array<i32>} : memref<2x16x8x64xf32, #tpu.memory_space<vmem>>, vector<16xf32>,
      %mul3A_3398 = arith.mulf %get3A_3390, %get3A_3397 : vector<16xf32>
      %get3A_3399 = arith.constant 1 : i32
      %get3A_3400 = arith.constant 11 : i32
      %get3A_3401 = arith.index_cast %get3A_3399 : i32 to index
      %get3A_3402 = arith.index_cast %get3A_3400 : i32 to index
      %get3A_3403 = arith.index_cast %squeeze3A_3366 : i32 to index
      %get3A_3404 = arith.constant 32 : index
      %get3A_3405 = tpu.vector_load %arg10[%get3A_3401, %get3A_3402, %get3A_3403, %get3A_3404] {strides = array<i32>} : memref<2x16x8x64xf32, #tpu.memory_space<vmem>>, vector<16xf32>,
      %get3A_3406 = arith.constant 1 : i32
      %get3A_3407 = arith.constant 11 : i32
      %get3A_3408 = arith.index_cast %get3A_3406 : i32 to index
      %get3A_3409 = arith.index_cast %get3A_3407 : i32 to index
      %get3A_3410 = arith.index_cast %squeeze3A_3368 : i32 to index
      %get3A_3411 = arith.constant 32 : index
      %get3A_3412 = tpu.vector_load %arg9[%get3A_3408, %get3A_3409, %get3A_3410, %get3A_3411] {strides = array<i32>} : memref<2x16x8x64xf32, #tpu.memory_space<vmem>>, vector<16xf32>,
      %mul3A_3413 = arith.mulf %get3A_3405, %get3A_3412 : vector<16xf32>
      %get3A_3414 = arith.constant 1 : i32
      %get3A_3415 = arith.constant 11 : i32
      %get3A_3416 = arith.index_cast %get3A_3414 : i32 to index
      %get3A_3417 = arith.index_cast %get3A_3415 : i32 to index
      %get3A_3418 = arith.index_cast %squeeze3A_3366 : i32 to index
      %get3A_3419 = arith.constant 48 : index
      %get3A_3420 = tpu.vector_load %arg10[%get3A_3416, %get3A_3417, %get3A_3418, %get3A_3419] {strides = array<i32>} : memref<2x16x8x64xf32, #tpu.memory_space<vmem>>, vector<16xf32>,
      %get3A_3421 = arith.constant 1 : i32
      %get3A_3422 = arith.constant 11 : i32
      %get3A_3423 = arith.index_cast %get3A_3421 : i32 to index
      %get3A_3424 = arith.index_cast %get3A_3422 : i32 to index
      %get3A_3425 = arith.index_cast %squeeze3A_3368 : i32 to index
      %get3A_3426 = arith.constant 48 : index
      %get3A_3427 = tpu.vector_load %arg9[%get3A_3423, %get3A_3424, %get3A_3425, %get3A_3426] {strides = array<i32>} : memref<2x16x8x64xf32, #tpu.memory_space<vmem>>, vector<16xf32>,
      %mul3A_3428 = arith.mulf %get3A_3420, %get3A_3427 : vector<16xf32>
      %add3A_3429 = arith.addf %mul3A_3383, %mul3A_3398 : vector<16xf32>
      %add3A_3430 = arith.addf %mul3A_3413, %mul3A_3428 : vector<16xf32>
      %add3A_3431 = arith.addf %add3A_3429, %add3A_3430 : vector<16xf32>
      %add3A_3432 = arith.constant 11 : i32
      %add3A_3433 = vector.broadcast %add3A_3432 : i32 to vector<16xi32>
      %add3A_3434 = arith.addi %mul3A_5, %add3A_3433 : vector<16xi32>
      tpu.vector_store_idx %arg12[%add3A_3434], %add3A_3431 : memref<256xf32, #tpu.memory_space<vmem>>[vector<16xi32>], vector<16xf32>,
      %slice3A_3435 = vector.extract_strided_slice %and3A_2589 {offsets = [12], sizes = [1], strides = [1]} : vector<16xi32> to vector<1xi32>
      %squeeze3A_3436 = vector.extract %slice3A_3435[0] : i32 from vector<1xi32>
      %slice3A_3437 = vector.extract_strided_slice %and3A_2594 {offsets = [12], sizes = [1], strides = [1]} : vector<16xi32> to vector<1xi32>
      %squeeze3A_3438 = vector.extract %slice3A_3437[0] : i32 from vector<1xi32>
      %get3A_3439 = arith.constant 1 : i32
      %get3A_3440 = arith.constant 12 : i32
      %get3A_3441 = arith.index_cast %get3A_3439 : i32 to index
      %get3A_3442 = arith.index_cast %get3A_3440 : i32 to index
      %get3A_3443 = arith.index_cast %squeeze3A_3436 : i32 to index
      %get3A_3444 = arith.constant 0 : index
      %get3A_3445 = tpu.vector_load %arg10[%get3A_3441, %get3A_3442, %get3A_3443, %get3A_3444] {strides = array<i32>} : memref<2x16x8x64xf32, #tpu.memory_space<vmem>>, vector<16xf32>,
      %get3A_3446 = arith.constant 1 : i32
      %get3A_3447 = arith.constant 12 : i32
      %get3A_3448 = arith.index_cast %get3A_3446 : i32 to index
      %get3A_3449 = arith.index_cast %get3A_3447 : i32 to index
      %get3A_3450 = arith.index_cast %squeeze3A_3438 : i32 to index
      %get3A_3451 = arith.constant 0 : index
      %get3A_3452 = tpu.vector_load %arg9[%get3A_3448, %get3A_3449, %get3A_3450, %get3A_3451] {strides = array<i32>} : memref<2x16x8x64xf32, #tpu.memory_space<vmem>>, vector<16xf32>,
      %mul3A_3453 = arith.mulf %get3A_3445, %get3A_3452 : vector<16xf32>
      %get3A_3454 = arith.constant 1 : i32
      %get3A_3455 = arith.constant 12 : i32
      %get3A_3456 = arith.index_cast %get3A_3454 : i32 to index
      %get3A_3457 = arith.index_cast %get3A_3455 : i32 to index
      %get3A_3458 = arith.index_cast %squeeze3A_3436 : i32 to index
      %get3A_3459 = arith.constant 16 : index
      %get3A_3460 = tpu.vector_load %arg10[%get3A_3456, %get3A_3457, %get3A_3458, %get3A_3459] {strides = array<i32>} : memref<2x16x8x64xf32, #tpu.memory_space<vmem>>, vector<16xf32>,
      %get3A_3461 = arith.constant 1 : i32
      %get3A_3462 = arith.constant 12 : i32
      %get3A_3463 = arith.index_cast %get3A_3461 : i32 to index
      %get3A_3464 = arith.index_cast %get3A_3462 : i32 to index
      %get3A_3465 = arith.index_cast %squeeze3A_3438 : i32 to index
      %get3A_3466 = arith.constant 16 : index
      %get3A_3467 = tpu.vector_load %arg9[%get3A_3463, %get3A_3464, %get3A_3465, %get3A_3466] {strides = array<i32>} : memref<2x16x8x64xf32, #tpu.memory_space<vmem>>, vector<16xf32>,
      %mul3A_3468 = arith.mulf %get3A_3460, %get3A_3467 : vector<16xf32>
      %get3A_3469 = arith.constant 1 : i32
      %get3A_3470 = arith.constant 12 : i32
      %get3A_3471 = arith.index_cast %get3A_3469 : i32 to index
      %get3A_3472 = arith.index_cast %get3A_3470 : i32 to index
      %get3A_3473 = arith.index_cast %squeeze3A_3436 : i32 to index
      %get3A_3474 = arith.constant 32 : index
      %get3A_3475 = tpu.vector_load %arg10[%get3A_3471, %get3A_3472, %get3A_3473, %get3A_3474] {strides = array<i32>} : memref<2x16x8x64xf32, #tpu.memory_space<vmem>>, vector<16xf32>,
      %get3A_3476 = arith.constant 1 : i32
      %get3A_3477 = arith.constant 12 : i32
      %get3A_3478 = arith.index_cast %get3A_3476 : i32 to index
      %get3A_3479 = arith.index_cast %get3A_3477 : i32 to index
      %get3A_3480 = arith.index_cast %squeeze3A_3438 : i32 to index
      %get3A_3481 = arith.constant 32 : index
      %get3A_3482 = tpu.vector_load %arg9[%get3A_3478, %get3A_3479, %get3A_3480, %get3A_3481] {strides = array<i32>} : memref<2x16x8x64xf32, #tpu.memory_space<vmem>>, vector<16xf32>,
      %mul3A_3483 = arith.mulf %get3A_3475, %get3A_3482 : vector<16xf32>
      %get3A_3484 = arith.constant 1 : i32
      %get3A_3485 = arith.constant 12 : i32
      %get3A_3486 = arith.index_cast %get3A_3484 : i32 to index
      %get3A_3487 = arith.index_cast %get3A_3485 : i32 to index
      %get3A_3488 = arith.index_cast %squeeze3A_3436 : i32 to index
      %get3A_3489 = arith.constant 48 : index
      %get3A_3490 = tpu.vector_load %arg10[%get3A_3486, %get3A_3487, %get3A_3488, %get3A_3489] {strides = array<i32>} : memref<2x16x8x64xf32, #tpu.memory_space<vmem>>, vector<16xf32>,
      %get3A_3491 = arith.constant 1 : i32
      %get3A_3492 = arith.constant 12 : i32
      %get3A_3493 = arith.index_cast %get3A_3491 : i32 to index
      %get3A_3494 = arith.index_cast %get3A_3492 : i32 to index
      %get3A_3495 = arith.index_cast %squeeze3A_3438 : i32 to index
      %get3A_3496 = arith.constant 48 : index
      %get3A_3497 = tpu.vector_load %arg9[%get3A_3493, %get3A_3494, %get3A_3495, %get3A_3496] {strides = array<i32>} : memref<2x16x8x64xf32, #tpu.memory_space<vmem>>, vector<16xf32>,
      %mul3A_3498 = arith.mulf %get3A_3490, %get3A_3497 : vector<16xf32>
      %add3A_3499 = arith.addf %mul3A_3453, %mul3A_3468 : vector<16xf32>
      %add3A_3500 = arith.addf %mul3A_3483, %mul3A_3498 : vector<16xf32>
      %add3A_3501 = arith.addf %add3A_3499, %add3A_3500 : vector<16xf32>
      %add3A_3502 = arith.constant 12 : i32
      %add3A_3503 = vector.broadcast %add3A_3502 : i32 to vector<16xi32>
      %add3A_3504 = arith.addi %mul3A_5, %add3A_3503 : vector<16xi32>
      tpu.vector_store_idx %arg12[%add3A_3504], %add3A_3501 : memref<256xf32, #tpu.memory_space<vmem>>[vector<16xi32>], vector<16xf32>,
      %slice3A_3505 = vector.extract_strided_slice %and3A_2589 {offsets = [13], sizes = [1], strides = [1]} : vector<16xi32> to vector<1xi32>
      %squeeze3A_3506 = vector.extract %slice3A_3505[0] : i32 from vector<1xi32>
      %slice3A_3507 = vector.extract_strided_slice %and3A_2594 {offsets = [13], sizes = [1], strides = [1]} : vector<16xi32> to vector<1xi32>
      %squeeze3A_3508 = vector.extract %slice3A_3507[0] : i32 from vector<1xi32>
      %get3A_3509 = arith.constant 1 : i32
      %get3A_3510 = arith.constant 13 : i32
      %get3A_3511 = arith.index_cast %get3A_3509 : i32 to index
      %get3A_3512 = arith.index_cast %get3A_3510 : i32 to index
      %get3A_3513 = arith.index_cast %squeeze3A_3506 : i32 to index
      %get3A_3514 = arith.constant 0 : index
      %get3A_3515 = tpu.vector_load %arg10[%get3A_3511, %get3A_3512, %get3A_3513, %get3A_3514] {strides = array<i32>} : memref<2x16x8x64xf32, #tpu.memory_space<vmem>>, vector<16xf32>,
      %get3A_3516 = arith.constant 1 : i32
      %get3A_3517 = arith.constant 13 : i32
      %get3A_3518 = arith.index_cast %get3A_3516 : i32 to index
      %get3A_3519 = arith.index_cast %get3A_3517 : i32 to index
      %get3A_3520 = arith.index_cast %squeeze3A_3508 : i32 to index
      %get3A_3521 = arith.constant 0 : index
      %get3A_3522 = tpu.vector_load %arg9[%get3A_3518, %get3A_3519, %get3A_3520, %get3A_3521] {strides = array<i32>} : memref<2x16x8x64xf32, #tpu.memory_space<vmem>>, vector<16xf32>,
      %mul3A_3523 = arith.mulf %get3A_3515, %get3A_3522 : vector<16xf32>
      %get3A_3524 = arith.constant 1 : i32
      %get3A_3525 = arith.constant 13 : i32
      %get3A_3526 = arith.index_cast %get3A_3524 : i32 to index
      %get3A_3527 = arith.index_cast %get3A_3525 : i32 to index
      %get3A_3528 = arith.index_cast %squeeze3A_3506 : i32 to index
      %get3A_3529 = arith.constant 16 : index
      %get3A_3530 = tpu.vector_load %arg10[%get3A_3526, %get3A_3527, %get3A_3528, %get3A_3529] {strides = array<i32>} : memref<2x16x8x64xf32, #tpu.memory_space<vmem>>, vector<16xf32>,
      %get3A_3531 = arith.constant 1 : i32
      %get3A_3532 = arith.constant 13 : i32
      %get3A_3533 = arith.index_cast %get3A_3531 : i32 to index
      %get3A_3534 = arith.index_cast %get3A_3532 : i32 to index
      %get3A_3535 = arith.index_cast %squeeze3A_3508 : i32 to index
      %get3A_3536 = arith.constant 16 : index
      %get3A_3537 = tpu.vector_load %arg9[%get3A_3533, %get3A_3534, %get3A_3535, %get3A_3536] {strides = array<i32>} : memref<2x16x8x64xf32, #tpu.memory_space<vmem>>, vector<16xf32>,
      %mul3A_3538 = arith.mulf %get3A_3530, %get3A_3537 : vector<16xf32>
      %get3A_3539 = arith.constant 1 : i32
      %get3A_3540 = arith.constant 13 : i32
      %get3A_3541 = arith.index_cast %get3A_3539 : i32 to index
      %get3A_3542 = arith.index_cast %get3A_3540 : i32 to index
      %get3A_3543 = arith.index_cast %squeeze3A_3506 : i32 to index
      %get3A_3544 = arith.constant 32 : index
      %get3A_3545 = tpu.vector_load %arg10[%get3A_3541, %get3A_3542, %get3A_3543, %get3A_3544] {strides = array<i32>} : memref<2x16x8x64xf32, #tpu.memory_space<vmem>>, vector<16xf32>,
      %get3A_3546 = arith.constant 1 : i32
      %get3A_3547 = arith.constant 13 : i32
      %get3A_3548 = arith.index_cast %get3A_3546 : i32 to index
      %get3A_3549 = arith.index_cast %get3A_3547 : i32 to index
      %get3A_3550 = arith.index_cast %squeeze3A_3508 : i32 to index
      %get3A_3551 = arith.constant 32 : index
      %get3A_3552 = tpu.vector_load %arg9[%get3A_3548, %get3A_3549, %get3A_3550, %get3A_3551] {strides = array<i32>} : memref<2x16x8x64xf32, #tpu.memory_space<vmem>>, vector<16xf32>,
      %mul3A_3553 = arith.mulf %get3A_3545, %get3A_3552 : vector<16xf32>
      %get3A_3554 = arith.constant 1 : i32
      %get3A_3555 = arith.constant 13 : i32
      %get3A_3556 = arith.index_cast %get3A_3554 : i32 to index
      %get3A_3557 = arith.index_cast %get3A_3555 : i32 to index
      %get3A_3558 = arith.index_cast %squeeze3A_3506 : i32 to index
      %get3A_3559 = arith.constant 48 : index
      %get3A_3560 = tpu.vector_load %arg10[%get3A_3556, %get3A_3557, %get3A_3558, %get3A_3559] {strides = array<i32>} : memref<2x16x8x64xf32, #tpu.memory_space<vmem>>, vector<16xf32>,
      %get3A_3561 = arith.constant 1 : i32
      %get3A_3562 = arith.constant 13 : i32
      %get3A_3563 = arith.index_cast %get3A_3561 : i32 to index
      %get3A_3564 = arith.index_cast %get3A_3562 : i32 to index
      %get3A_3565 = arith.index_cast %squeeze3A_3508 : i32 to index
      %get3A_3566 = arith.constant 48 : index
      %get3A_3567 = tpu.vector_load %arg9[%get3A_3563, %get3A_3564, %get3A_3565, %get3A_3566] {strides = array<i32>} : memref<2x16x8x64xf32, #tpu.memory_space<vmem>>, vector<16xf32>,
      %mul3A_3568 = arith.mulf %get3A_3560, %get3A_3567 : vector<16xf32>
      %add3A_3569 = arith.addf %mul3A_3523, %mul3A_3538 : vector<16xf32>
      %add3A_3570 = arith.addf %mul3A_3553, %mul3A_3568 : vector<16xf32>
      %add3A_3571 = arith.addf %add3A_3569, %add3A_3570 : vector<16xf32>
      %add3A_3572 = arith.constant 13 : i32
      %add3A_3573 = vector.broadcast %add3A_3572 : i32 to vector<16xi32>
      %add3A_3574 = arith.addi %mul3A_5, %add3A_3573 : vector<16xi32>
      tpu.vector_store_idx %arg12[%add3A_3574], %add3A_3571 : memref<256xf32, #tpu.memory_space<vmem>>[vector<16xi32>], vector<16xf32>,
      %slice3A_3575 = vector.extract_strided_slice %and3A_2589 {offsets = [14], sizes = [1], strides = [1]} : vector<16xi32> to vector<1xi32>
      %squeeze3A_3576 = vector.extract %slice3A_3575[0] : i32 from vector<1xi32>
      %slice3A_3577 = vector.extract_strided_slice %and3A_2594 {offsets = [14], sizes = [1], strides = [1]} : vector<16xi32> to vector<1xi32>
      %squeeze3A_3578 = vector.extract %slice3A_3577[0] : i32 from vector<1xi32>
      %get3A_3579 = arith.constant 1 : i32
      %get3A_3580 = arith.constant 14 : i32
      %get3A_3581 = arith.index_cast %get3A_3579 : i32 to index
      %get3A_3582 = arith.index_cast %get3A_3580 : i32 to index
      %get3A_3583 = arith.index_cast %squeeze3A_3576 : i32 to index
      %get3A_3584 = arith.constant 0 : index
      %get3A_3585 = tpu.vector_load %arg10[%get3A_3581, %get3A_3582, %get3A_3583, %get3A_3584] {strides = array<i32>} : memref<2x16x8x64xf32, #tpu.memory_space<vmem>>, vector<16xf32>,
      %get3A_3586 = arith.constant 1 : i32
      %get3A_3587 = arith.constant 14 : i32
      %get3A_3588 = arith.index_cast %get3A_3586 : i32 to index
      %get3A_3589 = arith.index_cast %get3A_3587 : i32 to index
      %get3A_3590 = arith.index_cast %squeeze3A_3578 : i32 to index
      %get3A_3591 = arith.constant 0 : index
      %get3A_3592 = tpu.vector_load %arg9[%get3A_3588, %get3A_3589, %get3A_3590, %get3A_3591] {strides = array<i32>} : memref<2x16x8x64xf32, #tpu.memory_space<vmem>>, vector<16xf32>,
      %mul3A_3593 = arith.mulf %get3A_3585, %get3A_3592 : vector<16xf32>
      %get3A_3594 = arith.constant 1 : i32
      %get3A_3595 = arith.constant 14 : i32
      %get3A_3596 = arith.index_cast %get3A_3594 : i32 to index
      %get3A_3597 = arith.index_cast %get3A_3595 : i32 to index
      %get3A_3598 = arith.index_cast %squeeze3A_3576 : i32 to index
      %get3A_3599 = arith.constant 16 : index
      %get3A_3600 = tpu.vector_load %arg10[%get3A_3596, %get3A_3597, %get3A_3598, %get3A_3599] {strides = array<i32>} : memref<2x16x8x64xf32, #tpu.memory_space<vmem>>, vector<16xf32>,
      %get3A_3601 = arith.constant 1 : i32
      %get3A_3602 = arith.constant 14 : i32
      %get3A_3603 = arith.index_cast %get3A_3601 : i32 to index
      %get3A_3604 = arith.index_cast %get3A_3602 : i32 to index
      %get3A_3605 = arith.index_cast %squeeze3A_3578 : i32 to index
      %get3A_3606 = arith.constant 16 : index
      %get3A_3607 = tpu.vector_load %arg9[%get3A_3603, %get3A_3604, %get3A_3605, %get3A_3606] {strides = array<i32>} : memref<2x16x8x64xf32, #tpu.memory_space<vmem>>, vector<16xf32>,
      %mul3A_3608 = arith.mulf %get3A_3600, %get3A_3607 : vector<16xf32>
      %get3A_3609 = arith.constant 1 : i32
      %get3A_3610 = arith.constant 14 : i32
      %get3A_3611 = arith.index_cast %get3A_3609 : i32 to index
      %get3A_3612 = arith.index_cast %get3A_3610 : i32 to index
      %get3A_3613 = arith.index_cast %squeeze3A_3576 : i32 to index
      %get3A_3614 = arith.constant 32 : index
      %get3A_3615 = tpu.vector_load %arg10[%get3A_3611, %get3A_3612, %get3A_3613, %get3A_3614] {strides = array<i32>} : memref<2x16x8x64xf32, #tpu.memory_space<vmem>>, vector<16xf32>,
      %get3A_3616 = arith.constant 1 : i32
      %get3A_3617 = arith.constant 14 : i32
      %get3A_3618 = arith.index_cast %get3A_3616 : i32 to index
      %get3A_3619 = arith.index_cast %get3A_3617 : i32 to index
      %get3A_3620 = arith.index_cast %squeeze3A_3578 : i32 to index
      %get3A_3621 = arith.constant 32 : index
      %get3A_3622 = tpu.vector_load %arg9[%get3A_3618, %get3A_3619, %get3A_3620, %get3A_3621] {strides = array<i32>} : memref<2x16x8x64xf32, #tpu.memory_space<vmem>>, vector<16xf32>,
      %mul3A_3623 = arith.mulf %get3A_3615, %get3A_3622 : vector<16xf32>
      %get3A_3624 = arith.constant 1 : i32
      %get3A_3625 = arith.constant 14 : i32
      %get3A_3626 = arith.index_cast %get3A_3624 : i32 to index
      %get3A_3627 = arith.index_cast %get3A_3625 : i32 to index
      %get3A_3628 = arith.index_cast %squeeze3A_3576 : i32 to index
      %get3A_3629 = arith.constant 48 : index
      %get3A_3630 = tpu.vector_load %arg10[%get3A_3626, %get3A_3627, %get3A_3628, %get3A_3629] {strides = array<i32>} : memref<2x16x8x64xf32, #tpu.memory_space<vmem>>, vector<16xf32>,
      %get3A_3631 = arith.constant 1 : i32
      %get3A_3632 = arith.constant 14 : i32
      %get3A_3633 = arith.index_cast %get3A_3631 : i32 to index
      %get3A_3634 = arith.index_cast %get3A_3632 : i32 to index
      %get3A_3635 = arith.index_cast %squeeze3A_3578 : i32 to index
      %get3A_3636 = arith.constant 48 : index
      %get3A_3637 = tpu.vector_load %arg9[%get3A_3633, %get3A_3634, %get3A_3635, %get3A_3636] {strides = array<i32>} : memref<2x16x8x64xf32, #tpu.memory_space<vmem>>, vector<16xf32>,
      %mul3A_3638 = arith.mulf %get3A_3630, %get3A_3637 : vector<16xf32>
      %add3A_3639 = arith.addf %mul3A_3593, %mul3A_3608 : vector<16xf32>
      %add3A_3640 = arith.addf %mul3A_3623, %mul3A_3638 : vector<16xf32>
      %add3A_3641 = arith.addf %add3A_3639, %add3A_3640 : vector<16xf32>
      %add3A_3642 = arith.constant 14 : i32
      %add3A_3643 = vector.broadcast %add3A_3642 : i32 to vector<16xi32>
      %add3A_3644 = arith.addi %mul3A_5, %add3A_3643 : vector<16xi32>
      tpu.vector_store_idx %arg12[%add3A_3644], %add3A_3641 : memref<256xf32, #tpu.memory_space<vmem>>[vector<16xi32>], vector<16xf32>,
      %slice3A_3645 = vector.extract_strided_slice %and3A_2589 {offsets = [15], sizes = [1], strides = [1]} : vector<16xi32> to vector<1xi32>
      %squeeze3A_3646 = vector.extract %slice3A_3645[0] : i32 from vector<1xi32>
      %slice3A_3647 = vector.extract_strided_slice %and3A_2594 {offsets = [15], sizes = [1], strides = [1]} : vector<16xi32> to vector<1xi32>
      %squeeze3A_3648 = vector.extract %slice3A_3647[0] : i32 from vector<1xi32>
      %get3A_3649 = arith.constant 1 : i32
      %get3A_3650 = arith.constant 15 : i32
      %get3A_3651 = arith.index_cast %get3A_3649 : i32 to index
      %get3A_3652 = arith.index_cast %get3A_3650 : i32 to index
      %get3A_3653 = arith.index_cast %squeeze3A_3646 : i32 to index
      %get3A_3654 = arith.constant 0 : index
      %get3A_3655 = tpu.vector_load %arg10[%get3A_3651, %get3A_3652, %get3A_3653, %get3A_3654] {strides = array<i32>} : memref<2x16x8x64xf32, #tpu.memory_space<vmem>>, vector<16xf32>,
      %get3A_3656 = arith.constant 1 : i32
      %get3A_3657 = arith.constant 15 : i32
      %get3A_3658 = arith.index_cast %get3A_3656 : i32 to index
      %get3A_3659 = arith.index_cast %get3A_3657 : i32 to index
      %get3A_3660 = arith.index_cast %squeeze3A_3648 : i32 to index
      %get3A_3661 = arith.constant 0 : index
      %get3A_3662 = tpu.vector_load %arg9[%get3A_3658, %get3A_3659, %get3A_3660, %get3A_3661] {strides = array<i32>} : memref<2x16x8x64xf32, #tpu.memory_space<vmem>>, vector<16xf32>,
      %mul3A_3663 = arith.mulf %get3A_3655, %get3A_3662 : vector<16xf32>
      %get3A_3664 = arith.constant 1 : i32
      %get3A_3665 = arith.constant 15 : i32
      %get3A_3666 = arith.index_cast %get3A_3664 : i32 to index
      %get3A_3667 = arith.index_cast %get3A_3665 : i32 to index
      %get3A_3668 = arith.index_cast %squeeze3A_3646 : i32 to index
      %get3A_3669 = arith.constant 16 : index
      %get3A_3670 = tpu.vector_load %arg10[%get3A_3666, %get3A_3667, %get3A_3668, %get3A_3669] {strides = array<i32>} : memref<2x16x8x64xf32, #tpu.memory_space<vmem>>, vector<16xf32>,
      %get3A_3671 = arith.constant 1 : i32
      %get3A_3672 = arith.constant 15 : i32
      %get3A_3673 = arith.index_cast %get3A_3671 : i32 to index
      %get3A_3674 = arith.index_cast %get3A_3672 : i32 to index
      %get3A_3675 = arith.index_cast %squeeze3A_3648 : i32 to index
      %get3A_3676 = arith.constant 16 : index
      %get3A_3677 = tpu.vector_load %arg9[%get3A_3673, %get3A_3674, %get3A_3675, %get3A_3676] {strides = array<i32>} : memref<2x16x8x64xf32, #tpu.memory_space<vmem>>, vector<16xf32>,
      %mul3A_3678 = arith.mulf %get3A_3670, %get3A_3677 : vector<16xf32>
      %get3A_3679 = arith.constant 1 : i32
      %get3A_3680 = arith.constant 15 : i32
      %get3A_3681 = arith.index_cast %get3A_3679 : i32 to index
      %get3A_3682 = arith.index_cast %get3A_3680 : i32 to index
      %get3A_3683 = arith.index_cast %squeeze3A_3646 : i32 to index
      %get3A_3684 = arith.constant 32 : index
      %get3A_3685 = tpu.vector_load %arg10[%get3A_3681, %get3A_3682, %get3A_3683, %get3A_3684] {strides = array<i32>} : memref<2x16x8x64xf32, #tpu.memory_space<vmem>>, vector<16xf32>,
      %get3A_3686 = arith.constant 1 : i32
      %get3A_3687 = arith.constant 15 : i32
      %get3A_3688 = arith.index_cast %get3A_3686 : i32 to index
      %get3A_3689 = arith.index_cast %get3A_3687 : i32 to index
      %get3A_3690 = arith.index_cast %squeeze3A_3648 : i32 to index
      %get3A_3691 = arith.constant 32 : index
      %get3A_3692 = tpu.vector_load %arg9[%get3A_3688, %get3A_3689, %get3A_3690, %get3A_3691] {strides = array<i32>} : memref<2x16x8x64xf32, #tpu.memory_space<vmem>>, vector<16xf32>,
      %mul3A_3693 = arith.mulf %get3A_3685, %get3A_3692 : vector<16xf32>
      %get3A_3694 = arith.constant 1 : i32
      %get3A_3695 = arith.constant 15 : i32
      %get3A_3696 = arith.index_cast %get3A_3694 : i32 to index
      %get3A_3697 = arith.index_cast %get3A_3695 : i32 to index
      %get3A_3698 = arith.index_cast %squeeze3A_3646 : i32 to index
      %get3A_3699 = arith.constant 48 : index
      %get3A_3700 = tpu.vector_load %arg10[%get3A_3696, %get3A_3697, %get3A_3698, %get3A_3699] {strides = array<i32>} : memref<2x16x8x64xf32, #tpu.memory_space<vmem>>, vector<16xf32>,
      %get3A_3701 = arith.constant 1 : i32
      %get3A_3702 = arith.constant 15 : i32
      %get3A_3703 = arith.index_cast %get3A_3701 : i32 to index
      %get3A_3704 = arith.index_cast %get3A_3702 : i32 to index
      %get3A_3705 = arith.index_cast %squeeze3A_3648 : i32 to index
      %get3A_3706 = arith.constant 48 : index
      %get3A_3707 = tpu.vector_load %arg9[%get3A_3703, %get3A_3704, %get3A_3705, %get3A_3706] {strides = array<i32>} : memref<2x16x8x64xf32, #tpu.memory_space<vmem>>, vector<16xf32>,
      %mul3A_3708 = arith.mulf %get3A_3700, %get3A_3707 : vector<16xf32>
      %add3A_3709 = arith.addf %mul3A_3663, %mul3A_3678 : vector<16xf32>
      %add3A_3710 = arith.addf %mul3A_3693, %mul3A_3708 : vector<16xf32>
      %add3A_3711 = arith.addf %add3A_3709, %add3A_3710 : vector<16xf32>
      %add3A_3712 = arith.constant 15 : i32
      %add3A_3713 = vector.broadcast %add3A_3712 : i32 to vector<16xi32>
      %add3A_3714 = arith.addi %mul3A_5, %add3A_3713 : vector<16xi32>
      tpu.vector_store_idx %arg12[%add3A_3714], %add3A_3711 : memref<256xf32, #tpu.memory_space<vmem>>[vector<16xi32>], vector<16xf32>,
      %get3A_3715 = arith.constant 0 : index
      %get3A_3716 = tpu.vector_load %arg12[%get3A_3715] {strides = array<i32>} : memref<256xf32, #tpu.memory_space<vmem>>, vector<16xf32>,
      %get3A_3717 = arith.constant 16 : index
      %get3A_3718 = tpu.vector_load %arg12[%get3A_3717] {strides = array<i32>} : memref<256xf32, #tpu.memory_space<vmem>>, vector<16xf32>,
      %get3A_3719 = arith.constant 32 : index
      %get3A_3720 = tpu.vector_load %arg12[%get3A_3719] {strides = array<i32>} : memref<256xf32, #tpu.memory_space<vmem>>, vector<16xf32>,
      %get3A_3721 = arith.constant 48 : index
      %get3A_3722 = tpu.vector_load %arg12[%get3A_3721] {strides = array<i32>} : memref<256xf32, #tpu.memory_space<vmem>>, vector<16xf32>,
      %get3A_3723 = arith.constant 64 : index
      %get3A_3724 = tpu.vector_load %arg12[%get3A_3723] {strides = array<i32>} : memref<256xf32, #tpu.memory_space<vmem>>, vector<16xf32>,
      %get3A_3725 = arith.constant 80 : index
      %get3A_3726 = tpu.vector_load %arg12[%get3A_3725] {strides = array<i32>} : memref<256xf32, #tpu.memory_space<vmem>>, vector<16xf32>,
      %get3A_3727 = arith.constant 96 : index
      %get3A_3728 = tpu.vector_load %arg12[%get3A_3727] {strides = array<i32>} : memref<256xf32, #tpu.memory_space<vmem>>, vector<16xf32>,
      %get3A_3729 = arith.constant 112 : index
      %get3A_3730 = tpu.vector_load %arg12[%get3A_3729] {strides = array<i32>} : memref<256xf32, #tpu.memory_space<vmem>>, vector<16xf32>,
      %get3A_3731 = arith.constant 128 : index
      %get3A_3732 = tpu.vector_load %arg12[%get3A_3731] {strides = array<i32>} : memref<256xf32, #tpu.memory_space<vmem>>, vector<16xf32>,
      %get3A_3733 = arith.constant 144 : index
      %get3A_3734 = tpu.vector_load %arg12[%get3A_3733] {strides = array<i32>} : memref<256xf32, #tpu.memory_space<vmem>>, vector<16xf32>,
      %get3A_3735 = arith.constant 160 : index
      %get3A_3736 = tpu.vector_load %arg12[%get3A_3735] {strides = array<i32>} : memref<256xf32, #tpu.memory_space<vmem>>, vector<16xf32>,
      %get3A_3737 = arith.constant 176 : index
      %get3A_3738 = tpu.vector_load %arg12[%get3A_3737] {strides = array<i32>} : memref<256xf32, #tpu.memory_space<vmem>>, vector<16xf32>,
      %get3A_3739 = arith.constant 192 : index
      %get3A_3740 = tpu.vector_load %arg12[%get3A_3739] {strides = array<i32>} : memref<256xf32, #tpu.memory_space<vmem>>, vector<16xf32>,
      %get3A_3741 = arith.constant 208 : index
      %get3A_3742 = tpu.vector_load %arg12[%get3A_3741] {strides = array<i32>} : memref<256xf32, #tpu.memory_space<vmem>>, vector<16xf32>,
      %get3A_3743 = arith.constant 224 : index
      %get3A_3744 = tpu.vector_load %arg12[%get3A_3743] {strides = array<i32>} : memref<256xf32, #tpu.memory_space<vmem>>, vector<16xf32>,
      %get3A_3745 = arith.constant 240 : index
      %get3A_3746 = tpu.vector_load %arg12[%get3A_3745] {strides = array<i32>} : memref<256xf32, #tpu.memory_space<vmem>>, vector<16xf32>,
      %add3A_3747 = arith.addf %get3A_3716, %get3A_3718 : vector<16xf32>
      %add3A_3748 = arith.addf %get3A_3720, %get3A_3722 : vector<16xf32>
      %add3A_3749 = arith.addf %get3A_3724, %get3A_3726 : vector<16xf32>
      %add3A_3750 = arith.addf %get3A_3728, %get3A_3730 : vector<16xf32>
      %add3A_3751 = arith.addf %get3A_3732, %get3A_3734 : vector<16xf32>
      %add3A_3752 = arith.addf %get3A_3736, %get3A_3738 : vector<16xf32>
      %add3A_3753 = arith.addf %get3A_3740, %get3A_3742 : vector<16xf32>
      %add3A_3754 = arith.addf %get3A_3744, %get3A_3746 : vector<16xf32>
      %add3A_3755 = arith.addf %add3A_3747, %add3A_3748 : vector<16xf32>
      %add3A_3756 = arith.addf %add3A_3749, %add3A_3750 : vector<16xf32>
      %add3A_3757 = arith.addf %add3A_3751, %add3A_3752 : vector<16xf32>
      %add3A_3758 = arith.addf %add3A_3753, %add3A_3754 : vector<16xf32>
      %add3A_3759 = arith.addf %add3A_3755, %add3A_3756 : vector<16xf32>
      %add3A_3760 = arith.addf %add3A_3757, %add3A_3758 : vector<16xf32>
      %add3A_3761 = arith.addf %add3A_3759, %add3A_3760 : vector<16xf32>
      %swap3A_3762 = arith.index_cast %add3A_2584 : i32 to index
      %swap3A_3763 = tpu.vector_load %arg11[%swap3A_3762] {strides = array<i32>} : memref<512xf32, #tpu.memory_space<vmem>>, vector<16xf32>,
      tpu.vector_store %arg11[%swap3A_3762], %add3A_3761 {strides = array<i32>} : memref<512xf32, #tpu.memory_space<vmem>>, vector<16xf32>,
    }
    %scan3A_655 = arith.constant 16 : i32
    "tpu.region"() ({
      %run_scoped3A = tpu.sem_alloc : memref<!tpu.dma_semaphore, #tpu.memory_space<semaphore_mem>>
      %dma_start3A_656 = tpu.memref_slice %arg6[%mul3A_2] : memref<16384xf32, #tpu.memory_space<hbm>> -> memref<512xf32, #tpu.memory_space<hbm>>
      %dma_start3A_657 = tpu.memref_slice %arg6[%mul3A_2] : memref<16384xf32, #tpu.memory_space<hbm>> -> memref<512xf32, #tpu.memory_space<hbm>>
      tpu.enqueue_dma source(%arg11 : memref<512xf32, #tpu.memory_space<vmem>>) target(%dma_start3A_657 : memref<512xf32, #tpu.memory_space<hbm>>) target_semaphore(%run_scoped3A : memref<!tpu.dma_semaphore, #tpu.memory_space<semaphore_mem>>)
      %dma_wait3A = tpu.memref_slice %arg6[%mul3A_2] : memref<16384xf32, #tpu.memory_space<hbm>> -> memref<512xf32, #tpu.memory_space<hbm>>
      %dma_wait3A_658 = tpu.memref_slice %arg6[%mul3A_2] : memref<16384xf32, #tpu.memory_space<hbm>> -> memref<512xf32, #tpu.memory_space<hbm>>
      tpu.wait_dma2 semaphore(%run_scoped3A : memref<!tpu.dma_semaphore, #tpu.memory_space<semaphore_mem>>) src(%arg11 : memref<512xf32, #tpu.memory_space<vmem>>) dst(%dma_wait3A_658 : memref<512xf32, #tpu.memory_space<hbm>>)
      tpu.yield
    }) : () -> ()
    return
  }
}

</mosaic_0001>

<sc_bundles>
// kernel: kernel.3.cloned.1.call-start
scs
__scs_entry_jumppad:
0x0: {  	(pc) =	sbr.rel $0x88, $3  }
0x1: {  	(tag) =	ssettag $0x0;
	lr =	simm.s32 $0x1  }
0x2: {  	[smem:$0x3F9E] =	sst lr;
	_ =	strace $0xD0000000  }
0x3: {  	_ = 	snop  }
0x4: {  	_ = 	snop  }
0x5: {  	_ = 	snop  }
0x6: {  	_ = 	snop  }
0x7: {  	_ = 	snop  }
__scs_overlays_trampoline_lowered:
0x8: {  	[smem:$0x3FAD] =	sst s0  }
0x9: {  	[smem:$0x3FAE] =	sst s1  }
0xa: {  	[smem:$0x3FAF] =	sst s2  }
0xb: {  	[smem:$0x3FB0] =	sst s3  }
0xc: {  	[smem:$0x3FB1] =	sst s4  }
0xd: {  	[smem:$0x3FB2] =	sst s5  }
0xe: {  	[smem:$0x3FB3] =	sst s6  }
0xf: {  	[smem:$0x3FB4] =	sst s7  }
0x10: {  	[smem:$0x3FB5] =	sst s8  }
0x11: {  	[smem:$0x3FB6] =	sst s9;
	s0 =	simm.s32 @!p0 $0x0  }
0x12: {  	s1 =	sld [smem:$0x3F9C];
	s0 =	simm.s32 @p0 $0x1  }
0x13: {  	[smem:$0x3FB7] =	sst s0;
	s0 =	simm.s32 @!p1 $0x0  }
0x14: {  	s2 =	sld [smem:$0x3F9B];
	s0 =	simm.s32 @p1 $0x1  }
0x15: {  	[smem:$0x3FB8] =	sst s0;
	s0 =	simm.s32 @!p2 $0x0  }
0x16: {  	s3 =	sld [smem:$0x3FDB];
	s0 =	simm.s32 @p2 $0x1  }
0x17: {  	s4 =	simm.s32 $0x1BF5;
	[smem:$0x3FBA] =	sst s0  }
0x18: {  	s0 =	sld [smem:$0x3F9D];
	_ =	swait.ge [sflag:s4], $0x0  }
0x19: {  	s7 =	sld [smem:$0x3F9E]  }
0x1a: {  	s8 =	sadd.s32 $0xFFFFE003, lr  }
0x1b: {  	s9 =	sadd.s32 $0xFFFFFEF7, lr;
	s5 =	simm.s32 $0xFFFFFFFF;
	p2 =	slt.u32 s8, $0xFFFFF086  }
0x1c: {  	p1 =	slt.u32 s9, $0xF7A;
	s5 =	simm.s32 @!p2 $0x0  }
0x1d: {  	s5 =	simm.s32 @p1 $0x1;
	p0 =	seq.s32 s7, s2  }
0x1e: {  	s7 =	smul.u32 @!p0 $0xF7A, s2;
	p2 =	seq.s32 @!p0 s5, $0x0  }
0x1f: {  	s9 =	smul.u32 $0xF7A, s1;
	s8 =	simm.s32 @!p0 $0x1BF5;
	p2 =	por !p2, p0  }
0x20: {  	[sflag:s8] =	ssyncset.s32 @!p0 $0xFFFFF086;
	s6 =	sadd.s32 @!p0 s3, s7;
	s7 =	simm.s32 @!p0 $0x108  }
0x21: {  	s3 =	sadd.s32 s3, s9;
	s6 =	sadd.s32 @!p0 $0x88, s6;
	s7 =	simm.s32 @p2 $0x1082  }
0x22: {  	[simem:s7], [sflag:s8] =	dma.local @!p0 [hbm:s6], $0xF7A  }
0x23: {  	s9 =	sor.u32 $0xD0000000, s2;
	s6 =	simm.s32 $0x108;
	_ =	swait.ge @!p0 [sflag:s8], $0x0  }
0x24: {  	s3 =	sadd.s32 $0x88, s3;
	s6 =	simm.s32 @!p1 $0x1082;
	[sflag:s4] =	ssyncset.s32 $0xFFFFF086  }
0x25: {  	[simem:s6], [sflag:s4] =	dma.local [hbm:s3], $0xF7A  }
0x26: {  	[smem:$0x3F9E] =	sst s1;
	(tag) =	ssettag s2;
	_ =	strace s9  }
0x27: {  	s1 =	sld [smem:$0x3FAE]  }
0x28: {  	s2 =	sld [smem:$0x3FAF]  }
0x29: {  	s4 =	sld [smem:$0x3FB1]  }
0x2a: {  	p0 =	seq.s32 s5, $0x0;
	s5 =	sld [smem:$0x3FB2]  }
0x2b: {  	s6 =	sld [smem:$0x3FB3]  }
0x2c: {  	s7 =	sld [smem:$0x3FB4]  }
0x2d: {  	s3 =	simm.s32 $0x108;
	s8 =	sld [smem:$0x3FB5]  }
0x2e: {  	s3 =	simm.s32 @!p0 $0x1082;
	s9 =	sld [smem:$0x3FB6]  }
0x2f: {  	lr =	sadd.s32 s0, s3;
	s0 =	sld [smem:$0x3FAD]  }
0x30: {  	s3 =	sld [smem:$0x3FB0]  }
0x31: {  	[smem:$0x3FB9] =	sst s10  }
0x32: {  	s10 =	sld [smem:$0x3FB7];
	_ =	sdelay $0x3  }
0x33: {  	p0 =	seq.s32 s10, $0x1;
	s10 =	sld [smem:$0x3FB9];
	_ =	sdelay $0x3  }
0x34: {  	[smem:$0x3FB9] =	sst s10  }
0x35: {  	s10 =	sld [smem:$0x3FB8];
	_ =	sdelay $0x3  }
0x36: {  	p1 =	seq.s32 s10, $0x1;
	s10 =	sld [smem:$0x3FB9];
	_ =	sdelay $0x3  }
0x37: {  	[smem:$0x3FB9] =	sst s10  }
0x38: {  	s10 =	sld [smem:$0x3FBA]  }
0x39: {  	_ = 	snop;
	(pc) =	sbr.ind lr, $3  }
0x3a: {  	_ = 	snop  }
0x3b: {  	_ = 	snop  }
0x3c: {  	p2 =	seq.s32 s10, $0x1;
	s10 =	sld [smem:$0x3FB9]  }
0x3d: {  	_ =	shalt  }
0x3e: {  	_ =	shalt  }
0x3f: {  	_ =	shalt  }
0x40: {  	_ =	shalt  }
0x41: {  	_ =	shalt  }
0x42: {  	_ =	shalt  }
0x43: {  	_ =	shalt  }
0x44: {  	_ =	shalt  }
0x45: {  	_ =	shalt  }
0x46: {  	_ =	shalt  }
0x47: {  	_ =	shalt  }
0x48: {  	_ =	shalt  }
0x49: {  	_ =	shalt  }
0x4a: {  	_ =	shalt  }
0x4b: {  	_ =	shalt  }
0x4c: {  	_ =	shalt  }
0x4d: {  	_ =	shalt  }
0x4e: {  	_ =	shalt  }
0x4f: {  	_ =	shalt  }
0x50: {  	_ =	shalt  }
0x51: {  	_ =	shalt  }
0x52: {  	_ =	shalt  }
0x53: {  	_ =	shalt  }
0x54: {  	_ =	shalt  }
0x55: {  	_ =	shalt  }
0x56: {  	_ =	shalt  }
0x57: {  	_ =	shalt  }
0x58: {  	_ =	shalt  }
0x59: {  	_ =	shalt  }
0x5a: {  	_ =	shalt  }
0x5b: {  	_ =	shalt  }
0x5c: {  	_ =	shalt  }
0x5d: {  	_ =	shalt  }
0x5e: {  	_ =	shalt  }
0x5f: {  	_ =	shalt  }
0x60: {  	_ =	shalt  }
0x61: {  	_ =	shalt  }
0x62: {  	_ =	shalt  }
0x63: {  	_ =	shalt  }
0x64: {  	_ =	shalt  }
0x65: {  	_ =	shalt  }
0x66: {  	_ =	shalt  }
0x67: {  	_ =	shalt  }
0x68: {  	_ =	shalt  }
0x69: {  	_ =	shalt  }
0x6a: {  	_ =	shalt  }
0x6b: {  	_ =	shalt  }
0x6c: {  	_ =	shalt  }
0x6d: {  	_ =	shalt  }
0x6e: {  	_ =	shalt  }
0x6f: {  	_ =	shalt  }
0x70: {  	_ =	shalt  }
0x71: {  	_ =	shalt  }
0x72: {  	_ =	shalt  }
0x73: {  	_ =	shalt  }
0x74: {  	_ =	shalt  }
0x75: {  	_ =	shalt  }
0x76: {  	_ =	shalt  }
0x77: {  	_ =	shalt  }
0x78: {  	_ =	shalt  }
0x79: {  	_ =	shalt  }
0x7a: {  	_ =	shalt  }
0x7b: {  	_ =	shalt  }
0x7c: {  	_ =	shalt  }
0x7d: {  	_ =	shalt  }
0x7e: {  	_ =	shalt  }
0x7f: {  	_ =	shalt  }
0x80: {  	_ =	shalt  }
0x81: {  	_ =	shalt  }
0x82: {  	_ =	shalt  }
0x83: {  	_ =	shalt  }
0x84: {  	_ =	shalt  }
0x85: {  	_ =	shalt  }
0x86: {  	_ =	shalt  }
0x87: {  	_ =	shalt  }
.Lfunc_end0:
.L_simem_size_0:
called_computation_lowered:
.L_overlay_start_0:
0x88: {  	s2 =	sld [smem:$0x3FD9]  }
0x89: {  	s3 =	sld [smem:$0x3FFE];
	_ =	sdelay $0x1  }
0x8a: {  	s1 =	srdreg.scid  }
0x8b: {  	s0 =	sand.u32 $0x1, s1  }
0x8c: {  	s17 =	sshll.u32 s0, $0xA;
	s2 =	sadd.s32 s3, s2  }
0x8d: {  	s2 =	sadd.s32 s2, s17  }
0x8e: {  	[smem:$0x3FC5] =	sst s2  }
0x8f: {  	_ = 	snop  }
0x90: {  	s2 =	sld [smem:$0x3FD0];
	(tm) =	ssettm $0x1  }
0x91: {  	s18 =	sld [smem:$0x3FFB];
	_ =	sdelay $0x3  }
0x92: {  	_ =	strace s18  }
0x93: {  	s3 =	sld [smem:$0x3FFC];
	_ =	sdelay $0x3  }
0x94: {  	_ =	strace s3  }
0x95: {  	s3 =	sld [smem:$0x3FFD];
	_ =	sdelay $0x3  }
0x96: {  	_ =	strace s3  }
0x97: {  	_ =	strace $0x8FFFFFFF  }
0x98: {  	s19 =	sld [smem:$0x3FDB];
	_ =	sdelay $0x1  }
0x99: {  	s4 =	simm.s32 $_scs_section_size  }
0x9a: {  	s5 =	simm.s32 $_size__tile_overlayer_lowered;
	s6 =	simm.s32 $_tile_overlayer_lowered  }
0x9b: {  	s22 =	simm.s32 $0x1BFF;
	s21 =	sshll.u32 s6, $0x1;
	s3 =	sadd.s32 s4, s19  }
0x9c: {  	s7 =	simm.s32 $0x0;
	s20 =	sshll.u32 s5, $0x1;
	s5 =	sadd.s32 s21, s3  }
0x9d: {  	[timem:s7], [sflag:s22] =	dma.local [hbm:s5], s20  }
0x9e: {  	_ =	swait.ge [sflag:s22], s20  }
0x9f: {  	s4 =	ssub.s32 $0x0, s20;
	[sflag:s22] =	ssyncset.done $0x0  }
0xa0: {  	[sflag:s22] =	ssyncadd.s32 s4;
	_ =	sdelay $0x1  }
0xa1: {  	s23 =	simm.s32 $0x1B8B  }
0xa2: {  	_ =	swait.ge [sflag:s23], $0x1  }
0xa3: {  	[sflag:s23] =	ssyncset.done $0x0  }
0xa4: {  	s25 =	simm.s32 $0x1B8E;
	s24 =	sld [smem:$0x3FFE];
	[sflag:s23] =	ssyncadd.s32 $0xFFFFFFFF  }
0xa5: {  	s26 =	simm.s32 $execute0_lowered;
	[smem:$0x3FD2] =	sst s25  }
0xa6: {  	s5 =	sshll.u32 s26, $0x1;
	_ =	strace $0x80000046;
	[dreg:$0x1] =	wrdreg $0xFFFFFFFF  }
0xa7: {  	s28 =	simm.s32 $_size_execute0_lowered;
	s3 =	sadd.s32 s3, s5;
	[dreg:$0x0] =	wrdreg $0x0  }
0xa8: {  	s5 =	sshll.u32 s28, $0x1;
	[dreg:$0x2] =	wrdreg s3  }
0xa9: {  	[dreg:$0x3] =	wrdreg s5  }
0xaa: {  	[dreg:$0x4] =	wrdreg $0xC0  }
0xab: {  	_ =	task [dreg:s7], $0x5FFFF  }
0xac: {  	[dreg:$0x1] =	wrdreg $0xFFFFFFFF  }
0xad: {  	[dreg:$0x0] =	wrdreg $0x60  }
0xae: {  	[dreg:$0x2] =	wrdreg s24  }
0xaf: {  	[dreg:$0x3] =	wrdreg s2  }
0xb0: {  	[dreg:$0x4] =	wrdreg $0x9  }
0xb1: {  	_ =	task.clear_ibuf [dreg:s7], $0x5FFFF;
	_ =	strace $0x90000046  }
0xb2: {  	s29 =	simm.s32 $0x9;
	_ =	strace $0x80000048  }
0xb3: {  	_ =	swait.ge [sflag:s29], $0x1  }
0xb4: {  	[sflag:s29] =	ssyncadd.s32 $0xFFFFFFFF  }
0xb5: {  	_ =	strace $0x90000048  }
0xb6: {  	_ =	sfence  }
0xb7: {  	s30 =	sld [smem:$0x0];
	_ =	sdelay $0x2  }
0xb8: {  	s31 =	sshll.u32 s1, $0xD;
	s1 =	sshrl.u32 s1, $0x2  }
0xb9: {  	s3 =	sand.u32 $0x4000, s31;
	s1 =	sadd.s32 s1, s30  }
0xba: {  	s0 =	sor.u32 s3, s0;
	s1 =	sshll.u32 s1, $0x11  }
0xbb: {  	s0 =	sor.u32 s1, s0  }
0xbc: {  	s0 =	sadd.s32 $0x8F2B, s0  }
0xbd: {  	[sflag:s0] =	ssyncadd.remote.s32 $0x1  }
0xbe: {  	_ =	sfence.sel $0xFFFF  }
0xbf: {  	[dreg:$0x0] =	wrdreg $0xFFFFFFFF;
	(pc) =	sbr.abs _section_cstart, $3  }
0xc0: {  	[dreg:$0x1] =	wrdreg $0xFFFFFFFF  }
0xc1: {  	_ =	task.clear_ibuf [dreg:s7], $0x2FFFF;
	_ =	strace $0x9FFFFFFF  }
0xc2: {  	(tm) =	ssettm $0x7FFFFFFF  }
0xc3: {  	_ =	shalt  }
tec
execute0_lowered:
.L_overlay_start_1:
0x0: {  	(tag) =	ssettag $0x1  }
0x1: {  	s0 =	rddreg [dreg:$0x0]  }
0x2: {  	s1 =	rddreg [dreg:$0x1]  }
0x3: {  	s2 =	srdreg.scid;
	s4 =	stileid.u32;
	s23 =	simm.s32 $0x3  }
0x4: {  	s29 =	simm.s32 $0xDC00;
	s30 =	simm.s32 $0x6000;
	s31 =	simm.s32 $0xE000  }
0x5: {  	s10 =	simm.s32 $0x6800;
	s9 =	simm.s32 $0xF000;
	s11 =	simm.s32 $0x7400  }
0x6: {  	s12 =	simm.s32 $0xF400;
	s13 =	simm.s32 $0x7800;
	s14 =	simm.s32 $0xF800  }
0x7: {  	s15 =	simm.s32 $0x7C00;
	s16 =	simm.s32 $0xFC00;
	s17 =	simm.s32 $0x8000  }
0x8: {  	s18 =	simm.s32 $0x10000;
	s19 =	simm.s32 $0x1;
	s20 =	simm.s32 $0x10600  }
0x9: {  	s21 =	simm.s32 $0x2;
	s24 =	simm.s32 $0x0;
	s3 =	sand.u32 $0x1, s2  }
0xa: {  	s2 =	simm.s32 $0x0;
	s4 =	sshll.u32 s4, $0x7;
	s5 =	sshll.u32 s3, $0x6  }
0xb: {  	v0 =	vlaneseq.u32;
	[smem:$0x7FF] =	sst s2;
	s6 =	ssub.s32 $0x2, s3;
	s3 =	sadd.s32 $0x1600, s0  }
0xc: {  	v0 =	vmul.u32 $0x10, v0;
	s5 =	sor.u32 s5, s4;
	_ =	strace $0x80000047;
	s8 =	sshrl.u32 s6, $0x1  }
0xd: {  	s4 =	sadd.s32 $0xF43A00, s0;
	s7 =	sadd.s32 s5, s0;
	s25 =	ssub.s32 s6, s8  }
.Ltmp0:
0xe: {  	v1 =	vor.u32 $0x1, v0;
	v2 =	vor.u32 $0x2, v0;
	v3 =	vor.u32 $0x3, v0;
	s1 =	sadd.s32 s1, s5;
	s5 =	simm.s32 $0xE800;
	(pc) =	sbr.rel .LBB2_1-.Ltmp0, $4  }
0xf: {  	v4 =	vor.u32 $0x4, v0;
	v5 =	vor.u32 $0x5, v0;
	v6 =	vor.u32 $0x6, v0;
	s6 =	simm.s32 $0x6C00;
	s26 =	sadd.s32 $0xE00, s7;
	[dreg:$0x5] =	wrdreg s1  }
0x10: {  	v7 =	vor.u32 $0x7, v0;
	v8 =	vor.u32 $0x8, v0;
	v9 =	vor.u32 $0x9, v0;
	s8 =	simm.s32 $0x7000;
	s28 =	sadd.s32 $0x600, s7;
	[dreg:$0x3] =	wrdreg s26  }
0x11: {  	v10 =	vor.u32 $0xA, v0;
	v11 =	vor.u32 $0xB, v0;
	v12 =	vor.u32 $0xC, v0;
	s0 =	smax.u32 s25, $0x1;
	s1 =	simm.s32 $0xE400;
	[dreg:$0x4] =	wrdreg s28  }
0x12: {  	v13 =	vor.u32 $0xD, v0;
	v14 =	vor.u32 $0xE, v0;
	v15 =	vor.u32 $0xF, v0;
	s7 =	simm.s32 $0xEC00;
	[dreg:$0x6] =	wrdreg s0;
	s0 =	simm.s32 $0x6400  }
.LBB2_5:
0x13: {  	s22 =	rddreg [dreg:$0x5];
	s23 =	simm.s32 $0x10400  }
0x14: {  	[hbm4b:s22+s2] =	stream.linear.scatter [tilespmem:s23], [sflag:$0x3], $0x200, $0x38;
	[tilespmem:$0x10700] =	vst v63  }
0x15: {  	s23 =	simm.s32 $0x3  }
0x16: {  	_ =	swait.ge [sflag:s23], $0x200  }
0x17: {  	s24 =	rddreg [dreg:$0x7]  }
0x18: {  	s28 =	rddreg [dreg:$0x6];
	s24 =	sadd.s32 $0x1, s24  }
0x19: {  	p0 =	sne.s32 s24, s28  }
.Ltmp1:
0x1a: {  	_ = 	snop;
	(pc) =	sbr.rel @!p0 .LBB2_6-.Ltmp1, $3  }
0x1b: {  	_ =	sdelay $0x1  }
0x1c: {  	[sflag:s23] =	ssyncset.done $0x0  }
0x1d: {  	[sflag:s23] =	ssyncadd.s32 $0xFFFFFE00  }
.LBB2_1:
0x1e: {  	[dreg:$0x7] =	wrdreg s24  }
0x1f: {  	s22 =	rddreg [dreg:$0x3]  }
0x20: {  	[tilespmem:s2], [sflag:$0x3] =	stream.linear.gather [hbm4b:s22+s2], $0x200, $0x38;
	[tilespmem:$0x10700] =	vst v63  }
0x21: {  	_ =	swait.ge [sflag:s23], $0x200  }
0x22: {  	[sflag:s23] =	ssyncset.done $0x0  }
0x23: {  	s28 =	simm.s32 $0x200;
	s26 =	rddreg [dreg:$0x4];
	[sflag:s23] =	ssyncadd.s32 $0xFFFFFE00  }
0x24: {  	[tilespmem:s28], [sflag:$0x3] =	stream.linear.gather [hbm4b:s26+s2], $0x200, $0x38;
	[tilespmem:$0x10700] =	vst v63  }
0x25: {  	_ =	swait.ge [sflag:s23], $0x200  }
0x26: {  	[sflag:s23] =	ssyncset.done $0x0  }
0x27: {  	[sflag:s23] =	ssyncadd.s32 $0xFFFFFE00  }
0x28: {  	v16 =	vld [tilespmem:$0x0];
	_ =	sdelay $0x1  }
0x29: {  	v18 =	vld [tilespmem:$0x200];
	_ =	sdelay $0x2  }
0x2a: {  	v16 =	vshrl.u32 v16, $0x3  }
0x2b: {  	v17 =	vshll.u32 v16, $0x7  }
0x2c: {  	v16 =	vshrl.u32 v18, $0x3;
	(v2sf) =	vpush v17, $0x0  }
0x2d: {  	v16 =	vshll.u32 v16, $0x7  }
0x2e: {  	(v2sf) =	vpush v16, $0x0;
	_ =	sdelay $0x1  }
0x2f: {  	(v2sf) =	vpush v17, $0x1;
	_ =	sdelay $0x4  }
0x30: {  	(v2sf) =	vpush v16, $0x1;
	_ =	sdelay $0x5  }
0x31: {  	s24 =	spop (v2sf);
	(v2sf) =	vpush v17, $0x2;
	_ =	sdelay $0x1  }
0x32: {  	s26 =	spop (v2sf);
	(v2sf) =	vpush v16, $0x2;
	_ =	sdelay $0x1  }
0x33: {  	s22 =	sand.u32 $0x1FFFFF80, s24;
	s24 =	spop (v2sf);
	(v2sf) =	vpush v17, $0x3;
	_ =	sdelay $0x2  }
0x34: {  	s25 =	simm.s32 $0x400;
	s22 =	sadd.s32 s4, s22  }
0x35: {  	[tilespmem:s25], [sflag:$0x1] =	stream.linear.gather [hbm4b:s22+s2], $0x400, $0x38;
	[tilespmem:$0x10700] =	vst v63  }
0x36: {  	s22 =	sand.u32 $0x1FFFFF80, s26;
	s26 =	spop (v2sf);
	(v2sf) =	vpush v16, $0x3  }
0x37: {  	s28 =	simm.s32 $0x8400;
	s22 =	sadd.s32 s3, s22  }
0x38: {  	[tilespmem:s28], [sflag:$0x1] =	stream.linear.gather [hbm4b:s22+s2], $0x400, $0x38;
	[tilespmem:$0x10700] =	vst v63  }
0x39: {  	s22 =	sand.u32 $0x1FFFFF80, s24  }
0x3a: {  	s25 =	simm.s32 $0x800;
	s22 =	sadd.s32 s4, s22  }
0x3b: {  	[tilespmem:s25], [sflag:$0x1] =	stream.linear.gather [hbm4b:s22+s2], $0x400, $0x38;
	[tilespmem:$0x10700] =	vst v63  }
0x3c: {  	s24 =	spop (v2sf);
	(v2sf) =	vpush v17, $0x4  }
0x3d: {  	s22 =	sand.u32 $0x1FFFFF80, s26  }
0x3e: {  	s28 =	simm.s32 $0x8800;
	s22 =	sadd.s32 s3, s22;
	s26 =	spop (v2sf);
	(v2sf) =	vpush v16, $0x4  }
0x3f: {  	[tilespmem:s28], [sflag:$0x1] =	stream.linear.gather [hbm4b:s22+s2], $0x400, $0x38;
	[tilespmem:$0x10700] =	vst v63  }
0x40: {  	s22 =	sand.u32 $0x1FFFFF80, s24;
	s24 =	spop (v2sf);
	(v2sf) =	vpush v17, $0x5;
	_ =	sdelay $0x2  }
0x41: {  	s25 =	simm.s32 $0xC00;
	s22 =	sadd.s32 s4, s22  }
0x42: {  	[tilespmem:s25], [sflag:$0x1] =	stream.linear.gather [hbm4b:s22+s2], $0x400, $0x38;
	[tilespmem:$0x10700] =	vst v63  }
0x43: {  	s22 =	sand.u32 $0x1FFFFF80, s26;
	s26 =	spop (v2sf);
	(v2sf) =	vpush v16, $0x5  }
0x44: {  	s28 =	simm.s32 $0x8C00;
	s22 =	sadd.s32 s3, s22  }
0x45: {  	[tilespmem:s28], [sflag:$0x1] =	stream.linear.gather [hbm4b:s22+s2], $0x400, $0x38;
	[tilespmem:$0x10700] =	vst v63  }
0x46: {  	s22 =	sand.u32 $0x1FFFFF80, s24  }
0x47: {  	s25 =	simm.s32 $0x1000;
	s22 =	sadd.s32 s4, s22  }
0x48: {  	[tilespmem:s25], [sflag:$0x1] =	stream.linear.gather [hbm4b:s22+s2], $0x400, $0x38;
	[tilespmem:$0x10700] =	vst v63  }
0x49: {  	s24 =	spop (v2sf);
	(v2sf) =	vpush v17, $0x6  }
0x4a: {  	s22 =	sand.u32 $0x1FFFFF80, s26  }
0x4b: {  	s28 =	simm.s32 $0x9000;
	s22 =	sadd.s32 s3, s22;
	s26 =	spop (v2sf);
	(v2sf) =	vpush v16, $0x6  }
0x4c: {  	[tilespmem:s28], [sflag:$0x1] =	stream.linear.gather [hbm4b:s22+s2], $0x400, $0x38;
	[tilespmem:$0x10700] =	vst v63  }
0x4d: {  	s22 =	sand.u32 $0x1FFFFF80, s24;
	s24 =	spop (v2sf);
	(v2sf) =	vpush v17, $0x7;
	_ =	sdelay $0x2  }
0x4e: {  	s25 =	simm.s32 $0x1400;
	s22 =	sadd.s32 s4, s22  }
0x4f: {  	[tilespmem:s25], [sflag:$0x1] =	stream.linear.gather [hbm4b:s22+s2], $0x400, $0x38;
	[tilespmem:$0x10700] =	vst v63  }
0x50: {  	s22 =	sand.u32 $0x1FFFFF80, s26;
	s26 =	spop (v2sf);
	(v2sf) =	vpush v16, $0x7  }
0x51: {  	s28 =	simm.s32 $0x9400;
	s22 =	sadd.s32 s3, s22  }
0x52: {  	[tilespmem:s28], [sflag:$0x1] =	stream.linear.gather [hbm4b:s22+s2], $0x400, $0x38;
	[tilespmem:$0x10700] =	vst v63  }
0x53: {  	s22 =	sand.u32 $0x1FFFFF80, s24  }
0x54: {  	s25 =	simm.s32 $0x1800;
	s22 =	sadd.s32 s4, s22  }
0x55: {  	[tilespmem:s25], [sflag:$0x1] =	stream.linear.gather [hbm4b:s22+s2], $0x400, $0x38;
	[tilespmem:$0x10700] =	vst v63  }
0x56: {  	s24 =	spop (v2sf);
	(v2sf) =	vpush v17, $0x8  }
0x57: {  	s22 =	sand.u32 $0x1FFFFF80, s26  }
0x58: {  	s28 =	simm.s32 $0x9800;
	s22 =	sadd.s32 s3, s22;
	s26 =	spop (v2sf);
	(v2sf) =	vpush v16, $0x8  }
0x59: {  	[tilespmem:s28], [sflag:$0x1] =	stream.linear.gather [hbm4b:s22+s2], $0x400, $0x38;
	[tilespmem:$0x10700] =	vst v63  }
0x5a: {  	s22 =	sand.u32 $0x1FFFFF80, s24;
	s24 =	spop (v2sf);
	(v2sf) =	vpush v17, $0x9;
	_ =	sdelay $0x2  }
0x5b: {  	s25 =	simm.s32 $0x1C00;
	s22 =	sadd.s32 s4, s22  }
0x5c: {  	[tilespmem:s25], [sflag:$0x1] =	stream.linear.gather [hbm4b:s22+s2], $0x400, $0x38;
	[tilespmem:$0x10700] =	vst v63  }
0x5d: {  	s22 =	sand.u32 $0x1FFFFF80, s26;
	s26 =	spop (v2sf);
	(v2sf) =	vpush v16, $0x9  }
0x5e: {  	s28 =	simm.s32 $0x9C00;
	s22 =	sadd.s32 s3, s22  }
0x5f: {  	[tilespmem:s28], [sflag:$0x1] =	stream.linear.gather [hbm4b:s22+s2], $0x400, $0x38;
	[tilespmem:$0x10700] =	vst v63  }
0x60: {  	s22 =	sand.u32 $0x1FFFFF80, s24  }
0x61: {  	s25 =	simm.s32 $0x2000;
	s22 =	sadd.s32 s4, s22  }
0x62: {  	[tilespmem:s25], [sflag:$0x1] =	stream.linear.gather [hbm4b:s22+s2], $0x400, $0x38;
	[tilespmem:$0x10700] =	vst v63  }
0x63: {  	s24 =	spop (v2sf);
	(v2sf) =	vpush v17, $0xA  }
0x64: {  	s22 =	sand.u32 $0x1FFFFF80, s26  }
0x65: {  	s28 =	simm.s32 $0xA000;
	s22 =	sadd.s32 s3, s22;
	s26 =	spop (v2sf);
	(v2sf) =	vpush v16, $0xA  }
0x66: {  	[tilespmem:s28], [sflag:$0x1] =	stream.linear.gather [hbm4b:s22+s2], $0x400, $0x38;
	[tilespmem:$0x10700] =	vst v63  }
0x67: {  	s22 =	sand.u32 $0x1FFFFF80, s24;
	s24 =	spop (v2sf);
	(v2sf) =	vpush v17, $0xB;
	_ =	sdelay $0x2  }
0x68: {  	s25 =	simm.s32 $0x2400;
	s22 =	sadd.s32 s4, s22  }
0x69: {  	[tilespmem:s25], [sflag:$0x1] =	stream.linear.gather [hbm4b:s22+s2], $0x400, $0x38;
	[tilespmem:$0x10700] =	vst v63  }
0x6a: {  	s22 =	sand.u32 $0x1FFFFF80, s26;
	s26 =	spop (v2sf);
	(v2sf) =	vpush v16, $0xB  }
0x6b: {  	s28 =	simm.s32 $0xA400;
	s22 =	sadd.s32 s3, s22  }
0x6c: {  	[tilespmem:s28], [sflag:$0x1] =	stream.linear.gather [hbm4b:s22+s2], $0x400, $0x38;
	[tilespmem:$0x10700] =	vst v63  }
0x6d: {  	s22 =	sand.u32 $0x1FFFFF80, s24  }
0x6e: {  	s25 =	simm.s32 $0x2800;
	s22 =	sadd.s32 s4, s22  }
0x6f: {  	[tilespmem:s25], [sflag:$0x1] =	stream.linear.gather [hbm4b:s22+s2], $0x400, $0x38;
	[tilespmem:$0x10700] =	vst v63  }
0x70: {  	s24 =	spop (v2sf);
	(v2sf) =	vpush v17, $0xC  }
0x71: {  	s22 =	sand.u32 $0x1FFFFF80, s26  }
0x72: {  	s28 =	simm.s32 $0xA800;
	s22 =	sadd.s32 s3, s22;
	s26 =	spop (v2sf);
	(v2sf) =	vpush v16, $0xC  }
0x73: {  	[tilespmem:s28], [sflag:$0x1] =	stream.linear.gather [hbm4b:s22+s2], $0x400, $0x38;
	[tilespmem:$0x10700] =	vst v63  }
0x74: {  	s22 =	sand.u32 $0x1FFFFF80, s24;
	s24 =	spop (v2sf);
	(v2sf) =	vpush v17, $0xD;
	_ =	sdelay $0x1  }
0x75: {  	s25 =	simm.s32 $0x2C00;
	s22 =	sadd.s32 s4, s22  }
0x76: {  	[tilespmem:s25], [sflag:$0x1] =	stream.linear.gather [hbm4b:s22+s2], $0x400, $0x38;
	[tilespmem:$0x10700] =	vst v63  }
0x77: {  	s22 =	sand.u32 $0x1FFFFF80, s26  }
0x78: {  	s28 =	simm.s32 $0xAC00;
	s26 =	spop (v2sf);
	s22 =	sadd.s32 s3, s22  }
0x79: {  	(v2sf) =	vpush v16, $0xD;
	[tilespmem:s28], [sflag:$0x1] =	stream.linear.gather [hbm4b:s22+s2], $0x400, $0x38;
	[tilespmem:$0x10700] =	vst v63  }
0x7a: {  	s22 =	sand.u32 $0x1FFFFF80, s24  }
0x7b: {  	s25 =	simm.s32 $0x3000;
	s22 =	sadd.s32 s4, s22  }
0x7c: {  	[tilespmem:s25], [sflag:$0x1] =	stream.linear.gather [hbm4b:s22+s2], $0x400, $0x38;
	[tilespmem:$0x10700] =	vst v63  }
0x7d: {  	s22 =	sand.u32 $0x1FFFFF80, s26  }
0x7e: {  	s28 =	simm.s32 $0xB000;
	s22 =	sadd.s32 s3, s22;
	s24 =	spop (v2sf);
	(v2sf) =	vpush v17, $0xE  }
0x7f: {  	[tilespmem:s28], [sflag:$0x1] =	stream.linear.gather [hbm4b:s22+s2], $0x400, $0x38;
	[tilespmem:$0x10700] =	vst v63  }
0x80: {  	s26 =	spop (v2sf);
	(v2sf) =	vpush v16, $0xE  }
0x81: {  	s22 =	sand.u32 $0x1FFFFF80, s24  }
0x82: {  	s25 =	simm.s32 $0x3400;
	s22 =	sadd.s32 s4, s22;
	s24 =	spop (v2sf)  }
0x83: {  	(v2sf) =	vpush v17, $0xF;
	[tilespmem:s25], [sflag:$0x1] =	stream.linear.gather [hbm4b:s22+s2], $0x400, $0x38;
	[tilespmem:$0x10700] =	vst v63  }
0x84: {  	s22 =	sand.u32 $0x1FFFFF80, s26  }
0x85: {  	s28 =	simm.s32 $0xB400;
	s22 =	sadd.s32 s3, s22  }
0x86: {  	[tilespmem:s28], [sflag:$0x1] =	stream.linear.gather [hbm4b:s22+s2], $0x400, $0x38;
	[tilespmem:$0x10700] =	vst v63  }
0x87: {  	s22 =	sand.u32 $0x1FFFFF80, s24  }
0x88: {  	s25 =	simm.s32 $0x3800;
	s26 =	spop (v2sf);
	(v2sf) =	vpush v16, $0xF;
	s22 =	sadd.s32 s4, s22  }
0x89: {  	[tilespmem:s25], [sflag:$0x1] =	stream.linear.gather [hbm4b:s22+s2], $0x400, $0x38;
	[tilespmem:$0x10700] =	vst v63  }
0x8a: {  	s22 =	sand.u32 $0x1FFFFF80, s26  }
0x8b: {  	s28 =	simm.s32 $0xB800;
	s22 =	sadd.s32 s3, s22  }
0x8c: {  	[tilespmem:s28], [sflag:$0x1] =	stream.linear.gather [hbm4b:s22+s2], $0x400, $0x38;
	[tilespmem:$0x10700] =	vst v63  }
0x8d: {  	s24 =	spop (v2sf)  }
0x8e: {  	s22 =	sand.u32 $0x1FFFFF80, s24  }
0x8f: {  	s25 =	simm.s32 $0x3C00;
	s26 =	spop (v2sf);
	s22 =	sadd.s32 s4, s22  }
0x90: {  	[tilespmem:s25], [sflag:$0x1] =	stream.linear.gather [hbm4b:s22+s2], $0x400, $0x38;
	[tilespmem:$0x10700] =	vst v63  }
0x91: {  	s22 =	sand.u32 $0x1FFFFF80, s26  }
0x92: {  	s28 =	simm.s32 $0xBC00;
	s24 =	spop (v2sf);
	s22 =	sadd.s32 s3, s22  }
0x93: {  	[tilespmem:s28], [sflag:$0x1] =	stream.linear.gather [hbm4b:s22+s2], $0x400, $0x38;
	[tilespmem:$0x10700] =	vst v63  }
0x94: {  	s22 =	sand.u32 $0x1FFFFF80, s24  }
0x95: {  	s25 =	simm.s32 $0x4000;
	s22 =	sadd.s32 s4, s22  }
0x96: {  	[tilespmem:s25], [sflag:$0x1] =	stream.linear.gather [hbm4b:s22+s2], $0x400, $0x38;
	[tilespmem:$0x10700] =	vst v63  }
.Ltmp2:
0x97: {  	s26 =	spop (v2sf);
	(pc) =	sbr.rel .LBB2_2-.Ltmp2, $4  }
0x98: {  	s22 =	sand.u32 $0x1FFFFF80, s26  }
0x99: {  	s28 =	simm.s32 $0xC000;
	s22 =	sadd.s32 s3, s22  }
0x9a: {  	[tilespmem:s28], [sflag:$0x1] =	stream.linear.gather [hbm4b:s22+s2], $0x400, $0x38;
	[tilespmem:$0x10700] =	vst v63  }
0x9b: {  	s22 =	simm.s32 $0x0  }
.LBB2_4:
0x9c: {  	_ =	swait.ge [sflag:s21], $0x4000  }
0x9d: {  	[sflag:s21] =	ssyncset.done $0x0  }
0x9e: {  	[sflag:s21] =	ssyncadd.s32 $0xFFFFC000  }
0x9f: {  	_ =	swait.ge [sflag:s21], $0x4000  }
0xa0: {  	[sflag:s21] =	ssyncset.done $0x0  }
0xa1: {  	[sflag:s21] =	ssyncadd.s32 $0xFFFFC000  }
0xa2: {  	v16 =	vld [tilespmem:s23+$0x210];
	_ =	sdelay $0x3  }
0xa3: {  	v17 =	vld [tilespmem:s23+$0x10]  }
0xa4: {  	v16 =	vand.u32 $0x7, v16  }
0xa5: {  	v16 =	vshll.u32 v16, $0x7  }
0xa6: {  	(v2sf) =	vpush v16, $0x1  }
0xa7: {  	(v2sf) =	vpush v16, $0x0  }
0xa8: {  	v17 =	vand.u32 $0x7, v17  }
0xa9: {  	v17 =	vshll.u32 v17, $0x7  }
0xaa: {  	(v2sf) =	vpush v17, $0x1  }
0xab: {  	(v2sf) =	vpush v17, $0x0;
	_ =	sdelay $0x9  }
0xac: {  	s24 =	spop (v2sf)  }
0xad: {  	s25 =	spop (v2sf)  }
0xae: {  	v18 =	vld [tilespmem:s25+$0xC400]  }
0xaf: {  	v20 =	vld [tilespmem:s25+$0xC410]  }
0xb0: {  	s26 =	spop (v2sf);
	v22 =	vld [tilespmem:s25+$0xC420]  }
0xb1: {  	v24 =	vld [tilespmem:s25+$0xC430];
	s28 =	spop (v2sf)  }
0xb2: {  	v19 =	vld [tilespmem:s28+$0x4400]  }
0xb3: {  	v21 =	vld [tilespmem:s28+$0x4410]  }
0xb4: {  	v23 =	vld [tilespmem:s28+$0x4420]  }
0xb5: {  	v25 =	vld [tilespmem:s28+$0x4430];
	_ =	sdelay $0x3  }
0xb6: {  	v18 =	vmul.f32 v19, v18;
	v40 =	vmul.f32 v21, v20  }
0xb7: {  	v41 =	vmul.f32 v23, v22;
	v42 =	vmul.f32 v25, v24;
	_ =	sdelay $0x1  }
0xb8: {  	v18 =	vadd.f32 v40, v18;
	v43 =	vadd.f32 v42, v41;
	_ =	sdelay $0x1  }
0xb9: {  	v18 =	vadd.f32 v43, v18;
	_ =	sdelay $0x1  }
0xba: {  	[tilespmem:v0+s20+$0x0] =	vst.idx.msk $0xffff, v18  }
0xbb: {  	v18 =	vld [tilespmem:s24+$0xC800]  }
0xbc: {  	(v2sf) =	vpush v16, $0x3;
	v44 =	vld [tilespmem:s26+$0x4800]  }
0xbd: {  	(v2sf) =	vpush v16, $0x2;
	v45 =	vld [tilespmem:s24+$0xC810]  }
0xbe: {  	(v2sf) =	vpush v17, $0x3;
	v46 =	vld [tilespmem:s26+$0x4810]  }
0xbf: {  	(v2sf) =	vpush v17, $0x2;
	v47 =	vld [tilespmem:s24+$0xC820]  }
0xc0: {  	v48 =	vld [tilespmem:s26+$0x4820]  }
0xc1: {  	v49 =	vld [tilespmem:s24+$0xC830]  }
0xc2: {  	v50 =	vld [tilespmem:s26+$0x4830];
	_ =	sdelay $0x3  }
0xc3: {  	v18 =	vmul.f32 v44, v18;
	v51 =	vmul.f32 v46, v45  }
0xc4: {  	v52 =	vmul.f32 v48, v47;
	v53 =	vmul.f32 v50, v49;
	_ =	sdelay $0x1  }
0xc5: {  	v18 =	vadd.f32 v51, v18;
	v54 =	vadd.f32 v53, v52;
	_ =	sdelay $0x1  }
0xc6: {  	s24 =	spop (v2sf);
	v18 =	vadd.f32 v54, v18  }
0xc7: {  	s25 =	spop (v2sf)  }
0xc8: {  	s26 =	spop (v2sf);
	[tilespmem:v1+s20+$0x0] =	vst.idx.msk $0xffff, v18  }
0xc9: {  	s28 =	spop (v2sf);
	v18 =	vld [tilespmem:s25+$0xCC00]  }
0xca: {  	v55 =	vld [tilespmem:s28+$0x4C00]  }
0xcb: {  	v56 =	vld [tilespmem:s25+$0xCC10]  }
0xcc: {  	v57 =	vld [tilespmem:s28+$0x4C10]  }
0xcd: {  	v58 =	vld [tilespmem:s25+$0xCC20]  }
0xce: {  	v59 =	vld [tilespmem:s28+$0x4C20]  }
0xcf: {  	v60 =	vld [tilespmem:s25+$0xCC30]  }
0xd0: {  	v61 =	vld [tilespmem:s28+$0x4C30];
	_ =	sdelay $0x3  }
0xd1: {  	v18 =	vmul.f32 v55, v18;
	v62 =	vmul.f32 v57, v56  }
0xd2: {  	v63 =	vmul.f32 v59, v58;
	v26 =	vmul.f32 v61, v60;
	_ =	sdelay $0x1  }
0xd3: {  	v18 =	vadd.f32 v62, v18;
	v27 =	vadd.f32 v26, v63;
	_ =	sdelay $0x1  }
0xd4: {  	v18 =	vadd.f32 v27, v18;
	_ =	sdelay $0x1  }
0xd5: {  	[tilespmem:v2+s20+$0x0] =	vst.idx.msk $0xffff, v18  }
0xd6: {  	v18 =	vld [tilespmem:s24+$0xD000]  }
0xd7: {  	(v2sf) =	vpush v16, $0x5;
	v28 =	vld [tilespmem:s26+$0x5000]  }
0xd8: {  	(v2sf) =	vpush v16, $0x4;
	v29 =	vld [tilespmem:s24+$0xD010]  }
0xd9: {  	(v2sf) =	vpush v17, $0x5;
	v30 =	vld [tilespmem:s26+$0x5010]  }
0xda: {  	(v2sf) =	vpush v17, $0x4;
	v31 =	vld [tilespmem:s24+$0xD020]  }
0xdb: {  	v32 =	vld [tilespmem:s26+$0x5020]  }
0xdc: {  	v33 =	vld [tilespmem:s24+$0xD030]  }
0xdd: {  	v34 =	vld [tilespmem:s26+$0x5030];
	_ =	sdelay $0x3  }
0xde: {  	v18 =	vmul.f32 v28, v18;
	v35 =	vmul.f32 v30, v29  }
0xdf: {  	v36 =	vmul.f32 v32, v31;
	v37 =	vmul.f32 v34, v33;
	_ =	sdelay $0x1  }
0xe0: {  	v18 =	vadd.f32 v35, v18;
	v38 =	vadd.f32 v37, v36;
	_ =	sdelay $0x1  }
0xe1: {  	s24 =	spop (v2sf);
	v18 =	vadd.f32 v38, v18  }
0xe2: {  	s25 =	spop (v2sf)  }
0xe3: {  	s26 =	spop (v2sf);
	[tilespmem:v3+s20+$0x0] =	vst.idx.msk $0xffff, v18  }
0xe4: {  	s28 =	spop (v2sf);
	v18 =	vld [tilespmem:s25+$0xD400]  }
0xe5: {  	v39 =	vld [tilespmem:s28+$0x5400]  }
0xe6: {  	v40 =	vld [tilespmem:s25+$0xD410]  }
0xe7: {  	v41 =	vld [tilespmem:s28+$0x5410]  }
0xe8: {  	v42 =	vld [tilespmem:s25+$0xD420]  }
0xe9: {  	v43 =	vld [tilespmem:s28+$0x5420]  }
0xea: {  	v44 =	vld [tilespmem:s25+$0xD430]  }
0xeb: {  	v45 =	vld [tilespmem:s28+$0x5430];
	_ =	sdelay $0x3  }
0xec: {  	v18 =	vmul.f32 v39, v18;
	v46 =	vmul.f32 v41, v40  }
0xed: {  	v47 =	vmul.f32 v43, v42;
	v48 =	vmul.f32 v45, v44;
	_ =	sdelay $0x1  }
0xee: {  	v18 =	vadd.f32 v46, v18;
	v49 =	vadd.f32 v48, v47;
	_ =	sdelay $0x1  }
0xef: {  	v18 =	vadd.f32 v49, v18;
	_ =	sdelay $0x1  }
0xf0: {  	[tilespmem:v4+s20+$0x0] =	vst.idx.msk $0xffff, v18  }
0xf1: {  	v18 =	vld [tilespmem:s24+$0xD800]  }
0xf2: {  	(v2sf) =	vpush v16, $0x7;
	v50 =	vld [tilespmem:s26+$0x5800]  }
0xf3: {  	(v2sf) =	vpush v16, $0x6;
	v51 =	vld [tilespmem:s24+$0xD810]  }
0xf4: {  	(v2sf) =	vpush v17, $0x7;
	v52 =	vld [tilespmem:s26+$0x5810]  }
0xf5: {  	(v2sf) =	vpush v17, $0x6;
	v53 =	vld [tilespmem:s24+$0xD820]  }
0xf6: {  	v54 =	vld [tilespmem:s26+$0x5820]  }
0xf7: {  	v55 =	vld [tilespmem:s24+$0xD830]  }
0xf8: {  	v56 =	vld [tilespmem:s26+$0x5830];
	_ =	sdelay $0x3  }
0xf9: {  	v18 =	vmul.f32 v50, v18;
	v57 =	vmul.f32 v52, v51  }
0xfa: {  	v58 =	vmul.f32 v54, v53;
	v59 =	vmul.f32 v56, v55;
	_ =	sdelay $0x1  }
0xfb: {  	v18 =	vadd.f32 v57, v18;
	v60 =	vadd.f32 v59, v58;
	_ =	sdelay $0x1  }
0xfc: {  	s24 =	spop (v2sf);
	v18 =	vadd.f32 v60, v18  }
0xfd: {  	s25 =	spop (v2sf)  }
0xfe: {  	s26 =	spop (v2sf);
	[tilespmem:v5+s20+$0x0] =	vst.idx.msk $0xffff, v18  }
0xff: {  	s28 =	spop (v2sf);
	v18 =	vld [tilespmem:s25+$0xDC00]  }
0x100: {  	v61 =	vld [tilespmem:s28+$0x5C00]  }
0x101: {  	v62 =	vld [tilespmem:s25+$0xDC10]  }
0x102: {  	v63 =	vld [tilespmem:s28+$0x5C10]  }
0x103: {  	v28 =	vld [tilespmem:s25+$0xDC20]  }
0x104: {  	v29 =	vld [tilespmem:s28+$0x5C20]  }
0x105: {  	v30 =	vld [tilespmem:s25+$0xDC30]  }
0x106: {  	v31 =	vld [tilespmem:s28+$0x5C30];
	_ =	sdelay $0x3  }
0x107: {  	v18 =	vmul.f32 v61, v18;
	v32 =	vmul.f32 v63, v62  }
0x108: {  	v33 =	vmul.f32 v29, v28;
	v34 =	vmul.f32 v31, v30;
	_ =	sdelay $0x1  }
0x109: {  	v18 =	vadd.f32 v32, v18;
	v35 =	vadd.f32 v34, v33;
	_ =	sdelay $0x1  }
0x10a: {  	v18 =	vadd.f32 v35, v18;
	_ =	sdelay $0x1  }
0x10b: {  	[tilespmem:v6+s20+$0x0] =	vst.idx.msk $0xffff, v18  }
0x10c: {  	v18 =	vld [tilespmem:s24+$0xE000]  }
0x10d: {  	(v2sf) =	vpush v16, $0x9;
	v36 =	vld [tilespmem:s26+$0x6000]  }
0x10e: {  	(v2sf) =	vpush v16, $0x8;
	v37 =	vld [tilespmem:s24+$0xE010]  }
0x10f: {  	(v2sf) =	vpush v17, $0x9;
	v38 =	vld [tilespmem:s26+$0x6010]  }
0x110: {  	(v2sf) =	vpush v17, $0x8;
	v39 =	vld [tilespmem:s24+$0xE020]  }
0x111: {  	v40 =	vld [tilespmem:s26+$0x6020]  }
0x112: {  	v41 =	vld [tilespmem:s24+$0xE030]  }
0x113: {  	v42 =	vld [tilespmem:s26+$0x6030];
	_ =	sdelay $0x3  }
0x114: {  	v18 =	vmul.f32 v36, v18;
	v43 =	vmul.f32 v38, v37  }
0x115: {  	v44 =	vmul.f32 v40, v39;
	v45 =	vmul.f32 v42, v41;
	_ =	sdelay $0x1  }
0x116: {  	v18 =	vadd.f32 v43, v18;
	v46 =	vadd.f32 v45, v44;
	_ =	sdelay $0x1  }
0x117: {  	s24 =	spop (v2sf);
	v18 =	vadd.f32 v46, v18  }
0x118: {  	s25 =	spop (v2sf)  }
0x119: {  	s26 =	spop (v2sf);
	[tilespmem:v7+s20+$0x0] =	vst.idx.msk $0xffff, v18  }
0x11a: {  	s28 =	spop (v2sf);
	v18 =	vld [tilespmem:s25+$0xE400]  }
0x11b: {  	v47 =	vld [tilespmem:s28+$0x6400]  }
0x11c: {  	v48 =	vld [tilespmem:s25+$0xE410]  }
0x11d: {  	v49 =	vld [tilespmem:s28+$0x6410]  }
0x11e: {  	v50 =	vld [tilespmem:s25+$0xE420]  }
0x11f: {  	v51 =	vld [tilespmem:s28+$0x6420]  }
0x120: {  	v52 =	vld [tilespmem:s25+$0xE430]  }
0x121: {  	v53 =	vld [tilespmem:s28+$0x6430];
	_ =	sdelay $0x3  }
0x122: {  	v18 =	vmul.f32 v47, v18;
	v54 =	vmul.f32 v49, v48  }
0x123: {  	v55 =	vmul.f32 v51, v50;
	v56 =	vmul.f32 v53, v52;
	_ =	sdelay $0x1  }
0x124: {  	v18 =	vadd.f32 v54, v18;
	v57 =	vadd.f32 v56, v55;
	_ =	sdelay $0x1  }
0x125: {  	v18 =	vadd.f32 v57, v18;
	_ =	sdelay $0x1  }
0x126: {  	[tilespmem:v8+s20+$0x0] =	vst.idx.msk $0xffff, v18  }
0x127: {  	v18 =	vld [tilespmem:s24+$0xE800]  }
0x128: {  	(v2sf) =	vpush v16, $0xB;
	v58 =	vld [tilespmem:s26+$0x6800]  }
0x129: {  	(v2sf) =	vpush v16, $0xA;
	v59 =	vld [tilespmem:s24+$0xE810]  }
0x12a: {  	(v2sf) =	vpush v17, $0xB;
	v60 =	vld [tilespmem:s26+$0x6810]  }
0x12b: {  	(v2sf) =	vpush v17, $0xA;
	v61 =	vld [tilespmem:s24+$0xE820]  }
0x12c: {  	v62 =	vld [tilespmem:s26+$0x6820]  }
0x12d: {  	v63 =	vld [tilespmem:s24+$0xE830]  }
0x12e: {  	v28 =	vld [tilespmem:s26+$0x6830];
	_ =	sdelay $0x3  }
0x12f: {  	v18 =	vmul.f32 v58, v18;
	v29 =	vmul.f32 v60, v59  }
0x130: {  	v30 =	vmul.f32 v62, v61;
	v31 =	vmul.f32 v28, v63;
	_ =	sdelay $0x1  }
0x131: {  	v18 =	vadd.f32 v29, v18;
	v32 =	vadd.f32 v31, v30;
	_ =	sdelay $0x1  }
0x132: {  	s24 =	spop (v2sf);
	v18 =	vadd.f32 v32, v18  }
0x133: {  	s25 =	spop (v2sf)  }
0x134: {  	s26 =	spop (v2sf);
	[tilespmem:v9+s20+$0x0] =	vst.idx.msk $0xffff, v18  }
0x135: {  	s28 =	spop (v2sf);
	v18 =	vld [tilespmem:s25+$0xEC00]  }
0x136: {  	v33 =	vld [tilespmem:s28+$0x6C00]  }
0x137: {  	v34 =	vld [tilespmem:s25+$0xEC10]  }
0x138: {  	v35 =	vld [tilespmem:s28+$0x6C10]  }
0x139: {  	v36 =	vld [tilespmem:s25+$0xEC20]  }
0x13a: {  	v37 =	vld [tilespmem:s28+$0x6C20]  }
0x13b: {  	v38 =	vld [tilespmem:s25+$0xEC30]  }
0x13c: {  	v39 =	vld [tilespmem:s28+$0x6C30];
	_ =	sdelay $0x3  }
0x13d: {  	v18 =	vmul.f32 v33, v18;
	v40 =	vmul.f32 v35, v34  }
0x13e: {  	v41 =	vmul.f32 v37, v36;
	v42 =	vmul.f32 v39, v38;
	_ =	sdelay $0x1  }
0x13f: {  	v18 =	vadd.f32 v40, v18;
	v43 =	vadd.f32 v42, v41;
	_ =	sdelay $0x1  }
0x140: {  	v18 =	vadd.f32 v43, v18;
	_ =	sdelay $0x1  }
0x141: {  	[tilespmem:v10+s20+$0x0] =	vst.idx.msk $0xffff, v18  }
0x142: {  	v18 =	vld [tilespmem:s24+$0xF000]  }
0x143: {  	(v2sf) =	vpush v16, $0xD;
	v44 =	vld [tilespmem:s26+$0x7000]  }
0x144: {  	(v2sf) =	vpush v16, $0xC;
	v45 =	vld [tilespmem:s24+$0xF010]  }
0x145: {  	(v2sf) =	vpush v17, $0xD;
	v46 =	vld [tilespmem:s26+$0x7010]  }
0x146: {  	(v2sf) =	vpush v17, $0xC;
	v47 =	vld [tilespmem:s24+$0xF020]  }
0x147: {  	v48 =	vld [tilespmem:s26+$0x7020]  }
0x148: {  	v49 =	vld [tilespmem:s24+$0xF030]  }
0x149: {  	v50 =	vld [tilespmem:s26+$0x7030];
	_ =	sdelay $0x3  }
0x14a: {  	v18 =	vmul.f32 v44, v18;
	v51 =	vmul.f32 v46, v45  }
0x14b: {  	v52 =	vmul.f32 v48, v47;
	v53 =	vmul.f32 v50, v49;
	_ =	sdelay $0x1  }
0x14c: {  	v18 =	vadd.f32 v51, v18;
	v54 =	vadd.f32 v53, v52;
	_ =	sdelay $0x1  }
0x14d: {  	s24 =	spop (v2sf);
	v18 =	vadd.f32 v54, v18  }
0x14e: {  	s25 =	spop (v2sf)  }
0x14f: {  	s26 =	spop (v2sf);
	[tilespmem:v11+s20+$0x0] =	vst.idx.msk $0xffff, v18  }
0x150: {  	s28 =	spop (v2sf);
	v18 =	vld [tilespmem:s25+$0xF400]  }
0x151: {  	v55 =	vld [tilespmem:s28+$0x7400]  }
0x152: {  	v56 =	vld [tilespmem:s25+$0xF410]  }
0x153: {  	v57 =	vld [tilespmem:s28+$0x7410]  }
0x154: {  	v58 =	vld [tilespmem:s25+$0xF420]  }
0x155: {  	v59 =	vld [tilespmem:s28+$0x7420]  }
0x156: {  	v60 =	vld [tilespmem:s25+$0xF430]  }
0x157: {  	v61 =	vld [tilespmem:s28+$0x7430];
	_ =	sdelay $0x3  }
0x158: {  	v18 =	vmul.f32 v55, v18;
	v62 =	vmul.f32 v57, v56  }
0x159: {  	v63 =	vmul.f32 v59, v58;
	v24 =	vmul.f32 v61, v60;
	_ =	sdelay $0x1  }
0x15a: {  	v18 =	vadd.f32 v62, v18;
	v25 =	vadd.f32 v24, v63;
	_ =	sdelay $0x1  }
0x15b: {  	v18 =	vadd.f32 v25, v18;
	_ =	sdelay $0x1  }
0x15c: {  	[tilespmem:v12+s20+$0x0] =	vst.idx.msk $0xffff, v18  }
0x15d: {  	v18 =	vld [tilespmem:s24+$0xF800]  }
0x15e: {  	(v2sf) =	vpush v16, $0xF;
	v26 =	vld [tilespmem:s26+$0x7800]  }
0x15f: {  	(v2sf) =	vpush v16, $0xE;
	v27 =	vld [tilespmem:s24+$0xF810]  }
0x160: {  	(v2sf) =	vpush v17, $0xF;
	v16 =	vld [tilespmem:s26+$0x7810]  }
0x161: {  	(v2sf) =	vpush v17, $0xE;
	v28 =	vld [tilespmem:s24+$0xF820]  }
0x162: {  	v17 =	vld [tilespmem:s26+$0x7820]  }
0x163: {  	v29 =	vld [tilespmem:s24+$0xF830]  }
0x164: {  	v30 =	vld [tilespmem:s26+$0x7830];
	_ =	sdelay $0x3  }
0x165: {  	v18 =	vmul.f32 v26, v18;
	v16 =	vmul.f32 v16, v27  }
0x166: {  	v17 =	vmul.f32 v17, v28;
	v31 =	vmul.f32 v30, v29;
	_ =	sdelay $0x1  }
0x167: {  	v16 =	vadd.f32 v16, v18;
	v17 =	vadd.f32 v31, v17;
	_ =	sdelay $0x1  }
0x168: {  	s24 =	spop (v2sf);
	v16 =	vadd.f32 v17, v16  }
0x169: {  	s25 =	spop (v2sf)  }
0x16a: {  	s26 =	spop (v2sf);
	[tilespmem:v13+s20+$0x0] =	vst.idx.msk $0xffff, v16  }
0x16b: {  	s28 =	spop (v2sf);
	v16 =	vld [tilespmem:s25+$0xFC00]  }
0x16c: {  	v17 =	vld [tilespmem:s28+$0x7C00]  }
0x16d: {  	v32 =	vld [tilespmem:s25+$0xFC10]  }
0x16e: {  	v33 =	vld [tilespmem:s28+$0x7C10]  }
0x16f: {  	v34 =	vld [tilespmem:s25+$0xFC20]  }
0x170: {  	v35 =	vld [tilespmem:s28+$0x7C20]  }
0x171: {  	v36 =	vld [tilespmem:s25+$0xFC30]  }
0x172: {  	v37 =	vld [tilespmem:s28+$0x7C30];
	_ =	sdelay $0x3  }
0x173: {  	v16 =	vmul.f32 v17, v16;
	v17 =	vmul.f32 v33, v32  }
0x174: {  	v38 =	vmul.f32 v35, v34;
	v39 =	vmul.f32 v37, v36;
	_ =	sdelay $0x1  }
0x175: {  	v16 =	vadd.f32 v17, v16;
	v17 =	vadd.f32 v39, v38;
	_ =	sdelay $0x1  }
0x176: {  	v16 =	vadd.f32 v17, v16;
	_ =	sdelay $0x1  }
0x177: {  	[tilespmem:v14+s20+$0x0] =	vst.idx.msk $0xffff, v16  }
0x178: {  	v16 =	vld [tilespmem:s24+$0x10000]  }
0x179: {  	v17 =	vld [tilespmem:s26+$0x8000]  }
0x17a: {  	v40 =	vld [tilespmem:s24+$0x10010]  }
0x17b: {  	v41 =	vld [tilespmem:s26+$0x8010]  }
0x17c: {  	v42 =	vld [tilespmem:s24+$0x10020]  }
0x17d: {  	v43 =	vld [tilespmem:s26+$0x8020]  }
0x17e: {  	v44 =	vld [tilespmem:s24+$0x10030]  }
0x17f: {  	v45 =	vld [tilespmem:s26+$0x8030];
	_ =	sdelay $0x3  }
0x180: {  	v16 =	vmul.f32 v17, v16;
	v17 =	vmul.f32 v41, v40  }
0x181: {  	v46 =	vmul.f32 v43, v42;
	v47 =	vmul.f32 v45, v44;
	_ =	sdelay $0x1  }
0x182: {  	v16 =	vadd.f32 v17, v16;
	v17 =	vadd.f32 v47, v46;
	_ =	sdelay $0x1  }
0x183: {  	v16 =	vadd.f32 v17, v16;
	_ =	sdelay $0x1  }
0x184: {  	[tilespmem:v15+s20+$0x0] =	vst.idx.msk $0xffff, v16  }
0x185: {  	v16 =	vld [tilespmem:$0x10600]  }
0x186: {  	v17 =	vld [tilespmem:$0x10610]  }
0x187: {  	v48 =	vld [tilespmem:$0x10620]  }
0x188: {  	v49 =	vld [tilespmem:$0x10630]  }
0x189: {  	v50 =	vld [tilespmem:$0x10640]  }
0x18a: {  	v51 =	vld [tilespmem:$0x10650]  }
0x18b: {  	v52 =	vld [tilespmem:$0x10660]  }
0x18c: {  	v53 =	vld [tilespmem:$0x10670]  }
0x18d: {  	v54 =	vld [tilespmem:$0x10680]  }
0x18e: {  	v55 =	vld [tilespmem:$0x10690]  }
0x18f: {  	v26 =	vld [tilespmem:$0x106A0]  }
0x190: {  	v27 =	vld [tilespmem:$0x106B0]  }
0x191: {  	v28 =	vld [tilespmem:$0x106C0]  }
0x192: {  	v29 =	vld [tilespmem:$0x106D0]  }
0x193: {  	v30 =	vld [tilespmem:$0x106E0]  }
0x194: {  	v31 =	vld [tilespmem:$0x106F0];
	_ =	sdelay $0x1  }
0x195: {  	v16 =	vadd.f32 v17, v16;
	v17 =	vadd.f32 v49, v48  }
0x196: {  	v56 =	vadd.f32 v51, v50;
	v57 =	vadd.f32 v53, v52  }
0x197: {  	v58 =	vadd.f32 v55, v54;
	v59 =	vadd.f32 v27, v26  }
0x198: {  	v60 =	vadd.f32 v29, v28;
	v61 =	vadd.f32 v31, v30  }
0x199: {  	v16 =	vadd.f32 v17, v16;
	v17 =	vadd.f32 v57, v56  }
0x19a: {  	s22 =	sadd.s32 $0x80, s22;
	v62 =	vadd.f32 v59, v58;
	v63 =	vadd.f32 v61, v60  }
0x19b: {  	p0 =	sne.s32 s22, $0x800  }
.Ltmp3:
0x19c: {  	v16 =	vadd.f32 v17, v16;
	v17 =	vadd.f32 v63, v62;
	(pc) =	sbr.rel @!p0 .LBB2_5-.Ltmp3, $3  }
0x19d: {  	_ = 	snop  }
0x19e: {  	v16 =	vadd.f32 v17, v16;
	_ =	sdelay $0x1  }
0x19f: {  	[tilespmem:s23+$0x10410] =	vst v16  }
.LBB2_2:
0x1a0: {  	s23 =	sshra.s32 s22, $0x2  }
0x1a1: {  	v16 =	vld [tilespmem:s23+$0x10];
	_ =	sdelay $0x1  }
0x1a2: {  	v18 =	vld [tilespmem:s23+$0x210];
	_ =	sdelay $0x2  }
0x1a3: {  	v16 =	vshrl.u32 v16, $0x3  }
0x1a4: {  	v17 =	vshll.u32 v16, $0x7  }
0x1a5: {  	v16 =	vshrl.u32 v18, $0x3;
	(v2sf) =	vpush v17, $0x0  }
0x1a6: {  	v16 =	vshll.u32 v16, $0x7  }
0x1a7: {  	(v2sf) =	vpush v16, $0x0;
	_ =	sdelay $0x2  }
0x1a8: {  	(v2sf) =	vpush v17, $0x1;
	_ =	sdelay $0x2  }
0x1a9: {  	(v2sf) =	vpush v16, $0x1;
	_ =	sdelay $0x6  }
0x1aa: {  	s24 =	spop (v2sf);
	(v2sf) =	vpush v17, $0x2;
	_ =	sdelay $0x1  }
0x1ab: {  	s24 =	sand.u32 $0x1FFFFF80, s24;
	s26 =	spop (v2sf);
	(v2sf) =	vpush v16, $0x2  }
0x1ac: {  	s25 =	simm.s32 $0x4400;
	s24 =	sadd.s32 s4, s24  }
0x1ad: {  	[tilespmem:s25], [sflag:$0x2] =	stream.linear.gather [hbm4b:s24+s2], $0x400, $0x38;
	[tilespmem:$0x10700] =	vst v63  }
0x1ae: {  	s24 =	sand.u32 $0x1FFFFF80, s26;
	s26 =	spop (v2sf);
	(v2sf) =	vpush v17, $0x3  }
0x1af: {  	s28 =	simm.s32 $0xC400;
	s24 =	sadd.s32 s3, s24  }
0x1b0: {  	[tilespmem:s28], [sflag:$0x2] =	stream.linear.gather [hbm4b:s24+s2], $0x400, $0x38;
	[tilespmem:$0x10700] =	vst v63  }
0x1b1: {  	s24 =	sand.u32 $0x1FFFFF80, s26;
	s26 =	spop (v2sf);
	(v2sf) =	vpush v16, $0x3;
	_ =	sdelay $0x3  }
0x1b2: {  	s28 =	simm.s32 $0x4800;
	s24 =	sadd.s32 s4, s24  }
0x1b3: {  	[tilespmem:s28], [sflag:$0x2] =	stream.linear.gather [hbm4b:s24+s2], $0x400, $0x38;
	[tilespmem:$0x10700] =	vst v63  }
0x1b4: {  	s24 =	sand.u32 $0x1FFFFF80, s26  }
0x1b5: {  	s28 =	simm.s32 $0xC800;
	s24 =	sadd.s32 s3, s24;
	s26 =	spop (v2sf);
	(v2sf) =	vpush v17, $0x4  }
0x1b6: {  	[tilespmem:s28], [sflag:$0x2] =	stream.linear.gather [hbm4b:s24+s2], $0x400, $0x38;
	[tilespmem:$0x10700] =	vst v63  }
0x1b7: {  	s24 =	sand.u32 $0x1FFFFF80, s26;
	s26 =	spop (v2sf);
	(v2sf) =	vpush v16, $0x4  }
0x1b8: {  	s28 =	simm.s32 $0x4C00;
	s24 =	sadd.s32 s4, s24  }
0x1b9: {  	[tilespmem:s28], [sflag:$0x2] =	stream.linear.gather [hbm4b:s24+s2], $0x400, $0x38;
	[tilespmem:$0x10700] =	vst v63  }
0x1ba: {  	s24 =	sand.u32 $0x1FFFFF80, s26;
	s26 =	spop (v2sf);
	(v2sf) =	vpush v17, $0x5  }
0x1bb: {  	s28 =	simm.s32 $0xCC00;
	s24 =	sadd.s32 s3, s24  }
0x1bc: {  	[tilespmem:s28], [sflag:$0x2] =	stream.linear.gather [hbm4b:s24+s2], $0x400, $0x38;
	[tilespmem:$0x10700] =	vst v63  }
0x1bd: {  	s24 =	sand.u32 $0x1FFFFF80, s26;
	s26 =	spop (v2sf);
	(v2sf) =	vpush v16, $0x5;
	_ =	sdelay $0x3  }
0x1be: {  	s28 =	simm.s32 $0x5000;
	s24 =	sadd.s32 s4, s24  }
0x1bf: {  	[tilespmem:s28], [sflag:$0x2] =	stream.linear.gather [hbm4b:s24+s2], $0x400, $0x38;
	[tilespmem:$0x10700] =	vst v63  }
0x1c0: {  	s24 =	sand.u32 $0x1FFFFF80, s26  }
0x1c1: {  	s28 =	simm.s32 $0xD000;
	s24 =	sadd.s32 s3, s24;
	s26 =	spop (v2sf);
	(v2sf) =	vpush v17, $0x6  }
0x1c2: {  	[tilespmem:s28], [sflag:$0x2] =	stream.linear.gather [hbm4b:s24+s2], $0x400, $0x38;
	[tilespmem:$0x10700] =	vst v63  }
0x1c3: {  	s24 =	sand.u32 $0x1FFFFF80, s26;
	s26 =	spop (v2sf);
	(v2sf) =	vpush v16, $0x6  }
0x1c4: {  	s28 =	simm.s32 $0x5400;
	s24 =	sadd.s32 s4, s24  }
0x1c5: {  	[tilespmem:s28], [sflag:$0x2] =	stream.linear.gather [hbm4b:s24+s2], $0x400, $0x38;
	[tilespmem:$0x10700] =	vst v63  }
0x1c6: {  	s24 =	sand.u32 $0x1FFFFF80, s26;
	s26 =	spop (v2sf);
	(v2sf) =	vpush v17, $0x7  }
0x1c7: {  	s28 =	simm.s32 $0xD400;
	s24 =	sadd.s32 s3, s24  }
0x1c8: {  	[tilespmem:s28], [sflag:$0x2] =	stream.linear.gather [hbm4b:s24+s2], $0x400, $0x38;
	[tilespmem:$0x10700] =	vst v63  }
0x1c9: {  	s24 =	sand.u32 $0x1FFFFF80, s26;
	s26 =	spop (v2sf);
	(v2sf) =	vpush v16, $0x7;
	_ =	sdelay $0x3  }
0x1ca: {  	s28 =	simm.s32 $0x5800;
	s24 =	sadd.s32 s4, s24  }
0x1cb: {  	[tilespmem:s28], [sflag:$0x2] =	stream.linear.gather [hbm4b:s24+s2], $0x400, $0x38;
	[tilespmem:$0x10700] =	vst v63  }
0x1cc: {  	s24 =	sand.u32 $0x1FFFFF80, s26  }
0x1cd: {  	s28 =	simm.s32 $0xD800;
	s24 =	sadd.s32 s3, s24;
	s26 =	spop (v2sf);
	(v2sf) =	vpush v17, $0x8  }
0x1ce: {  	[tilespmem:s28], [sflag:$0x2] =	stream.linear.gather [hbm4b:s24+s2], $0x400, $0x38;
	[tilespmem:$0x10700] =	vst v63  }
0x1cf: {  	s24 =	sand.u32 $0x1FFFFF80, s26;
	s26 =	spop (v2sf);
	(v2sf) =	vpush v16, $0x8  }
0x1d0: {  	s28 =	simm.s32 $0x5C00;
	s24 =	sadd.s32 s4, s24  }
0x1d1: {  	[tilespmem:s28], [sflag:$0x2] =	stream.linear.gather [hbm4b:s24+s2], $0x400, $0x38;
	[tilespmem:$0x10700] =	vst v63  }
0x1d2: {  	s28 =	spop (v2sf);
	(v2sf) =	vpush v17, $0x9;
	_ =	sdelay $0x2  }
0x1d3: {  	s25 =	spop (v2sf);
	(v2sf) =	vpush v16, $0x9;
	_ =	sdelay $0x5  }
0x1d4: {  	s24 =	sand.u32 $0x1FFFFF80, s26  }
0x1d5: {  	s24 =	sadd.s32 s3, s24;
	s26 =	spop (v2sf);
	(v2sf) =	vpush v17, $0xA  }
0x1d6: {  	[tilespmem:s29], [sflag:$0x2] =	stream.linear.gather [hbm4b:s24+s2], $0x400, $0x38;
	[tilespmem:$0x10700] =	vst v63  }
0x1d7: {  	s24 =	sand.u32 $0x1FFFFF80, s28;
	s28 =	spop (v2sf);
	(v2sf) =	vpush v16, $0xA  }
0x1d8: {  	s24 =	sadd.s32 s4, s24  }
0x1d9: {  	[tilespmem:s30], [sflag:$0x2] =	stream.linear.gather [hbm4b:s24+s2], $0x400, $0x38;
	[tilespmem:$0x10700] =	vst v63  }
0x1da: {  	s24 =	sand.u32 $0x1FFFFF80, s25;
	s25 =	spop (v2sf);
	(v2sf) =	vpush v17, $0xB  }
0x1db: {  	s24 =	sadd.s32 s3, s24  }
0x1dc: {  	[tilespmem:s31], [sflag:$0x2] =	stream.linear.gather [hbm4b:s24+s2], $0x400, $0x38;
	[tilespmem:$0x10700] =	vst v63  }
0x1dd: {  	s24 =	sand.u32 $0x1FFFFF80, s26;
	s26 =	spop (v2sf);
	(v2sf) =	vpush v16, $0xB  }
0x1de: {  	s24 =	sadd.s32 s4, s24  }
0x1df: {  	[tilespmem:s0], [sflag:$0x2] =	stream.linear.gather [hbm4b:s24+s2], $0x400, $0x38;
	[tilespmem:$0x10700] =	vst v63  }
0x1e0: {  	s24 =	sand.u32 $0x1FFFFF80, s28  }
0x1e1: {  	s24 =	sadd.s32 s3, s24  }
0x1e2: {  	[tilespmem:s1], [sflag:$0x2] =	stream.linear.gather [hbm4b:s24+s2], $0x400, $0x38;
	[tilespmem:$0x10700] =	vst v63  }
0x1e3: {  	s24 =	sand.u32 $0x1FFFFF80, s25  }
0x1e4: {  	s24 =	sadd.s32 s4, s24;
	s28 =	spop (v2sf);
	(v2sf) =	vpush v17, $0xC  }
0x1e5: {  	[tilespmem:s10], [sflag:$0x2] =	stream.linear.gather [hbm4b:s24+s2], $0x400, $0x38;
	[tilespmem:$0x10700] =	vst v63  }
0x1e6: {  	s24 =	sand.u32 $0x1FFFFF80, s26;
	s25 =	spop (v2sf);
	(v2sf) =	vpush v16, $0xC  }
0x1e7: {  	s24 =	sadd.s32 s3, s24  }
0x1e8: {  	[tilespmem:s5], [sflag:$0x2] =	stream.linear.gather [hbm4b:s24+s2], $0x400, $0x38;
	[tilespmem:$0x10700] =	vst v63  }
0x1e9: {  	s24 =	sand.u32 $0x1FFFFF80, s28;
	s26 =	spop (v2sf);
	(v2sf) =	vpush v17, $0xD  }
0x1ea: {  	s24 =	sadd.s32 s4, s24  }
0x1eb: {  	[tilespmem:s6], [sflag:$0x2] =	stream.linear.gather [hbm4b:s24+s2], $0x400, $0x38;
	[tilespmem:$0x10700] =	vst v63  }
0x1ec: {  	s24 =	sand.u32 $0x1FFFFF80, s25;
	s28 =	spop (v2sf);
	(v2sf) =	vpush v16, $0xD  }
0x1ed: {  	s24 =	sadd.s32 s3, s24  }
0x1ee: {  	[tilespmem:s7], [sflag:$0x2] =	stream.linear.gather [hbm4b:s24+s2], $0x400, $0x38;
	[tilespmem:$0x10700] =	vst v63  }
0x1ef: {  	s24 =	sand.u32 $0x1FFFFF80, s26  }
0x1f0: {  	s24 =	sadd.s32 s4, s24  }
0x1f1: {  	[tilespmem:s8], [sflag:$0x2] =	stream.linear.gather [hbm4b:s24+s2], $0x400, $0x38;
	[tilespmem:$0x10700] =	vst v63  }
0x1f2: {  	s24 =	sand.u32 $0x1FFFFF80, s28  }
0x1f3: {  	s24 =	sadd.s32 s3, s24;
	s25 =	spop (v2sf);
	(v2sf) =	vpush v17, $0xE  }
0x1f4: {  	[tilespmem:s9], [sflag:$0x2] =	stream.linear.gather [hbm4b:s24+s2], $0x400, $0x38;
	[tilespmem:$0x10700] =	vst v63  }
0x1f5: {  	s24 =	sand.u32 $0x1FFFFF80, s25;
	s26 =	spop (v2sf);
	(v2sf) =	vpush v16, $0xE  }
0x1f6: {  	s24 =	sadd.s32 s4, s24  }
0x1f7: {  	[tilespmem:s11], [sflag:$0x2] =	stream.linear.gather [hbm4b:s24+s2], $0x400, $0x38;
	[tilespmem:$0x10700] =	vst v63  }
0x1f8: {  	s24 =	sand.u32 $0x1FFFFF80, s26;
	s28 =	spop (v2sf);
	(v2sf) =	vpush v17, $0xF  }
0x1f9: {  	s24 =	sadd.s32 s3, s24  }
0x1fa: {  	[tilespmem:s12], [sflag:$0x2] =	stream.linear.gather [hbm4b:s24+s2], $0x400, $0x38;
	[tilespmem:$0x10700] =	vst v63  }
0x1fb: {  	s25 =	spop (v2sf);
	(v2sf) =	vpush v16, $0xF  }
0x1fc: {  	s24 =	sand.u32 $0x1FFFFF80, s28  }
0x1fd: {  	s24 =	sadd.s32 s4, s24  }
0x1fe: {  	[tilespmem:s13], [sflag:$0x2] =	stream.linear.gather [hbm4b:s24+s2], $0x400, $0x38;
	[tilespmem:$0x10700] =	vst v63  }
0x1ff: {  	s24 =	sand.u32 $0x1FFFFF80, s25  }
0x200: {  	s24 =	sadd.s32 s3, s24  }
0x201: {  	[tilespmem:s14], [sflag:$0x2] =	stream.linear.gather [hbm4b:s24+s2], $0x400, $0x38;
	[tilespmem:$0x10700] =	vst v63  }
0x202: {  	s26 =	spop (v2sf)  }
0x203: {  	s24 =	sand.u32 $0x1FFFFF80, s26  }
0x204: {  	s28 =	spop (v2sf);
	s24 =	sadd.s32 s4, s24  }
0x205: {  	[tilespmem:s15], [sflag:$0x2] =	stream.linear.gather [hbm4b:s24+s2], $0x400, $0x38;
	[tilespmem:$0x10700] =	vst v63  }
0x206: {  	s24 =	sand.u32 $0x1FFFFF80, s28  }
0x207: {  	s25 =	spop (v2sf);
	s24 =	sadd.s32 s3, s24  }
0x208: {  	[tilespmem:s16], [sflag:$0x2] =	stream.linear.gather [hbm4b:s24+s2], $0x400, $0x38;
	[tilespmem:$0x10700] =	vst v63  }
0x209: {  	s24 =	sand.u32 $0x1FFFFF80, s25  }
0x20a: {  	s26 =	spop (v2sf);
	s24 =	sadd.s32 s4, s24  }
0x20b: {  	[tilespmem:s17], [sflag:$0x2] =	stream.linear.gather [hbm4b:s24+s2], $0x400, $0x38;
	[tilespmem:$0x10700] =	vst v63  }
0x20c: {  	s24 =	sand.u32 $0x1FFFFF80, s26  }
0x20d: {  	s24 =	sadd.s32 s3, s24  }
0x20e: {  	[tilespmem:s18], [sflag:$0x2] =	stream.linear.gather [hbm4b:s24+s2], $0x400, $0x38;
	[tilespmem:$0x10700] =	vst v63  }
0x20f: {  	_ =	swait.ge [sflag:s19], $0x4000  }
0x210: {  	[sflag:s19] =	ssyncset.done $0x0  }
0x211: {  	[sflag:s19] =	ssyncadd.s32 $0xFFFFC000  }
0x212: {  	_ =	swait.ge [sflag:s19], $0x4000  }
0x213: {  	[sflag:s19] =	ssyncset.done $0x0  }
0x214: {  	[sflag:s19] =	ssyncadd.s32 $0xFFFFC000  }
0x215: {  	v16 =	vld [tilespmem:s23+$0x200];
	_ =	sdelay $0x3  }
0x216: {  	v56 =	vld [tilespmem:s23+$0x0]  }
0x217: {  	v16 =	vand.u32 $0x7, v16  }
0x218: {  	v17 =	vshll.u32 v16, $0x7  }
0x219: {  	(v2sf) =	vpush v17, $0x1  }
0x21a: {  	(v2sf) =	vpush v17, $0x0  }
0x21b: {  	v16 =	vand.u32 $0x7, v56  }
0x21c: {  	v16 =	vshll.u32 v16, $0x7  }
0x21d: {  	(v2sf) =	vpush v16, $0x1  }
0x21e: {  	(v2sf) =	vpush v16, $0x0;
	_ =	sdelay $0x9  }
0x21f: {  	s24 =	spop (v2sf)  }
0x220: {  	s28 =	spop (v2sf)  }
0x221: {  	v57 =	vld [tilespmem:s28+$0x8400]  }
0x222: {  	v19 =	vld [tilespmem:s28+$0x8410]  }
0x223: {  	s26 =	spop (v2sf);
	v20 =	vld [tilespmem:s28+$0x8420]  }
0x224: {  	v21 =	vld [tilespmem:s28+$0x8430];
	s28 =	spop (v2sf)  }
0x225: {  	v22 =	vld [tilespmem:s28+$0x400]  }
0x226: {  	v23 =	vld [tilespmem:s28+$0x410]  }
0x227: {  	v24 =	vld [tilespmem:s28+$0x420]  }
0x228: {  	v25 =	vld [tilespmem:s28+$0x430];
	_ =	sdelay $0x3  }
0x229: {  	v18 =	vmul.f32 v22, v57;
	v19 =	vmul.f32 v23, v19  }
0x22a: {  	v20 =	vmul.f32 v24, v20;
	v21 =	vmul.f32 v25, v21;
	_ =	sdelay $0x1  }
0x22b: {  	v18 =	vadd.f32 v19, v18;
	v58 =	vadd.f32 v21, v20;
	_ =	sdelay $0x1  }
0x22c: {  	v18 =	vadd.f32 v58, v18;
	_ =	sdelay $0x1  }
0x22d: {  	[tilespmem:v0+s20+$0x0] =	vst.idx.msk $0xffff, v18  }
0x22e: {  	v18 =	vld [tilespmem:s24+$0x8800]  }
0x22f: {  	v59 =	vld [tilespmem:s26+$0x800]  }
0x230: {  	(v2sf) =	vpush v17, $0x3;
	v60 =	vld [tilespmem:s24+$0x8810]  }
0x231: {  	(v2sf) =	vpush v17, $0x2;
	v61 =	vld [tilespmem:s26+$0x810]  }
0x232: {  	v62 =	vld [tilespmem:s24+$0x8820]  }
0x233: {  	v63 =	vld [tilespmem:s26+$0x820]  }
0x234: {  	(v2sf) =	vpush v16, $0x3;
	v28 =	vld [tilespmem:s24+$0x8830]  }
0x235: {  	(v2sf) =	vpush v16, $0x2;
	v29 =	vld [tilespmem:s26+$0x830];
	_ =	sdelay $0x3  }
0x236: {  	v18 =	vmul.f32 v59, v18;
	v30 =	vmul.f32 v61, v60  }
0x237: {  	v31 =	vmul.f32 v63, v62;
	v32 =	vmul.f32 v29, v28;
	_ =	sdelay $0x1  }
0x238: {  	v18 =	vadd.f32 v30, v18;
	v33 =	vadd.f32 v32, v31;
	_ =	sdelay $0x1  }
0x239: {  	v18 =	vadd.f32 v33, v18  }
0x23a: {  	s24 =	spop (v2sf)  }
0x23b: {  	s28 =	spop (v2sf);
	[tilespmem:v1+s20+$0x0] =	vst.idx.msk $0xffff, v18  }
0x23c: {  	v18 =	vld [tilespmem:s28+$0x8C00]  }
0x23d: {  	v34 =	vld [tilespmem:s28+$0x8C10]  }
0x23e: {  	s26 =	spop (v2sf);
	v35 =	vld [tilespmem:s28+$0x8C20]  }
0x23f: {  	v36 =	vld [tilespmem:s28+$0x8C30];
	s28 =	spop (v2sf)  }
0x240: {  	v37 =	vld [tilespmem:s28+$0xC00]  }
0x241: {  	v38 =	vld [tilespmem:s28+$0xC10]  }
0x242: {  	v39 =	vld [tilespmem:s28+$0xC20]  }
0x243: {  	v40 =	vld [tilespmem:s28+$0xC30];
	_ =	sdelay $0x3  }
0x244: {  	v18 =	vmul.f32 v37, v18;
	v19 =	vmul.f32 v38, v34  }
0x245: {  	v20 =	vmul.f32 v39, v35;
	v21 =	vmul.f32 v40, v36;
	_ =	sdelay $0x1  }
0x246: {  	v18 =	vadd.f32 v19, v18;
	v41 =	vadd.f32 v21, v20;
	_ =	sdelay $0x1  }
0x247: {  	v18 =	vadd.f32 v41, v18;
	_ =	sdelay $0x1  }
0x248: {  	[tilespmem:v2+s20+$0x0] =	vst.idx.msk $0xffff, v18  }
0x249: {  	v18 =	vld [tilespmem:s24+$0x9000]  }
0x24a: {  	v42 =	vld [tilespmem:s26+$0x1000]  }
0x24b: {  	(v2sf) =	vpush v17, $0x5;
	v43 =	vld [tilespmem:s24+$0x9010]  }
0x24c: {  	(v2sf) =	vpush v17, $0x4;
	v44 =	vld [tilespmem:s26+$0x1010]  }
0x24d: {  	v45 =	vld [tilespmem:s24+$0x9020]  }
0x24e: {  	v46 =	vld [tilespmem:s26+$0x1020]  }
0x24f: {  	(v2sf) =	vpush v16, $0x5;
	v47 =	vld [tilespmem:s24+$0x9030]  }
0x250: {  	(v2sf) =	vpush v16, $0x4;
	v48 =	vld [tilespmem:s26+$0x1030];
	_ =	sdelay $0x3  }
0x251: {  	v18 =	vmul.f32 v42, v18;
	v49 =	vmul.f32 v44, v43  }
0x252: {  	v50 =	vmul.f32 v46, v45;
	v51 =	vmul.f32 v48, v47;
	_ =	sdelay $0x1  }
0x253: {  	v18 =	vadd.f32 v49, v18;
	v52 =	vadd.f32 v51, v50;
	_ =	sdelay $0x1  }
0x254: {  	v18 =	vadd.f32 v52, v18  }
0x255: {  	s24 =	spop (v2sf)  }
0x256: {  	s28 =	spop (v2sf);
	[tilespmem:v3+s20+$0x0] =	vst.idx.msk $0xffff, v18  }
0x257: {  	v18 =	vld [tilespmem:s28+$0x9400]  }
0x258: {  	v53 =	vld [tilespmem:s28+$0x9410]  }
0x259: {  	s26 =	spop (v2sf);
	v54 =	vld [tilespmem:s28+$0x9420]  }
0x25a: {  	v55 =	vld [tilespmem:s28+$0x9430];
	s28 =	spop (v2sf)  }
0x25b: {  	v56 =	vld [tilespmem:s28+$0x1400]  }
0x25c: {  	v57 =	vld [tilespmem:s28+$0x1410]  }
0x25d: {  	v58 =	vld [tilespmem:s28+$0x1420]  }
0x25e: {  	v59 =	vld [tilespmem:s28+$0x1430];
	_ =	sdelay $0x3  }
0x25f: {  	v18 =	vmul.f32 v56, v18;
	v19 =	vmul.f32 v57, v53  }
0x260: {  	v20 =	vmul.f32 v58, v54;
	v21 =	vmul.f32 v59, v55;
	_ =	sdelay $0x1  }
0x261: {  	v18 =	vadd.f32 v19, v18;
	v60 =	vadd.f32 v21, v20;
	_ =	sdelay $0x1  }
0x262: {  	v18 =	vadd.f32 v60, v18;
	_ =	sdelay $0x1  }
0x263: {  	[tilespmem:v4+s20+$0x0] =	vst.idx.msk $0xffff, v18  }
0x264: {  	v18 =	vld [tilespmem:s24+$0x9800]  }
0x265: {  	v61 =	vld [tilespmem:s26+$0x1800]  }
0x266: {  	(v2sf) =	vpush v17, $0x7;
	v62 =	vld [tilespmem:s24+$0x9810]  }
0x267: {  	(v2sf) =	vpush v17, $0x6;
	v63 =	vld [tilespmem:s26+$0x1810]  }
0x268: {  	v28 =	vld [tilespmem:s24+$0x9820]  }
0x269: {  	v29 =	vld [tilespmem:s26+$0x1820]  }
0x26a: {  	(v2sf) =	vpush v16, $0x7;
	v30 =	vld [tilespmem:s24+$0x9830]  }
0x26b: {  	(v2sf) =	vpush v16, $0x6;
	v31 =	vld [tilespmem:s26+$0x1830];
	_ =	sdelay $0x3  }
0x26c: {  	v18 =	vmul.f32 v61, v18;
	v32 =	vmul.f32 v63, v62  }
0x26d: {  	v33 =	vmul.f32 v29, v28;
	v34 =	vmul.f32 v31, v30;
	_ =	sdelay $0x1  }
0x26e: {  	v18 =	vadd.f32 v32, v18;
	v35 =	vadd.f32 v34, v33;
	_ =	sdelay $0x1  }
0x26f: {  	v18 =	vadd.f32 v35, v18  }
0x270: {  	s24 =	spop (v2sf)  }
0x271: {  	s28 =	spop (v2sf);
	[tilespmem:v5+s20+$0x0] =	vst.idx.msk $0xffff, v18  }
0x272: {  	v18 =	vld [tilespmem:s28+$0x9C00]  }
0x273: {  	v36 =	vld [tilespmem:s28+$0x9C10]  }
0x274: {  	s26 =	spop (v2sf);
	v37 =	vld [tilespmem:s28+$0x9C20]  }
0x275: {  	v38 =	vld [tilespmem:s28+$0x9C30];
	s28 =	spop (v2sf)  }
0x276: {  	v39 =	vld [tilespmem:s28+$0x1C00]  }
0x277: {  	v40 =	vld [tilespmem:s28+$0x1C10]  }
0x278: {  	v41 =	vld [tilespmem:s28+$0x1C20]  }
0x279: {  	v42 =	vld [tilespmem:s28+$0x1C30];
	_ =	sdelay $0x3  }
0x27a: {  	v18 =	vmul.f32 v39, v18;
	v19 =	vmul.f32 v40, v36  }
0x27b: {  	v20 =	vmul.f32 v41, v37;
	v21 =	vmul.f32 v42, v38;
	_ =	sdelay $0x1  }
0x27c: {  	v18 =	vadd.f32 v19, v18;
	v43 =	vadd.f32 v21, v20;
	_ =	sdelay $0x1  }
0x27d: {  	v18 =	vadd.f32 v43, v18;
	_ =	sdelay $0x1  }
0x27e: {  	[tilespmem:v6+s20+$0x0] =	vst.idx.msk $0xffff, v18  }
0x27f: {  	v18 =	vld [tilespmem:s24+$0xA000]  }
0x280: {  	v44 =	vld [tilespmem:s26+$0x2000]  }
0x281: {  	(v2sf) =	vpush v17, $0x9;
	v45 =	vld [tilespmem:s24+$0xA010]  }
0x282: {  	(v2sf) =	vpush v17, $0x8;
	v46 =	vld [tilespmem:s26+$0x2010]  }
0x283: {  	v47 =	vld [tilespmem:s24+$0xA020]  }
0x284: {  	v48 =	vld [tilespmem:s26+$0x2020]  }
0x285: {  	(v2sf) =	vpush v16, $0x9;
	v49 =	vld [tilespmem:s24+$0xA030]  }
0x286: {  	(v2sf) =	vpush v16, $0x8;
	v50 =	vld [tilespmem:s26+$0x2030];
	_ =	sdelay $0x3  }
0x287: {  	v18 =	vmul.f32 v44, v18;
	v51 =	vmul.f32 v46, v45  }
0x288: {  	v52 =	vmul.f32 v48, v47;
	v53 =	vmul.f32 v50, v49;
	_ =	sdelay $0x1  }
0x289: {  	v18 =	vadd.f32 v51, v18;
	v54 =	vadd.f32 v53, v52;
	_ =	sdelay $0x1  }
0x28a: {  	v18 =	vadd.f32 v54, v18  }
0x28b: {  	s24 =	spop (v2sf)  }
0x28c: {  	s28 =	spop (v2sf);
	[tilespmem:v7+s20+$0x0] =	vst.idx.msk $0xffff, v18  }
0x28d: {  	v18 =	vld [tilespmem:s28+$0xA400]  }
0x28e: {  	v55 =	vld [tilespmem:s28+$0xA410]  }
0x28f: {  	s26 =	spop (v2sf);
	v56 =	vld [tilespmem:s28+$0xA420]  }
0x290: {  	v57 =	vld [tilespmem:s28+$0xA430];
	s28 =	spop (v2sf)  }
0x291: {  	v58 =	vld [tilespmem:s28+$0x2400]  }
0x292: {  	v59 =	vld [tilespmem:s28+$0x2410]  }
0x293: {  	v60 =	vld [tilespmem:s28+$0x2420]  }
0x294: {  	v61 =	vld [tilespmem:s28+$0x2430];
	_ =	sdelay $0x3  }
0x295: {  	v18 =	vmul.f32 v58, v18;
	v19 =	vmul.f32 v59, v55  }
0x296: {  	v20 =	vmul.f32 v60, v56;
	v21 =	vmul.f32 v61, v57;
	_ =	sdelay $0x1  }
0x297: {  	v18 =	vadd.f32 v19, v18;
	v62 =	vadd.f32 v21, v20;
	_ =	sdelay $0x1  }
0x298: {  	v18 =	vadd.f32 v62, v18;
	_ =	sdelay $0x1  }
0x299: {  	[tilespmem:v8+s20+$0x0] =	vst.idx.msk $0xffff, v18  }
0x29a: {  	v18 =	vld [tilespmem:s24+$0xA800]  }
0x29b: {  	v63 =	vld [tilespmem:s26+$0x2800]  }
0x29c: {  	(v2sf) =	vpush v17, $0xB;
	v28 =	vld [tilespmem:s24+$0xA810]  }
0x29d: {  	(v2sf) =	vpush v17, $0xA;
	v29 =	vld [tilespmem:s26+$0x2810]  }
0x29e: {  	v30 =	vld [tilespmem:s24+$0xA820]  }
0x29f: {  	v31 =	vld [tilespmem:s26+$0x2820]  }
0x2a0: {  	(v2sf) =	vpush v16, $0xB;
	v32 =	vld [tilespmem:s24+$0xA830]  }
0x2a1: {  	(v2sf) =	vpush v16, $0xA;
	v33 =	vld [tilespmem:s26+$0x2830];
	_ =	sdelay $0x3  }
0x2a2: {  	v18 =	vmul.f32 v63, v18;
	v34 =	vmul.f32 v29, v28  }
0x2a3: {  	v35 =	vmul.f32 v31, v30;
	v36 =	vmul.f32 v33, v32;
	_ =	sdelay $0x1  }
0x2a4: {  	v18 =	vadd.f32 v34, v18;
	v37 =	vadd.f32 v36, v35;
	_ =	sdelay $0x1  }
0x2a5: {  	v18 =	vadd.f32 v37, v18  }
0x2a6: {  	s24 =	spop (v2sf)  }
0x2a7: {  	s28 =	spop (v2sf);
	[tilespmem:v9+s20+$0x0] =	vst.idx.msk $0xffff, v18  }
0x2a8: {  	v18 =	vld [tilespmem:s28+$0xAC00]  }
0x2a9: {  	v38 =	vld [tilespmem:s28+$0xAC10]  }
0x2aa: {  	s26 =	spop (v2sf);
	v39 =	vld [tilespmem:s28+$0xAC20]  }
0x2ab: {  	v40 =	vld [tilespmem:s28+$0xAC30];
	s28 =	spop (v2sf)  }
0x2ac: {  	v41 =	vld [tilespmem:s28+$0x2C00]  }
0x2ad: {  	v42 =	vld [tilespmem:s28+$0x2C10]  }
0x2ae: {  	v43 =	vld [tilespmem:s28+$0x2C20]  }
0x2af: {  	v44 =	vld [tilespmem:s28+$0x2C30];
	_ =	sdelay $0x3  }
0x2b0: {  	v18 =	vmul.f32 v41, v18;
	v19 =	vmul.f32 v42, v38  }
0x2b1: {  	v20 =	vmul.f32 v43, v39;
	v21 =	vmul.f32 v44, v40;
	_ =	sdelay $0x1  }
0x2b2: {  	v18 =	vadd.f32 v19, v18;
	v45 =	vadd.f32 v21, v20;
	_ =	sdelay $0x1  }
0x2b3: {  	v18 =	vadd.f32 v45, v18;
	_ =	sdelay $0x1  }
0x2b4: {  	[tilespmem:v10+s20+$0x0] =	vst.idx.msk $0xffff, v18  }
0x2b5: {  	v18 =	vld [tilespmem:s24+$0xB000]  }
0x2b6: {  	v46 =	vld [tilespmem:s26+$0x3000]  }
0x2b7: {  	(v2sf) =	vpush v17, $0xD;
	v47 =	vld [tilespmem:s24+$0xB010]  }
0x2b8: {  	(v2sf) =	vpush v17, $0xC;
	v48 =	vld [tilespmem:s26+$0x3010]  }
0x2b9: {  	v49 =	vld [tilespmem:s24+$0xB020]  }
0x2ba: {  	v50 =	vld [tilespmem:s26+$0x3020]  }
0x2bb: {  	(v2sf) =	vpush v16, $0xD;
	v51 =	vld [tilespmem:s24+$0xB030]  }
0x2bc: {  	(v2sf) =	vpush v16, $0xC;
	v52 =	vld [tilespmem:s26+$0x3030];
	_ =	sdelay $0x3  }
0x2bd: {  	v18 =	vmul.f32 v46, v18;
	v53 =	vmul.f32 v48, v47  }
0x2be: {  	v54 =	vmul.f32 v50, v49;
	v55 =	vmul.f32 v52, v51;
	_ =	sdelay $0x1  }
0x2bf: {  	v18 =	vadd.f32 v53, v18;
	v56 =	vadd.f32 v55, v54;
	_ =	sdelay $0x1  }
0x2c0: {  	v18 =	vadd.f32 v56, v18  }
0x2c1: {  	s24 =	spop (v2sf)  }
0x2c2: {  	s28 =	spop (v2sf);
	[tilespmem:v11+s20+$0x0] =	vst.idx.msk $0xffff, v18  }
0x2c3: {  	v18 =	vld [tilespmem:s28+$0xB400]  }
0x2c4: {  	v57 =	vld [tilespmem:s28+$0xB410]  }
0x2c5: {  	s26 =	spop (v2sf);
	v58 =	vld [tilespmem:s28+$0xB420]  }
0x2c6: {  	v59 =	vld [tilespmem:s28+$0xB430];
	s28 =	spop (v2sf)  }
0x2c7: {  	v60 =	vld [tilespmem:s28+$0x3400]  }
0x2c8: {  	v61 =	vld [tilespmem:s28+$0x3410]  }
0x2c9: {  	v62 =	vld [tilespmem:s28+$0x3420]  }
0x2ca: {  	v63 =	vld [tilespmem:s28+$0x3430];
	_ =	sdelay $0x3  }
0x2cb: {  	v18 =	vmul.f32 v60, v18;
	v19 =	vmul.f32 v61, v57  }
0x2cc: {  	v20 =	vmul.f32 v62, v58;
	v21 =	vmul.f32 v63, v59;
	_ =	sdelay $0x1  }
0x2cd: {  	v18 =	vadd.f32 v19, v18;
	v27 =	vadd.f32 v21, v20;
	_ =	sdelay $0x1  }
0x2ce: {  	v18 =	vadd.f32 v27, v18;
	_ =	sdelay $0x1  }
0x2cf: {  	[tilespmem:v12+s20+$0x0] =	vst.idx.msk $0xffff, v18  }
0x2d0: {  	v18 =	vld [tilespmem:s24+$0xB800]  }
0x2d1: {  	v28 =	vld [tilespmem:s26+$0x3800]  }
0x2d2: {  	(v2sf) =	vpush v17, $0xF;
	v29 =	vld [tilespmem:s24+$0xB810]  }
0x2d3: {  	(v2sf) =	vpush v17, $0xE;
	v30 =	vld [tilespmem:s26+$0x3810]  }
0x2d4: {  	v17 =	vld [tilespmem:s24+$0xB820]  }
0x2d5: {  	v31 =	vld [tilespmem:s26+$0x3820]  }
0x2d6: {  	(v2sf) =	vpush v16, $0xF;
	v32 =	vld [tilespmem:s24+$0xB830]  }
0x2d7: {  	(v2sf) =	vpush v16, $0xE;
	v33 =	vld [tilespmem:s26+$0x3830];
	_ =	sdelay $0x3  }
0x2d8: {  	v16 =	vmul.f32 v28, v18;
	v34 =	vmul.f32 v30, v29  }
0x2d9: {  	v17 =	vmul.f32 v31, v17;
	v35 =	vmul.f32 v33, v32;
	_ =	sdelay $0x1  }
0x2da: {  	v16 =	vadd.f32 v34, v16;
	v17 =	vadd.f32 v35, v17;
	_ =	sdelay $0x1  }
0x2db: {  	v16 =	vadd.f32 v17, v16  }
0x2dc: {  	s24 =	spop (v2sf)  }
0x2dd: {  	s28 =	spop (v2sf);
	[tilespmem:v13+s20+$0x0] =	vst.idx.msk $0xffff, v16  }
0x2de: {  	v16 =	vld [tilespmem:s28+$0xBC00]  }
0x2df: {  	v17 =	vld [tilespmem:s28+$0xBC10]  }
0x2e0: {  	s26 =	spop (v2sf);
	v36 =	vld [tilespmem:s28+$0xBC20]  }
0x2e1: {  	v37 =	vld [tilespmem:s28+$0xBC30];
	s28 =	spop (v2sf)  }
0x2e2: {  	v38 =	vld [tilespmem:s28+$0x3C00]  }
0x2e3: {  	v39 =	vld [tilespmem:s28+$0x3C10]  }
0x2e4: {  	v40 =	vld [tilespmem:s28+$0x3C20]  }
0x2e5: {  	v41 =	vld [tilespmem:s28+$0x3C30];
	_ =	sdelay $0x3  }
0x2e6: {  	v16 =	vmul.f32 v38, v16;
	v17 =	vmul.f32 v39, v17  }
0x2e7: {  	v18 =	vmul.f32 v40, v36;
	v19 =	vmul.f32 v41, v37;
	_ =	sdelay $0x1  }
0x2e8: {  	v16 =	vadd.f32 v17, v16;
	v17 =	vadd.f32 v19, v18;
	_ =	sdelay $0x1  }
0x2e9: {  	v16 =	vadd.f32 v17, v16;
	_ =	sdelay $0x1  }
0x2ea: {  	[tilespmem:v14+s20+$0x0] =	vst.idx.msk $0xffff, v16  }
0x2eb: {  	v16 =	vld [tilespmem:s24+$0xC000]  }
0x2ec: {  	v17 =	vld [tilespmem:s24+$0xC010]  }
0x2ed: {  	v42 =	vld [tilespmem:s24+$0xC020]  }
0x2ee: {  	v43 =	vld [tilespmem:s24+$0xC030]  }
0x2ef: {  	v44 =	vld [tilespmem:s26+$0x4000]  }
0x2f0: {  	v45 =	vld [tilespmem:s26+$0x4010]  }
0x2f1: {  	v46 =	vld [tilespmem:s26+$0x4020]  }
0x2f2: {  	v47 =	vld [tilespmem:s26+$0x4030];
	_ =	sdelay $0x3  }
0x2f3: {  	v16 =	vmul.f32 v44, v16;
	v17 =	vmul.f32 v45, v17  }
0x2f4: {  	v18 =	vmul.f32 v46, v42;
	v19 =	vmul.f32 v47, v43;
	_ =	sdelay $0x1  }
0x2f5: {  	v16 =	vadd.f32 v17, v16;
	v17 =	vadd.f32 v19, v18;
	_ =	sdelay $0x1  }
0x2f6: {  	v16 =	vadd.f32 v17, v16;
	_ =	sdelay $0x1  }
0x2f7: {  	[tilespmem:v15+s20+$0x0] =	vst.idx.msk $0xffff, v16  }
0x2f8: {  	v16 =	vld [tilespmem:$0x10600]  }
0x2f9: {  	v17 =	vld [tilespmem:$0x10610]  }
0x2fa: {  	v48 =	vld [tilespmem:$0x10620]  }
0x2fb: {  	v49 =	vld [tilespmem:$0x10630]  }
0x2fc: {  	v50 =	vld [tilespmem:$0x10640]  }
0x2fd: {  	v51 =	vld [tilespmem:$0x10650]  }
0x2fe: {  	v52 =	vld [tilespmem:$0x10660]  }
0x2ff: {  	v53 =	vld [tilespmem:$0x10670]  }
0x300: {  	v54 =	vld [tilespmem:$0x10680]  }
0x301: {  	v55 =	vld [tilespmem:$0x10690]  }
0x302: {  	v26 =	vld [tilespmem:$0x106A0]  }
0x303: {  	v27 =	vld [tilespmem:$0x106B0]  }
0x304: {  	v28 =	vld [tilespmem:$0x106C0]  }
0x305: {  	v29 =	vld [tilespmem:$0x106D0]  }
0x306: {  	v30 =	vld [tilespmem:$0x106E0]  }
0x307: {  	v31 =	vld [tilespmem:$0x106F0];
	_ =	sdelay $0x1  }
0x308: {  	v16 =	vadd.f32 v17, v16;
	v17 =	vadd.f32 v49, v48  }
0x309: {  	v56 =	vadd.f32 v51, v50;
	v57 =	vadd.f32 v53, v52  }
0x30a: {  	v58 =	vadd.f32 v55, v54;
	v59 =	vadd.f32 v27, v26  }
0x30b: {  	v60 =	vadd.f32 v29, v28;
	v61 =	vadd.f32 v31, v30  }
0x30c: {  	v16 =	vadd.f32 v17, v16;
	v17 =	vadd.f32 v57, v56  }
0x30d: {  	v62 =	vadd.f32 v59, v58;
	v63 =	vadd.f32 v61, v60  }
0x30e: {  	p0 =	seq.s32 s22, $0x780  }
.Ltmp4:
0x30f: {  	v16 =	vadd.f32 v17, v16;
	v17 =	vadd.f32 v63, v62;
	(pc) =	sbr.rel @p0 .LBB2_4-.Ltmp4, $3  }
0x310: {  	_ = 	snop  }
0x311: {  	v16 =	vadd.f32 v17, v16;
	_ =	sdelay $0x1  }
0x312: {  	[tilespmem:s23+$0x10400] =	vst v16  }
0x313: {  	v16 =	vld [tilespmem:s23+$0x20];
	_ =	sdelay $0x1  }
0x314: {  	v18 =	vld [tilespmem:s23+$0x220];
	_ =	sdelay $0x2  }
0x315: {  	v16 =	vshrl.u32 v16, $0x3  }
0x316: {  	v17 =	vshll.u32 v16, $0x7  }
0x317: {  	v16 =	vshrl.u32 v18, $0x3;
	(v2sf) =	vpush v17, $0x0  }
0x318: {  	v16 =	vshll.u32 v16, $0x7  }
0x319: {  	(v2sf) =	vpush v16, $0x0;
	_ =	sdelay $0x2  }
0x31a: {  	(v2sf) =	vpush v17, $0x1;
	_ =	sdelay $0x2  }
0x31b: {  	(v2sf) =	vpush v16, $0x1;
	_ =	sdelay $0x6  }
0x31c: {  	s24 =	spop (v2sf);
	(v2sf) =	vpush v17, $0x2;
	_ =	sdelay $0x1  }
0x31d: {  	s24 =	sand.u32 $0x1FFFFF80, s24;
	s26 =	spop (v2sf);
	(v2sf) =	vpush v16, $0x2  }
0x31e: {  	s25 =	simm.s32 $0x400;
	s24 =	sadd.s32 s4, s24  }
0x31f: {  	[tilespmem:s25], [sflag:$0x1] =	stream.linear.gather [hbm4b:s24+s2], $0x400, $0x38;
	[tilespmem:$0x10700] =	vst v63  }
0x320: {  	s24 =	sand.u32 $0x1FFFFF80, s26;
	s26 =	spop (v2sf);
	(v2sf) =	vpush v17, $0x3  }
0x321: {  	s28 =	simm.s32 $0x8400;
	s24 =	sadd.s32 s3, s24  }
0x322: {  	[tilespmem:s28], [sflag:$0x1] =	stream.linear.gather [hbm4b:s24+s2], $0x400, $0x38;
	[tilespmem:$0x10700] =	vst v63  }
0x323: {  	s24 =	sand.u32 $0x1FFFFF80, s26;
	s26 =	spop (v2sf);
	(v2sf) =	vpush v16, $0x3;
	_ =	sdelay $0x3  }
0x324: {  	s28 =	simm.s32 $0x800;
	s24 =	sadd.s32 s4, s24  }
0x325: {  	[tilespmem:s28], [sflag:$0x1] =	stream.linear.gather [hbm4b:s24+s2], $0x400, $0x38;
	[tilespmem:$0x10700] =	vst v63  }
0x326: {  	s24 =	sand.u32 $0x1FFFFF80, s26  }
0x327: {  	s28 =	simm.s32 $0x8800;
	s24 =	sadd.s32 s3, s24;
	s26 =	spop (v2sf);
	(v2sf) =	vpush v17, $0x4  }
0x328: {  	[tilespmem:s28], [sflag:$0x1] =	stream.linear.gather [hbm4b:s24+s2], $0x400, $0x38;
	[tilespmem:$0x10700] =	vst v63  }
0x329: {  	s24 =	sand.u32 $0x1FFFFF80, s26;
	s26 =	spop (v2sf);
	(v2sf) =	vpush v16, $0x4  }
0x32a: {  	s28 =	simm.s32 $0xC00;
	s24 =	sadd.s32 s4, s24  }
0x32b: {  	[tilespmem:s28], [sflag:$0x1] =	stream.linear.gather [hbm4b:s24+s2], $0x400, $0x38;
	[tilespmem:$0x10700] =	vst v63  }
0x32c: {  	s24 =	sand.u32 $0x1FFFFF80, s26;
	s26 =	spop (v2sf);
	(v2sf) =	vpush v17, $0x5  }
0x32d: {  	s28 =	simm.s32 $0x8C00;
	s24 =	sadd.s32 s3, s24  }
0x32e: {  	[tilespmem:s28], [sflag:$0x1] =	stream.linear.gather [hbm4b:s24+s2], $0x400, $0x38;
	[tilespmem:$0x10700] =	vst v63  }
0x32f: {  	s24 =	sand.u32 $0x1FFFFF80, s26;
	s26 =	spop (v2sf);
	(v2sf) =	vpush v16, $0x5;
	_ =	sdelay $0x3  }
0x330: {  	s28 =	simm.s32 $0x1000;
	s24 =	sadd.s32 s4, s24  }
0x331: {  	[tilespmem:s28], [sflag:$0x1] =	stream.linear.gather [hbm4b:s24+s2], $0x400, $0x38;
	[tilespmem:$0x10700] =	vst v63  }
0x332: {  	s24 =	sand.u32 $0x1FFFFF80, s26  }
0x333: {  	s28 =	simm.s32 $0x9000;
	s24 =	sadd.s32 s3, s24;
	s26 =	spop (v2sf);
	(v2sf) =	vpush v17, $0x6  }
0x334: {  	[tilespmem:s28], [sflag:$0x1] =	stream.linear.gather [hbm4b:s24+s2], $0x400, $0x38;
	[tilespmem:$0x10700] =	vst v63  }
0x335: {  	s24 =	sand.u32 $0x1FFFFF80, s26;
	s26 =	spop (v2sf);
	(v2sf) =	vpush v16, $0x6  }
0x336: {  	s28 =	simm.s32 $0x1400;
	s24 =	sadd.s32 s4, s24  }
0x337: {  	[tilespmem:s28], [sflag:$0x1] =	stream.linear.gather [hbm4b:s24+s2], $0x400, $0x38;
	[tilespmem:$0x10700] =	vst v63  }
0x338: {  	s24 =	sand.u32 $0x1FFFFF80, s26;
	s26 =	spop (v2sf);
	(v2sf) =	vpush v17, $0x7  }
0x339: {  	s28 =	simm.s32 $0x9400;
	s24 =	sadd.s32 s3, s24  }
0x33a: {  	[tilespmem:s28], [sflag:$0x1] =	stream.linear.gather [hbm4b:s24+s2], $0x400, $0x38;
	[tilespmem:$0x10700] =	vst v63  }
0x33b: {  	s24 =	sand.u32 $0x1FFFFF80, s26;
	s26 =	spop (v2sf);
	(v2sf) =	vpush v16, $0x7;
	_ =	sdelay $0x3  }
0x33c: {  	s28 =	simm.s32 $0x1800;
	s24 =	sadd.s32 s4, s24  }
0x33d: {  	[tilespmem:s28], [sflag:$0x1] =	stream.linear.gather [hbm4b:s24+s2], $0x400, $0x38;
	[tilespmem:$0x10700] =	vst v63  }
0x33e: {  	s24 =	sand.u32 $0x1FFFFF80, s26  }
0x33f: {  	s28 =	simm.s32 $0x9800;
	s24 =	sadd.s32 s3, s24;
	s26 =	spop (v2sf);
	(v2sf) =	vpush v17, $0x8  }
0x340: {  	[tilespmem:s28], [sflag:$0x1] =	stream.linear.gather [hbm4b:s24+s2], $0x400, $0x38;
	[tilespmem:$0x10700] =	vst v63  }
0x341: {  	s24 =	sand.u32 $0x1FFFFF80, s26;
	s26 =	spop (v2sf);
	(v2sf) =	vpush v16, $0x8  }
0x342: {  	s28 =	simm.s32 $0x1C00;
	s24 =	sadd.s32 s4, s24  }
0x343: {  	[tilespmem:s28], [sflag:$0x1] =	stream.linear.gather [hbm4b:s24+s2], $0x400, $0x38;
	[tilespmem:$0x10700] =	vst v63  }
0x344: {  	s24 =	sand.u32 $0x1FFFFF80, s26;
	s26 =	spop (v2sf);
	(v2sf) =	vpush v17, $0x9  }
0x345: {  	s28 =	simm.s32 $0x9C00;
	s24 =	sadd.s32 s3, s24  }
0x346: {  	[tilespmem:s28], [sflag:$0x1] =	stream.linear.gather [hbm4b:s24+s2], $0x400, $0x38;
	[tilespmem:$0x10700] =	vst v63  }
0x347: {  	s24 =	sand.u32 $0x1FFFFF80, s26;
	s26 =	spop (v2sf);
	(v2sf) =	vpush v16, $0x9;
	_ =	sdelay $0x3  }
0x348: {  	s28 =	simm.s32 $0x2000;
	s24 =	sadd.s32 s4, s24  }
0x349: {  	[tilespmem:s28], [sflag:$0x1] =	stream.linear.gather [hbm4b:s24+s2], $0x400, $0x38;
	[tilespmem:$0x10700] =	vst v63  }
0x34a: {  	s24 =	sand.u32 $0x1FFFFF80, s26  }
0x34b: {  	s28 =	simm.s32 $0xA000;
	s24 =	sadd.s32 s3, s24;
	s26 =	spop (v2sf);
	(v2sf) =	vpush v17, $0xA  }
0x34c: {  	[tilespmem:s28], [sflag:$0x1] =	stream.linear.gather [hbm4b:s24+s2], $0x400, $0x38;
	[tilespmem:$0x10700] =	vst v63  }
0x34d: {  	s24 =	sand.u32 $0x1FFFFF80, s26;
	s26 =	spop (v2sf);
	(v2sf) =	vpush v16, $0xA  }
0x34e: {  	s28 =	simm.s32 $0x2400;
	s24 =	sadd.s32 s4, s24  }
0x34f: {  	[tilespmem:s28], [sflag:$0x1] =	stream.linear.gather [hbm4b:s24+s2], $0x400, $0x38;
	[tilespmem:$0x10700] =	vst v63  }
0x350: {  	s24 =	sand.u32 $0x1FFFFF80, s26;
	s26 =	spop (v2sf);
	(v2sf) =	vpush v17, $0xB  }
0x351: {  	s28 =	simm.s32 $0xA400;
	s24 =	sadd.s32 s3, s24  }
0x352: {  	[tilespmem:s28], [sflag:$0x1] =	stream.linear.gather [hbm4b:s24+s2], $0x400, $0x38;
	[tilespmem:$0x10700] =	vst v63  }
0x353: {  	s24 =	sand.u32 $0x1FFFFF80, s26;
	s26 =	spop (v2sf);
	(v2sf) =	vpush v16, $0xB;
	_ =	sdelay $0x3  }
0x354: {  	s28 =	simm.s32 $0x2800;
	s24 =	sadd.s32 s4, s24  }
0x355: {  	[tilespmem:s28], [sflag:$0x1] =	stream.linear.gather [hbm4b:s24+s2], $0x400, $0x38;
	[tilespmem:$0x10700] =	vst v63  }
0x356: {  	s24 =	sand.u32 $0x1FFFFF80, s26  }
0x357: {  	s28 =	simm.s32 $0xA800;
	s24 =	sadd.s32 s3, s24;
	s26 =	spop (v2sf);
	(v2sf) =	vpush v17, $0xC  }
0x358: {  	[tilespmem:s28], [sflag:$0x1] =	stream.linear.gather [hbm4b:s24+s2], $0x400, $0x38;
	[tilespmem:$0x10700] =	vst v63  }
0x359: {  	s24 =	sand.u32 $0x1FFFFF80, s26;
	s26 =	spop (v2sf);
	(v2sf) =	vpush v16, $0xC  }
0x35a: {  	s28 =	simm.s32 $0x2C00;
	s24 =	sadd.s32 s4, s24  }
0x35b: {  	[tilespmem:s28], [sflag:$0x1] =	stream.linear.gather [hbm4b:s24+s2], $0x400, $0x38;
	[tilespmem:$0x10700] =	vst v63  }
0x35c: {  	s24 =	sand.u32 $0x1FFFFF80, s26;
	s26 =	spop (v2sf);
	(v2sf) =	vpush v17, $0xD  }
0x35d: {  	s28 =	simm.s32 $0xAC00;
	s24 =	sadd.s32 s3, s24  }
0x35e: {  	[tilespmem:s28], [sflag:$0x1] =	stream.linear.gather [hbm4b:s24+s2], $0x400, $0x38;
	[tilespmem:$0x10700] =	vst v63  }
0x35f: {  	s24 =	sand.u32 $0x1FFFFF80, s26;
	s26 =	spop (v2sf);
	(v2sf) =	vpush v16, $0xD;
	_ =	sdelay $0x3  }
0x360: {  	s28 =	simm.s32 $0x3000;
	s24 =	sadd.s32 s4, s24  }
0x361: {  	[tilespmem:s28], [sflag:$0x1] =	stream.linear.gather [hbm4b:s24+s2], $0x400, $0x38;
	[tilespmem:$0x10700] =	vst v63  }
0x362: {  	s24 =	sand.u32 $0x1FFFFF80, s26  }
0x363: {  	s28 =	simm.s32 $0xB000;
	s24 =	sadd.s32 s3, s24;
	s26 =	spop (v2sf);
	(v2sf) =	vpush v17, $0xE  }
0x364: {  	[tilespmem:s28], [sflag:$0x1] =	stream.linear.gather [hbm4b:s24+s2], $0x400, $0x38;
	[tilespmem:$0x10700] =	vst v63  }
0x365: {  	s24 =	sand.u32 $0x1FFFFF80, s26;
	s26 =	spop (v2sf);
	(v2sf) =	vpush v16, $0xE  }
0x366: {  	s28 =	simm.s32 $0x3400;
	s24 =	sadd.s32 s4, s24  }
0x367: {  	[tilespmem:s28], [sflag:$0x1] =	stream.linear.gather [hbm4b:s24+s2], $0x400, $0x38;
	[tilespmem:$0x10700] =	vst v63  }
0x368: {  	s24 =	sand.u32 $0x1FFFFF80, s26;
	s26 =	spop (v2sf);
	(v2sf) =	vpush v17, $0xF  }
0x369: {  	s28 =	simm.s32 $0xB400;
	s24 =	sadd.s32 s3, s24  }
0x36a: {  	[tilespmem:s28], [sflag:$0x1] =	stream.linear.gather [hbm4b:s24+s2], $0x400, $0x38;
	[tilespmem:$0x10700] =	vst v63  }
0x36b: {  	s24 =	sand.u32 $0x1FFFFF80, s26;
	s26 =	spop (v2sf);
	(v2sf) =	vpush v16, $0xF;
	_ =	sdelay $0x1  }
0x36c: {  	s28 =	simm.s32 $0x3800;
	s24 =	sadd.s32 s4, s24  }
0x36d: {  	[tilespmem:s28], [sflag:$0x1] =	stream.linear.gather [hbm4b:s24+s2], $0x400, $0x38;
	[tilespmem:$0x10700] =	vst v63  }
0x36e: {  	s24 =	sand.u32 $0x1FFFFF80, s26  }
0x36f: {  	s28 =	simm.s32 $0xB800;
	s24 =	sadd.s32 s3, s24  }
0x370: {  	[tilespmem:s28], [sflag:$0x1] =	stream.linear.gather [hbm4b:s24+s2], $0x400, $0x38;
	[tilespmem:$0x10700] =	vst v63  }
0x371: {  	s26 =	spop (v2sf)  }
0x372: {  	s24 =	sand.u32 $0x1FFFFF80, s26  }
0x373: {  	s28 =	simm.s32 $0x3C00;
	s26 =	spop (v2sf);
	s24 =	sadd.s32 s4, s24  }
0x374: {  	[tilespmem:s28], [sflag:$0x1] =	stream.linear.gather [hbm4b:s24+s2], $0x400, $0x38;
	[tilespmem:$0x10700] =	vst v63  }
0x375: {  	s24 =	sand.u32 $0x1FFFFF80, s26  }
0x376: {  	s28 =	simm.s32 $0xBC00;
	s26 =	spop (v2sf);
	s24 =	sadd.s32 s3, s24  }
0x377: {  	[tilespmem:s28], [sflag:$0x1] =	stream.linear.gather [hbm4b:s24+s2], $0x400, $0x38;
	[tilespmem:$0x10700] =	vst v63  }
0x378: {  	s24 =	sand.u32 $0x1FFFFF80, s26;
	s28 =	simm.s32 $0x4000  }
.Ltmp5:
0x379: {  	s26 =	spop (v2sf);
	s24 =	sadd.s32 s4, s24;
	(pc) =	sbr.rel .LBB2_4-.Ltmp5, $4  }
0x37a: {  	[tilespmem:s28], [sflag:$0x1] =	stream.linear.gather [hbm4b:s24+s2], $0x400, $0x38;
	[tilespmem:$0x10700] =	vst v63  }
0x37b: {  	s24 =	sand.u32 $0x1FFFFF80, s26  }
0x37c: {  	s28 =	simm.s32 $0xC000;
	s24 =	sadd.s32 s3, s24  }
0x37d: {  	[tilespmem:s28], [sflag:$0x1] =	stream.linear.gather [hbm4b:s24+s2], $0x400, $0x38;
	[tilespmem:$0x10700] =	vst v63  }
.LBB2_6:
0x37e: {  	_ =	sfence.sel $0x180000  }
0x37f: {  	[bflag:$0x0] =	sbarrier.arrive $0xFFFF  }
0x380: {  	_ =	strace $0x90000047  }
0x381: {  	s0 =	stileid.u32;
	[bflag:$0x2] =	sbarrier.arrive $0xFFFF  }
0x382: {  	p0 =	sne.s32 s0, $0x0;
	s0 =	rddreg [dreg:$0x2]  }
0x383: {  	s0 =	sadd.s32 @!p0 $0x100000, s0  }
0x384: {  	[sflag:s0] =	ssyncadd.tile.s32 @!p0 $0x1;
	_ =	shalt  }
.Lfunc_end2:
_tile_overlayer_lowered:
.L_overlay_start_2:
0x385: {  	(tag) =	ssettag $0x2  }
0x386: {  	s0 =	rddreg [dreg:$0x0];
	s2 =	stileid.u32  }
0x387: {  	s1 =	rddreg [dreg:$0x1];
	p0 =	sne.s32 s2, $0x0  }
0x388: {  	s3 =	rddreg [dreg:$0x2];
	[bflag:$0x3] =	sbarrier.arrive $0xFFFF;
	s2 =	simm.s32 @!p0 $0x1C03  }
0x389: {  	[timem:s3], [sflag:s2] =	dma.local @!p0 [hbm:s0], s1  }
0x38a: {  	s0 =	simm.s32 @!p0 $0x3  }
0x38b: {  	_ =	swait.ge @!p0 [sflag:s0], s1  }
0x38c: {  	s1 =	ssub.s32 @!p0 $0x0, s1;
	[sflag:s0] =	ssyncset.done @!p0 $0x0  }
0x38d: {  	[sflag:s0] =	ssyncadd.s32 @!p0 s1  }
0x38e: {  	[bflag:$0x3] =	sbarrier.arrive $0xFFFF  }
0x38f: {  	_ =	shalt  }

</sc_bundles>
